<compile_context>
chip_gen: v7x
topology: tpu7x:2x2x1
jax: 0.10.2.dev20260603
libtpu: 0.0.44.dev20260713+nightly
codegen_flags: <defaults>
</compile_context>

<pallas_src>
import jax
import jax.numpy as jnp
from jax import lax
from jax.experimental import pallas as pl
from jax.experimental.pallas import tpu as pltpu
from jax.experimental.pallas import tpu_sc as plsc

B = 16384
D = 64
MARGIN = 2.0
L = 16
NC, NS = 2, 16
NW = NC * NS
BPW = B // NW
C = 128
NCHUNK = BPW // C
S = 64
NSUB = BPW // S
PD = 2 * D


def _body(heads, relations, tails, h_hat, t_hat, ent, rel, out_hbm,
          idx_h, idx_r, idx_t, idx_hh, idx_th,
          half_h, half_r, half_t, half_hh, half_th,
          rows, out_v, sem):
    wid = lax.axis_index("s") * NC + lax.axis_index("c")
    base = wid * BPW

    def stage(ci, carry):
        off = base + ci * C
        dst = pl.ds(ci * C, C)
        icps = [
            pltpu.async_copy(heads.at[pl.ds(off, C)], idx_h.at[dst], sem),
            pltpu.async_copy(relations.at[pl.ds(off, C)], idx_r.at[dst], sem),
            pltpu.async_copy(tails.at[pl.ds(off, C)], idx_t.at[dst], sem),
            pltpu.async_copy(h_hat.at[pl.ds(off, C)], idx_hh.at[dst], sem),
            pltpu.async_copy(t_hat.at[pl.ds(off, C)], idx_th.at[dst], sem),
        ]
        for cp in icps:
            cp.wait()
        return carry

    lax.fori_loop(0, NCHUNK, stage, 0)

    def halve(i, carry):
        sl = pl.ds(i * L, L)
        half_h[sl] = idx_h[sl] >> 1
        half_r[sl] = idx_r[sl] >> 1
        half_t[sl] = idx_t[sl] >> 1
        half_hh[sl] = idx_hh[sl] >> 1
        half_th[sl] = idx_th[sl] >> 1
        return carry

    lax.fori_loop(0, BPW // L, halve, 0)

    def fire(si, buf):
        sl = pl.ds(si * S, S)
        return [
            pltpu.async_copy(ent.at[half_h.at[sl]], rows.at[buf, 0], sem),
            pltpu.async_copy(rel.at[half_r.at[sl]], rows.at[buf, 1], sem),
            pltpu.async_copy(ent.at[half_t.at[sl]], rows.at[buf, 2], sem),
            pltpu.async_copy(ent.at[half_hh.at[sl]], rows.at[buf, 3], sem),
            pltpu.async_copy(ent.at[half_th.at[sl]], rows.at[buf, 4], sem),
        ]

    def compute(si, buf):
        def group(g, gcarry):
            sl = pl.ds(si * S + g * L, L)
            row_ids = g * L + lax.iota(jnp.int32, L)
            bh = (idx_h[sl] & 1) * D
            br = (idx_r[sl] & 1) * D
            bt = (idx_t[sl] & 1) * D
            bhh = (idx_hh[sl] & 1) * D
            bth = (idx_th[sl] & 1) * D
            zero = jnp.zeros((L,), jnp.float32)
            buf_h = rows.at[buf, 0]
            buf_r = rows.at[buf, 1]
            buf_t = rows.at[buf, 2]
            buf_hh = rows.at[buf, 3]
            buf_th = rows.at[buf, 4]

            def cols(j, dcarry):
                d1a, d2a, d1b, d2b = dcarry
                rv = plsc.load_gather(buf_r, [row_ids, br + j])
                hv = plsc.load_gather(buf_h, [row_ids, bh + j])
                tv = plsc.load_gather(buf_t, [row_ids, bt + j])
                hhv = plsc.load_gather(buf_hh, [row_ids, bhh + j])
                thv = plsc.load_gather(buf_th, [row_ids, bth + j])
                d1a = d1a + jnp.abs(hv + rv - tv)
                d2a = d2a + jnp.abs(hhv + rv - thv)
                rv2 = plsc.load_gather(buf_r, [row_ids, br + (j + 1)])
                hv2 = plsc.load_gather(buf_h, [row_ids, bh + (j + 1)])
                tv2 = plsc.load_gather(buf_t, [row_ids, bt + (j + 1)])
                hhv2 = plsc.load_gather(buf_hh, [row_ids, bhh + (j + 1)])
                thv2 = plsc.load_gather(buf_th, [row_ids, bth + (j + 1)])
                d1b = d1b + jnp.abs(hv2 + rv2 - tv2)
                d2b = d2b + jnp.abs(hhv2 + rv2 - thv2)
                return (d1a, d2a, d1b, d2b)

            d1a, d2a, d1b, d2b = plsc.parallel_loop(
                0, D, 2, unroll=4, carry=(zero, zero, zero, zero)
            )(cols)
            m = jnp.maximum(MARGIN + (d1a + d1b) - (d2a + d2b), 0.0)
            out_v[pl.ds(si * S + g * L, L)] = m
            return gcarry

        lax.fori_loop(0, S // L, group, 0)

    cps = fire(0, 0)
    for si in range(NSUB):
        for cp in cps:
            cp.wait()
        if si + 1 < NSUB:
            nxt = fire(si + 1, (si + 1) % 2)
        compute(si, si % 2)
        if si + 1 < NSUB:
            cps = nxt

    pltpu.sync_copy(out_v, out_hbm.at[pl.ds(base, BPW)])


@jax.jit
def kernel(heads, relations, tails, h_hat, t_hat, entity_weight, rel_weight):
    ent2 = entity_weight.reshape(entity_weight.shape[0] // 2, PD)
    rel2 = rel_weight.reshape(rel_weight.shape[0] // 2, PD)
    mesh = plsc.VectorSubcoreMesh(core_axis_name="c", subcore_axis_name="s")
    fn = pl.kernel(
        _body,
        out_type=jax.ShapeDtypeStruct((B,), jnp.float32),
        mesh=mesh,
        compiler_params=pltpu.CompilerParams(
            needs_layout_passes=False, use_tc_tiling_on_sc=True
        ),
        scratch_types=[
            pltpu.VMEM((BPW,), jnp.int32),
            pltpu.VMEM((BPW,), jnp.int32),
            pltpu.VMEM((BPW,), jnp.int32),
            pltpu.VMEM((BPW,), jnp.int32),
            pltpu.VMEM((BPW,), jnp.int32),
            pltpu.VMEM((BPW,), jnp.int32),
            pltpu.VMEM((BPW,), jnp.int32),
            pltpu.VMEM((BPW,), jnp.int32),
            pltpu.VMEM((BPW,), jnp.int32),
            pltpu.VMEM((BPW,), jnp.int32),
            pltpu.VMEM((2, 5, S, PD), jnp.float32),
            pltpu.VMEM((BPW,), jnp.float32),
            pltpu.SemaphoreType.DMA,
        ],
    )
    out = fn(heads, relations, tails, h_hat, t_hat, ent2, rel2)
    return out[:, None]

# --- scband reference (transcript-rebuilt; emitter-appended) ---
"""Pipeline reference for scband-trans-e-36644660970089 (READ-ONLY COPY).

The authoritative reference and input builder live on the scoring server;
editing this copy changes nothing except your own understanding.
"""

import jax, jax.numpy as jnp
import numpy as np

B = 16384
ENT = 1000000
REL = 1000
D = 64
MARGIN = 2.0


def setup_inputs(seed: int = 0) -> dict:
    key = jax.random.key(seed)
    ks = jax.random.split(key, 7)
    heads = jax.random.randint(ks[0], (B,), 0, ENT, dtype=jnp.int32)
    relations = jax.random.randint(ks[1], (B,), 0, REL, dtype=jnp.int32)
    tails = jax.random.randint(ks[2], (B,), 0, ENT, dtype=jnp.int32)
    h_hat = jax.random.randint(ks[3], (B,), 0, ENT, dtype=jnp.int32)
    t_hat = jax.random.randint(ks[4], (B,), 0, ENT, dtype=jnp.int32)
    entity_weight = jax.random.normal(ks[5], (ENT, D), dtype=jnp.float32)
    rel_weight = jax.random.normal(ks[6], (REL, D), dtype=jnp.float32)
    return {
        "heads": heads,
        "relations": relations,
        "tails": tails,
        "h_hat": h_hat,
        "t_hat": t_hat,
        "entity_weight": entity_weight,
        "rel_weight": rel_weight,
    }


def _distance_l1(h, r, t):
    # (h + r - t).norm(p=1, dim=-1, keepdim=True)
    return jnp.sum(jnp.abs(h + r - t), axis=-1, keepdims=True)


def reference(heads, relations, tails, h_hat, t_hat, entity_weight, rel_weight):
    h_embed = jnp.take(entity_weight, heads, axis=0)
    r_embed = jnp.take(rel_weight, relations, axis=0)
    t_embed = jnp.take(entity_weight, tails, axis=0)
    h_hat_embed = jnp.take(entity_weight, h_hat, axis=0)
    t_hat_embed = jnp.take(entity_weight, t_hat, axis=0)
    d1 = _distance_l1(h_embed, r_embed, t_embed)
    d2 = _distance_l1(h_hat_embed, r_embed, t_hat_embed)
    l = jnp.maximum(MARGIN + d1 - d2, 0.0)
    return l

if __name__ == "__main__":
    import jax
    _d = setup_inputs()
    print(jax.jit(kernel)(*tuple(_d.values())))

</pallas_src>

<mosaic_0001>
#map = affine_map<(d0, d1) -> (0)>
#map1 = affine_map<(d0, d1) -> (0, 0)>
module attributes {stable_mosaic.version = 14 : i64} {
  func.func @_body(%arg0: i32, %arg1: i32, %arg2: memref<16384xi32, #tpu.memory_space<hbm>>, %arg3: memref<16384xi32, #tpu.memory_space<hbm>>, %arg4: memref<16384xi32, #tpu.memory_space<hbm>>, %arg5: memref<16384xi32, #tpu.memory_space<hbm>>, %arg6: memref<16384xi32, #tpu.memory_space<hbm>>, %arg7: memref<500000x128xf32, #tpu.memory_space<hbm>>, %arg8: memref<500x128xf32, #tpu.memory_space<hbm>>, %arg9: memref<16384xf32, #tpu.memory_space<hbm>>, %arg10: memref<512xi32, #tpu.memory_space<vmem>>, %arg11: memref<512xi32, #tpu.memory_space<vmem>>, %arg12: memref<512xi32, #tpu.memory_space<vmem>>, %arg13: memref<512xi32, #tpu.memory_space<vmem>>, %arg14: memref<512xi32, #tpu.memory_space<vmem>>, %arg15: memref<512xi32, #tpu.memory_space<vmem>>, %arg16: memref<512xi32, #tpu.memory_space<vmem>>, %arg17: memref<512xi32, #tpu.memory_space<vmem>>, %arg18: memref<512xi32, #tpu.memory_space<vmem>>, %arg19: memref<512xi32, #tpu.memory_space<vmem>>, %arg20: memref<2x5x64x128xf32, #tpu.memory_space<vmem>>, %arg21: memref<512xf32, #tpu.memory_space<vmem>>, %arg22: memref<!tpu.dma_semaphore, #tpu.memory_space<semaphore_mem>>) attributes {dimension_semantics = [#tpu.dimension_semantics<core_parallel>, #tpu.dimension_semantics<subcore_parallel>], iteration_bounds = array<i64: 2, 16>, scalar_prefetch = 0 : i64, scratch_operands = 13 : i64, tpu.core_type = #tpu.core_type<sc_vector_subcore>, window_params = [{transform_indices = #map}, {transform_indices = #map}, {transform_indices = #map}, {transform_indices = #map}, {transform_indices = #map}, {transform_indices = #map1}, {transform_indices = #map1}, {transform_indices = #map}]} {
    %mul3A = arith.constant 2 : i32
    %mul3A_0 = arith.muli %arg1, %mul3A : i32
    %add3A = arith.addi %mul3A_0, %arg0 : i32
    %mul3A_1 = arith.constant 512 : i32
    %mul3A_2 = arith.muli %add3A, %mul3A_1 : i32
    %scan3A = arith.constant 0 : i32
    %scan3A_3 = arith.constant 0 : i32
    %scan3A_4 = arith.constant 4 : i32
    %scan3A_5 = arith.addi %scan3A_3, %scan3A_4 : i32
    %scan3A_6 = arith.constant 1 : i32
    scf.for %scan3A_940 = %scan3A_3 to %scan3A_5 step %scan3A_6  : i32 {
      %mul3A_941 = arith.constant 128 : i32
      %mul3A_942 = arith.muli %scan3A_940, %mul3A_941 : i32
      %add3A_943 = arith.addi %mul3A_2, %mul3A_942 : i32
      %mul3A_944 = arith.constant 128 : i32
      %mul3A_945 = arith.muli %scan3A_940, %mul3A_944 : i32
      %dma_start3A_946 = tpu.memref_slice %arg10[%mul3A_945] : memref<512xi32, #tpu.memory_space<vmem>> -> memref<128xi32, #tpu.memory_space<vmem>>
      %dma_start3A_947 = tpu.memref_slice %arg2[%add3A_943] : memref<16384xi32, #tpu.memory_space<hbm>> -> memref<128xi32, #tpu.memory_space<hbm>>
      %dma_start3A_948 = tpu.memref_slice %arg10[%mul3A_945] : memref<512xi32, #tpu.memory_space<vmem>> -> memref<128xi32, #tpu.memory_space<vmem>>
      %dma_start3A_949 = tpu.memref_slice %arg2[%add3A_943] : memref<16384xi32, #tpu.memory_space<hbm>> -> memref<128xi32, #tpu.memory_space<hbm>>
      tpu.enqueue_dma source(%dma_start3A_949 : memref<128xi32, #tpu.memory_space<hbm>>) target(%dma_start3A_948 : memref<128xi32, #tpu.memory_space<vmem>>) target_semaphore(%arg22 : memref<!tpu.dma_semaphore, #tpu.memory_space<semaphore_mem>>)
      %dma_start3A_950 = tpu.memref_slice %arg11[%mul3A_945] : memref<512xi32, #tpu.memory_space<vmem>> -> memref<128xi32, #tpu.memory_space<vmem>>
      %dma_start3A_951 = tpu.memref_slice %arg3[%add3A_943] : memref<16384xi32, #tpu.memory_space<hbm>> -> memref<128xi32, #tpu.memory_space<hbm>>
      %dma_start3A_952 = tpu.memref_slice %arg11[%mul3A_945] : memref<512xi32, #tpu.memory_space<vmem>> -> memref<128xi32, #tpu.memory_space<vmem>>
      %dma_start3A_953 = tpu.memref_slice %arg3[%add3A_943] : memref<16384xi32, #tpu.memory_space<hbm>> -> memref<128xi32, #tpu.memory_space<hbm>>
      tpu.enqueue_dma source(%dma_start3A_953 : memref<128xi32, #tpu.memory_space<hbm>>) target(%dma_start3A_952 : memref<128xi32, #tpu.memory_space<vmem>>) target_semaphore(%arg22 : memref<!tpu.dma_semaphore, #tpu.memory_space<semaphore_mem>>)
      %dma_start3A_954 = tpu.memref_slice %arg12[%mul3A_945] : memref<512xi32, #tpu.memory_space<vmem>> -> memref<128xi32, #tpu.memory_space<vmem>>
      %dma_start3A_955 = tpu.memref_slice %arg4[%add3A_943] : memref<16384xi32, #tpu.memory_space<hbm>> -> memref<128xi32, #tpu.memory_space<hbm>>
      %dma_start3A_956 = tpu.memref_slice %arg12[%mul3A_945] : memref<512xi32, #tpu.memory_space<vmem>> -> memref<128xi32, #tpu.memory_space<vmem>>
      %dma_start3A_957 = tpu.memref_slice %arg4[%add3A_943] : memref<16384xi32, #tpu.memory_space<hbm>> -> memref<128xi32, #tpu.memory_space<hbm>>
      tpu.enqueue_dma source(%dma_start3A_957 : memref<128xi32, #tpu.memory_space<hbm>>) target(%dma_start3A_956 : memref<128xi32, #tpu.memory_space<vmem>>) target_semaphore(%arg22 : memref<!tpu.dma_semaphore, #tpu.memory_space<semaphore_mem>>)
      %dma_start3A_958 = tpu.memref_slice %arg13[%mul3A_945] : memref<512xi32, #tpu.memory_space<vmem>> -> memref<128xi32, #tpu.memory_space<vmem>>
      %dma_start3A_959 = tpu.memref_slice %arg5[%add3A_943] : memref<16384xi32, #tpu.memory_space<hbm>> -> memref<128xi32, #tpu.memory_space<hbm>>
      %dma_start3A_960 = tpu.memref_slice %arg13[%mul3A_945] : memref<512xi32, #tpu.memory_space<vmem>> -> memref<128xi32, #tpu.memory_space<vmem>>
      %dma_start3A_961 = tpu.memref_slice %arg5[%add3A_943] : memref<16384xi32, #tpu.memory_space<hbm>> -> memref<128xi32, #tpu.memory_space<hbm>>
      tpu.enqueue_dma source(%dma_start3A_961 : memref<128xi32, #tpu.memory_space<hbm>>) target(%dma_start3A_960 : memref<128xi32, #tpu.memory_space<vmem>>) target_semaphore(%arg22 : memref<!tpu.dma_semaphore, #tpu.memory_space<semaphore_mem>>)
      %dma_start3A_962 = tpu.memref_slice %arg14[%mul3A_945] : memref<512xi32, #tpu.memory_space<vmem>> -> memref<128xi32, #tpu.memory_space<vmem>>
      %dma_start3A_963 = tpu.memref_slice %arg6[%add3A_943] : memref<16384xi32, #tpu.memory_space<hbm>> -> memref<128xi32, #tpu.memory_space<hbm>>
      %dma_start3A_964 = tpu.memref_slice %arg14[%mul3A_945] : memref<512xi32, #tpu.memory_space<vmem>> -> memref<128xi32, #tpu.memory_space<vmem>>
      %dma_start3A_965 = tpu.memref_slice %arg6[%add3A_943] : memref<16384xi32, #tpu.memory_space<hbm>> -> memref<128xi32, #tpu.memory_space<hbm>>
      tpu.enqueue_dma source(%dma_start3A_965 : memref<128xi32, #tpu.memory_space<hbm>>) target(%dma_start3A_964 : memref<128xi32, #tpu.memory_space<vmem>>) target_semaphore(%arg22 : memref<!tpu.dma_semaphore, #tpu.memory_space<semaphore_mem>>)
      %dma_wait3A_966 = tpu.memref_slice %arg10[%mul3A_945] : memref<512xi32, #tpu.memory_space<vmem>> -> memref<128xi32, #tpu.memory_space<vmem>>
      %dma_wait3A_967 = tpu.memref_slice %arg2[%add3A_943] : memref<16384xi32, #tpu.memory_space<hbm>> -> memref<128xi32, #tpu.memory_space<hbm>>
      %dma_wait3A_968 = tpu.memref_slice %arg10[%mul3A_945] : memref<512xi32, #tpu.memory_space<vmem>> -> memref<128xi32, #tpu.memory_space<vmem>>
      %dma_wait3A_969 = tpu.memref_slice %arg2[%add3A_943] : memref<16384xi32, #tpu.memory_space<hbm>> -> memref<128xi32, #tpu.memory_space<hbm>>
      tpu.wait_dma2 semaphore(%arg22 : memref<!tpu.dma_semaphore, #tpu.memory_space<semaphore_mem>>) src(%dma_wait3A_969 : memref<128xi32, #tpu.memory_space<hbm>>) dst(%dma_wait3A_968 : memref<128xi32, #tpu.memory_space<vmem>>)
      %dma_wait3A_970 = tpu.memref_slice %arg11[%mul3A_945] : memref<512xi32, #tpu.memory_space<vmem>> -> memref<128xi32, #tpu.memory_space<vmem>>
      %dma_wait3A_971 = tpu.memref_slice %arg3[%add3A_943] : memref<16384xi32, #tpu.memory_space<hbm>> -> memref<128xi32, #tpu.memory_space<hbm>>
      %dma_wait3A_972 = tpu.memref_slice %arg11[%mul3A_945] : memref<512xi32, #tpu.memory_space<vmem>> -> memref<128xi32, #tpu.memory_space<vmem>>
      %dma_wait3A_973 = tpu.memref_slice %arg3[%add3A_943] : memref<16384xi32, #tpu.memory_space<hbm>> -> memref<128xi32, #tpu.memory_space<hbm>>
      tpu.wait_dma2 semaphore(%arg22 : memref<!tpu.dma_semaphore, #tpu.memory_space<semaphore_mem>>) src(%dma_wait3A_973 : memref<128xi32, #tpu.memory_space<hbm>>) dst(%dma_wait3A_972 : memref<128xi32, #tpu.memory_space<vmem>>)
      %dma_wait3A_974 = tpu.memref_slice %arg12[%mul3A_945] : memref<512xi32, #tpu.memory_space<vmem>> -> memref<128xi32, #tpu.memory_space<vmem>>
      %dma_wait3A_975 = tpu.memref_slice %arg4[%add3A_943] : memref<16384xi32, #tpu.memory_space<hbm>> -> memref<128xi32, #tpu.memory_space<hbm>>
      %dma_wait3A_976 = tpu.memref_slice %arg12[%mul3A_945] : memref<512xi32, #tpu.memory_space<vmem>> -> memref<128xi32, #tpu.memory_space<vmem>>
      %dma_wait3A_977 = tpu.memref_slice %arg4[%add3A_943] : memref<16384xi32, #tpu.memory_space<hbm>> -> memref<128xi32, #tpu.memory_space<hbm>>
      tpu.wait_dma2 semaphore(%arg22 : memref<!tpu.dma_semaphore, #tpu.memory_space<semaphore_mem>>) src(%dma_wait3A_977 : memref<128xi32, #tpu.memory_space<hbm>>) dst(%dma_wait3A_976 : memref<128xi32, #tpu.memory_space<vmem>>)
      %dma_wait3A_978 = tpu.memref_slice %arg13[%mul3A_945] : memref<512xi32, #tpu.memory_space<vmem>> -> memref<128xi32, #tpu.memory_space<vmem>>
      %dma_wait3A_979 = tpu.memref_slice %arg5[%add3A_943] : memref<16384xi32, #tpu.memory_space<hbm>> -> memref<128xi32, #tpu.memory_space<hbm>>
      %dma_wait3A_980 = tpu.memref_slice %arg13[%mul3A_945] : memref<512xi32, #tpu.memory_space<vmem>> -> memref<128xi32, #tpu.memory_space<vmem>>
      %dma_wait3A_981 = tpu.memref_slice %arg5[%add3A_943] : memref<16384xi32, #tpu.memory_space<hbm>> -> memref<128xi32, #tpu.memory_space<hbm>>
      tpu.wait_dma2 semaphore(%arg22 : memref<!tpu.dma_semaphore, #tpu.memory_space<semaphore_mem>>) src(%dma_wait3A_981 : memref<128xi32, #tpu.memory_space<hbm>>) dst(%dma_wait3A_980 : memref<128xi32, #tpu.memory_space<vmem>>)
      %dma_wait3A_982 = tpu.memref_slice %arg14[%mul3A_945] : memref<512xi32, #tpu.memory_space<vmem>> -> memref<128xi32, #tpu.memory_space<vmem>>
      %dma_wait3A_983 = tpu.memref_slice %arg6[%add3A_943] : memref<16384xi32, #tpu.memory_space<hbm>> -> memref<128xi32, #tpu.memory_space<hbm>>
      %dma_wait3A_984 = tpu.memref_slice %arg14[%mul3A_945] : memref<512xi32, #tpu.memory_space<vmem>> -> memref<128xi32, #tpu.memory_space<vmem>>
      %dma_wait3A_985 = tpu.memref_slice %arg6[%add3A_943] : memref<16384xi32, #tpu.memory_space<hbm>> -> memref<128xi32, #tpu.memory_space<hbm>>
      tpu.wait_dma2 semaphore(%arg22 : memref<!tpu.dma_semaphore, #tpu.memory_space<semaphore_mem>>) src(%dma_wait3A_985 : memref<128xi32, #tpu.memory_space<hbm>>) dst(%dma_wait3A_984 : memref<128xi32, #tpu.memory_space<vmem>>)
    }
    %scan3A_7 = arith.constant 4 : i32
    %scan3A_8 = arith.constant 0 : i32
    %scan3A_9 = arith.constant 0 : i32
    %scan3A_10 = arith.constant 32 : i32
    %scan3A_11 = arith.addi %scan3A_9, %scan3A_10 : i32
    %scan3A_12 = arith.constant 1 : i32
    scf.for %scan3A_940 = %scan3A_9 to %scan3A_11 step %scan3A_12  : i32 {
      %mul3A_941 = arith.constant 16 : i32
      %mul3A_942 = arith.muli %scan3A_940, %mul3A_941 : i32
      %get3A = arith.index_cast %mul3A_942 : i32 to index
      %get3A_943 = tpu.vector_load %arg10[%get3A] {strides = array<i32>} : memref<512xi32, #tpu.memory_space<vmem>>, vector<16xi32>,
      %shift_right_arithmetic3A = arith.constant 1 : i32
      %shift_right_arithmetic3A_944 = vector.broadcast %shift_right_arithmetic3A : i32 to vector<16xi32>
      %shift_right_arithmetic3A_945 = arith.shrsi %get3A_943, %shift_right_arithmetic3A_944 : vector<16xi32>
      %swap3A = arith.index_cast %mul3A_942 : i32 to index
      %swap3A_946 = tpu.vector_load %arg15[%swap3A] {strides = array<i32>} : memref<512xi32, #tpu.memory_space<vmem>>, vector<16xi32>,
      tpu.vector_store %arg15[%swap3A], %shift_right_arithmetic3A_945 {strides = array<i32>} : memref<512xi32, #tpu.memory_space<vmem>>, vector<16xi32>,
      %get3A_947 = arith.index_cast %mul3A_942 : i32 to index
      %get3A_948 = tpu.vector_load %arg11[%get3A_947] {strides = array<i32>} : memref<512xi32, #tpu.memory_space<vmem>>, vector<16xi32>,
      %shift_right_arithmetic3A_949 = arith.constant 1 : i32
      %shift_right_arithmetic3A_950 = vector.broadcast %shift_right_arithmetic3A_949 : i32 to vector<16xi32>
      %shift_right_arithmetic3A_951 = arith.shrsi %get3A_948, %shift_right_arithmetic3A_950 : vector<16xi32>
      %swap3A_952 = arith.index_cast %mul3A_942 : i32 to index
      %swap3A_953 = tpu.vector_load %arg16[%swap3A_952] {strides = array<i32>} : memref<512xi32, #tpu.memory_space<vmem>>, vector<16xi32>,
      tpu.vector_store %arg16[%swap3A_952], %shift_right_arithmetic3A_951 {strides = array<i32>} : memref<512xi32, #tpu.memory_space<vmem>>, vector<16xi32>,
      %get3A_954 = arith.index_cast %mul3A_942 : i32 to index
      %get3A_955 = tpu.vector_load %arg12[%get3A_954] {strides = array<i32>} : memref<512xi32, #tpu.memory_space<vmem>>, vector<16xi32>,
      %shift_right_arithmetic3A_956 = arith.constant 1 : i32
      %shift_right_arithmetic3A_957 = vector.broadcast %shift_right_arithmetic3A_956 : i32 to vector<16xi32>
      %shift_right_arithmetic3A_958 = arith.shrsi %get3A_955, %shift_right_arithmetic3A_957 : vector<16xi32>
      %swap3A_959 = arith.index_cast %mul3A_942 : i32 to index
      %swap3A_960 = tpu.vector_load %arg17[%swap3A_959] {strides = array<i32>} : memref<512xi32, #tpu.memory_space<vmem>>, vector<16xi32>,
      tpu.vector_store %arg17[%swap3A_959], %shift_right_arithmetic3A_958 {strides = array<i32>} : memref<512xi32, #tpu.memory_space<vmem>>, vector<16xi32>,
      %get3A_961 = arith.index_cast %mul3A_942 : i32 to index
      %get3A_962 = tpu.vector_load %arg13[%get3A_961] {strides = array<i32>} : memref<512xi32, #tpu.memory_space<vmem>>, vector<16xi32>,
      %shift_right_arithmetic3A_963 = arith.constant 1 : i32
      %shift_right_arithmetic3A_964 = vector.broadcast %shift_right_arithmetic3A_963 : i32 to vector<16xi32>
      %shift_right_arithmetic3A_965 = arith.shrsi %get3A_962, %shift_right_arithmetic3A_964 : vector<16xi32>
      %swap3A_966 = arith.index_cast %mul3A_942 : i32 to index
      %swap3A_967 = tpu.vector_load %arg18[%swap3A_966] {strides = array<i32>} : memref<512xi32, #tpu.memory_space<vmem>>, vector<16xi32>,
      tpu.vector_store %arg18[%swap3A_966], %shift_right_arithmetic3A_965 {strides = array<i32>} : memref<512xi32, #tpu.memory_space<vmem>>, vector<16xi32>,
      %get3A_968 = arith.index_cast %mul3A_942 : i32 to index
      %get3A_969 = tpu.vector_load %arg14[%get3A_968] {strides = array<i32>} : memref<512xi32, #tpu.memory_space<vmem>>, vector<16xi32>,
      %shift_right_arithmetic3A_970 = arith.constant 1 : i32
      %shift_right_arithmetic3A_971 = vector.broadcast %shift_right_arithmetic3A_970 : i32 to vector<16xi32>
      %shift_right_arithmetic3A_972 = arith.shrsi %get3A_969, %shift_right_arithmetic3A_971 : vector<16xi32>
      %swap3A_973 = arith.index_cast %mul3A_942 : i32 to index
      %swap3A_974 = tpu.vector_load %arg19[%swap3A_973] {strides = array<i32>} : memref<512xi32, #tpu.memory_space<vmem>>, vector<16xi32>,
      tpu.vector_store %arg19[%swap3A_973], %shift_right_arithmetic3A_972 {strides = array<i32>} : memref<512xi32, #tpu.memory_space<vmem>>, vector<16xi32>,
    }
    %scan3A_13 = arith.constant 32 : i32
    %dma_start3A = arith.constant 0 : i32
    %dma_start3A_14 = arith.constant 0 : i32
    %dma_start3A_15 = arith.constant 0 : i32
    %dma_start3A_16 = arith.constant 0 : i32
    %dma_start3A_17 = tpu.memref_slice %arg20[%dma_start3A, %dma_start3A_14, %dma_start3A_15, %dma_start3A_16] : memref<2x5x64x128xf32, #tpu.memory_space<vmem>> -> memref<1x1x64x128xf32, #tpu.memory_space<vmem>>
    %dma_start3A_18 = tpu.memref_squeeze %dma_start3A_17 : memref<1x1x64x128xf32, #tpu.memory_space<vmem>> -> memref<64x128xf32, #tpu.memory_space<vmem>>
    %dma_start3A_19 = arith.constant 0 : i32
    %dma_start3A_20 = tpu.memref_slice %arg15[%dma_start3A_19] : memref<512xi32, #tpu.memory_space<vmem>> -> memref<64xi32, #tpu.memory_space<vmem>>
    %dma_start3A_21 = arith.constant 0 : i32
    %dma_start3A_22 = arith.constant 0 : i32
    %dma_start3A_23 = tpu.memref_slice %arg7[%dma_start3A_21, %dma_start3A_22] : memref<500000x128xf32, #tpu.memory_space<hbm>> -> memref<500000x128xf32, #tpu.memory_space<hbm>>
    tpu.enqueue_indirect_dma source(%dma_start3A_23 : memref<500000x128xf32, #tpu.memory_space<hbm>>) target(%dma_start3A_18 : memref<64x128xf32, #tpu.memory_space<vmem>>) offsets(%dma_start3A_20 : memref<64xi32, #tpu.memory_space<vmem>>) semaphore(%arg22 : memref<!tpu.dma_semaphore, #tpu.memory_space<semaphore_mem>>)
    %dma_start3A_24 = arith.constant 0 : i32
    %dma_start3A_25 = arith.constant 1 : i32
    %dma_start3A_26 = arith.constant 0 : i32
    %dma_start3A_27 = arith.constant 0 : i32
    %dma_start3A_28 = tpu.memref_slice %arg20[%dma_start3A_24, %dma_start3A_25, %dma_start3A_26, %dma_start3A_27] : memref<2x5x64x128xf32, #tpu.memory_space<vmem>> -> memref<1x1x64x128xf32, #tpu.memory_space<vmem>>
    %dma_start3A_29 = tpu.memref_squeeze %dma_start3A_28 : memref<1x1x64x128xf32, #tpu.memory_space<vmem>> -> memref<64x128xf32, #tpu.memory_space<vmem>>
    %dma_start3A_30 = arith.constant 0 : i32
    %dma_start3A_31 = tpu.memref_slice %arg16[%dma_start3A_30] : memref<512xi32, #tpu.memory_space<vmem>> -> memref<64xi32, #tpu.memory_space<vmem>>
    %dma_start3A_32 = arith.constant 0 : i32
    %dma_start3A_33 = arith.constant 0 : i32
    %dma_start3A_34 = tpu.memref_slice %arg8[%dma_start3A_32, %dma_start3A_33] : memref<500x128xf32, #tpu.memory_space<hbm>> -> memref<500x128xf32, #tpu.memory_space<hbm>>
    tpu.enqueue_indirect_dma source(%dma_start3A_34 : memref<500x128xf32, #tpu.memory_space<hbm>>) target(%dma_start3A_29 : memref<64x128xf32, #tpu.memory_space<vmem>>) offsets(%dma_start3A_31 : memref<64xi32, #tpu.memory_space<vmem>>) semaphore(%arg22 : memref<!tpu.dma_semaphore, #tpu.memory_space<semaphore_mem>>)
    %dma_start3A_35 = arith.constant 0 : i32
    %dma_start3A_36 = arith.constant 2 : i32
    %dma_start3A_37 = arith.constant 0 : i32
    %dma_start3A_38 = arith.constant 0 : i32
    %dma_start3A_39 = tpu.memref_slice %arg20[%dma_start3A_35, %dma_start3A_36, %dma_start3A_37, %dma_start3A_38] : memref<2x5x64x128xf32, #tpu.memory_space<vmem>> -> memref<1x1x64x128xf32, #tpu.memory_space<vmem>>
    %dma_start3A_40 = tpu.memref_squeeze %dma_start3A_39 : memref<1x1x64x128xf32, #tpu.memory_space<vmem>> -> memref<64x128xf32, #tpu.memory_space<vmem>>
    %dma_start3A_41 = arith.constant 0 : i32
    %dma_start3A_42 = tpu.memref_slice %arg17[%dma_start3A_41] : memref<512xi32, #tpu.memory_space<vmem>> -> memref<64xi32, #tpu.memory_space<vmem>>
    %dma_start3A_43 = arith.constant 0 : i32
    %dma_start3A_44 = arith.constant 0 : i32
    %dma_start3A_45 = tpu.memref_slice %arg7[%dma_start3A_43, %dma_start3A_44] : memref<500000x128xf32, #tpu.memory_space<hbm>> -> memref<500000x128xf32, #tpu.memory_space<hbm>>
    tpu.enqueue_indirect_dma source(%dma_start3A_45 : memref<500000x128xf32, #tpu.memory_space<hbm>>) target(%dma_start3A_40 : memref<64x128xf32, #tpu.memory_space<vmem>>) offsets(%dma_start3A_42 : memref<64xi32, #tpu.memory_space<vmem>>) semaphore(%arg22 : memref<!tpu.dma_semaphore, #tpu.memory_space<semaphore_mem>>)
    %dma_start3A_46 = arith.constant 0 : i32
    %dma_start3A_47 = arith.constant 3 : i32
    %dma_start3A_48 = arith.constant 0 : i32
    %dma_start3A_49 = arith.constant 0 : i32
    %dma_start3A_50 = tpu.memref_slice %arg20[%dma_start3A_46, %dma_start3A_47, %dma_start3A_48, %dma_start3A_49] : memref<2x5x64x128xf32, #tpu.memory_space<vmem>> -> memref<1x1x64x128xf32, #tpu.memory_space<vmem>>
    %dma_start3A_51 = tpu.memref_squeeze %dma_start3A_50 : memref<1x1x64x128xf32, #tpu.memory_space<vmem>> -> memref<64x128xf32, #tpu.memory_space<vmem>>
    %dma_start3A_52 = arith.constant 0 : i32
    %dma_start3A_53 = tpu.memref_slice %arg18[%dma_start3A_52] : memref<512xi32, #tpu.memory_space<vmem>> -> memref<64xi32, #tpu.memory_space<vmem>>
    %dma_start3A_54 = arith.constant 0 : i32
    %dma_start3A_55 = arith.constant 0 : i32
    %dma_start3A_56 = tpu.memref_slice %arg7[%dma_start3A_54, %dma_start3A_55] : memref<500000x128xf32, #tpu.memory_space<hbm>> -> memref<500000x128xf32, #tpu.memory_space<hbm>>
    tpu.enqueue_indirect_dma source(%dma_start3A_56 : memref<500000x128xf32, #tpu.memory_space<hbm>>) target(%dma_start3A_51 : memref<64x128xf32, #tpu.memory_space<vmem>>) offsets(%dma_start3A_53 : memref<64xi32, #tpu.memory_space<vmem>>) semaphore(%arg22 : memref<!tpu.dma_semaphore, #tpu.memory_space<semaphore_mem>>)
    %dma_start3A_57 = arith.constant 0 : i32
    %dma_start3A_58 = arith.constant 4 : i32
    %dma_start3A_59 = arith.constant 0 : i32
    %dma_start3A_60 = arith.constant 0 : i32
    %dma_start3A_61 = tpu.memref_slice %arg20[%dma_start3A_57, %dma_start3A_58, %dma_start3A_59, %dma_start3A_60] : memref<2x5x64x128xf32, #tpu.memory_space<vmem>> -> memref<1x1x64x128xf32, #tpu.memory_space<vmem>>
    %dma_start3A_62 = tpu.memref_squeeze %dma_start3A_61 : memref<1x1x64x128xf32, #tpu.memory_space<vmem>> -> memref<64x128xf32, #tpu.memory_space<vmem>>
    %dma_start3A_63 = arith.constant 0 : i32
    %dma_start3A_64 = tpu.memref_slice %arg19[%dma_start3A_63] : memref<512xi32, #tpu.memory_space<vmem>> -> memref<64xi32, #tpu.memory_space<vmem>>
    %dma_start3A_65 = arith.constant 0 : i32
    %dma_start3A_66 = arith.constant 0 : i32
    %dma_start3A_67 = tpu.memref_slice %arg7[%dma_start3A_65, %dma_start3A_66] : memref<500000x128xf32, #tpu.memory_space<hbm>> -> memref<500000x128xf32, #tpu.memory_space<hbm>>
    tpu.enqueue_indirect_dma source(%dma_start3A_67 : memref<500000x128xf32, #tpu.memory_space<hbm>>) target(%dma_start3A_62 : memref<64x128xf32, #tpu.memory_space<vmem>>) offsets(%dma_start3A_64 : memref<64xi32, #tpu.memory_space<vmem>>) semaphore(%arg22 : memref<!tpu.dma_semaphore, #tpu.memory_space<semaphore_mem>>)
    %dma_wait3A = arith.constant 0 : i32
    %dma_wait3A_68 = arith.constant 0 : i32
    %dma_wait3A_69 = arith.constant 0 : i32
    %dma_wait3A_70 = arith.constant 0 : i32
    %dma_wait3A_71 = tpu.memref_slice %arg20[%dma_wait3A, %dma_wait3A_68, %dma_wait3A_69, %dma_wait3A_70] : memref<2x5x64x128xf32, #tpu.memory_space<vmem>> -> memref<1x1x64x128xf32, #tpu.memory_space<vmem>>
    %dma_wait3A_72 = tpu.memref_squeeze %dma_wait3A_71 : memref<1x1x64x128xf32, #tpu.memory_space<vmem>> -> memref<64x128xf32, #tpu.memory_space<vmem>>
    %dma_wait3A_73 = arith.constant 0 : i32
    %dma_wait3A_74 = tpu.memref_slice %arg15[%dma_wait3A_73] : memref<512xi32, #tpu.memory_space<vmem>> -> memref<64xi32, #tpu.memory_space<vmem>>
    %dma_wait3A_75 = arith.constant 0 : i32
    %dma_wait3A_76 = arith.constant 0 : i32
    %dma_wait3A_77 = tpu.memref_slice %arg7[%dma_wait3A_75, %dma_wait3A_76] : memref<500000x128xf32, #tpu.memory_space<hbm>> -> memref<500000x128xf32, #tpu.memory_space<hbm>>
    tpu.wait_indirect_dma semaphore(%arg22 : memref<!tpu.dma_semaphore, #tpu.memory_space<semaphore_mem>>) src(%dma_wait3A_77 : memref<500000x128xf32, #tpu.memory_space<hbm>>) dst(%dma_wait3A_72 : memref<64x128xf32, #tpu.memory_space<vmem>>)
    %dma_wait3A_78 = arith.constant 0 : i32
    %dma_wait3A_79 = arith.constant 1 : i32
    %dma_wait3A_80 = arith.constant 0 : i32
    %dma_wait3A_81 = arith.constant 0 : i32
    %dma_wait3A_82 = tpu.memref_slice %arg20[%dma_wait3A_78, %dma_wait3A_79, %dma_wait3A_80, %dma_wait3A_81] : memref<2x5x64x128xf32, #tpu.memory_space<vmem>> -> memref<1x1x64x128xf32, #tpu.memory_space<vmem>>
    %dma_wait3A_83 = tpu.memref_squeeze %dma_wait3A_82 : memref<1x1x64x128xf32, #tpu.memory_space<vmem>> -> memref<64x128xf32, #tpu.memory_space<vmem>>
    %dma_wait3A_84 = arith.constant 0 : i32
    %dma_wait3A_85 = tpu.memref_slice %arg16[%dma_wait3A_84] : memref<512xi32, #tpu.memory_space<vmem>> -> memref<64xi32, #tpu.memory_space<vmem>>
    %dma_wait3A_86 = arith.constant 0 : i32
    %dma_wait3A_87 = arith.constant 0 : i32
    %dma_wait3A_88 = tpu.memref_slice %arg8[%dma_wait3A_86, %dma_wait3A_87] : memref<500x128xf32, #tpu.memory_space<hbm>> -> memref<500x128xf32, #tpu.memory_space<hbm>>
    tpu.wait_indirect_dma semaphore(%arg22 : memref<!tpu.dma_semaphore, #tpu.memory_space<semaphore_mem>>) src(%dma_wait3A_88 : memref<500x128xf32, #tpu.memory_space<hbm>>) dst(%dma_wait3A_83 : memref<64x128xf32, #tpu.memory_space<vmem>>)
    %dma_wait3A_89 = arith.constant 0 : i32
    %dma_wait3A_90 = arith.constant 2 : i32
    %dma_wait3A_91 = arith.constant 0 : i32
    %dma_wait3A_92 = arith.constant 0 : i32
    %dma_wait3A_93 = tpu.memref_slice %arg20[%dma_wait3A_89, %dma_wait3A_90, %dma_wait3A_91, %dma_wait3A_92] : memref<2x5x64x128xf32, #tpu.memory_space<vmem>> -> memref<1x1x64x128xf32, #tpu.memory_space<vmem>>
    %dma_wait3A_94 = tpu.memref_squeeze %dma_wait3A_93 : memref<1x1x64x128xf32, #tpu.memory_space<vmem>> -> memref<64x128xf32, #tpu.memory_space<vmem>>
    %dma_wait3A_95 = arith.constant 0 : i32
    %dma_wait3A_96 = tpu.memref_slice %arg17[%dma_wait3A_95] : memref<512xi32, #tpu.memory_space<vmem>> -> memref<64xi32, #tpu.memory_space<vmem>>
    %dma_wait3A_97 = arith.constant 0 : i32
    %dma_wait3A_98 = arith.constant 0 : i32
    %dma_wait3A_99 = tpu.memref_slice %arg7[%dma_wait3A_97, %dma_wait3A_98] : memref<500000x128xf32, #tpu.memory_space<hbm>> -> memref<500000x128xf32, #tpu.memory_space<hbm>>
    tpu.wait_indirect_dma semaphore(%arg22 : memref<!tpu.dma_semaphore, #tpu.memory_space<semaphore_mem>>) src(%dma_wait3A_99 : memref<500000x128xf32, #tpu.memory_space<hbm>>) dst(%dma_wait3A_94 : memref<64x128xf32, #tpu.memory_space<vmem>>)
    %dma_wait3A_100 = arith.constant 0 : i32
    %dma_wait3A_101 = arith.constant 3 : i32
    %dma_wait3A_102 = arith.constant 0 : i32
    %dma_wait3A_103 = arith.constant 0 : i32
    %dma_wait3A_104 = tpu.memref_slice %arg20[%dma_wait3A_100, %dma_wait3A_101, %dma_wait3A_102, %dma_wait3A_103] : memref<2x5x64x128xf32, #tpu.memory_space<vmem>> -> memref<1x1x64x128xf32, #tpu.memory_space<vmem>>
    %dma_wait3A_105 = tpu.memref_squeeze %dma_wait3A_104 : memref<1x1x64x128xf32, #tpu.memory_space<vmem>> -> memref<64x128xf32, #tpu.memory_space<vmem>>
    %dma_wait3A_106 = arith.constant 0 : i32
    %dma_wait3A_107 = tpu.memref_slice %arg18[%dma_wait3A_106] : memref<512xi32, #tpu.memory_space<vmem>> -> memref<64xi32, #tpu.memory_space<vmem>>
    %dma_wait3A_108 = arith.constant 0 : i32
    %dma_wait3A_109 = arith.constant 0 : i32
    %dma_wait3A_110 = tpu.memref_slice %arg7[%dma_wait3A_108, %dma_wait3A_109] : memref<500000x128xf32, #tpu.memory_space<hbm>> -> memref<500000x128xf32, #tpu.memory_space<hbm>>
    tpu.wait_indirect_dma semaphore(%arg22 : memref<!tpu.dma_semaphore, #tpu.memory_space<semaphore_mem>>) src(%dma_wait3A_110 : memref<500000x128xf32, #tpu.memory_space<hbm>>) dst(%dma_wait3A_105 : memref<64x128xf32, #tpu.memory_space<vmem>>)
    %dma_wait3A_111 = arith.constant 0 : i32
    %dma_wait3A_112 = arith.constant 4 : i32
    %dma_wait3A_113 = arith.constant 0 : i32
    %dma_wait3A_114 = arith.constant 0 : i32
    %dma_wait3A_115 = tpu.memref_slice %arg20[%dma_wait3A_111, %dma_wait3A_112, %dma_wait3A_113, %dma_wait3A_114] : memref<2x5x64x128xf32, #tpu.memory_space<vmem>> -> memref<1x1x64x128xf32, #tpu.memory_space<vmem>>
    %dma_wait3A_116 = tpu.memref_squeeze %dma_wait3A_115 : memref<1x1x64x128xf32, #tpu.memory_space<vmem>> -> memref<64x128xf32, #tpu.memory_space<vmem>>
    %dma_wait3A_117 = arith.constant 0 : i32
    %dma_wait3A_118 = tpu.memref_slice %arg19[%dma_wait3A_117] : memref<512xi32, #tpu.memory_space<vmem>> -> memref<64xi32, #tpu.memory_space<vmem>>
    %dma_wait3A_119 = arith.constant 0 : i32
    %dma_wait3A_120 = arith.constant 0 : i32
    %dma_wait3A_121 = tpu.memref_slice %arg7[%dma_wait3A_119, %dma_wait3A_120] : memref<500000x128xf32, #tpu.memory_space<hbm>> -> memref<500000x128xf32, #tpu.memory_space<hbm>>
    tpu.wait_indirect_dma semaphore(%arg22 : memref<!tpu.dma_semaphore, #tpu.memory_space<semaphore_mem>>) src(%dma_wait3A_121 : memref<500000x128xf32, #tpu.memory_space<hbm>>) dst(%dma_wait3A_116 : memref<64x128xf32, #tpu.memory_space<vmem>>)
    %dma_start3A_122 = arith.constant 1 : i32
    %dma_start3A_123 = arith.constant 0 : i32
    %dma_start3A_124 = arith.constant 0 : i32
    %dma_start3A_125 = arith.constant 0 : i32
    %dma_start3A_126 = tpu.memref_slice %arg20[%dma_start3A_122, %dma_start3A_123, %dma_start3A_124, %dma_start3A_125] : memref<2x5x64x128xf32, #tpu.memory_space<vmem>> -> memref<1x1x64x128xf32, #tpu.memory_space<vmem>>
    %dma_start3A_127 = tpu.memref_squeeze %dma_start3A_126 : memref<1x1x64x128xf32, #tpu.memory_space<vmem>> -> memref<64x128xf32, #tpu.memory_space<vmem>>
    %dma_start3A_128 = arith.constant 64 : i32
    %dma_start3A_129 = tpu.memref_slice %arg15[%dma_start3A_128] : memref<512xi32, #tpu.memory_space<vmem>> -> memref<64xi32, #tpu.memory_space<vmem>>
    %dma_start3A_130 = arith.constant 0 : i32
    %dma_start3A_131 = arith.constant 0 : i32
    %dma_start3A_132 = tpu.memref_slice %arg7[%dma_start3A_130, %dma_start3A_131] : memref<500000x128xf32, #tpu.memory_space<hbm>> -> memref<500000x128xf32, #tpu.memory_space<hbm>>
    tpu.enqueue_indirect_dma source(%dma_start3A_132 : memref<500000x128xf32, #tpu.memory_space<hbm>>) target(%dma_start3A_127 : memref<64x128xf32, #tpu.memory_space<vmem>>) offsets(%dma_start3A_129 : memref<64xi32, #tpu.memory_space<vmem>>) semaphore(%arg22 : memref<!tpu.dma_semaphore, #tpu.memory_space<semaphore_mem>>)
    %dma_start3A_133 = arith.constant 1 : i32
    %dma_start3A_134 = arith.constant 1 : i32
    %dma_start3A_135 = arith.constant 0 : i32
    %dma_start3A_136 = arith.constant 0 : i32
    %dma_start3A_137 = tpu.memref_slice %arg20[%dma_start3A_133, %dma_start3A_134, %dma_start3A_135, %dma_start3A_136] : memref<2x5x64x128xf32, #tpu.memory_space<vmem>> -> memref<1x1x64x128xf32, #tpu.memory_space<vmem>>
    %dma_start3A_138 = tpu.memref_squeeze %dma_start3A_137 : memref<1x1x64x128xf32, #tpu.memory_space<vmem>> -> memref<64x128xf32, #tpu.memory_space<vmem>>
    %dma_start3A_139 = arith.constant 64 : i32
    %dma_start3A_140 = tpu.memref_slice %arg16[%dma_start3A_139] : memref<512xi32, #tpu.memory_space<vmem>> -> memref<64xi32, #tpu.memory_space<vmem>>
    %dma_start3A_141 = arith.constant 0 : i32
    %dma_start3A_142 = arith.constant 0 : i32
    %dma_start3A_143 = tpu.memref_slice %arg8[%dma_start3A_141, %dma_start3A_142] : memref<500x128xf32, #tpu.memory_space<hbm>> -> memref<500x128xf32, #tpu.memory_space<hbm>>
    tpu.enqueue_indirect_dma source(%dma_start3A_143 : memref<500x128xf32, #tpu.memory_space<hbm>>) target(%dma_start3A_138 : memref<64x128xf32, #tpu.memory_space<vmem>>) offsets(%dma_start3A_140 : memref<64xi32, #tpu.memory_space<vmem>>) semaphore(%arg22 : memref<!tpu.dma_semaphore, #tpu.memory_space<semaphore_mem>>)
    %dma_start3A_144 = arith.constant 1 : i32
    %dma_start3A_145 = arith.constant 2 : i32
    %dma_start3A_146 = arith.constant 0 : i32
    %dma_start3A_147 = arith.constant 0 : i32
    %dma_start3A_148 = tpu.memref_slice %arg20[%dma_start3A_144, %dma_start3A_145, %dma_start3A_146, %dma_start3A_147] : memref<2x5x64x128xf32, #tpu.memory_space<vmem>> -> memref<1x1x64x128xf32, #tpu.memory_space<vmem>>
    %dma_start3A_149 = tpu.memref_squeeze %dma_start3A_148 : memref<1x1x64x128xf32, #tpu.memory_space<vmem>> -> memref<64x128xf32, #tpu.memory_space<vmem>>
    %dma_start3A_150 = arith.constant 64 : i32
    %dma_start3A_151 = tpu.memref_slice %arg17[%dma_start3A_150] : memref<512xi32, #tpu.memory_space<vmem>> -> memref<64xi32, #tpu.memory_space<vmem>>
    %dma_start3A_152 = arith.constant 0 : i32
    %dma_start3A_153 = arith.constant 0 : i32
    %dma_start3A_154 = tpu.memref_slice %arg7[%dma_start3A_152, %dma_start3A_153] : memref<500000x128xf32, #tpu.memory_space<hbm>> -> memref<500000x128xf32, #tpu.memory_space<hbm>>
    tpu.enqueue_indirect_dma source(%dma_start3A_154 : memref<500000x128xf32, #tpu.memory_space<hbm>>) target(%dma_start3A_149 : memref<64x128xf32, #tpu.memory_space<vmem>>) offsets(%dma_start3A_151 : memref<64xi32, #tpu.memory_space<vmem>>) semaphore(%arg22 : memref<!tpu.dma_semaphore, #tpu.memory_space<semaphore_mem>>)
    %dma_start3A_155 = arith.constant 1 : i32
    %dma_start3A_156 = arith.constant 3 : i32
    %dma_start3A_157 = arith.constant 0 : i32
    %dma_start3A_158 = arith.constant 0 : i32
    %dma_start3A_159 = tpu.memref_slice %arg20[%dma_start3A_155, %dma_start3A_156, %dma_start3A_157, %dma_start3A_158] : memref<2x5x64x128xf32, #tpu.memory_space<vmem>> -> memref<1x1x64x128xf32, #tpu.memory_space<vmem>>
    %dma_start3A_160 = tpu.memref_squeeze %dma_start3A_159 : memref<1x1x64x128xf32, #tpu.memory_space<vmem>> -> memref<64x128xf32, #tpu.memory_space<vmem>>
    %dma_start3A_161 = arith.constant 64 : i32
    %dma_start3A_162 = tpu.memref_slice %arg18[%dma_start3A_161] : memref<512xi32, #tpu.memory_space<vmem>> -> memref<64xi32, #tpu.memory_space<vmem>>
    %dma_start3A_163 = arith.constant 0 : i32
    %dma_start3A_164 = arith.constant 0 : i32
    %dma_start3A_165 = tpu.memref_slice %arg7[%dma_start3A_163, %dma_start3A_164] : memref<500000x128xf32, #tpu.memory_space<hbm>> -> memref<500000x128xf32, #tpu.memory_space<hbm>>
    tpu.enqueue_indirect_dma source(%dma_start3A_165 : memref<500000x128xf32, #tpu.memory_space<hbm>>) target(%dma_start3A_160 : memref<64x128xf32, #tpu.memory_space<vmem>>) offsets(%dma_start3A_162 : memref<64xi32, #tpu.memory_space<vmem>>) semaphore(%arg22 : memref<!tpu.dma_semaphore, #tpu.memory_space<semaphore_mem>>)
    %dma_start3A_166 = arith.constant 1 : i32
    %dma_start3A_167 = arith.constant 4 : i32
    %dma_start3A_168 = arith.constant 0 : i32
    %dma_start3A_169 = arith.constant 0 : i32
    %dma_start3A_170 = tpu.memref_slice %arg20[%dma_start3A_166, %dma_start3A_167, %dma_start3A_168, %dma_start3A_169] : memref<2x5x64x128xf32, #tpu.memory_space<vmem>> -> memref<1x1x64x128xf32, #tpu.memory_space<vmem>>
    %dma_start3A_171 = tpu.memref_squeeze %dma_start3A_170 : memref<1x1x64x128xf32, #tpu.memory_space<vmem>> -> memref<64x128xf32, #tpu.memory_space<vmem>>
    %dma_start3A_172 = arith.constant 64 : i32
    %dma_start3A_173 = tpu.memref_slice %arg19[%dma_start3A_172] : memref<512xi32, #tpu.memory_space<vmem>> -> memref<64xi32, #tpu.memory_space<vmem>>
    %dma_start3A_174 = arith.constant 0 : i32
    %dma_start3A_175 = arith.constant 0 : i32
    %dma_start3A_176 = tpu.memref_slice %arg7[%dma_start3A_174, %dma_start3A_175] : memref<500000x128xf32, #tpu.memory_space<hbm>> -> memref<500000x128xf32, #tpu.memory_space<hbm>>
    tpu.enqueue_indirect_dma source(%dma_start3A_176 : memref<500000x128xf32, #tpu.memory_space<hbm>>) target(%dma_start3A_171 : memref<64x128xf32, #tpu.memory_space<vmem>>) offsets(%dma_start3A_173 : memref<64xi32, #tpu.memory_space<vmem>>) semaphore(%arg22 : memref<!tpu.dma_semaphore, #tpu.memory_space<semaphore_mem>>)
    %scan3A_177 = arith.constant 0 : i32
    %scan3A_178 = arith.constant 0 : i32
    %scan3A_179 = arith.constant 4 : i32
    %scan3A_180 = arith.addi %scan3A_178, %scan3A_179 : i32
    %scan3A_181 = arith.constant 1 : i32
    scf.for %scan3A_940 = %scan3A_178 to %scan3A_180 step %scan3A_181  : i32 {
      %mul3A_941 = arith.constant 16 : i32
      %mul3A_942 = arith.muli %scan3A_940, %mul3A_941 : i32
      %add3A_943 = arith.constant 0 : i32
      %add3A_944 = arith.addi %add3A_943, %mul3A_942 : i32
      %mul3A_945 = arith.constant 16 : i32
      %mul3A_946 = arith.muli %scan3A_940, %mul3A_945 : i32
      %iota3A = tpu.iota {dimensions = array<i32: 0>} : vector<16xi32>
      %add3A_947 = vector.broadcast %mul3A_946 : i32 to vector<16xi32>
      %add3A_948 = arith.addi %add3A_947, %iota3A : vector<16xi32>
      %get3A = arith.index_cast %add3A_944 : i32 to index
      %get3A_949 = tpu.vector_load %arg10[%get3A] {strides = array<i32>} : memref<512xi32, #tpu.memory_space<vmem>>, vector<16xi32>,
      %and3A = arith.constant 1 : i32
      %and3A_950 = vector.broadcast %and3A : i32 to vector<16xi32>
      %and3A_951 = arith.andi %get3A_949, %and3A_950 : vector<16xi32>
      %mul3A_952 = arith.constant 64 : i32
      %mul3A_953 = vector.broadcast %mul3A_952 : i32 to vector<16xi32>
      %mul3A_954 = arith.muli %and3A_951, %mul3A_953 : vector<16xi32>
      %get3A_955 = arith.index_cast %add3A_944 : i32 to index
      %get3A_956 = tpu.vector_load %arg11[%get3A_955] {strides = array<i32>} : memref<512xi32, #tpu.memory_space<vmem>>, vector<16xi32>,
      %and3A_957 = arith.constant 1 : i32
      %and3A_958 = vector.broadcast %and3A_957 : i32 to vector<16xi32>
      %and3A_959 = arith.andi %get3A_956, %and3A_958 : vector<16xi32>
      %mul3A_960 = arith.constant 64 : i32
      %mul3A_961 = vector.broadcast %mul3A_960 : i32 to vector<16xi32>
      %mul3A_962 = arith.muli %and3A_959, %mul3A_961 : vector<16xi32>
      %get3A_963 = arith.index_cast %add3A_944 : i32 to index
      %get3A_964 = tpu.vector_load %arg12[%get3A_963] {strides = array<i32>} : memref<512xi32, #tpu.memory_space<vmem>>, vector<16xi32>,
      %and3A_965 = arith.constant 1 : i32
      %and3A_966 = vector.broadcast %and3A_965 : i32 to vector<16xi32>
      %and3A_967 = arith.andi %get3A_964, %and3A_966 : vector<16xi32>
      %mul3A_968 = arith.constant 64 : i32
      %mul3A_969 = vector.broadcast %mul3A_968 : i32 to vector<16xi32>
      %mul3A_970 = arith.muli %and3A_967, %mul3A_969 : vector<16xi32>
      %get3A_971 = arith.index_cast %add3A_944 : i32 to index
      %get3A_972 = tpu.vector_load %arg13[%get3A_971] {strides = array<i32>} : memref<512xi32, #tpu.memory_space<vmem>>, vector<16xi32>,
      %and3A_973 = arith.constant 1 : i32
      %and3A_974 = vector.broadcast %and3A_973 : i32 to vector<16xi32>
      %and3A_975 = arith.andi %get3A_972, %and3A_974 : vector<16xi32>
      %mul3A_976 = arith.constant 64 : i32
      %mul3A_977 = vector.broadcast %mul3A_976 : i32 to vector<16xi32>
      %mul3A_978 = arith.muli %and3A_975, %mul3A_977 : vector<16xi32>
      %get3A_979 = arith.index_cast %add3A_944 : i32 to index
      %get3A_980 = tpu.vector_load %arg14[%get3A_979] {strides = array<i32>} : memref<512xi32, #tpu.memory_space<vmem>>, vector<16xi32>,
      %and3A_981 = arith.constant 1 : i32
      %and3A_982 = vector.broadcast %and3A_981 : i32 to vector<16xi32>
      %and3A_983 = arith.andi %get3A_980, %and3A_982 : vector<16xi32>
      %mul3A_984 = arith.constant 64 : i32
      %mul3A_985 = vector.broadcast %mul3A_984 : i32 to vector<16xi32>
      %mul3A_986 = arith.muli %and3A_983, %mul3A_985 : vector<16xi32>
      %broadcast_in_dim3A = arith.constant 0.000000e+00 : f32
      %broadcast_in_dim3A_987 = vector.broadcast %broadcast_in_dim3A : f32 to vector<16xf32>
      %parallel_loop3A = arith.constant 0 : i32
      %parallel_loop3A_988 = arith.constant 64 : i32
      %parallel_loop3A_989 = arith.constant 2 : i32
      %parallel_loop3A_990 = arith.constant 0 : i32
      %parallel_loop3A_991 = arith.constant 1 : i32
      %parallel_loop3A_992 = arith.constant 0 : i32
      %parallel_loop3A_993 = arith.constant 0 : i32
      %parallel_loop3A_994 = arith.constant 0 : i32
      %parallel_loop3A_995 = arith.constant 2 : i32
      %parallel_loop3A_996 = arith.constant 0 : i32
      %parallel_loop3A_997 = arith.constant 3 : i32
      %parallel_loop3A_998 = arith.constant 0 : i32
      %parallel_loop3A_999 = arith.constant 4 : i32
      %parallel_loop3A_1000:4 = scf.for %parallel_loop3A_1013 = %parallel_loop3A to %parallel_loop3A_988 step %parallel_loop3A_989 iter_args(%parallel_loop3A_1014 = %broadcast_in_dim3A_987, %parallel_loop3A_1015 = %broadcast_in_dim3A_987, %parallel_loop3A_1016 = %broadcast_in_dim3A_987, %parallel_loop3A_1017 = %broadcast_in_dim3A_987) -> (vector<16xf32>, vector<16xf32>, vector<16xf32>, vector<16xf32>)  : i32 {
        %parallel_loop3A_1018 = vector.broadcast %parallel_loop3A_1013 : i32 to vector<16xi32>
        %parallel_loop3A_1019 = arith.addi %mul3A_962, %parallel_loop3A_1018 : vector<16xi32>
        %parallel_loop3A_1020 = arith.constant 0 : i32
        %parallel_loop3A_1021 = arith.constant 0 : i32
        %parallel_loop3A_1022 = tpu.memref_slice %arg20[%parallel_loop3A_990, %parallel_loop3A_991, %parallel_loop3A_1020, %parallel_loop3A_1021] : memref<2x5x64x128xf32, #tpu.memory_space<vmem>> -> memref<1x1x64x128xf32, #tpu.memory_space<vmem>>
        %parallel_loop3A_1023 = tpu.memref_squeeze %parallel_loop3A_1022 : memref<1x1x64x128xf32, #tpu.memory_space<vmem>> -> memref<64x128xf32, #tpu.memory_space<vmem>>
        %parallel_loop3A_1024 = tpu.vector_load_idx %parallel_loop3A_1023[%add3A_948, %parallel_loop3A_1019] : memref<64x128xf32, #tpu.memory_space<vmem>>[vector<16xi32>, vector<16xi32>], vector<16xf32>,
        %parallel_loop3A_1025 = vector.broadcast %parallel_loop3A_1013 : i32 to vector<16xi32>
        %parallel_loop3A_1026 = arith.addi %mul3A_954, %parallel_loop3A_1025 : vector<16xi32>
        %parallel_loop3A_1027 = arith.constant 0 : i32
        %parallel_loop3A_1028 = arith.constant 0 : i32
        %parallel_loop3A_1029 = tpu.memref_slice %arg20[%parallel_loop3A_992, %parallel_loop3A_993, %parallel_loop3A_1027, %parallel_loop3A_1028] : memref<2x5x64x128xf32, #tpu.memory_space<vmem>> -> memref<1x1x64x128xf32, #tpu.memory_space<vmem>>
        %parallel_loop3A_1030 = tpu.memref_squeeze %parallel_loop3A_1029 : memref<1x1x64x128xf32, #tpu.memory_space<vmem>> -> memref<64x128xf32, #tpu.memory_space<vmem>>
        %parallel_loop3A_1031 = tpu.vector_load_idx %parallel_loop3A_1030[%add3A_948, %parallel_loop3A_1026] : memref<64x128xf32, #tpu.memory_space<vmem>>[vector<16xi32>, vector<16xi32>], vector<16xf32>,
        %parallel_loop3A_1032 = vector.broadcast %parallel_loop3A_1013 : i32 to vector<16xi32>
        %parallel_loop3A_1033 = arith.addi %mul3A_970, %parallel_loop3A_1032 : vector<16xi32>
        %parallel_loop3A_1034 = arith.constant 0 : i32
        %parallel_loop3A_1035 = arith.constant 0 : i32
        %parallel_loop3A_1036 = tpu.memref_slice %arg20[%parallel_loop3A_994, %parallel_loop3A_995, %parallel_loop3A_1034, %parallel_loop3A_1035] : memref<2x5x64x128xf32, #tpu.memory_space<vmem>> -> memref<1x1x64x128xf32, #tpu.memory_space<vmem>>
        %parallel_loop3A_1037 = tpu.memref_squeeze %parallel_loop3A_1036 : memref<1x1x64x128xf32, #tpu.memory_space<vmem>> -> memref<64x128xf32, #tpu.memory_space<vmem>>
        %parallel_loop3A_1038 = tpu.vector_load_idx %parallel_loop3A_1037[%add3A_948, %parallel_loop3A_1033] : memref<64x128xf32, #tpu.memory_space<vmem>>[vector<16xi32>, vector<16xi32>], vector<16xf32>,
        %parallel_loop3A_1039 = vector.broadcast %parallel_loop3A_1013 : i32 to vector<16xi32>
        %parallel_loop3A_1040 = arith.addi %mul3A_978, %parallel_loop3A_1039 : vector<16xi32>
        %parallel_loop3A_1041 = arith.constant 0 : i32
        %parallel_loop3A_1042 = arith.constant 0 : i32
        %parallel_loop3A_1043 = tpu.memref_slice %arg20[%parallel_loop3A_996, %parallel_loop3A_997, %parallel_loop3A_1041, %parallel_loop3A_1042] : memref<2x5x64x128xf32, #tpu.memory_space<vmem>> -> memref<1x1x64x128xf32, #tpu.memory_space<vmem>>
        %parallel_loop3A_1044 = tpu.memref_squeeze %parallel_loop3A_1043 : memref<1x1x64x128xf32, #tpu.memory_space<vmem>> -> memref<64x128xf32, #tpu.memory_space<vmem>>
        %parallel_loop3A_1045 = tpu.vector_load_idx %parallel_loop3A_1044[%add3A_948, %parallel_loop3A_1040] : memref<64x128xf32, #tpu.memory_space<vmem>>[vector<16xi32>, vector<16xi32>], vector<16xf32>,
        %parallel_loop3A_1046 = vector.broadcast %parallel_loop3A_1013 : i32 to vector<16xi32>
        %parallel_loop3A_1047 = arith.addi %mul3A_986, %parallel_loop3A_1046 : vector<16xi32>
        %parallel_loop3A_1048 = arith.constant 0 : i32
        %parallel_loop3A_1049 = arith.constant 0 : i32
        %parallel_loop3A_1050 = tpu.memref_slice %arg20[%parallel_loop3A_998, %parallel_loop3A_999, %parallel_loop3A_1048, %parallel_loop3A_1049] : memref<2x5x64x128xf32, #tpu.memory_space<vmem>> -> memref<1x1x64x128xf32, #tpu.memory_space<vmem>>
        %parallel_loop3A_1051 = tpu.memref_squeeze %parallel_loop3A_1050 : memref<1x1x64x128xf32, #tpu.memory_space<vmem>> -> memref<64x128xf32, #tpu.memory_space<vmem>>
        %parallel_loop3A_1052 = tpu.vector_load_idx %parallel_loop3A_1051[%add3A_948, %parallel_loop3A_1047] : memref<64x128xf32, #tpu.memory_space<vmem>>[vector<16xi32>, vector<16xi32>], vector<16xf32>,
        %parallel_loop3A_1053 = arith.addf %parallel_loop3A_1031, %parallel_loop3A_1024 : vector<16xf32>
        %parallel_loop3A_1054 = arith.subf %parallel_loop3A_1053, %parallel_loop3A_1038 : vector<16xf32>
        %parallel_loop3A_1055 = math.absf %parallel_loop3A_1054 : vector<16xf32>
        %parallel_loop3A_1056 = arith.addf %parallel_loop3A_1014, %parallel_loop3A_1055 : vector<16xf32>
        %parallel_loop3A_1057 = arith.addf %parallel_loop3A_1045, %parallel_loop3A_1024 : vector<16xf32>
        %parallel_loop3A_1058 = arith.subf %parallel_loop3A_1057, %parallel_loop3A_1052 : vector<16xf32>
        %parallel_loop3A_1059 = math.absf %parallel_loop3A_1058 : vector<16xf32>
        %parallel_loop3A_1060 = arith.addf %parallel_loop3A_1015, %parallel_loop3A_1059 : vector<16xf32>
        %parallel_loop3A_1061 = arith.constant 1 : i32
        %parallel_loop3A_1062 = arith.addi %parallel_loop3A_1013, %parallel_loop3A_1061 : i32
        %parallel_loop3A_1063 = vector.broadcast %parallel_loop3A_1062 : i32 to vector<16xi32>
        %parallel_loop3A_1064 = arith.addi %mul3A_962, %parallel_loop3A_1063 : vector<16xi32>
        %parallel_loop3A_1065 = arith.constant 0 : i32
        %parallel_loop3A_1066 = arith.constant 0 : i32
        %parallel_loop3A_1067 = tpu.memref_slice %arg20[%parallel_loop3A_990, %parallel_loop3A_991, %parallel_loop3A_1065, %parallel_loop3A_1066] : memref<2x5x64x128xf32, #tpu.memory_space<vmem>> -> memref<1x1x64x128xf32, #tpu.memory_space<vmem>>
        %parallel_loop3A_1068 = tpu.memref_squeeze %parallel_loop3A_1067 : memref<1x1x64x128xf32, #tpu.memory_space<vmem>> -> memref<64x128xf32, #tpu.memory_space<vmem>>
        %parallel_loop3A_1069 = tpu.vector_load_idx %parallel_loop3A_1068[%add3A_948, %parallel_loop3A_1064] : memref<64x128xf32, #tpu.memory_space<vmem>>[vector<16xi32>, vector<16xi32>], vector<16xf32>,
        %parallel_loop3A_1070 = arith.constant 1 : i32
        %parallel_loop3A_1071 = arith.addi %parallel_loop3A_1013, %parallel_loop3A_1070 : i32
        %parallel_loop3A_1072 = vector.broadcast %parallel_loop3A_1071 : i32 to vector<16xi32>
        %parallel_loop3A_1073 = arith.addi %mul3A_954, %parallel_loop3A_1072 : vector<16xi32>
        %parallel_loop3A_1074 = arith.constant 0 : i32
        %parallel_loop3A_1075 = arith.constant 0 : i32
        %parallel_loop3A_1076 = tpu.memref_slice %arg20[%parallel_loop3A_992, %parallel_loop3A_993, %parallel_loop3A_1074, %parallel_loop3A_1075] : memref<2x5x64x128xf32, #tpu.memory_space<vmem>> -> memref<1x1x64x128xf32, #tpu.memory_space<vmem>>
        %parallel_loop3A_1077 = tpu.memref_squeeze %parallel_loop3A_1076 : memref<1x1x64x128xf32, #tpu.memory_space<vmem>> -> memref<64x128xf32, #tpu.memory_space<vmem>>
        %parallel_loop3A_1078 = tpu.vector_load_idx %parallel_loop3A_1077[%add3A_948, %parallel_loop3A_1073] : memref<64x128xf32, #tpu.memory_space<vmem>>[vector<16xi32>, vector<16xi32>], vector<16xf32>,
        %parallel_loop3A_1079 = arith.constant 1 : i32
        %parallel_loop3A_1080 = arith.addi %parallel_loop3A_1013, %parallel_loop3A_1079 : i32
        %parallel_loop3A_1081 = vector.broadcast %parallel_loop3A_1080 : i32 to vector<16xi32>
        %parallel_loop3A_1082 = arith.addi %mul3A_970, %parallel_loop3A_1081 : vector<16xi32>
        %parallel_loop3A_1083 = arith.constant 0 : i32
        %parallel_loop3A_1084 = arith.constant 0 : i32
        %parallel_loop3A_1085 = tpu.memref_slice %arg20[%parallel_loop3A_994, %parallel_loop3A_995, %parallel_loop3A_1083, %parallel_loop3A_1084] : memref<2x5x64x128xf32, #tpu.memory_space<vmem>> -> memref<1x1x64x128xf32, #tpu.memory_space<vmem>>
        %parallel_loop3A_1086 = tpu.memref_squeeze %parallel_loop3A_1085 : memref<1x1x64x128xf32, #tpu.memory_space<vmem>> -> memref<64x128xf32, #tpu.memory_space<vmem>>
        %parallel_loop3A_1087 = tpu.vector_load_idx %parallel_loop3A_1086[%add3A_948, %parallel_loop3A_1082] : memref<64x128xf32, #tpu.memory_space<vmem>>[vector<16xi32>, vector<16xi32>], vector<16xf32>,
        %parallel_loop3A_1088 = arith.constant 1 : i32
        %parallel_loop3A_1089 = arith.addi %parallel_loop3A_1013, %parallel_loop3A_1088 : i32
        %parallel_loop3A_1090 = vector.broadcast %parallel_loop3A_1089 : i32 to vector<16xi32>
        %parallel_loop3A_1091 = arith.addi %mul3A_978, %parallel_loop3A_1090 : vector<16xi32>
        %parallel_loop3A_1092 = arith.constant 0 : i32
        %parallel_loop3A_1093 = arith.constant 0 : i32
        %parallel_loop3A_1094 = tpu.memref_slice %arg20[%parallel_loop3A_996, %parallel_loop3A_997, %parallel_loop3A_1092, %parallel_loop3A_1093] : memref<2x5x64x128xf32, #tpu.memory_space<vmem>> -> memref<1x1x64x128xf32, #tpu.memory_space<vmem>>
        %parallel_loop3A_1095 = tpu.memref_squeeze %parallel_loop3A_1094 : memref<1x1x64x128xf32, #tpu.memory_space<vmem>> -> memref<64x128xf32, #tpu.memory_space<vmem>>
        %parallel_loop3A_1096 = tpu.vector_load_idx %parallel_loop3A_1095[%add3A_948, %parallel_loop3A_1091] : memref<64x128xf32, #tpu.memory_space<vmem>>[vector<16xi32>, vector<16xi32>], vector<16xf32>,
        %parallel_loop3A_1097 = arith.constant 1 : i32
        %parallel_loop3A_1098 = arith.addi %parallel_loop3A_1013, %parallel_loop3A_1097 : i32
        %parallel_loop3A_1099 = vector.broadcast %parallel_loop3A_1098 : i32 to vector<16xi32>
        %parallel_loop3A_1100 = arith.addi %mul3A_986, %parallel_loop3A_1099 : vector<16xi32>
        %parallel_loop3A_1101 = arith.constant 0 : i32
        %parallel_loop3A_1102 = arith.constant 0 : i32
        %parallel_loop3A_1103 = tpu.memref_slice %arg20[%parallel_loop3A_998, %parallel_loop3A_999, %parallel_loop3A_1101, %parallel_loop3A_1102] : memref<2x5x64x128xf32, #tpu.memory_space<vmem>> -> memref<1x1x64x128xf32, #tpu.memory_space<vmem>>
        %parallel_loop3A_1104 = tpu.memref_squeeze %parallel_loop3A_1103 : memref<1x1x64x128xf32, #tpu.memory_space<vmem>> -> memref<64x128xf32, #tpu.memory_space<vmem>>
        %parallel_loop3A_1105 = tpu.vector_load_idx %parallel_loop3A_1104[%add3A_948, %parallel_loop3A_1100] : memref<64x128xf32, #tpu.memory_space<vmem>>[vector<16xi32>, vector<16xi32>], vector<16xf32>,
        %parallel_loop3A_1106 = arith.addf %parallel_loop3A_1078, %parallel_loop3A_1069 : vector<16xf32>
        %parallel_loop3A_1107 = arith.subf %parallel_loop3A_1106, %parallel_loop3A_1087 : vector<16xf32>
        %parallel_loop3A_1108 = math.absf %parallel_loop3A_1107 : vector<16xf32>
        %parallel_loop3A_1109 = arith.addf %parallel_loop3A_1016, %parallel_loop3A_1108 : vector<16xf32>
        %parallel_loop3A_1110 = arith.addf %parallel_loop3A_1096, %parallel_loop3A_1069 : vector<16xf32>
        %parallel_loop3A_1111 = arith.subf %parallel_loop3A_1110, %parallel_loop3A_1105 : vector<16xf32>
        %parallel_loop3A_1112 = math.absf %parallel_loop3A_1111 : vector<16xf32>
        %parallel_loop3A_1113 = arith.addf %parallel_loop3A_1017, %parallel_loop3A_1112 : vector<16xf32>
        scf.yield %parallel_loop3A_1056, %parallel_loop3A_1060, %parallel_loop3A_1109, %parallel_loop3A_1113 : vector<16xf32>, vector<16xf32>, vector<16xf32>, vector<16xf32>
      } {sc.loop_unroll_factor = 4 : i64, sc.parallel_access}
      %add3A_1001 = arith.addf %parallel_loop3A_1000#0, %parallel_loop3A_1000#2 : vector<16xf32>
      %add3A_1002 = arith.constant 2.000000e+00 : f32
      %add3A_1003 = vector.broadcast %add3A_1002 : f32 to vector<16xf32>
      %add3A_1004 = arith.addf %add3A_1003, %add3A_1001 : vector<16xf32>
      %add3A_1005 = arith.addf %parallel_loop3A_1000#1, %parallel_loop3A_1000#3 : vector<16xf32>
      %sub3A = arith.subf %add3A_1004, %add3A_1005 : vector<16xf32>
      %max3A = arith.constant 0.000000e+00 : f32
      %max3A_1006 = vector.broadcast %max3A : f32 to vector<16xf32>
      %max3A_1007 = arith.maximumf %sub3A, %max3A_1006 : vector<16xf32>
      %mul3A_1008 = arith.constant 16 : i32
      %mul3A_1009 = arith.muli %scan3A_940, %mul3A_1008 : i32
      %add3A_1010 = arith.constant 0 : i32
      %add3A_1011 = arith.addi %add3A_1010, %mul3A_1009 : i32
      %swap3A = arith.index_cast %add3A_1011 : i32 to index
      %swap3A_1012 = tpu.vector_load %arg21[%swap3A] {strides = array<i32>} : memref<512xf32, #tpu.memory_space<vmem>>, vector<16xf32>,
      tpu.vector_store %arg21[%swap3A], %max3A_1007 {strides = array<i32>} : memref<512xf32, #tpu.memory_space<vmem>>, vector<16xf32>,
    }
    %scan3A_182 = arith.constant 4 : i32
    %dma_wait3A_183 = arith.constant 1 : i32
    %dma_wait3A_184 = arith.constant 0 : i32
    %dma_wait3A_185 = arith.constant 0 : i32
    %dma_wait3A_186 = arith.constant 0 : i32
    %dma_wait3A_187 = tpu.memref_slice %arg20[%dma_wait3A_183, %dma_wait3A_184, %dma_wait3A_185, %dma_wait3A_186] : memref<2x5x64x128xf32, #tpu.memory_space<vmem>> -> memref<1x1x64x128xf32, #tpu.memory_space<vmem>>
    %dma_wait3A_188 = tpu.memref_squeeze %dma_wait3A_187 : memref<1x1x64x128xf32, #tpu.memory_space<vmem>> -> memref<64x128xf32, #tpu.memory_space<vmem>>
    %dma_wait3A_189 = arith.constant 64 : i32
    %dma_wait3A_190 = tpu.memref_slice %arg15[%dma_wait3A_189] : memref<512xi32, #tpu.memory_space<vmem>> -> memref<64xi32, #tpu.memory_space<vmem>>
    %dma_wait3A_191 = arith.constant 0 : i32
    %dma_wait3A_192 = arith.constant 0 : i32
    %dma_wait3A_193 = tpu.memref_slice %arg7[%dma_wait3A_191, %dma_wait3A_192] : memref<500000x128xf32, #tpu.memory_space<hbm>> -> memref<500000x128xf32, #tpu.memory_space<hbm>>
    tpu.wait_indirect_dma semaphore(%arg22 : memref<!tpu.dma_semaphore, #tpu.memory_space<semaphore_mem>>) src(%dma_wait3A_193 : memref<500000x128xf32, #tpu.memory_space<hbm>>) dst(%dma_wait3A_188 : memref<64x128xf32, #tpu.memory_space<vmem>>)
    %dma_wait3A_194 = arith.constant 1 : i32
    %dma_wait3A_195 = arith.constant 1 : i32
    %dma_wait3A_196 = arith.constant 0 : i32
    %dma_wait3A_197 = arith.constant 0 : i32
    %dma_wait3A_198 = tpu.memref_slice %arg20[%dma_wait3A_194, %dma_wait3A_195, %dma_wait3A_196, %dma_wait3A_197] : memref<2x5x64x128xf32, #tpu.memory_space<vmem>> -> memref<1x1x64x128xf32, #tpu.memory_space<vmem>>
    %dma_wait3A_199 = tpu.memref_squeeze %dma_wait3A_198 : memref<1x1x64x128xf32, #tpu.memory_space<vmem>> -> memref<64x128xf32, #tpu.memory_space<vmem>>
    %dma_wait3A_200 = arith.constant 64 : i32
    %dma_wait3A_201 = tpu.memref_slice %arg16[%dma_wait3A_200] : memref<512xi32, #tpu.memory_space<vmem>> -> memref<64xi32, #tpu.memory_space<vmem>>
    %dma_wait3A_202 = arith.constant 0 : i32
    %dma_wait3A_203 = arith.constant 0 : i32
    %dma_wait3A_204 = tpu.memref_slice %arg8[%dma_wait3A_202, %dma_wait3A_203] : memref<500x128xf32, #tpu.memory_space<hbm>> -> memref<500x128xf32, #tpu.memory_space<hbm>>
    tpu.wait_indirect_dma semaphore(%arg22 : memref<!tpu.dma_semaphore, #tpu.memory_space<semaphore_mem>>) src(%dma_wait3A_204 : memref<500x128xf32, #tpu.memory_space<hbm>>) dst(%dma_wait3A_199 : memref<64x128xf32, #tpu.memory_space<vmem>>)
    %dma_wait3A_205 = arith.constant 1 : i32
    %dma_wait3A_206 = arith.constant 2 : i32
    %dma_wait3A_207 = arith.constant 0 : i32
    %dma_wait3A_208 = arith.constant 0 : i32
    %dma_wait3A_209 = tpu.memref_slice %arg20[%dma_wait3A_205, %dma_wait3A_206, %dma_wait3A_207, %dma_wait3A_208] : memref<2x5x64x128xf32, #tpu.memory_space<vmem>> -> memref<1x1x64x128xf32, #tpu.memory_space<vmem>>
    %dma_wait3A_210 = tpu.memref_squeeze %dma_wait3A_209 : memref<1x1x64x128xf32, #tpu.memory_space<vmem>> -> memref<64x128xf32, #tpu.memory_space<vmem>>
    %dma_wait3A_211 = arith.constant 64 : i32
    %dma_wait3A_212 = tpu.memref_slice %arg17[%dma_wait3A_211] : memref<512xi32, #tpu.memory_space<vmem>> -> memref<64xi32, #tpu.memory_space<vmem>>
    %dma_wait3A_213 = arith.constant 0 : i32
    %dma_wait3A_214 = arith.constant 0 : i32
    %dma_wait3A_215 = tpu.memref_slice %arg7[%dma_wait3A_213, %dma_wait3A_214] : memref<500000x128xf32, #tpu.memory_space<hbm>> -> memref<500000x128xf32, #tpu.memory_space<hbm>>
    tpu.wait_indirect_dma semaphore(%arg22 : memref<!tpu.dma_semaphore, #tpu.memory_space<semaphore_mem>>) src(%dma_wait3A_215 : memref<500000x128xf32, #tpu.memory_space<hbm>>) dst(%dma_wait3A_210 : memref<64x128xf32, #tpu.memory_space<vmem>>)
    %dma_wait3A_216 = arith.constant 1 : i32
    %dma_wait3A_217 = arith.constant 3 : i32
    %dma_wait3A_218 = arith.constant 0 : i32
    %dma_wait3A_219 = arith.constant 0 : i32
    %dma_wait3A_220 = tpu.memref_slice %arg20[%dma_wait3A_216, %dma_wait3A_217, %dma_wait3A_218, %dma_wait3A_219] : memref<2x5x64x128xf32, #tpu.memory_space<vmem>> -> memref<1x1x64x128xf32, #tpu.memory_space<vmem>>
    %dma_wait3A_221 = tpu.memref_squeeze %dma_wait3A_220 : memref<1x1x64x128xf32, #tpu.memory_space<vmem>> -> memref<64x128xf32, #tpu.memory_space<vmem>>
    %dma_wait3A_222 = arith.constant 64 : i32
    %dma_wait3A_223 = tpu.memref_slice %arg18[%dma_wait3A_222] : memref<512xi32, #tpu.memory_space<vmem>> -> memref<64xi32, #tpu.memory_space<vmem>>
    %dma_wait3A_224 = arith.constant 0 : i32
    %dma_wait3A_225 = arith.constant 0 : i32
    %dma_wait3A_226 = tpu.memref_slice %arg7[%dma_wait3A_224, %dma_wait3A_225] : memref<500000x128xf32, #tpu.memory_space<hbm>> -> memref<500000x128xf32, #tpu.memory_space<hbm>>
    tpu.wait_indirect_dma semaphore(%arg22 : memref<!tpu.dma_semaphore, #tpu.memory_space<semaphore_mem>>) src(%dma_wait3A_226 : memref<500000x128xf32, #tpu.memory_space<hbm>>) dst(%dma_wait3A_221 : memref<64x128xf32, #tpu.memory_space<vmem>>)
    %dma_wait3A_227 = arith.constant 1 : i32
    %dma_wait3A_228 = arith.constant 4 : i32
    %dma_wait3A_229 = arith.constant 0 : i32
    %dma_wait3A_230 = arith.constant 0 : i32
    %dma_wait3A_231 = tpu.memref_slice %arg20[%dma_wait3A_227, %dma_wait3A_228, %dma_wait3A_229, %dma_wait3A_230] : memref<2x5x64x128xf32, #tpu.memory_space<vmem>> -> memref<1x1x64x128xf32, #tpu.memory_space<vmem>>
    %dma_wait3A_232 = tpu.memref_squeeze %dma_wait3A_231 : memref<1x1x64x128xf32, #tpu.memory_space<vmem>> -> memref<64x128xf32, #tpu.memory_space<vmem>>
    %dma_wait3A_233 = arith.constant 64 : i32
    %dma_wait3A_234 = tpu.memref_slice %arg19[%dma_wait3A_233] : memref<512xi32, #tpu.memory_space<vmem>> -> memref<64xi32, #tpu.memory_space<vmem>>
    %dma_wait3A_235 = arith.constant 0 : i32
    %dma_wait3A_236 = arith.constant 0 : i32
    %dma_wait3A_237 = tpu.memref_slice %arg7[%dma_wait3A_235, %dma_wait3A_236] : memref<500000x128xf32, #tpu.memory_space<hbm>> -> memref<500000x128xf32, #tpu.memory_space<hbm>>
    tpu.wait_indirect_dma semaphore(%arg22 : memref<!tpu.dma_semaphore, #tpu.memory_space<semaphore_mem>>) src(%dma_wait3A_237 : memref<500000x128xf32, #tpu.memory_space<hbm>>) dst(%dma_wait3A_232 : memref<64x128xf32, #tpu.memory_space<vmem>>)
    %dma_start3A_238 = arith.constant 0 : i32
    %dma_start3A_239 = arith.constant 0 : i32
    %dma_start3A_240 = arith.constant 0 : i32
    %dma_start3A_241 = arith.constant 0 : i32
    %dma_start3A_242 = tpu.memref_slice %arg20[%dma_start3A_238, %dma_start3A_239, %dma_start3A_240, %dma_start3A_241] : memref<2x5x64x128xf32, #tpu.memory_space<vmem>> -> memref<1x1x64x128xf32, #tpu.memory_space<vmem>>
    %dma_start3A_243 = tpu.memref_squeeze %dma_start3A_242 : memref<1x1x64x128xf32, #tpu.memory_space<vmem>> -> memref<64x128xf32, #tpu.memory_space<vmem>>
    %dma_start3A_244 = arith.constant 128 : i32
    %dma_start3A_245 = tpu.memref_slice %arg15[%dma_start3A_244] : memref<512xi32, #tpu.memory_space<vmem>> -> memref<64xi32, #tpu.memory_space<vmem>>
    %dma_start3A_246 = arith.constant 0 : i32
    %dma_start3A_247 = arith.constant 0 : i32
    %dma_start3A_248 = tpu.memref_slice %arg7[%dma_start3A_246, %dma_start3A_247] : memref<500000x128xf32, #tpu.memory_space<hbm>> -> memref<500000x128xf32, #tpu.memory_space<hbm>>
    tpu.enqueue_indirect_dma source(%dma_start3A_248 : memref<500000x128xf32, #tpu.memory_space<hbm>>) target(%dma_start3A_243 : memref<64x128xf32, #tpu.memory_space<vmem>>) offsets(%dma_start3A_245 : memref<64xi32, #tpu.memory_space<vmem>>) semaphore(%arg22 : memref<!tpu.dma_semaphore, #tpu.memory_space<semaphore_mem>>)
    %dma_start3A_249 = arith.constant 0 : i32
    %dma_start3A_250 = arith.constant 1 : i32
    %dma_start3A_251 = arith.constant 0 : i32
    %dma_start3A_252 = arith.constant 0 : i32
    %dma_start3A_253 = tpu.memref_slice %arg20[%dma_start3A_249, %dma_start3A_250, %dma_start3A_251, %dma_start3A_252] : memref<2x5x64x128xf32, #tpu.memory_space<vmem>> -> memref<1x1x64x128xf32, #tpu.memory_space<vmem>>
    %dma_start3A_254 = tpu.memref_squeeze %dma_start3A_253 : memref<1x1x64x128xf32, #tpu.memory_space<vmem>> -> memref<64x128xf32, #tpu.memory_space<vmem>>
    %dma_start3A_255 = arith.constant 128 : i32
    %dma_start3A_256 = tpu.memref_slice %arg16[%dma_start3A_255] : memref<512xi32, #tpu.memory_space<vmem>> -> memref<64xi32, #tpu.memory_space<vmem>>
    %dma_start3A_257 = arith.constant 0 : i32
    %dma_start3A_258 = arith.constant 0 : i32
    %dma_start3A_259 = tpu.memref_slice %arg8[%dma_start3A_257, %dma_start3A_258] : memref<500x128xf32, #tpu.memory_space<hbm>> -> memref<500x128xf32, #tpu.memory_space<hbm>>
    tpu.enqueue_indirect_dma source(%dma_start3A_259 : memref<500x128xf32, #tpu.memory_space<hbm>>) target(%dma_start3A_254 : memref<64x128xf32, #tpu.memory_space<vmem>>) offsets(%dma_start3A_256 : memref<64xi32, #tpu.memory_space<vmem>>) semaphore(%arg22 : memref<!tpu.dma_semaphore, #tpu.memory_space<semaphore_mem>>)
    %dma_start3A_260 = arith.constant 0 : i32
    %dma_start3A_261 = arith.constant 2 : i32
    %dma_start3A_262 = arith.constant 0 : i32
    %dma_start3A_263 = arith.constant 0 : i32
    %dma_start3A_264 = tpu.memref_slice %arg20[%dma_start3A_260, %dma_start3A_261, %dma_start3A_262, %dma_start3A_263] : memref<2x5x64x128xf32, #tpu.memory_space<vmem>> -> memref<1x1x64x128xf32, #tpu.memory_space<vmem>>
    %dma_start3A_265 = tpu.memref_squeeze %dma_start3A_264 : memref<1x1x64x128xf32, #tpu.memory_space<vmem>> -> memref<64x128xf32, #tpu.memory_space<vmem>>
    %dma_start3A_266 = arith.constant 128 : i32
    %dma_start3A_267 = tpu.memref_slice %arg17[%dma_start3A_266] : memref<512xi32, #tpu.memory_space<vmem>> -> memref<64xi32, #tpu.memory_space<vmem>>
    %dma_start3A_268 = arith.constant 0 : i32
    %dma_start3A_269 = arith.constant 0 : i32
    %dma_start3A_270 = tpu.memref_slice %arg7[%dma_start3A_268, %dma_start3A_269] : memref<500000x128xf32, #tpu.memory_space<hbm>> -> memref<500000x128xf32, #tpu.memory_space<hbm>>
    tpu.enqueue_indirect_dma source(%dma_start3A_270 : memref<500000x128xf32, #tpu.memory_space<hbm>>) target(%dma_start3A_265 : memref<64x128xf32, #tpu.memory_space<vmem>>) offsets(%dma_start3A_267 : memref<64xi32, #tpu.memory_space<vmem>>) semaphore(%arg22 : memref<!tpu.dma_semaphore, #tpu.memory_space<semaphore_mem>>)
    %dma_start3A_271 = arith.constant 0 : i32
    %dma_start3A_272 = arith.constant 3 : i32
    %dma_start3A_273 = arith.constant 0 : i32
    %dma_start3A_274 = arith.constant 0 : i32
    %dma_start3A_275 = tpu.memref_slice %arg20[%dma_start3A_271, %dma_start3A_272, %dma_start3A_273, %dma_start3A_274] : memref<2x5x64x128xf32, #tpu.memory_space<vmem>> -> memref<1x1x64x128xf32, #tpu.memory_space<vmem>>
    %dma_start3A_276 = tpu.memref_squeeze %dma_start3A_275 : memref<1x1x64x128xf32, #tpu.memory_space<vmem>> -> memref<64x128xf32, #tpu.memory_space<vmem>>
    %dma_start3A_277 = arith.constant 128 : i32
    %dma_start3A_278 = tpu.memref_slice %arg18[%dma_start3A_277] : memref<512xi32, #tpu.memory_space<vmem>> -> memref<64xi32, #tpu.memory_space<vmem>>
    %dma_start3A_279 = arith.constant 0 : i32
    %dma_start3A_280 = arith.constant 0 : i32
    %dma_start3A_281 = tpu.memref_slice %arg7[%dma_start3A_279, %dma_start3A_280] : memref<500000x128xf32, #tpu.memory_space<hbm>> -> memref<500000x128xf32, #tpu.memory_space<hbm>>
    tpu.enqueue_indirect_dma source(%dma_start3A_281 : memref<500000x128xf32, #tpu.memory_space<hbm>>) target(%dma_start3A_276 : memref<64x128xf32, #tpu.memory_space<vmem>>) offsets(%dma_start3A_278 : memref<64xi32, #tpu.memory_space<vmem>>) semaphore(%arg22 : memref<!tpu.dma_semaphore, #tpu.memory_space<semaphore_mem>>)
    %dma_start3A_282 = arith.constant 0 : i32
    %dma_start3A_283 = arith.constant 4 : i32
    %dma_start3A_284 = arith.constant 0 : i32
    %dma_start3A_285 = arith.constant 0 : i32
    %dma_start3A_286 = tpu.memref_slice %arg20[%dma_start3A_282, %dma_start3A_283, %dma_start3A_284, %dma_start3A_285] : memref<2x5x64x128xf32, #tpu.memory_space<vmem>> -> memref<1x1x64x128xf32, #tpu.memory_space<vmem>>
    %dma_start3A_287 = tpu.memref_squeeze %dma_start3A_286 : memref<1x1x64x128xf32, #tpu.memory_space<vmem>> -> memref<64x128xf32, #tpu.memory_space<vmem>>
    %dma_start3A_288 = arith.constant 128 : i32
    %dma_start3A_289 = tpu.memref_slice %arg19[%dma_start3A_288] : memref<512xi32, #tpu.memory_space<vmem>> -> memref<64xi32, #tpu.memory_space<vmem>>
    %dma_start3A_290 = arith.constant 0 : i32
    %dma_start3A_291 = arith.constant 0 : i32
    %dma_start3A_292 = tpu.memref_slice %arg7[%dma_start3A_290, %dma_start3A_291] : memref<500000x128xf32, #tpu.memory_space<hbm>> -> memref<500000x128xf32, #tpu.memory_space<hbm>>
    tpu.enqueue_indirect_dma source(%dma_start3A_292 : memref<500000x128xf32, #tpu.memory_space<hbm>>) target(%dma_start3A_287 : memref<64x128xf32, #tpu.memory_space<vmem>>) offsets(%dma_start3A_289 : memref<64xi32, #tpu.memory_space<vmem>>) semaphore(%arg22 : memref<!tpu.dma_semaphore, #tpu.memory_space<semaphore_mem>>)
    %scan3A_293 = arith.constant 0 : i32
    %scan3A_294 = arith.constant 0 : i32
    %scan3A_295 = arith.constant 4 : i32
    %scan3A_296 = arith.addi %scan3A_294, %scan3A_295 : i32
    %scan3A_297 = arith.constant 1 : i32
    scf.for %scan3A_940 = %scan3A_294 to %scan3A_296 step %scan3A_297  : i32 {
      %mul3A_941 = arith.constant 16 : i32
      %mul3A_942 = arith.muli %scan3A_940, %mul3A_941 : i32
      %add3A_943 = arith.constant 64 : i32
      %add3A_944 = arith.addi %add3A_943, %mul3A_942 : i32
      %mul3A_945 = arith.constant 16 : i32
      %mul3A_946 = arith.muli %scan3A_940, %mul3A_945 : i32
      %iota3A = tpu.iota {dimensions = array<i32: 0>} : vector<16xi32>
      %add3A_947 = vector.broadcast %mul3A_946 : i32 to vector<16xi32>
      %add3A_948 = arith.addi %add3A_947, %iota3A : vector<16xi32>
      %get3A = arith.index_cast %add3A_944 : i32 to index
      %get3A_949 = tpu.vector_load %arg10[%get3A] {strides = array<i32>} : memref<512xi32, #tpu.memory_space<vmem>>, vector<16xi32>,
      %and3A = arith.constant 1 : i32
      %and3A_950 = vector.broadcast %and3A : i32 to vector<16xi32>
      %and3A_951 = arith.andi %get3A_949, %and3A_950 : vector<16xi32>
      %mul3A_952 = arith.constant 64 : i32
      %mul3A_953 = vector.broadcast %mul3A_952 : i32 to vector<16xi32>
      %mul3A_954 = arith.muli %and3A_951, %mul3A_953 : vector<16xi32>
      %get3A_955 = arith.index_cast %add3A_944 : i32 to index
      %get3A_956 = tpu.vector_load %arg11[%get3A_955] {strides = array<i32>} : memref<512xi32, #tpu.memory_space<vmem>>, vector<16xi32>,
      %and3A_957 = arith.constant 1 : i32
      %and3A_958 = vector.broadcast %and3A_957 : i32 to vector<16xi32>
      %and3A_959 = arith.andi %get3A_956, %and3A_958 : vector<16xi32>
      %mul3A_960 = arith.constant 64 : i32
      %mul3A_961 = vector.broadcast %mul3A_960 : i32 to vector<16xi32>
      %mul3A_962 = arith.muli %and3A_959, %mul3A_961 : vector<16xi32>
      %get3A_963 = arith.index_cast %add3A_944 : i32 to index
      %get3A_964 = tpu.vector_load %arg12[%get3A_963] {strides = array<i32>} : memref<512xi32, #tpu.memory_space<vmem>>, vector<16xi32>,
      %and3A_965 = arith.constant 1 : i32
      %and3A_966 = vector.broadcast %and3A_965 : i32 to vector<16xi32>
      %and3A_967 = arith.andi %get3A_964, %and3A_966 : vector<16xi32>
      %mul3A_968 = arith.constant 64 : i32
      %mul3A_969 = vector.broadcast %mul3A_968 : i32 to vector<16xi32>
      %mul3A_970 = arith.muli %and3A_967, %mul3A_969 : vector<16xi32>
      %get3A_971 = arith.index_cast %add3A_944 : i32 to index
      %get3A_972 = tpu.vector_load %arg13[%get3A_971] {strides = array<i32>} : memref<512xi32, #tpu.memory_space<vmem>>, vector<16xi32>,
      %and3A_973 = arith.constant 1 : i32
      %and3A_974 = vector.broadcast %and3A_973 : i32 to vector<16xi32>
      %and3A_975 = arith.andi %get3A_972, %and3A_974 : vector<16xi32>
      %mul3A_976 = arith.constant 64 : i32
      %mul3A_977 = vector.broadcast %mul3A_976 : i32 to vector<16xi32>
      %mul3A_978 = arith.muli %and3A_975, %mul3A_977 : vector<16xi32>
      %get3A_979 = arith.index_cast %add3A_944 : i32 to index
      %get3A_980 = tpu.vector_load %arg14[%get3A_979] {strides = array<i32>} : memref<512xi32, #tpu.memory_space<vmem>>, vector<16xi32>,
      %and3A_981 = arith.constant 1 : i32
      %and3A_982 = vector.broadcast %and3A_981 : i32 to vector<16xi32>
      %and3A_983 = arith.andi %get3A_980, %and3A_982 : vector<16xi32>
      %mul3A_984 = arith.constant 64 : i32
      %mul3A_985 = vector.broadcast %mul3A_984 : i32 to vector<16xi32>
      %mul3A_986 = arith.muli %and3A_983, %mul3A_985 : vector<16xi32>
      %broadcast_in_dim3A = arith.constant 0.000000e+00 : f32
      %broadcast_in_dim3A_987 = vector.broadcast %broadcast_in_dim3A : f32 to vector<16xf32>
      %parallel_loop3A = arith.constant 0 : i32
      %parallel_loop3A_988 = arith.constant 64 : i32
      %parallel_loop3A_989 = arith.constant 2 : i32
      %parallel_loop3A_990 = arith.constant 1 : i32
      %parallel_loop3A_991 = arith.constant 1 : i32
      %parallel_loop3A_992 = arith.constant 1 : i32
      %parallel_loop3A_993 = arith.constant 0 : i32
      %parallel_loop3A_994 = arith.constant 1 : i32
      %parallel_loop3A_995 = arith.constant 2 : i32
      %parallel_loop3A_996 = arith.constant 1 : i32
      %parallel_loop3A_997 = arith.constant 3 : i32
      %parallel_loop3A_998 = arith.constant 1 : i32
      %parallel_loop3A_999 = arith.constant 4 : i32
      %parallel_loop3A_1000:4 = scf.for %parallel_loop3A_1013 = %parallel_loop3A to %parallel_loop3A_988 step %parallel_loop3A_989 iter_args(%parallel_loop3A_1014 = %broadcast_in_dim3A_987, %parallel_loop3A_1015 = %broadcast_in_dim3A_987, %parallel_loop3A_1016 = %broadcast_in_dim3A_987, %parallel_loop3A_1017 = %broadcast_in_dim3A_987) -> (vector<16xf32>, vector<16xf32>, vector<16xf32>, vector<16xf32>)  : i32 {
        %parallel_loop3A_1018 = vector.broadcast %parallel_loop3A_1013 : i32 to vector<16xi32>
        %parallel_loop3A_1019 = arith.addi %mul3A_962, %parallel_loop3A_1018 : vector<16xi32>
        %parallel_loop3A_1020 = arith.constant 0 : i32
        %parallel_loop3A_1021 = arith.constant 0 : i32
        %parallel_loop3A_1022 = tpu.memref_slice %arg20[%parallel_loop3A_990, %parallel_loop3A_991, %parallel_loop3A_1020, %parallel_loop3A_1021] : memref<2x5x64x128xf32, #tpu.memory_space<vmem>> -> memref<1x1x64x128xf32, #tpu.memory_space<vmem>>
        %parallel_loop3A_1023 = tpu.memref_squeeze %parallel_loop3A_1022 : memref<1x1x64x128xf32, #tpu.memory_space<vmem>> -> memref<64x128xf32, #tpu.memory_space<vmem>>
        %parallel_loop3A_1024 = tpu.vector_load_idx %parallel_loop3A_1023[%add3A_948, %parallel_loop3A_1019] : memref<64x128xf32, #tpu.memory_space<vmem>>[vector<16xi32>, vector<16xi32>], vector<16xf32>,
        %parallel_loop3A_1025 = vector.broadcast %parallel_loop3A_1013 : i32 to vector<16xi32>
        %parallel_loop3A_1026 = arith.addi %mul3A_954, %parallel_loop3A_1025 : vector<16xi32>
        %parallel_loop3A_1027 = arith.constant 0 : i32
        %parallel_loop3A_1028 = arith.constant 0 : i32
        %parallel_loop3A_1029 = tpu.memref_slice %arg20[%parallel_loop3A_992, %parallel_loop3A_993, %parallel_loop3A_1027, %parallel_loop3A_1028] : memref<2x5x64x128xf32, #tpu.memory_space<vmem>> -> memref<1x1x64x128xf32, #tpu.memory_space<vmem>>
        %parallel_loop3A_1030 = tpu.memref_squeeze %parallel_loop3A_1029 : memref<1x1x64x128xf32, #tpu.memory_space<vmem>> -> memref<64x128xf32, #tpu.memory_space<vmem>>
        %parallel_loop3A_1031 = tpu.vector_load_idx %parallel_loop3A_1030[%add3A_948, %parallel_loop3A_1026] : memref<64x128xf32, #tpu.memory_space<vmem>>[vector<16xi32>, vector<16xi32>], vector<16xf32>,
        %parallel_loop3A_1032 = vector.broadcast %parallel_loop3A_1013 : i32 to vector<16xi32>
        %parallel_loop3A_1033 = arith.addi %mul3A_970, %parallel_loop3A_1032 : vector<16xi32>
        %parallel_loop3A_1034 = arith.constant 0 : i32
        %parallel_loop3A_1035 = arith.constant 0 : i32
        %parallel_loop3A_1036 = tpu.memref_slice %arg20[%parallel_loop3A_994, %parallel_loop3A_995, %parallel_loop3A_1034, %parallel_loop3A_1035] : memref<2x5x64x128xf32, #tpu.memory_space<vmem>> -> memref<1x1x64x128xf32, #tpu.memory_space<vmem>>
        %parallel_loop3A_1037 = tpu.memref_squeeze %parallel_loop3A_1036 : memref<1x1x64x128xf32, #tpu.memory_space<vmem>> -> memref<64x128xf32, #tpu.memory_space<vmem>>
        %parallel_loop3A_1038 = tpu.vector_load_idx %parallel_loop3A_1037[%add3A_948, %parallel_loop3A_1033] : memref<64x128xf32, #tpu.memory_space<vmem>>[vector<16xi32>, vector<16xi32>], vector<16xf32>,
        %parallel_loop3A_1039 = vector.broadcast %parallel_loop3A_1013 : i32 to vector<16xi32>
        %parallel_loop3A_1040 = arith.addi %mul3A_978, %parallel_loop3A_1039 : vector<16xi32>
        %parallel_loop3A_1041 = arith.constant 0 : i32
        %parallel_loop3A_1042 = arith.constant 0 : i32
        %parallel_loop3A_1043 = tpu.memref_slice %arg20[%parallel_loop3A_996, %parallel_loop3A_997, %parallel_loop3A_1041, %parallel_loop3A_1042] : memref<2x5x64x128xf32, #tpu.memory_space<vmem>> -> memref<1x1x64x128xf32, #tpu.memory_space<vmem>>
        %parallel_loop3A_1044 = tpu.memref_squeeze %parallel_loop3A_1043 : memref<1x1x64x128xf32, #tpu.memory_space<vmem>> -> memref<64x128xf32, #tpu.memory_space<vmem>>
        %parallel_loop3A_1045 = tpu.vector_load_idx %parallel_loop3A_1044[%add3A_948, %parallel_loop3A_1040] : memref<64x128xf32, #tpu.memory_space<vmem>>[vector<16xi32>, vector<16xi32>], vector<16xf32>,
        %parallel_loop3A_1046 = vector.broadcast %parallel_loop3A_1013 : i32 to vector<16xi32>
        %parallel_loop3A_1047 = arith.addi %mul3A_986, %parallel_loop3A_1046 : vector<16xi32>
        %parallel_loop3A_1048 = arith.constant 0 : i32
        %parallel_loop3A_1049 = arith.constant 0 : i32
        %parallel_loop3A_1050 = tpu.memref_slice %arg20[%parallel_loop3A_998, %parallel_loop3A_999, %parallel_loop3A_1048, %parallel_loop3A_1049] : memref<2x5x64x128xf32, #tpu.memory_space<vmem>> -> memref<1x1x64x128xf32, #tpu.memory_space<vmem>>
        %parallel_loop3A_1051 = tpu.memref_squeeze %parallel_loop3A_1050 : memref<1x1x64x128xf32, #tpu.memory_space<vmem>> -> memref<64x128xf32, #tpu.memory_space<vmem>>
        %parallel_loop3A_1052 = tpu.vector_load_idx %parallel_loop3A_1051[%add3A_948, %parallel_loop3A_1047] : memref<64x128xf32, #tpu.memory_space<vmem>>[vector<16xi32>, vector<16xi32>], vector<16xf32>,
        %parallel_loop3A_1053 = arith.addf %parallel_loop3A_1031, %parallel_loop3A_1024 : vector<16xf32>
        %parallel_loop3A_1054 = arith.subf %parallel_loop3A_1053, %parallel_loop3A_1038 : vector<16xf32>
        %parallel_loop3A_1055 = math.absf %parallel_loop3A_1054 : vector<16xf32>
        %parallel_loop3A_1056 = arith.addf %parallel_loop3A_1014, %parallel_loop3A_1055 : vector<16xf32>
        %parallel_loop3A_1057 = arith.addf %parallel_loop3A_1045, %parallel_loop3A_1024 : vector<16xf32>
        %parallel_loop3A_1058 = arith.subf %parallel_loop3A_1057, %parallel_loop3A_1052 : vector<16xf32>
        %parallel_loop3A_1059 = math.absf %parallel_loop3A_1058 : vector<16xf32>
        %parallel_loop3A_1060 = arith.addf %parallel_loop3A_1015, %parallel_loop3A_1059 : vector<16xf32>
        %parallel_loop3A_1061 = arith.constant 1 : i32
        %parallel_loop3A_1062 = arith.addi %parallel_loop3A_1013, %parallel_loop3A_1061 : i32
        %parallel_loop3A_1063 = vector.broadcast %parallel_loop3A_1062 : i32 to vector<16xi32>
        %parallel_loop3A_1064 = arith.addi %mul3A_962, %parallel_loop3A_1063 : vector<16xi32>
        %parallel_loop3A_1065 = arith.constant 0 : i32
        %parallel_loop3A_1066 = arith.constant 0 : i32
        %parallel_loop3A_1067 = tpu.memref_slice %arg20[%parallel_loop3A_990, %parallel_loop3A_991, %parallel_loop3A_1065, %parallel_loop3A_1066] : memref<2x5x64x128xf32, #tpu.memory_space<vmem>> -> memref<1x1x64x128xf32, #tpu.memory_space<vmem>>
        %parallel_loop3A_1068 = tpu.memref_squeeze %parallel_loop3A_1067 : memref<1x1x64x128xf32, #tpu.memory_space<vmem>> -> memref<64x128xf32, #tpu.memory_space<vmem>>
        %parallel_loop3A_1069 = tpu.vector_load_idx %parallel_loop3A_1068[%add3A_948, %parallel_loop3A_1064] : memref<64x128xf32, #tpu.memory_space<vmem>>[vector<16xi32>, vector<16xi32>], vector<16xf32>,
        %parallel_loop3A_1070 = arith.constant 1 : i32
        %parallel_loop3A_1071 = arith.addi %parallel_loop3A_1013, %parallel_loop3A_1070 : i32
        %parallel_loop3A_1072 = vector.broadcast %parallel_loop3A_1071 : i32 to vector<16xi32>
        %parallel_loop3A_1073 = arith.addi %mul3A_954, %parallel_loop3A_1072 : vector<16xi32>
        %parallel_loop3A_1074 = arith.constant 0 : i32
        %parallel_loop3A_1075 = arith.constant 0 : i32
        %parallel_loop3A_1076 = tpu.memref_slice %arg20[%parallel_loop3A_992, %parallel_loop3A_993, %parallel_loop3A_1074, %parallel_loop3A_1075] : memref<2x5x64x128xf32, #tpu.memory_space<vmem>> -> memref<1x1x64x128xf32, #tpu.memory_space<vmem>>
        %parallel_loop3A_1077 = tpu.memref_squeeze %parallel_loop3A_1076 : memref<1x1x64x128xf32, #tpu.memory_space<vmem>> -> memref<64x128xf32, #tpu.memory_space<vmem>>
        %parallel_loop3A_1078 = tpu.vector_load_idx %parallel_loop3A_1077[%add3A_948, %parallel_loop3A_1073] : memref<64x128xf32, #tpu.memory_space<vmem>>[vector<16xi32>, vector<16xi32>], vector<16xf32>,
        %parallel_loop3A_1079 = arith.constant 1 : i32
        %parallel_loop3A_1080 = arith.addi %parallel_loop3A_1013, %parallel_loop3A_1079 : i32
        %parallel_loop3A_1081 = vector.broadcast %parallel_loop3A_1080 : i32 to vector<16xi32>
        %parallel_loop3A_1082 = arith.addi %mul3A_970, %parallel_loop3A_1081 : vector<16xi32>
        %parallel_loop3A_1083 = arith.constant 0 : i32
        %parallel_loop3A_1084 = arith.constant 0 : i32
        %parallel_loop3A_1085 = tpu.memref_slice %arg20[%parallel_loop3A_994, %parallel_loop3A_995, %parallel_loop3A_1083, %parallel_loop3A_1084] : memref<2x5x64x128xf32, #tpu.memory_space<vmem>> -> memref<1x1x64x128xf32, #tpu.memory_space<vmem>>
        %parallel_loop3A_1086 = tpu.memref_squeeze %parallel_loop3A_1085 : memref<1x1x64x128xf32, #tpu.memory_space<vmem>> -> memref<64x128xf32, #tpu.memory_space<vmem>>
        %parallel_loop3A_1087 = tpu.vector_load_idx %parallel_loop3A_1086[%add3A_948, %parallel_loop3A_1082] : memref<64x128xf32, #tpu.memory_space<vmem>>[vector<16xi32>, vector<16xi32>], vector<16xf32>,
        %parallel_loop3A_1088 = arith.constant 1 : i32
        %parallel_loop3A_1089 = arith.addi %parallel_loop3A_1013, %parallel_loop3A_1088 : i32
        %parallel_loop3A_1090 = vector.broadcast %parallel_loop3A_1089 : i32 to vector<16xi32>
        %parallel_loop3A_1091 = arith.addi %mul3A_978, %parallel_loop3A_1090 : vector<16xi32>
        %parallel_loop3A_1092 = arith.constant 0 : i32
        %parallel_loop3A_1093 = arith.constant 0 : i32
        %parallel_loop3A_1094 = tpu.memref_slice %arg20[%parallel_loop3A_996, %parallel_loop3A_997, %parallel_loop3A_1092, %parallel_loop3A_1093] : memref<2x5x64x128xf32, #tpu.memory_space<vmem>> -> memref<1x1x64x128xf32, #tpu.memory_space<vmem>>
        %parallel_loop3A_1095 = tpu.memref_squeeze %parallel_loop3A_1094 : memref<1x1x64x128xf32, #tpu.memory_space<vmem>> -> memref<64x128xf32, #tpu.memory_space<vmem>>
        %parallel_loop3A_1096 = tpu.vector_load_idx %parallel_loop3A_1095[%add3A_948, %parallel_loop3A_1091] : memref<64x128xf32, #tpu.memory_space<vmem>>[vector<16xi32>, vector<16xi32>], vector<16xf32>,
        %parallel_loop3A_1097 = arith.constant 1 : i32
        %parallel_loop3A_1098 = arith.addi %parallel_loop3A_1013, %parallel_loop3A_1097 : i32
        %parallel_loop3A_1099 = vector.broadcast %parallel_loop3A_1098 : i32 to vector<16xi32>
        %parallel_loop3A_1100 = arith.addi %mul3A_986, %parallel_loop3A_1099 : vector<16xi32>
        %parallel_loop3A_1101 = arith.constant 0 : i32
        %parallel_loop3A_1102 = arith.constant 0 : i32
        %parallel_loop3A_1103 = tpu.memref_slice %arg20[%parallel_loop3A_998, %parallel_loop3A_999, %parallel_loop3A_1101, %parallel_loop3A_1102] : memref<2x5x64x128xf32, #tpu.memory_space<vmem>> -> memref<1x1x64x128xf32, #tpu.memory_space<vmem>>
        %parallel_loop3A_1104 = tpu.memref_squeeze %parallel_loop3A_1103 : memref<1x1x64x128xf32, #tpu.memory_space<vmem>> -> memref<64x128xf32, #tpu.memory_space<vmem>>
        %parallel_loop3A_1105 = tpu.vector_load_idx %parallel_loop3A_1104[%add3A_948, %parallel_loop3A_1100] : memref<64x128xf32, #tpu.memory_space<vmem>>[vector<16xi32>, vector<16xi32>], vector<16xf32>,
        %parallel_loop3A_1106 = arith.addf %parallel_loop3A_1078, %parallel_loop3A_1069 : vector<16xf32>
        %parallel_loop3A_1107 = arith.subf %parallel_loop3A_1106, %parallel_loop3A_1087 : vector<16xf32>
        %parallel_loop3A_1108 = math.absf %parallel_loop3A_1107 : vector<16xf32>
        %parallel_loop3A_1109 = arith.addf %parallel_loop3A_1016, %parallel_loop3A_1108 : vector<16xf32>
        %parallel_loop3A_1110 = arith.addf %parallel_loop3A_1096, %parallel_loop3A_1069 : vector<16xf32>
        %parallel_loop3A_1111 = arith.subf %parallel_loop3A_1110, %parallel_loop3A_1105 : vector<16xf32>
        %parallel_loop3A_1112 = math.absf %parallel_loop3A_1111 : vector<16xf32>
        %parallel_loop3A_1113 = arith.addf %parallel_loop3A_1017, %parallel_loop3A_1112 : vector<16xf32>
        scf.yield %parallel_loop3A_1056, %parallel_loop3A_1060, %parallel_loop3A_1109, %parallel_loop3A_1113 : vector<16xf32>, vector<16xf32>, vector<16xf32>, vector<16xf32>
      } {sc.loop_unroll_factor = 4 : i64, sc.parallel_access}
      %add3A_1001 = arith.addf %parallel_loop3A_1000#0, %parallel_loop3A_1000#2 : vector<16xf32>
      %add3A_1002 = arith.constant 2.000000e+00 : f32
      %add3A_1003 = vector.broadcast %add3A_1002 : f32 to vector<16xf32>
      %add3A_1004 = arith.addf %add3A_1003, %add3A_1001 : vector<16xf32>
      %add3A_1005 = arith.addf %parallel_loop3A_1000#1, %parallel_loop3A_1000#3 : vector<16xf32>
      %sub3A = arith.subf %add3A_1004, %add3A_1005 : vector<16xf32>
      %max3A = arith.constant 0.000000e+00 : f32
      %max3A_1006 = vector.broadcast %max3A : f32 to vector<16xf32>
      %max3A_1007 = arith.maximumf %sub3A, %max3A_1006 : vector<16xf32>
      %mul3A_1008 = arith.constant 16 : i32
      %mul3A_1009 = arith.muli %scan3A_940, %mul3A_1008 : i32
      %add3A_1010 = arith.constant 64 : i32
      %add3A_1011 = arith.addi %add3A_1010, %mul3A_1009 : i32
      %swap3A = arith.index_cast %add3A_1011 : i32 to index
      %swap3A_1012 = tpu.vector_load %arg21[%swap3A] {strides = array<i32>} : memref<512xf32, #tpu.memory_space<vmem>>, vector<16xf32>,
      tpu.vector_store %arg21[%swap3A], %max3A_1007 {strides = array<i32>} : memref<512xf32, #tpu.memory_space<vmem>>, vector<16xf32>,
    }
    %scan3A_298 = arith.constant 4 : i32
    %dma_wait3A_299 = arith.constant 0 : i32
    %dma_wait3A_300 = arith.constant 0 : i32
    %dma_wait3A_301 = arith.constant 0 : i32
    %dma_wait3A_302 = arith.constant 0 : i32
    %dma_wait3A_303 = tpu.memref_slice %arg20[%dma_wait3A_299, %dma_wait3A_300, %dma_wait3A_301, %dma_wait3A_302] : memref<2x5x64x128xf32, #tpu.memory_space<vmem>> -> memref<1x1x64x128xf32, #tpu.memory_space<vmem>>
    %dma_wait3A_304 = tpu.memref_squeeze %dma_wait3A_303 : memref<1x1x64x128xf32, #tpu.memory_space<vmem>> -> memref<64x128xf32, #tpu.memory_space<vmem>>
    %dma_wait3A_305 = arith.constant 128 : i32
    %dma_wait3A_306 = tpu.memref_slice %arg15[%dma_wait3A_305] : memref<512xi32, #tpu.memory_space<vmem>> -> memref<64xi32, #tpu.memory_space<vmem>>
    %dma_wait3A_307 = arith.constant 0 : i32
    %dma_wait3A_308 = arith.constant 0 : i32
    %dma_wait3A_309 = tpu.memref_slice %arg7[%dma_wait3A_307, %dma_wait3A_308] : memref<500000x128xf32, #tpu.memory_space<hbm>> -> memref<500000x128xf32, #tpu.memory_space<hbm>>
    tpu.wait_indirect_dma semaphore(%arg22 : memref<!tpu.dma_semaphore, #tpu.memory_space<semaphore_mem>>) src(%dma_wait3A_309 : memref<500000x128xf32, #tpu.memory_space<hbm>>) dst(%dma_wait3A_304 : memref<64x128xf32, #tpu.memory_space<vmem>>)
    %dma_wait3A_310 = arith.constant 0 : i32
    %dma_wait3A_311 = arith.constant 1 : i32
    %dma_wait3A_312 = arith.constant 0 : i32
    %dma_wait3A_313 = arith.constant 0 : i32
    %dma_wait3A_314 = tpu.memref_slice %arg20[%dma_wait3A_310, %dma_wait3A_311, %dma_wait3A_312, %dma_wait3A_313] : memref<2x5x64x128xf32, #tpu.memory_space<vmem>> -> memref<1x1x64x128xf32, #tpu.memory_space<vmem>>
    %dma_wait3A_315 = tpu.memref_squeeze %dma_wait3A_314 : memref<1x1x64x128xf32, #tpu.memory_space<vmem>> -> memref<64x128xf32, #tpu.memory_space<vmem>>
    %dma_wait3A_316 = arith.constant 128 : i32
    %dma_wait3A_317 = tpu.memref_slice %arg16[%dma_wait3A_316] : memref<512xi32, #tpu.memory_space<vmem>> -> memref<64xi32, #tpu.memory_space<vmem>>
    %dma_wait3A_318 = arith.constant 0 : i32
    %dma_wait3A_319 = arith.constant 0 : i32
    %dma_wait3A_320 = tpu.memref_slice %arg8[%dma_wait3A_318, %dma_wait3A_319] : memref<500x128xf32, #tpu.memory_space<hbm>> -> memref<500x128xf32, #tpu.memory_space<hbm>>
    tpu.wait_indirect_dma semaphore(%arg22 : memref<!tpu.dma_semaphore, #tpu.memory_space<semaphore_mem>>) src(%dma_wait3A_320 : memref<500x128xf32, #tpu.memory_space<hbm>>) dst(%dma_wait3A_315 : memref<64x128xf32, #tpu.memory_space<vmem>>)
    %dma_wait3A_321 = arith.constant 0 : i32
    %dma_wait3A_322 = arith.constant 2 : i32
    %dma_wait3A_323 = arith.constant 0 : i32
    %dma_wait3A_324 = arith.constant 0 : i32
    %dma_wait3A_325 = tpu.memref_slice %arg20[%dma_wait3A_321, %dma_wait3A_322, %dma_wait3A_323, %dma_wait3A_324] : memref<2x5x64x128xf32, #tpu.memory_space<vmem>> -> memref<1x1x64x128xf32, #tpu.memory_space<vmem>>
    %dma_wait3A_326 = tpu.memref_squeeze %dma_wait3A_325 : memref<1x1x64x128xf32, #tpu.memory_space<vmem>> -> memref<64x128xf32, #tpu.memory_space<vmem>>
    %dma_wait3A_327 = arith.constant 128 : i32
    %dma_wait3A_328 = tpu.memref_slice %arg17[%dma_wait3A_327] : memref<512xi32, #tpu.memory_space<vmem>> -> memref<64xi32, #tpu.memory_space<vmem>>
    %dma_wait3A_329 = arith.constant 0 : i32
    %dma_wait3A_330 = arith.constant 0 : i32
    %dma_wait3A_331 = tpu.memref_slice %arg7[%dma_wait3A_329, %dma_wait3A_330] : memref<500000x128xf32, #tpu.memory_space<hbm>> -> memref<500000x128xf32, #tpu.memory_space<hbm>>
    tpu.wait_indirect_dma semaphore(%arg22 : memref<!tpu.dma_semaphore, #tpu.memory_space<semaphore_mem>>) src(%dma_wait3A_331 : memref<500000x128xf32, #tpu.memory_space<hbm>>) dst(%dma_wait3A_326 : memref<64x128xf32, #tpu.memory_space<vmem>>)
    %dma_wait3A_332 = arith.constant 0 : i32
    %dma_wait3A_333 = arith.constant 3 : i32
    %dma_wait3A_334 = arith.constant 0 : i32
    %dma_wait3A_335 = arith.constant 0 : i32
    %dma_wait3A_336 = tpu.memref_slice %arg20[%dma_wait3A_332, %dma_wait3A_333, %dma_wait3A_334, %dma_wait3A_335] : memref<2x5x64x128xf32, #tpu.memory_space<vmem>> -> memref<1x1x64x128xf32, #tpu.memory_space<vmem>>
    %dma_wait3A_337 = tpu.memref_squeeze %dma_wait3A_336 : memref<1x1x64x128xf32, #tpu.memory_space<vmem>> -> memref<64x128xf32, #tpu.memory_space<vmem>>
    %dma_wait3A_338 = arith.constant 128 : i32
    %dma_wait3A_339 = tpu.memref_slice %arg18[%dma_wait3A_338] : memref<512xi32, #tpu.memory_space<vmem>> -> memref<64xi32, #tpu.memory_space<vmem>>
    %dma_wait3A_340 = arith.constant 0 : i32
    %dma_wait3A_341 = arith.constant 0 : i32
    %dma_wait3A_342 = tpu.memref_slice %arg7[%dma_wait3A_340, %dma_wait3A_341] : memref<500000x128xf32, #tpu.memory_space<hbm>> -> memref<500000x128xf32, #tpu.memory_space<hbm>>
    tpu.wait_indirect_dma semaphore(%arg22 : memref<!tpu.dma_semaphore, #tpu.memory_space<semaphore_mem>>) src(%dma_wait3A_342 : memref<500000x128xf32, #tpu.memory_space<hbm>>) dst(%dma_wait3A_337 : memref<64x128xf32, #tpu.memory_space<vmem>>)
    %dma_wait3A_343 = arith.constant 0 : i32
    %dma_wait3A_344 = arith.constant 4 : i32
    %dma_wait3A_345 = arith.constant 0 : i32
    %dma_wait3A_346 = arith.constant 0 : i32
    %dma_wait3A_347 = tpu.memref_slice %arg20[%dma_wait3A_343, %dma_wait3A_344, %dma_wait3A_345, %dma_wait3A_346] : memref<2x5x64x128xf32, #tpu.memory_space<vmem>> -> memref<1x1x64x128xf32, #tpu.memory_space<vmem>>
    %dma_wait3A_348 = tpu.memref_squeeze %dma_wait3A_347 : memref<1x1x64x128xf32, #tpu.memory_space<vmem>> -> memref<64x128xf32, #tpu.memory_space<vmem>>
    %dma_wait3A_349 = arith.constant 128 : i32
    %dma_wait3A_350 = tpu.memref_slice %arg19[%dma_wait3A_349] : memref<512xi32, #tpu.memory_space<vmem>> -> memref<64xi32, #tpu.memory_space<vmem>>
    %dma_wait3A_351 = arith.constant 0 : i32
    %dma_wait3A_352 = arith.constant 0 : i32
    %dma_wait3A_353 = tpu.memref_slice %arg7[%dma_wait3A_351, %dma_wait3A_352] : memref<500000x128xf32, #tpu.memory_space<hbm>> -> memref<500000x128xf32, #tpu.memory_space<hbm>>
    tpu.wait_indirect_dma semaphore(%arg22 : memref<!tpu.dma_semaphore, #tpu.memory_space<semaphore_mem>>) src(%dma_wait3A_353 : memref<500000x128xf32, #tpu.memory_space<hbm>>) dst(%dma_wait3A_348 : memref<64x128xf32, #tpu.memory_space<vmem>>)
    %dma_start3A_354 = arith.constant 1 : i32
    %dma_start3A_355 = arith.constant 0 : i32
    %dma_start3A_356 = arith.constant 0 : i32
    %dma_start3A_357 = arith.constant 0 : i32
    %dma_start3A_358 = tpu.memref_slice %arg20[%dma_start3A_354, %dma_start3A_355, %dma_start3A_356, %dma_start3A_357] : memref<2x5x64x128xf32, #tpu.memory_space<vmem>> -> memref<1x1x64x128xf32, #tpu.memory_space<vmem>>
    %dma_start3A_359 = tpu.memref_squeeze %dma_start3A_358 : memref<1x1x64x128xf32, #tpu.memory_space<vmem>> -> memref<64x128xf32, #tpu.memory_space<vmem>>
    %dma_start3A_360 = arith.constant 192 : i32
    %dma_start3A_361 = tpu.memref_slice %arg15[%dma_start3A_360] : memref<512xi32, #tpu.memory_space<vmem>> -> memref<64xi32, #tpu.memory_space<vmem>>
    %dma_start3A_362 = arith.constant 0 : i32
    %dma_start3A_363 = arith.constant 0 : i32
    %dma_start3A_364 = tpu.memref_slice %arg7[%dma_start3A_362, %dma_start3A_363] : memref<500000x128xf32, #tpu.memory_space<hbm>> -> memref<500000x128xf32, #tpu.memory_space<hbm>>
    tpu.enqueue_indirect_dma source(%dma_start3A_364 : memref<500000x128xf32, #tpu.memory_space<hbm>>) target(%dma_start3A_359 : memref<64x128xf32, #tpu.memory_space<vmem>>) offsets(%dma_start3A_361 : memref<64xi32, #tpu.memory_space<vmem>>) semaphore(%arg22 : memref<!tpu.dma_semaphore, #tpu.memory_space<semaphore_mem>>)
    %dma_start3A_365 = arith.constant 1 : i32
    %dma_start3A_366 = arith.constant 1 : i32
    %dma_start3A_367 = arith.constant 0 : i32
    %dma_start3A_368 = arith.constant 0 : i32
    %dma_start3A_369 = tpu.memref_slice %arg20[%dma_start3A_365, %dma_start3A_366, %dma_start3A_367, %dma_start3A_368] : memref<2x5x64x128xf32, #tpu.memory_space<vmem>> -> memref<1x1x64x128xf32, #tpu.memory_space<vmem>>
    %dma_start3A_370 = tpu.memref_squeeze %dma_start3A_369 : memref<1x1x64x128xf32, #tpu.memory_space<vmem>> -> memref<64x128xf32, #tpu.memory_space<vmem>>
    %dma_start3A_371 = arith.constant 192 : i32
    %dma_start3A_372 = tpu.memref_slice %arg16[%dma_start3A_371] : memref<512xi32, #tpu.memory_space<vmem>> -> memref<64xi32, #tpu.memory_space<vmem>>
    %dma_start3A_373 = arith.constant 0 : i32
    %dma_start3A_374 = arith.constant 0 : i32
    %dma_start3A_375 = tpu.memref_slice %arg8[%dma_start3A_373, %dma_start3A_374] : memref<500x128xf32, #tpu.memory_space<hbm>> -> memref<500x128xf32, #tpu.memory_space<hbm>>
    tpu.enqueue_indirect_dma source(%dma_start3A_375 : memref<500x128xf32, #tpu.memory_space<hbm>>) target(%dma_start3A_370 : memref<64x128xf32, #tpu.memory_space<vmem>>) offsets(%dma_start3A_372 : memref<64xi32, #tpu.memory_space<vmem>>) semaphore(%arg22 : memref<!tpu.dma_semaphore, #tpu.memory_space<semaphore_mem>>)
    %dma_start3A_376 = arith.constant 1 : i32
    %dma_start3A_377 = arith.constant 2 : i32
    %dma_start3A_378 = arith.constant 0 : i32
    %dma_start3A_379 = arith.constant 0 : i32
    %dma_start3A_380 = tpu.memref_slice %arg20[%dma_start3A_376, %dma_start3A_377, %dma_start3A_378, %dma_start3A_379] : memref<2x5x64x128xf32, #tpu.memory_space<vmem>> -> memref<1x1x64x128xf32, #tpu.memory_space<vmem>>
    %dma_start3A_381 = tpu.memref_squeeze %dma_start3A_380 : memref<1x1x64x128xf32, #tpu.memory_space<vmem>> -> memref<64x128xf32, #tpu.memory_space<vmem>>
    %dma_start3A_382 = arith.constant 192 : i32
    %dma_start3A_383 = tpu.memref_slice %arg17[%dma_start3A_382] : memref<512xi32, #tpu.memory_space<vmem>> -> memref<64xi32, #tpu.memory_space<vmem>>
    %dma_start3A_384 = arith.constant 0 : i32
    %dma_start3A_385 = arith.constant 0 : i32
    %dma_start3A_386 = tpu.memref_slice %arg7[%dma_start3A_384, %dma_start3A_385] : memref<500000x128xf32, #tpu.memory_space<hbm>> -> memref<500000x128xf32, #tpu.memory_space<hbm>>
    tpu.enqueue_indirect_dma source(%dma_start3A_386 : memref<500000x128xf32, #tpu.memory_space<hbm>>) target(%dma_start3A_381 : memref<64x128xf32, #tpu.memory_space<vmem>>) offsets(%dma_start3A_383 : memref<64xi32, #tpu.memory_space<vmem>>) semaphore(%arg22 : memref<!tpu.dma_semaphore, #tpu.memory_space<semaphore_mem>>)
    %dma_start3A_387 = arith.constant 1 : i32
    %dma_start3A_388 = arith.constant 3 : i32
    %dma_start3A_389 = arith.constant 0 : i32
    %dma_start3A_390 = arith.constant 0 : i32
    %dma_start3A_391 = tpu.memref_slice %arg20[%dma_start3A_387, %dma_start3A_388, %dma_start3A_389, %dma_start3A_390] : memref<2x5x64x128xf32, #tpu.memory_space<vmem>> -> memref<1x1x64x128xf32, #tpu.memory_space<vmem>>
    %dma_start3A_392 = tpu.memref_squeeze %dma_start3A_391 : memref<1x1x64x128xf32, #tpu.memory_space<vmem>> -> memref<64x128xf32, #tpu.memory_space<vmem>>
    %dma_start3A_393 = arith.constant 192 : i32
    %dma_start3A_394 = tpu.memref_slice %arg18[%dma_start3A_393] : memref<512xi32, #tpu.memory_space<vmem>> -> memref<64xi32, #tpu.memory_space<vmem>>
    %dma_start3A_395 = arith.constant 0 : i32
    %dma_start3A_396 = arith.constant 0 : i32
    %dma_start3A_397 = tpu.memref_slice %arg7[%dma_start3A_395, %dma_start3A_396] : memref<500000x128xf32, #tpu.memory_space<hbm>> -> memref<500000x128xf32, #tpu.memory_space<hbm>>
    tpu.enqueue_indirect_dma source(%dma_start3A_397 : memref<500000x128xf32, #tpu.memory_space<hbm>>) target(%dma_start3A_392 : memref<64x128xf32, #tpu.memory_space<vmem>>) offsets(%dma_start3A_394 : memref<64xi32, #tpu.memory_space<vmem>>) semaphore(%arg22 : memref<!tpu.dma_semaphore, #tpu.memory_space<semaphore_mem>>)
    %dma_start3A_398 = arith.constant 1 : i32
    %dma_start3A_399 = arith.constant 4 : i32
    %dma_start3A_400 = arith.constant 0 : i32
    %dma_start3A_401 = arith.constant 0 : i32
    %dma_start3A_402 = tpu.memref_slice %arg20[%dma_start3A_398, %dma_start3A_399, %dma_start3A_400, %dma_start3A_401] : memref<2x5x64x128xf32, #tpu.memory_space<vmem>> -> memref<1x1x64x128xf32, #tpu.memory_space<vmem>>
    %dma_start3A_403 = tpu.memref_squeeze %dma_start3A_402 : memref<1x1x64x128xf32, #tpu.memory_space<vmem>> -> memref<64x128xf32, #tpu.memory_space<vmem>>
    %dma_start3A_404 = arith.constant 192 : i32
    %dma_start3A_405 = tpu.memref_slice %arg19[%dma_start3A_404] : memref<512xi32, #tpu.memory_space<vmem>> -> memref<64xi32, #tpu.memory_space<vmem>>
    %dma_start3A_406 = arith.constant 0 : i32
    %dma_start3A_407 = arith.constant 0 : i32
    %dma_start3A_408 = tpu.memref_slice %arg7[%dma_start3A_406, %dma_start3A_407] : memref<500000x128xf32, #tpu.memory_space<hbm>> -> memref<500000x128xf32, #tpu.memory_space<hbm>>
    tpu.enqueue_indirect_dma source(%dma_start3A_408 : memref<500000x128xf32, #tpu.memory_space<hbm>>) target(%dma_start3A_403 : memref<64x128xf32, #tpu.memory_space<vmem>>) offsets(%dma_start3A_405 : memref<64xi32, #tpu.memory_space<vmem>>) semaphore(%arg22 : memref<!tpu.dma_semaphore, #tpu.memory_space<semaphore_mem>>)
    %scan3A_409 = arith.constant 0 : i32
    %scan3A_410 = arith.constant 0 : i32
    %scan3A_411 = arith.constant 4 : i32
    %scan3A_412 = arith.addi %scan3A_410, %scan3A_411 : i32
    %scan3A_413 = arith.constant 1 : i32
    scf.for %scan3A_940 = %scan3A_410 to %scan3A_412 step %scan3A_413  : i32 {
      %mul3A_941 = arith.constant 16 : i32
      %mul3A_942 = arith.muli %scan3A_940, %mul3A_941 : i32
      %add3A_943 = arith.constant 128 : i32
      %add3A_944 = arith.addi %add3A_943, %mul3A_942 : i32
      %mul3A_945 = arith.constant 16 : i32
      %mul3A_946 = arith.muli %scan3A_940, %mul3A_945 : i32
      %iota3A = tpu.iota {dimensions = array<i32: 0>} : vector<16xi32>
      %add3A_947 = vector.broadcast %mul3A_946 : i32 to vector<16xi32>
      %add3A_948 = arith.addi %add3A_947, %iota3A : vector<16xi32>
      %get3A = arith.index_cast %add3A_944 : i32 to index
      %get3A_949 = tpu.vector_load %arg10[%get3A] {strides = array<i32>} : memref<512xi32, #tpu.memory_space<vmem>>, vector<16xi32>,
      %and3A = arith.constant 1 : i32
      %and3A_950 = vector.broadcast %and3A : i32 to vector<16xi32>
      %and3A_951 = arith.andi %get3A_949, %and3A_950 : vector<16xi32>
      %mul3A_952 = arith.constant 64 : i32
      %mul3A_953 = vector.broadcast %mul3A_952 : i32 to vector<16xi32>
      %mul3A_954 = arith.muli %and3A_951, %mul3A_953 : vector<16xi32>
      %get3A_955 = arith.index_cast %add3A_944 : i32 to index
      %get3A_956 = tpu.vector_load %arg11[%get3A_955] {strides = array<i32>} : memref<512xi32, #tpu.memory_space<vmem>>, vector<16xi32>,
      %and3A_957 = arith.constant 1 : i32
      %and3A_958 = vector.broadcast %and3A_957 : i32 to vector<16xi32>
      %and3A_959 = arith.andi %get3A_956, %and3A_958 : vector<16xi32>
      %mul3A_960 = arith.constant 64 : i32
      %mul3A_961 = vector.broadcast %mul3A_960 : i32 to vector<16xi32>
      %mul3A_962 = arith.muli %and3A_959, %mul3A_961 : vector<16xi32>
      %get3A_963 = arith.index_cast %add3A_944 : i32 to index
      %get3A_964 = tpu.vector_load %arg12[%get3A_963] {strides = array<i32>} : memref<512xi32, #tpu.memory_space<vmem>>, vector<16xi32>,
      %and3A_965 = arith.constant 1 : i32
      %and3A_966 = vector.broadcast %and3A_965 : i32 to vector<16xi32>
      %and3A_967 = arith.andi %get3A_964, %and3A_966 : vector<16xi32>
      %mul3A_968 = arith.constant 64 : i32
      %mul3A_969 = vector.broadcast %mul3A_968 : i32 to vector<16xi32>
      %mul3A_970 = arith.muli %and3A_967, %mul3A_969 : vector<16xi32>
      %get3A_971 = arith.index_cast %add3A_944 : i32 to index
      %get3A_972 = tpu.vector_load %arg13[%get3A_971] {strides = array<i32>} : memref<512xi32, #tpu.memory_space<vmem>>, vector<16xi32>,
      %and3A_973 = arith.constant 1 : i32
      %and3A_974 = vector.broadcast %and3A_973 : i32 to vector<16xi32>
      %and3A_975 = arith.andi %get3A_972, %and3A_974 : vector<16xi32>
      %mul3A_976 = arith.constant 64 : i32
      %mul3A_977 = vector.broadcast %mul3A_976 : i32 to vector<16xi32>
      %mul3A_978 = arith.muli %and3A_975, %mul3A_977 : vector<16xi32>
      %get3A_979 = arith.index_cast %add3A_944 : i32 to index
      %get3A_980 = tpu.vector_load %arg14[%get3A_979] {strides = array<i32>} : memref<512xi32, #tpu.memory_space<vmem>>, vector<16xi32>,
      %and3A_981 = arith.constant 1 : i32
      %and3A_982 = vector.broadcast %and3A_981 : i32 to vector<16xi32>
      %and3A_983 = arith.andi %get3A_980, %and3A_982 : vector<16xi32>
      %mul3A_984 = arith.constant 64 : i32
      %mul3A_985 = vector.broadcast %mul3A_984 : i32 to vector<16xi32>
      %mul3A_986 = arith.muli %and3A_983, %mul3A_985 : vector<16xi32>
      %broadcast_in_dim3A = arith.constant 0.000000e+00 : f32
      %broadcast_in_dim3A_987 = vector.broadcast %broadcast_in_dim3A : f32 to vector<16xf32>
      %parallel_loop3A = arith.constant 0 : i32
      %parallel_loop3A_988 = arith.constant 64 : i32
      %parallel_loop3A_989 = arith.constant 2 : i32
      %parallel_loop3A_990 = arith.constant 0 : i32
      %parallel_loop3A_991 = arith.constant 1 : i32
      %parallel_loop3A_992 = arith.constant 0 : i32
      %parallel_loop3A_993 = arith.constant 0 : i32
      %parallel_loop3A_994 = arith.constant 0 : i32
      %parallel_loop3A_995 = arith.constant 2 : i32
      %parallel_loop3A_996 = arith.constant 0 : i32
      %parallel_loop3A_997 = arith.constant 3 : i32
      %parallel_loop3A_998 = arith.constant 0 : i32
      %parallel_loop3A_999 = arith.constant 4 : i32
      %parallel_loop3A_1000:4 = scf.for %parallel_loop3A_1013 = %parallel_loop3A to %parallel_loop3A_988 step %parallel_loop3A_989 iter_args(%parallel_loop3A_1014 = %broadcast_in_dim3A_987, %parallel_loop3A_1015 = %broadcast_in_dim3A_987, %parallel_loop3A_1016 = %broadcast_in_dim3A_987, %parallel_loop3A_1017 = %broadcast_in_dim3A_987) -> (vector<16xf32>, vector<16xf32>, vector<16xf32>, vector<16xf32>)  : i32 {
        %parallel_loop3A_1018 = vector.broadcast %parallel_loop3A_1013 : i32 to vector<16xi32>
        %parallel_loop3A_1019 = arith.addi %mul3A_962, %parallel_loop3A_1018 : vector<16xi32>
        %parallel_loop3A_1020 = arith.constant 0 : i32
        %parallel_loop3A_1021 = arith.constant 0 : i32
        %parallel_loop3A_1022 = tpu.memref_slice %arg20[%parallel_loop3A_990, %parallel_loop3A_991, %parallel_loop3A_1020, %parallel_loop3A_1021] : memref<2x5x64x128xf32, #tpu.memory_space<vmem>> -> memref<1x1x64x128xf32, #tpu.memory_space<vmem>>
        %parallel_loop3A_1023 = tpu.memref_squeeze %parallel_loop3A_1022 : memref<1x1x64x128xf32, #tpu.memory_space<vmem>> -> memref<64x128xf32, #tpu.memory_space<vmem>>
        %parallel_loop3A_1024 = tpu.vector_load_idx %parallel_loop3A_1023[%add3A_948, %parallel_loop3A_1019] : memref<64x128xf32, #tpu.memory_space<vmem>>[vector<16xi32>, vector<16xi32>], vector<16xf32>,
        %parallel_loop3A_1025 = vector.broadcast %parallel_loop3A_1013 : i32 to vector<16xi32>
        %parallel_loop3A_1026 = arith.addi %mul3A_954, %parallel_loop3A_1025 : vector<16xi32>
        %parallel_loop3A_1027 = arith.constant 0 : i32
        %parallel_loop3A_1028 = arith.constant 0 : i32
        %parallel_loop3A_1029 = tpu.memref_slice %arg20[%parallel_loop3A_992, %parallel_loop3A_993, %parallel_loop3A_1027, %parallel_loop3A_1028] : memref<2x5x64x128xf32, #tpu.memory_space<vmem>> -> memref<1x1x64x128xf32, #tpu.memory_space<vmem>>
        %parallel_loop3A_1030 = tpu.memref_squeeze %parallel_loop3A_1029 : memref<1x1x64x128xf32, #tpu.memory_space<vmem>> -> memref<64x128xf32, #tpu.memory_space<vmem>>
        %parallel_loop3A_1031 = tpu.vector_load_idx %parallel_loop3A_1030[%add3A_948, %parallel_loop3A_1026] : memref<64x128xf32, #tpu.memory_space<vmem>>[vector<16xi32>, vector<16xi32>], vector<16xf32>,
        %parallel_loop3A_1032 = vector.broadcast %parallel_loop3A_1013 : i32 to vector<16xi32>
        %parallel_loop3A_1033 = arith.addi %mul3A_970, %parallel_loop3A_1032 : vector<16xi32>
        %parallel_loop3A_1034 = arith.constant 0 : i32
        %parallel_loop3A_1035 = arith.constant 0 : i32
        %parallel_loop3A_1036 = tpu.memref_slice %arg20[%parallel_loop3A_994, %parallel_loop3A_995, %parallel_loop3A_1034, %parallel_loop3A_1035] : memref<2x5x64x128xf32, #tpu.memory_space<vmem>> -> memref<1x1x64x128xf32, #tpu.memory_space<vmem>>
        %parallel_loop3A_1037 = tpu.memref_squeeze %parallel_loop3A_1036 : memref<1x1x64x128xf32, #tpu.memory_space<vmem>> -> memref<64x128xf32, #tpu.memory_space<vmem>>
        %parallel_loop3A_1038 = tpu.vector_load_idx %parallel_loop3A_1037[%add3A_948, %parallel_loop3A_1033] : memref<64x128xf32, #tpu.memory_space<vmem>>[vector<16xi32>, vector<16xi32>], vector<16xf32>,
        %parallel_loop3A_1039 = vector.broadcast %parallel_loop3A_1013 : i32 to vector<16xi32>
        %parallel_loop3A_1040 = arith.addi %mul3A_978, %parallel_loop3A_1039 : vector<16xi32>
        %parallel_loop3A_1041 = arith.constant 0 : i32
        %parallel_loop3A_1042 = arith.constant 0 : i32
        %parallel_loop3A_1043 = tpu.memref_slice %arg20[%parallel_loop3A_996, %parallel_loop3A_997, %parallel_loop3A_1041, %parallel_loop3A_1042] : memref<2x5x64x128xf32, #tpu.memory_space<vmem>> -> memref<1x1x64x128xf32, #tpu.memory_space<vmem>>
        %parallel_loop3A_1044 = tpu.memref_squeeze %parallel_loop3A_1043 : memref<1x1x64x128xf32, #tpu.memory_space<vmem>> -> memref<64x128xf32, #tpu.memory_space<vmem>>
        %parallel_loop3A_1045 = tpu.vector_load_idx %parallel_loop3A_1044[%add3A_948, %parallel_loop3A_1040] : memref<64x128xf32, #tpu.memory_space<vmem>>[vector<16xi32>, vector<16xi32>], vector<16xf32>,
        %parallel_loop3A_1046 = vector.broadcast %parallel_loop3A_1013 : i32 to vector<16xi32>
        %parallel_loop3A_1047 = arith.addi %mul3A_986, %parallel_loop3A_1046 : vector<16xi32>
        %parallel_loop3A_1048 = arith.constant 0 : i32
        %parallel_loop3A_1049 = arith.constant 0 : i32
        %parallel_loop3A_1050 = tpu.memref_slice %arg20[%parallel_loop3A_998, %parallel_loop3A_999, %parallel_loop3A_1048, %parallel_loop3A_1049] : memref<2x5x64x128xf32, #tpu.memory_space<vmem>> -> memref<1x1x64x128xf32, #tpu.memory_space<vmem>>
        %parallel_loop3A_1051 = tpu.memref_squeeze %parallel_loop3A_1050 : memref<1x1x64x128xf32, #tpu.memory_space<vmem>> -> memref<64x128xf32, #tpu.memory_space<vmem>>
        %parallel_loop3A_1052 = tpu.vector_load_idx %parallel_loop3A_1051[%add3A_948, %parallel_loop3A_1047] : memref<64x128xf32, #tpu.memory_space<vmem>>[vector<16xi32>, vector<16xi32>], vector<16xf32>,
        %parallel_loop3A_1053 = arith.addf %parallel_loop3A_1031, %parallel_loop3A_1024 : vector<16xf32>
        %parallel_loop3A_1054 = arith.subf %parallel_loop3A_1053, %parallel_loop3A_1038 : vector<16xf32>
        %parallel_loop3A_1055 = math.absf %parallel_loop3A_1054 : vector<16xf32>
        %parallel_loop3A_1056 = arith.addf %parallel_loop3A_1014, %parallel_loop3A_1055 : vector<16xf32>
        %parallel_loop3A_1057 = arith.addf %parallel_loop3A_1045, %parallel_loop3A_1024 : vector<16xf32>
        %parallel_loop3A_1058 = arith.subf %parallel_loop3A_1057, %parallel_loop3A_1052 : vector<16xf32>
        %parallel_loop3A_1059 = math.absf %parallel_loop3A_1058 : vector<16xf32>
        %parallel_loop3A_1060 = arith.addf %parallel_loop3A_1015, %parallel_loop3A_1059 : vector<16xf32>
        %parallel_loop3A_1061 = arith.constant 1 : i32
        %parallel_loop3A_1062 = arith.addi %parallel_loop3A_1013, %parallel_loop3A_1061 : i32
        %parallel_loop3A_1063 = vector.broadcast %parallel_loop3A_1062 : i32 to vector<16xi32>
        %parallel_loop3A_1064 = arith.addi %mul3A_962, %parallel_loop3A_1063 : vector<16xi32>
        %parallel_loop3A_1065 = arith.constant 0 : i32
        %parallel_loop3A_1066 = arith.constant 0 : i32
        %parallel_loop3A_1067 = tpu.memref_slice %arg20[%parallel_loop3A_990, %parallel_loop3A_991, %parallel_loop3A_1065, %parallel_loop3A_1066] : memref<2x5x64x128xf32, #tpu.memory_space<vmem>> -> memref<1x1x64x128xf32, #tpu.memory_space<vmem>>
        %parallel_loop3A_1068 = tpu.memref_squeeze %parallel_loop3A_1067 : memref<1x1x64x128xf32, #tpu.memory_space<vmem>> -> memref<64x128xf32, #tpu.memory_space<vmem>>
        %parallel_loop3A_1069 = tpu.vector_load_idx %parallel_loop3A_1068[%add3A_948, %parallel_loop3A_1064] : memref<64x128xf32, #tpu.memory_space<vmem>>[vector<16xi32>, vector<16xi32>], vector<16xf32>,
        %parallel_loop3A_1070 = arith.constant 1 : i32
        %parallel_loop3A_1071 = arith.addi %parallel_loop3A_1013, %parallel_loop3A_1070 : i32
        %parallel_loop3A_1072 = vector.broadcast %parallel_loop3A_1071 : i32 to vector<16xi32>
        %parallel_loop3A_1073 = arith.addi %mul3A_954, %parallel_loop3A_1072 : vector<16xi32>
        %parallel_loop3A_1074 = arith.constant 0 : i32
        %parallel_loop3A_1075 = arith.constant 0 : i32
        %parallel_loop3A_1076 = tpu.memref_slice %arg20[%parallel_loop3A_992, %parallel_loop3A_993, %parallel_loop3A_1074, %parallel_loop3A_1075] : memref<2x5x64x128xf32, #tpu.memory_space<vmem>> -> memref<1x1x64x128xf32, #tpu.memory_space<vmem>>
        %parallel_loop3A_1077 = tpu.memref_squeeze %parallel_loop3A_1076 : memref<1x1x64x128xf32, #tpu.memory_space<vmem>> -> memref<64x128xf32, #tpu.memory_space<vmem>>
        %parallel_loop3A_1078 = tpu.vector_load_idx %parallel_loop3A_1077[%add3A_948, %parallel_loop3A_1073] : memref<64x128xf32, #tpu.memory_space<vmem>>[vector<16xi32>, vector<16xi32>], vector<16xf32>,
        %parallel_loop3A_1079 = arith.constant 1 : i32
        %parallel_loop3A_1080 = arith.addi %parallel_loop3A_1013, %parallel_loop3A_1079 : i32
        %parallel_loop3A_1081 = vector.broadcast %parallel_loop3A_1080 : i32 to vector<16xi32>
        %parallel_loop3A_1082 = arith.addi %mul3A_970, %parallel_loop3A_1081 : vector<16xi32>
        %parallel_loop3A_1083 = arith.constant 0 : i32
        %parallel_loop3A_1084 = arith.constant 0 : i32
        %parallel_loop3A_1085 = tpu.memref_slice %arg20[%parallel_loop3A_994, %parallel_loop3A_995, %parallel_loop3A_1083, %parallel_loop3A_1084] : memref<2x5x64x128xf32, #tpu.memory_space<vmem>> -> memref<1x1x64x128xf32, #tpu.memory_space<vmem>>
        %parallel_loop3A_1086 = tpu.memref_squeeze %parallel_loop3A_1085 : memref<1x1x64x128xf32, #tpu.memory_space<vmem>> -> memref<64x128xf32, #tpu.memory_space<vmem>>
        %parallel_loop3A_1087 = tpu.vector_load_idx %parallel_loop3A_1086[%add3A_948, %parallel_loop3A_1082] : memref<64x128xf32, #tpu.memory_space<vmem>>[vector<16xi32>, vector<16xi32>], vector<16xf32>,
        %parallel_loop3A_1088 = arith.constant 1 : i32
        %parallel_loop3A_1089 = arith.addi %parallel_loop3A_1013, %parallel_loop3A_1088 : i32
        %parallel_loop3A_1090 = vector.broadcast %parallel_loop3A_1089 : i32 to vector<16xi32>
        %parallel_loop3A_1091 = arith.addi %mul3A_978, %parallel_loop3A_1090 : vector<16xi32>
        %parallel_loop3A_1092 = arith.constant 0 : i32
        %parallel_loop3A_1093 = arith.constant 0 : i32
        %parallel_loop3A_1094 = tpu.memref_slice %arg20[%parallel_loop3A_996, %parallel_loop3A_997, %parallel_loop3A_1092, %parallel_loop3A_1093] : memref<2x5x64x128xf32, #tpu.memory_space<vmem>> -> memref<1x1x64x128xf32, #tpu.memory_space<vmem>>
        %parallel_loop3A_1095 = tpu.memref_squeeze %parallel_loop3A_1094 : memref<1x1x64x128xf32, #tpu.memory_space<vmem>> -> memref<64x128xf32, #tpu.memory_space<vmem>>
        %parallel_loop3A_1096 = tpu.vector_load_idx %parallel_loop3A_1095[%add3A_948, %parallel_loop3A_1091] : memref<64x128xf32, #tpu.memory_space<vmem>>[vector<16xi32>, vector<16xi32>], vector<16xf32>,
        %parallel_loop3A_1097 = arith.constant 1 : i32
        %parallel_loop3A_1098 = arith.addi %parallel_loop3A_1013, %parallel_loop3A_1097 : i32
        %parallel_loop3A_1099 = vector.broadcast %parallel_loop3A_1098 : i32 to vector<16xi32>
        %parallel_loop3A_1100 = arith.addi %mul3A_986, %parallel_loop3A_1099 : vector<16xi32>
        %parallel_loop3A_1101 = arith.constant 0 : i32
        %parallel_loop3A_1102 = arith.constant 0 : i32
        %parallel_loop3A_1103 = tpu.memref_slice %arg20[%parallel_loop3A_998, %parallel_loop3A_999, %parallel_loop3A_1101, %parallel_loop3A_1102] : memref<2x5x64x128xf32, #tpu.memory_space<vmem>> -> memref<1x1x64x128xf32, #tpu.memory_space<vmem>>
        %parallel_loop3A_1104 = tpu.memref_squeeze %parallel_loop3A_1103 : memref<1x1x64x128xf32, #tpu.memory_space<vmem>> -> memref<64x128xf32, #tpu.memory_space<vmem>>
        %parallel_loop3A_1105 = tpu.vector_load_idx %parallel_loop3A_1104[%add3A_948, %parallel_loop3A_1100] : memref<64x128xf32, #tpu.memory_space<vmem>>[vector<16xi32>, vector<16xi32>], vector<16xf32>,
        %parallel_loop3A_1106 = arith.addf %parallel_loop3A_1078, %parallel_loop3A_1069 : vector<16xf32>
        %parallel_loop3A_1107 = arith.subf %parallel_loop3A_1106, %parallel_loop3A_1087 : vector<16xf32>
        %parallel_loop3A_1108 = math.absf %parallel_loop3A_1107 : vector<16xf32>
        %parallel_loop3A_1109 = arith.addf %parallel_loop3A_1016, %parallel_loop3A_1108 : vector<16xf32>
        %parallel_loop3A_1110 = arith.addf %parallel_loop3A_1096, %parallel_loop3A_1069 : vector<16xf32>
        %parallel_loop3A_1111 = arith.subf %parallel_loop3A_1110, %parallel_loop3A_1105 : vector<16xf32>
        %parallel_loop3A_1112 = math.absf %parallel_loop3A_1111 : vector<16xf32>
        %parallel_loop3A_1113 = arith.addf %parallel_loop3A_1017, %parallel_loop3A_1112 : vector<16xf32>
        scf.yield %parallel_loop3A_1056, %parallel_loop3A_1060, %parallel_loop3A_1109, %parallel_loop3A_1113 : vector<16xf32>, vector<16xf32>, vector<16xf32>, vector<16xf32>
      } {sc.loop_unroll_factor = 4 : i64, sc.parallel_access}
      %add3A_1001 = arith.addf %parallel_loop3A_1000#0, %parallel_loop3A_1000#2 : vector<16xf32>
      %add3A_1002 = arith.constant 2.000000e+00 : f32
      %add3A_1003 = vector.broadcast %add3A_1002 : f32 to vector<16xf32>
      %add3A_1004 = arith.addf %add3A_1003, %add3A_1001 : vector<16xf32>
      %add3A_1005 = arith.addf %parallel_loop3A_1000#1, %parallel_loop3A_1000#3 : vector<16xf32>
      %sub3A = arith.subf %add3A_1004, %add3A_1005 : vector<16xf32>
      %max3A = arith.constant 0.000000e+00 : f32
      %max3A_1006 = vector.broadcast %max3A : f32 to vector<16xf32>
      %max3A_1007 = arith.maximumf %sub3A, %max3A_1006 : vector<16xf32>
      %mul3A_1008 = arith.constant 16 : i32
      %mul3A_1009 = arith.muli %scan3A_940, %mul3A_1008 : i32
      %add3A_1010 = arith.constant 128 : i32
      %add3A_1011 = arith.addi %add3A_1010, %mul3A_1009 : i32
      %swap3A = arith.index_cast %add3A_1011 : i32 to index
      %swap3A_1012 = tpu.vector_load %arg21[%swap3A] {strides = array<i32>} : memref<512xf32, #tpu.memory_space<vmem>>, vector<16xf32>,
      tpu.vector_store %arg21[%swap3A], %max3A_1007 {strides = array<i32>} : memref<512xf32, #tpu.memory_space<vmem>>, vector<16xf32>,
    }
    %scan3A_414 = arith.constant 4 : i32
    %dma_wait3A_415 = arith.constant 1 : i32
    %dma_wait3A_416 = arith.constant 0 : i32
    %dma_wait3A_417 = arith.constant 0 : i32
    %dma_wait3A_418 = arith.constant 0 : i32
    %dma_wait3A_419 = tpu.memref_slice %arg20[%dma_wait3A_415, %dma_wait3A_416, %dma_wait3A_417, %dma_wait3A_418] : memref<2x5x64x128xf32, #tpu.memory_space<vmem>> -> memref<1x1x64x128xf32, #tpu.memory_space<vmem>>
    %dma_wait3A_420 = tpu.memref_squeeze %dma_wait3A_419 : memref<1x1x64x128xf32, #tpu.memory_space<vmem>> -> memref<64x128xf32, #tpu.memory_space<vmem>>
    %dma_wait3A_421 = arith.constant 192 : i32
    %dma_wait3A_422 = tpu.memref_slice %arg15[%dma_wait3A_421] : memref<512xi32, #tpu.memory_space<vmem>> -> memref<64xi32, #tpu.memory_space<vmem>>
    %dma_wait3A_423 = arith.constant 0 : i32
    %dma_wait3A_424 = arith.constant 0 : i32
    %dma_wait3A_425 = tpu.memref_slice %arg7[%dma_wait3A_423, %dma_wait3A_424] : memref<500000x128xf32, #tpu.memory_space<hbm>> -> memref<500000x128xf32, #tpu.memory_space<hbm>>
    tpu.wait_indirect_dma semaphore(%arg22 : memref<!tpu.dma_semaphore, #tpu.memory_space<semaphore_mem>>) src(%dma_wait3A_425 : memref<500000x128xf32, #tpu.memory_space<hbm>>) dst(%dma_wait3A_420 : memref<64x128xf32, #tpu.memory_space<vmem>>)
    %dma_wait3A_426 = arith.constant 1 : i32
    %dma_wait3A_427 = arith.constant 1 : i32
    %dma_wait3A_428 = arith.constant 0 : i32
    %dma_wait3A_429 = arith.constant 0 : i32
    %dma_wait3A_430 = tpu.memref_slice %arg20[%dma_wait3A_426, %dma_wait3A_427, %dma_wait3A_428, %dma_wait3A_429] : memref<2x5x64x128xf32, #tpu.memory_space<vmem>> -> memref<1x1x64x128xf32, #tpu.memory_space<vmem>>
    %dma_wait3A_431 = tpu.memref_squeeze %dma_wait3A_430 : memref<1x1x64x128xf32, #tpu.memory_space<vmem>> -> memref<64x128xf32, #tpu.memory_space<vmem>>
    %dma_wait3A_432 = arith.constant 192 : i32
    %dma_wait3A_433 = tpu.memref_slice %arg16[%dma_wait3A_432] : memref<512xi32, #tpu.memory_space<vmem>> -> memref<64xi32, #tpu.memory_space<vmem>>
    %dma_wait3A_434 = arith.constant 0 : i32
    %dma_wait3A_435 = arith.constant 0 : i32
    %dma_wait3A_436 = tpu.memref_slice %arg8[%dma_wait3A_434, %dma_wait3A_435] : memref<500x128xf32, #tpu.memory_space<hbm>> -> memref<500x128xf32, #tpu.memory_space<hbm>>
    tpu.wait_indirect_dma semaphore(%arg22 : memref<!tpu.dma_semaphore, #tpu.memory_space<semaphore_mem>>) src(%dma_wait3A_436 : memref<500x128xf32, #tpu.memory_space<hbm>>) dst(%dma_wait3A_431 : memref<64x128xf32, #tpu.memory_space<vmem>>)
    %dma_wait3A_437 = arith.constant 1 : i32
    %dma_wait3A_438 = arith.constant 2 : i32
    %dma_wait3A_439 = arith.constant 0 : i32
    %dma_wait3A_440 = arith.constant 0 : i32
    %dma_wait3A_441 = tpu.memref_slice %arg20[%dma_wait3A_437, %dma_wait3A_438, %dma_wait3A_439, %dma_wait3A_440] : memref<2x5x64x128xf32, #tpu.memory_space<vmem>> -> memref<1x1x64x128xf32, #tpu.memory_space<vmem>>
    %dma_wait3A_442 = tpu.memref_squeeze %dma_wait3A_441 : memref<1x1x64x128xf32, #tpu.memory_space<vmem>> -> memref<64x128xf32, #tpu.memory_space<vmem>>
    %dma_wait3A_443 = arith.constant 192 : i32
    %dma_wait3A_444 = tpu.memref_slice %arg17[%dma_wait3A_443] : memref<512xi32, #tpu.memory_space<vmem>> -> memref<64xi32, #tpu.memory_space<vmem>>
    %dma_wait3A_445 = arith.constant 0 : i32
    %dma_wait3A_446 = arith.constant 0 : i32
    %dma_wait3A_447 = tpu.memref_slice %arg7[%dma_wait3A_445, %dma_wait3A_446] : memref<500000x128xf32, #tpu.memory_space<hbm>> -> memref<500000x128xf32, #tpu.memory_space<hbm>>
    tpu.wait_indirect_dma semaphore(%arg22 : memref<!tpu.dma_semaphore, #tpu.memory_space<semaphore_mem>>) src(%dma_wait3A_447 : memref<500000x128xf32, #tpu.memory_space<hbm>>) dst(%dma_wait3A_442 : memref<64x128xf32, #tpu.memory_space<vmem>>)
    %dma_wait3A_448 = arith.constant 1 : i32
    %dma_wait3A_449 = arith.constant 3 : i32
    %dma_wait3A_450 = arith.constant 0 : i32
    %dma_wait3A_451 = arith.constant 0 : i32
    %dma_wait3A_452 = tpu.memref_slice %arg20[%dma_wait3A_448, %dma_wait3A_449, %dma_wait3A_450, %dma_wait3A_451] : memref<2x5x64x128xf32, #tpu.memory_space<vmem>> -> memref<1x1x64x128xf32, #tpu.memory_space<vmem>>
    %dma_wait3A_453 = tpu.memref_squeeze %dma_wait3A_452 : memref<1x1x64x128xf32, #tpu.memory_space<vmem>> -> memref<64x128xf32, #tpu.memory_space<vmem>>
    %dma_wait3A_454 = arith.constant 192 : i32
    %dma_wait3A_455 = tpu.memref_slice %arg18[%dma_wait3A_454] : memref<512xi32, #tpu.memory_space<vmem>> -> memref<64xi32, #tpu.memory_space<vmem>>
    %dma_wait3A_456 = arith.constant 0 : i32
    %dma_wait3A_457 = arith.constant 0 : i32
    %dma_wait3A_458 = tpu.memref_slice %arg7[%dma_wait3A_456, %dma_wait3A_457] : memref<500000x128xf32, #tpu.memory_space<hbm>> -> memref<500000x128xf32, #tpu.memory_space<hbm>>
    tpu.wait_indirect_dma semaphore(%arg22 : memref<!tpu.dma_semaphore, #tpu.memory_space<semaphore_mem>>) src(%dma_wait3A_458 : memref<500000x128xf32, #tpu.memory_space<hbm>>) dst(%dma_wait3A_453 : memref<64x128xf32, #tpu.memory_space<vmem>>)
    %dma_wait3A_459 = arith.constant 1 : i32
    %dma_wait3A_460 = arith.constant 4 : i32
    %dma_wait3A_461 = arith.constant 0 : i32
    %dma_wait3A_462 = arith.constant 0 : i32
    %dma_wait3A_463 = tpu.memref_slice %arg20[%dma_wait3A_459, %dma_wait3A_460, %dma_wait3A_461, %dma_wait3A_462] : memref<2x5x64x128xf32, #tpu.memory_space<vmem>> -> memref<1x1x64x128xf32, #tpu.memory_space<vmem>>
    %dma_wait3A_464 = tpu.memref_squeeze %dma_wait3A_463 : memref<1x1x64x128xf32, #tpu.memory_space<vmem>> -> memref<64x128xf32, #tpu.memory_space<vmem>>
    %dma_wait3A_465 = arith.constant 192 : i32
    %dma_wait3A_466 = tpu.memref_slice %arg19[%dma_wait3A_465] : memref<512xi32, #tpu.memory_space<vmem>> -> memref<64xi32, #tpu.memory_space<vmem>>
    %dma_wait3A_467 = arith.constant 0 : i32
    %dma_wait3A_468 = arith.constant 0 : i32
    %dma_wait3A_469 = tpu.memref_slice %arg7[%dma_wait3A_467, %dma_wait3A_468] : memref<500000x128xf32, #tpu.memory_space<hbm>> -> memref<500000x128xf32, #tpu.memory_space<hbm>>
    tpu.wait_indirect_dma semaphore(%arg22 : memref<!tpu.dma_semaphore, #tpu.memory_space<semaphore_mem>>) src(%dma_wait3A_469 : memref<500000x128xf32, #tpu.memory_space<hbm>>) dst(%dma_wait3A_464 : memref<64x128xf32, #tpu.memory_space<vmem>>)
    %dma_start3A_470 = arith.constant 0 : i32
    %dma_start3A_471 = arith.constant 0 : i32
    %dma_start3A_472 = arith.constant 0 : i32
    %dma_start3A_473 = arith.constant 0 : i32
    %dma_start3A_474 = tpu.memref_slice %arg20[%dma_start3A_470, %dma_start3A_471, %dma_start3A_472, %dma_start3A_473] : memref<2x5x64x128xf32, #tpu.memory_space<vmem>> -> memref<1x1x64x128xf32, #tpu.memory_space<vmem>>
    %dma_start3A_475 = tpu.memref_squeeze %dma_start3A_474 : memref<1x1x64x128xf32, #tpu.memory_space<vmem>> -> memref<64x128xf32, #tpu.memory_space<vmem>>
    %dma_start3A_476 = arith.constant 256 : i32
    %dma_start3A_477 = tpu.memref_slice %arg15[%dma_start3A_476] : memref<512xi32, #tpu.memory_space<vmem>> -> memref<64xi32, #tpu.memory_space<vmem>>
    %dma_start3A_478 = arith.constant 0 : i32
    %dma_start3A_479 = arith.constant 0 : i32
    %dma_start3A_480 = tpu.memref_slice %arg7[%dma_start3A_478, %dma_start3A_479] : memref<500000x128xf32, #tpu.memory_space<hbm>> -> memref<500000x128xf32, #tpu.memory_space<hbm>>
    tpu.enqueue_indirect_dma source(%dma_start3A_480 : memref<500000x128xf32, #tpu.memory_space<hbm>>) target(%dma_start3A_475 : memref<64x128xf32, #tpu.memory_space<vmem>>) offsets(%dma_start3A_477 : memref<64xi32, #tpu.memory_space<vmem>>) semaphore(%arg22 : memref<!tpu.dma_semaphore, #tpu.memory_space<semaphore_mem>>)
    %dma_start3A_481 = arith.constant 0 : i32
    %dma_start3A_482 = arith.constant 1 : i32
    %dma_start3A_483 = arith.constant 0 : i32
    %dma_start3A_484 = arith.constant 0 : i32
    %dma_start3A_485 = tpu.memref_slice %arg20[%dma_start3A_481, %dma_start3A_482, %dma_start3A_483, %dma_start3A_484] : memref<2x5x64x128xf32, #tpu.memory_space<vmem>> -> memref<1x1x64x128xf32, #tpu.memory_space<vmem>>
    %dma_start3A_486 = tpu.memref_squeeze %dma_start3A_485 : memref<1x1x64x128xf32, #tpu.memory_space<vmem>> -> memref<64x128xf32, #tpu.memory_space<vmem>>
    %dma_start3A_487 = arith.constant 256 : i32
    %dma_start3A_488 = tpu.memref_slice %arg16[%dma_start3A_487] : memref<512xi32, #tpu.memory_space<vmem>> -> memref<64xi32, #tpu.memory_space<vmem>>
    %dma_start3A_489 = arith.constant 0 : i32
    %dma_start3A_490 = arith.constant 0 : i32
    %dma_start3A_491 = tpu.memref_slice %arg8[%dma_start3A_489, %dma_start3A_490] : memref<500x128xf32, #tpu.memory_space<hbm>> -> memref<500x128xf32, #tpu.memory_space<hbm>>
    tpu.enqueue_indirect_dma source(%dma_start3A_491 : memref<500x128xf32, #tpu.memory_space<hbm>>) target(%dma_start3A_486 : memref<64x128xf32, #tpu.memory_space<vmem>>) offsets(%dma_start3A_488 : memref<64xi32, #tpu.memory_space<vmem>>) semaphore(%arg22 : memref<!tpu.dma_semaphore, #tpu.memory_space<semaphore_mem>>)
    %dma_start3A_492 = arith.constant 0 : i32
    %dma_start3A_493 = arith.constant 2 : i32
    %dma_start3A_494 = arith.constant 0 : i32
    %dma_start3A_495 = arith.constant 0 : i32
    %dma_start3A_496 = tpu.memref_slice %arg20[%dma_start3A_492, %dma_start3A_493, %dma_start3A_494, %dma_start3A_495] : memref<2x5x64x128xf32, #tpu.memory_space<vmem>> -> memref<1x1x64x128xf32, #tpu.memory_space<vmem>>
    %dma_start3A_497 = tpu.memref_squeeze %dma_start3A_496 : memref<1x1x64x128xf32, #tpu.memory_space<vmem>> -> memref<64x128xf32, #tpu.memory_space<vmem>>
    %dma_start3A_498 = arith.constant 256 : i32
    %dma_start3A_499 = tpu.memref_slice %arg17[%dma_start3A_498] : memref<512xi32, #tpu.memory_space<vmem>> -> memref<64xi32, #tpu.memory_space<vmem>>
    %dma_start3A_500 = arith.constant 0 : i32
    %dma_start3A_501 = arith.constant 0 : i32
    %dma_start3A_502 = tpu.memref_slice %arg7[%dma_start3A_500, %dma_start3A_501] : memref<500000x128xf32, #tpu.memory_space<hbm>> -> memref<500000x128xf32, #tpu.memory_space<hbm>>
    tpu.enqueue_indirect_dma source(%dma_start3A_502 : memref<500000x128xf32, #tpu.memory_space<hbm>>) target(%dma_start3A_497 : memref<64x128xf32, #tpu.memory_space<vmem>>) offsets(%dma_start3A_499 : memref<64xi32, #tpu.memory_space<vmem>>) semaphore(%arg22 : memref<!tpu.dma_semaphore, #tpu.memory_space<semaphore_mem>>)
    %dma_start3A_503 = arith.constant 0 : i32
    %dma_start3A_504 = arith.constant 3 : i32
    %dma_start3A_505 = arith.constant 0 : i32
    %dma_start3A_506 = arith.constant 0 : i32
    %dma_start3A_507 = tpu.memref_slice %arg20[%dma_start3A_503, %dma_start3A_504, %dma_start3A_505, %dma_start3A_506] : memref<2x5x64x128xf32, #tpu.memory_space<vmem>> -> memref<1x1x64x128xf32, #tpu.memory_space<vmem>>
    %dma_start3A_508 = tpu.memref_squeeze %dma_start3A_507 : memref<1x1x64x128xf32, #tpu.memory_space<vmem>> -> memref<64x128xf32, #tpu.memory_space<vmem>>
    %dma_start3A_509 = arith.constant 256 : i32
    %dma_start3A_510 = tpu.memref_slice %arg18[%dma_start3A_509] : memref<512xi32, #tpu.memory_space<vmem>> -> memref<64xi32, #tpu.memory_space<vmem>>
    %dma_start3A_511 = arith.constant 0 : i32
    %dma_start3A_512 = arith.constant 0 : i32
    %dma_start3A_513 = tpu.memref_slice %arg7[%dma_start3A_511, %dma_start3A_512] : memref<500000x128xf32, #tpu.memory_space<hbm>> -> memref<500000x128xf32, #tpu.memory_space<hbm>>
    tpu.enqueue_indirect_dma source(%dma_start3A_513 : memref<500000x128xf32, #tpu.memory_space<hbm>>) target(%dma_start3A_508 : memref<64x128xf32, #tpu.memory_space<vmem>>) offsets(%dma_start3A_510 : memref<64xi32, #tpu.memory_space<vmem>>) semaphore(%arg22 : memref<!tpu.dma_semaphore, #tpu.memory_space<semaphore_mem>>)
    %dma_start3A_514 = arith.constant 0 : i32
    %dma_start3A_515 = arith.constant 4 : i32
    %dma_start3A_516 = arith.constant 0 : i32
    %dma_start3A_517 = arith.constant 0 : i32
    %dma_start3A_518 = tpu.memref_slice %arg20[%dma_start3A_514, %dma_start3A_515, %dma_start3A_516, %dma_start3A_517] : memref<2x5x64x128xf32, #tpu.memory_space<vmem>> -> memref<1x1x64x128xf32, #tpu.memory_space<vmem>>
    %dma_start3A_519 = tpu.memref_squeeze %dma_start3A_518 : memref<1x1x64x128xf32, #tpu.memory_space<vmem>> -> memref<64x128xf32, #tpu.memory_space<vmem>>
    %dma_start3A_520 = arith.constant 256 : i32
    %dma_start3A_521 = tpu.memref_slice %arg19[%dma_start3A_520] : memref<512xi32, #tpu.memory_space<vmem>> -> memref<64xi32, #tpu.memory_space<vmem>>
    %dma_start3A_522 = arith.constant 0 : i32
    %dma_start3A_523 = arith.constant 0 : i32
    %dma_start3A_524 = tpu.memref_slice %arg7[%dma_start3A_522, %dma_start3A_523] : memref<500000x128xf32, #tpu.memory_space<hbm>> -> memref<500000x128xf32, #tpu.memory_space<hbm>>
    tpu.enqueue_indirect_dma source(%dma_start3A_524 : memref<500000x128xf32, #tpu.memory_space<hbm>>) target(%dma_start3A_519 : memref<64x128xf32, #tpu.memory_space<vmem>>) offsets(%dma_start3A_521 : memref<64xi32, #tpu.memory_space<vmem>>) semaphore(%arg22 : memref<!tpu.dma_semaphore, #tpu.memory_space<semaphore_mem>>)
    %scan3A_525 = arith.constant 0 : i32
    %scan3A_526 = arith.constant 0 : i32
    %scan3A_527 = arith.constant 4 : i32
    %scan3A_528 = arith.addi %scan3A_526, %scan3A_527 : i32
    %scan3A_529 = arith.constant 1 : i32
    scf.for %scan3A_940 = %scan3A_526 to %scan3A_528 step %scan3A_529  : i32 {
      %mul3A_941 = arith.constant 16 : i32
      %mul3A_942 = arith.muli %scan3A_940, %mul3A_941 : i32
      %add3A_943 = arith.constant 192 : i32
      %add3A_944 = arith.addi %add3A_943, %mul3A_942 : i32
      %mul3A_945 = arith.constant 16 : i32
      %mul3A_946 = arith.muli %scan3A_940, %mul3A_945 : i32
      %iota3A = tpu.iota {dimensions = array<i32: 0>} : vector<16xi32>
      %add3A_947 = vector.broadcast %mul3A_946 : i32 to vector<16xi32>
      %add3A_948 = arith.addi %add3A_947, %iota3A : vector<16xi32>
      %get3A = arith.index_cast %add3A_944 : i32 to index
      %get3A_949 = tpu.vector_load %arg10[%get3A] {strides = array<i32>} : memref<512xi32, #tpu.memory_space<vmem>>, vector<16xi32>,
      %and3A = arith.constant 1 : i32
      %and3A_950 = vector.broadcast %and3A : i32 to vector<16xi32>
      %and3A_951 = arith.andi %get3A_949, %and3A_950 : vector<16xi32>
      %mul3A_952 = arith.constant 64 : i32
      %mul3A_953 = vector.broadcast %mul3A_952 : i32 to vector<16xi32>
      %mul3A_954 = arith.muli %and3A_951, %mul3A_953 : vector<16xi32>
      %get3A_955 = arith.index_cast %add3A_944 : i32 to index
      %get3A_956 = tpu.vector_load %arg11[%get3A_955] {strides = array<i32>} : memref<512xi32, #tpu.memory_space<vmem>>, vector<16xi32>,
      %and3A_957 = arith.constant 1 : i32
      %and3A_958 = vector.broadcast %and3A_957 : i32 to vector<16xi32>
      %and3A_959 = arith.andi %get3A_956, %and3A_958 : vector<16xi32>
      %mul3A_960 = arith.constant 64 : i32
      %mul3A_961 = vector.broadcast %mul3A_960 : i32 to vector<16xi32>
      %mul3A_962 = arith.muli %and3A_959, %mul3A_961 : vector<16xi32>
      %get3A_963 = arith.index_cast %add3A_944 : i32 to index
      %get3A_964 = tpu.vector_load %arg12[%get3A_963] {strides = array<i32>} : memref<512xi32, #tpu.memory_space<vmem>>, vector<16xi32>,
      %and3A_965 = arith.constant 1 : i32
      %and3A_966 = vector.broadcast %and3A_965 : i32 to vector<16xi32>
      %and3A_967 = arith.andi %get3A_964, %and3A_966 : vector<16xi32>
      %mul3A_968 = arith.constant 64 : i32
      %mul3A_969 = vector.broadcast %mul3A_968 : i32 to vector<16xi32>
      %mul3A_970 = arith.muli %and3A_967, %mul3A_969 : vector<16xi32>
      %get3A_971 = arith.index_cast %add3A_944 : i32 to index
      %get3A_972 = tpu.vector_load %arg13[%get3A_971] {strides = array<i32>} : memref<512xi32, #tpu.memory_space<vmem>>, vector<16xi32>,
      %and3A_973 = arith.constant 1 : i32
      %and3A_974 = vector.broadcast %and3A_973 : i32 to vector<16xi32>
      %and3A_975 = arith.andi %get3A_972, %and3A_974 : vector<16xi32>
      %mul3A_976 = arith.constant 64 : i32
      %mul3A_977 = vector.broadcast %mul3A_976 : i32 to vector<16xi32>
      %mul3A_978 = arith.muli %and3A_975, %mul3A_977 : vector<16xi32>
      %get3A_979 = arith.index_cast %add3A_944 : i32 to index
      %get3A_980 = tpu.vector_load %arg14[%get3A_979] {strides = array<i32>} : memref<512xi32, #tpu.memory_space<vmem>>, vector<16xi32>,
      %and3A_981 = arith.constant 1 : i32
      %and3A_982 = vector.broadcast %and3A_981 : i32 to vector<16xi32>
      %and3A_983 = arith.andi %get3A_980, %and3A_982 : vector<16xi32>
      %mul3A_984 = arith.constant 64 : i32
      %mul3A_985 = vector.broadcast %mul3A_984 : i32 to vector<16xi32>
      %mul3A_986 = arith.muli %and3A_983, %mul3A_985 : vector<16xi32>
      %broadcast_in_dim3A = arith.constant 0.000000e+00 : f32
      %broadcast_in_dim3A_987 = vector.broadcast %broadcast_in_dim3A : f32 to vector<16xf32>
      %parallel_loop3A = arith.constant 0 : i32
      %parallel_loop3A_988 = arith.constant 64 : i32
      %parallel_loop3A_989 = arith.constant 2 : i32
      %parallel_loop3A_990 = arith.constant 1 : i32
      %parallel_loop3A_991 = arith.constant 1 : i32
      %parallel_loop3A_992 = arith.constant 1 : i32
      %parallel_loop3A_993 = arith.constant 0 : i32
      %parallel_loop3A_994 = arith.constant 1 : i32
      %parallel_loop3A_995 = arith.constant 2 : i32
      %parallel_loop3A_996 = arith.constant 1 : i32
      %parallel_loop3A_997 = arith.constant 3 : i32
      %parallel_loop3A_998 = arith.constant 1 : i32
      %parallel_loop3A_999 = arith.constant 4 : i32
      %parallel_loop3A_1000:4 = scf.for %parallel_loop3A_1013 = %parallel_loop3A to %parallel_loop3A_988 step %parallel_loop3A_989 iter_args(%parallel_loop3A_1014 = %broadcast_in_dim3A_987, %parallel_loop3A_1015 = %broadcast_in_dim3A_987, %parallel_loop3A_1016 = %broadcast_in_dim3A_987, %parallel_loop3A_1017 = %broadcast_in_dim3A_987) -> (vector<16xf32>, vector<16xf32>, vector<16xf32>, vector<16xf32>)  : i32 {
        %parallel_loop3A_1018 = vector.broadcast %parallel_loop3A_1013 : i32 to vector<16xi32>
        %parallel_loop3A_1019 = arith.addi %mul3A_962, %parallel_loop3A_1018 : vector<16xi32>
        %parallel_loop3A_1020 = arith.constant 0 : i32
        %parallel_loop3A_1021 = arith.constant 0 : i32
        %parallel_loop3A_1022 = tpu.memref_slice %arg20[%parallel_loop3A_990, %parallel_loop3A_991, %parallel_loop3A_1020, %parallel_loop3A_1021] : memref<2x5x64x128xf32, #tpu.memory_space<vmem>> -> memref<1x1x64x128xf32, #tpu.memory_space<vmem>>
        %parallel_loop3A_1023 = tpu.memref_squeeze %parallel_loop3A_1022 : memref<1x1x64x128xf32, #tpu.memory_space<vmem>> -> memref<64x128xf32, #tpu.memory_space<vmem>>
        %parallel_loop3A_1024 = tpu.vector_load_idx %parallel_loop3A_1023[%add3A_948, %parallel_loop3A_1019] : memref<64x128xf32, #tpu.memory_space<vmem>>[vector<16xi32>, vector<16xi32>], vector<16xf32>,
        %parallel_loop3A_1025 = vector.broadcast %parallel_loop3A_1013 : i32 to vector<16xi32>
        %parallel_loop3A_1026 = arith.addi %mul3A_954, %parallel_loop3A_1025 : vector<16xi32>
        %parallel_loop3A_1027 = arith.constant 0 : i32
        %parallel_loop3A_1028 = arith.constant 0 : i32
        %parallel_loop3A_1029 = tpu.memref_slice %arg20[%parallel_loop3A_992, %parallel_loop3A_993, %parallel_loop3A_1027, %parallel_loop3A_1028] : memref<2x5x64x128xf32, #tpu.memory_space<vmem>> -> memref<1x1x64x128xf32, #tpu.memory_space<vmem>>
        %parallel_loop3A_1030 = tpu.memref_squeeze %parallel_loop3A_1029 : memref<1x1x64x128xf32, #tpu.memory_space<vmem>> -> memref<64x128xf32, #tpu.memory_space<vmem>>
        %parallel_loop3A_1031 = tpu.vector_load_idx %parallel_loop3A_1030[%add3A_948, %parallel_loop3A_1026] : memref<64x128xf32, #tpu.memory_space<vmem>>[vector<16xi32>, vector<16xi32>], vector<16xf32>,
        %parallel_loop3A_1032 = vector.broadcast %parallel_loop3A_1013 : i32 to vector<16xi32>
        %parallel_loop3A_1033 = arith.addi %mul3A_970, %parallel_loop3A_1032 : vector<16xi32>
        %parallel_loop3A_1034 = arith.constant 0 : i32
        %parallel_loop3A_1035 = arith.constant 0 : i32
        %parallel_loop3A_1036 = tpu.memref_slice %arg20[%parallel_loop3A_994, %parallel_loop3A_995, %parallel_loop3A_1034, %parallel_loop3A_1035] : memref<2x5x64x128xf32, #tpu.memory_space<vmem>> -> memref<1x1x64x128xf32, #tpu.memory_space<vmem>>
        %parallel_loop3A_1037 = tpu.memref_squeeze %parallel_loop3A_1036 : memref<1x1x64x128xf32, #tpu.memory_space<vmem>> -> memref<64x128xf32, #tpu.memory_space<vmem>>
        %parallel_loop3A_1038 = tpu.vector_load_idx %parallel_loop3A_1037[%add3A_948, %parallel_loop3A_1033] : memref<64x128xf32, #tpu.memory_space<vmem>>[vector<16xi32>, vector<16xi32>], vector<16xf32>,
        %parallel_loop3A_1039 = vector.broadcast %parallel_loop3A_1013 : i32 to vector<16xi32>
        %parallel_loop3A_1040 = arith.addi %mul3A_978, %parallel_loop3A_1039 : vector<16xi32>
        %parallel_loop3A_1041 = arith.constant 0 : i32
        %parallel_loop3A_1042 = arith.constant 0 : i32
        %parallel_loop3A_1043 = tpu.memref_slice %arg20[%parallel_loop3A_996, %parallel_loop3A_997, %parallel_loop3A_1041, %parallel_loop3A_1042] : memref<2x5x64x128xf32, #tpu.memory_space<vmem>> -> memref<1x1x64x128xf32, #tpu.memory_space<vmem>>
        %parallel_loop3A_1044 = tpu.memref_squeeze %parallel_loop3A_1043 : memref<1x1x64x128xf32, #tpu.memory_space<vmem>> -> memref<64x128xf32, #tpu.memory_space<vmem>>
        %parallel_loop3A_1045 = tpu.vector_load_idx %parallel_loop3A_1044[%add3A_948, %parallel_loop3A_1040] : memref<64x128xf32, #tpu.memory_space<vmem>>[vector<16xi32>, vector<16xi32>], vector<16xf32>,
        %parallel_loop3A_1046 = vector.broadcast %parallel_loop3A_1013 : i32 to vector<16xi32>
        %parallel_loop3A_1047 = arith.addi %mul3A_986, %parallel_loop3A_1046 : vector<16xi32>
        %parallel_loop3A_1048 = arith.constant 0 : i32
        %parallel_loop3A_1049 = arith.constant 0 : i32
        %parallel_loop3A_1050 = tpu.memref_slice %arg20[%parallel_loop3A_998, %parallel_loop3A_999, %parallel_loop3A_1048, %parallel_loop3A_1049] : memref<2x5x64x128xf32, #tpu.memory_space<vmem>> -> memref<1x1x64x128xf32, #tpu.memory_space<vmem>>
        %parallel_loop3A_1051 = tpu.memref_squeeze %parallel_loop3A_1050 : memref<1x1x64x128xf32, #tpu.memory_space<vmem>> -> memref<64x128xf32, #tpu.memory_space<vmem>>
        %parallel_loop3A_1052 = tpu.vector_load_idx %parallel_loop3A_1051[%add3A_948, %parallel_loop3A_1047] : memref<64x128xf32, #tpu.memory_space<vmem>>[vector<16xi32>, vector<16xi32>], vector<16xf32>,
        %parallel_loop3A_1053 = arith.addf %parallel_loop3A_1031, %parallel_loop3A_1024 : vector<16xf32>
        %parallel_loop3A_1054 = arith.subf %parallel_loop3A_1053, %parallel_loop3A_1038 : vector<16xf32>
        %parallel_loop3A_1055 = math.absf %parallel_loop3A_1054 : vector<16xf32>
        %parallel_loop3A_1056 = arith.addf %parallel_loop3A_1014, %parallel_loop3A_1055 : vector<16xf32>
        %parallel_loop3A_1057 = arith.addf %parallel_loop3A_1045, %parallel_loop3A_1024 : vector<16xf32>
        %parallel_loop3A_1058 = arith.subf %parallel_loop3A_1057, %parallel_loop3A_1052 : vector<16xf32>
        %parallel_loop3A_1059 = math.absf %parallel_loop3A_1058 : vector<16xf32>
        %parallel_loop3A_1060 = arith.addf %parallel_loop3A_1015, %parallel_loop3A_1059 : vector<16xf32>
        %parallel_loop3A_1061 = arith.constant 1 : i32
        %parallel_loop3A_1062 = arith.addi %parallel_loop3A_1013, %parallel_loop3A_1061 : i32
        %parallel_loop3A_1063 = vector.broadcast %parallel_loop3A_1062 : i32 to vector<16xi32>
        %parallel_loop3A_1064 = arith.addi %mul3A_962, %parallel_loop3A_1063 : vector<16xi32>
        %parallel_loop3A_1065 = arith.constant 0 : i32
        %parallel_loop3A_1066 = arith.constant 0 : i32
        %parallel_loop3A_1067 = tpu.memref_slice %arg20[%parallel_loop3A_990, %parallel_loop3A_991, %parallel_loop3A_1065, %parallel_loop3A_1066] : memref<2x5x64x128xf32, #tpu.memory_space<vmem>> -> memref<1x1x64x128xf32, #tpu.memory_space<vmem>>
        %parallel_loop3A_1068 = tpu.memref_squeeze %parallel_loop3A_1067 : memref<1x1x64x128xf32, #tpu.memory_space<vmem>> -> memref<64x128xf32, #tpu.memory_space<vmem>>
        %parallel_loop3A_1069 = tpu.vector_load_idx %parallel_loop3A_1068[%add3A_948, %parallel_loop3A_1064] : memref<64x128xf32, #tpu.memory_space<vmem>>[vector<16xi32>, vector<16xi32>], vector<16xf32>,
        %parallel_loop3A_1070 = arith.constant 1 : i32
        %parallel_loop3A_1071 = arith.addi %parallel_loop3A_1013, %parallel_loop3A_1070 : i32
        %parallel_loop3A_1072 = vector.broadcast %parallel_loop3A_1071 : i32 to vector<16xi32>
        %parallel_loop3A_1073 = arith.addi %mul3A_954, %parallel_loop3A_1072 : vector<16xi32>
        %parallel_loop3A_1074 = arith.constant 0 : i32
        %parallel_loop3A_1075 = arith.constant 0 : i32
        %parallel_loop3A_1076 = tpu.memref_slice %arg20[%parallel_loop3A_992, %parallel_loop3A_993, %parallel_loop3A_1074, %parallel_loop3A_1075] : memref<2x5x64x128xf32, #tpu.memory_space<vmem>> -> memref<1x1x64x128xf32, #tpu.memory_space<vmem>>
        %parallel_loop3A_1077 = tpu.memref_squeeze %parallel_loop3A_1076 : memref<1x1x64x128xf32, #tpu.memory_space<vmem>> -> memref<64x128xf32, #tpu.memory_space<vmem>>
        %parallel_loop3A_1078 = tpu.vector_load_idx %parallel_loop3A_1077[%add3A_948, %parallel_loop3A_1073] : memref<64x128xf32, #tpu.memory_space<vmem>>[vector<16xi32>, vector<16xi32>], vector<16xf32>,
        %parallel_loop3A_1079 = arith.constant 1 : i32
        %parallel_loop3A_1080 = arith.addi %parallel_loop3A_1013, %parallel_loop3A_1079 : i32
        %parallel_loop3A_1081 = vector.broadcast %parallel_loop3A_1080 : i32 to vector<16xi32>
        %parallel_loop3A_1082 = arith.addi %mul3A_970, %parallel_loop3A_1081 : vector<16xi32>
        %parallel_loop3A_1083 = arith.constant 0 : i32
        %parallel_loop3A_1084 = arith.constant 0 : i32
        %parallel_loop3A_1085 = tpu.memref_slice %arg20[%parallel_loop3A_994, %parallel_loop3A_995, %parallel_loop3A_1083, %parallel_loop3A_1084] : memref<2x5x64x128xf32, #tpu.memory_space<vmem>> -> memref<1x1x64x128xf32, #tpu.memory_space<vmem>>
        %parallel_loop3A_1086 = tpu.memref_squeeze %parallel_loop3A_1085 : memref<1x1x64x128xf32, #tpu.memory_space<vmem>> -> memref<64x128xf32, #tpu.memory_space<vmem>>
        %parallel_loop3A_1087 = tpu.vector_load_idx %parallel_loop3A_1086[%add3A_948, %parallel_loop3A_1082] : memref<64x128xf32, #tpu.memory_space<vmem>>[vector<16xi32>, vector<16xi32>], vector<16xf32>,
        %parallel_loop3A_1088 = arith.constant 1 : i32
        %parallel_loop3A_1089 = arith.addi %parallel_loop3A_1013, %parallel_loop3A_1088 : i32
        %parallel_loop3A_1090 = vector.broadcast %parallel_loop3A_1089 : i32 to vector<16xi32>
        %parallel_loop3A_1091 = arith.addi %mul3A_978, %parallel_loop3A_1090 : vector<16xi32>
        %parallel_loop3A_1092 = arith.constant 0 : i32
        %parallel_loop3A_1093 = arith.constant 0 : i32
        %parallel_loop3A_1094 = tpu.memref_slice %arg20[%parallel_loop3A_996, %parallel_loop3A_997, %parallel_loop3A_1092, %parallel_loop3A_1093] : memref<2x5x64x128xf32, #tpu.memory_space<vmem>> -> memref<1x1x64x128xf32, #tpu.memory_space<vmem>>
        %parallel_loop3A_1095 = tpu.memref_squeeze %parallel_loop3A_1094 : memref<1x1x64x128xf32, #tpu.memory_space<vmem>> -> memref<64x128xf32, #tpu.memory_space<vmem>>
        %parallel_loop3A_1096 = tpu.vector_load_idx %parallel_loop3A_1095[%add3A_948, %parallel_loop3A_1091] : memref<64x128xf32, #tpu.memory_space<vmem>>[vector<16xi32>, vector<16xi32>], vector<16xf32>,
        %parallel_loop3A_1097 = arith.constant 1 : i32
        %parallel_loop3A_1098 = arith.addi %parallel_loop3A_1013, %parallel_loop3A_1097 : i32
        %parallel_loop3A_1099 = vector.broadcast %parallel_loop3A_1098 : i32 to vector<16xi32>
        %parallel_loop3A_1100 = arith.addi %mul3A_986, %parallel_loop3A_1099 : vector<16xi32>
        %parallel_loop3A_1101 = arith.constant 0 : i32
        %parallel_loop3A_1102 = arith.constant 0 : i32
        %parallel_loop3A_1103 = tpu.memref_slice %arg20[%parallel_loop3A_998, %parallel_loop3A_999, %parallel_loop3A_1101, %parallel_loop3A_1102] : memref<2x5x64x128xf32, #tpu.memory_space<vmem>> -> memref<1x1x64x128xf32, #tpu.memory_space<vmem>>
        %parallel_loop3A_1104 = tpu.memref_squeeze %parallel_loop3A_1103 : memref<1x1x64x128xf32, #tpu.memory_space<vmem>> -> memref<64x128xf32, #tpu.memory_space<vmem>>
        %parallel_loop3A_1105 = tpu.vector_load_idx %parallel_loop3A_1104[%add3A_948, %parallel_loop3A_1100] : memref<64x128xf32, #tpu.memory_space<vmem>>[vector<16xi32>, vector<16xi32>], vector<16xf32>,
        %parallel_loop3A_1106 = arith.addf %parallel_loop3A_1078, %parallel_loop3A_1069 : vector<16xf32>
        %parallel_loop3A_1107 = arith.subf %parallel_loop3A_1106, %parallel_loop3A_1087 : vector<16xf32>
        %parallel_loop3A_1108 = math.absf %parallel_loop3A_1107 : vector<16xf32>
        %parallel_loop3A_1109 = arith.addf %parallel_loop3A_1016, %parallel_loop3A_1108 : vector<16xf32>
        %parallel_loop3A_1110 = arith.addf %parallel_loop3A_1096, %parallel_loop3A_1069 : vector<16xf32>
        %parallel_loop3A_1111 = arith.subf %parallel_loop3A_1110, %parallel_loop3A_1105 : vector<16xf32>
        %parallel_loop3A_1112 = math.absf %parallel_loop3A_1111 : vector<16xf32>
        %parallel_loop3A_1113 = arith.addf %parallel_loop3A_1017, %parallel_loop3A_1112 : vector<16xf32>
        scf.yield %parallel_loop3A_1056, %parallel_loop3A_1060, %parallel_loop3A_1109, %parallel_loop3A_1113 : vector<16xf32>, vector<16xf32>, vector<16xf32>, vector<16xf32>
      } {sc.loop_unroll_factor = 4 : i64, sc.parallel_access}
      %add3A_1001 = arith.addf %parallel_loop3A_1000#0, %parallel_loop3A_1000#2 : vector<16xf32>
      %add3A_1002 = arith.constant 2.000000e+00 : f32
      %add3A_1003 = vector.broadcast %add3A_1002 : f32 to vector<16xf32>
      %add3A_1004 = arith.addf %add3A_1003, %add3A_1001 : vector<16xf32>
      %add3A_1005 = arith.addf %parallel_loop3A_1000#1, %parallel_loop3A_1000#3 : vector<16xf32>
      %sub3A = arith.subf %add3A_1004, %add3A_1005 : vector<16xf32>
      %max3A = arith.constant 0.000000e+00 : f32
      %max3A_1006 = vector.broadcast %max3A : f32 to vector<16xf32>
      %max3A_1007 = arith.maximumf %sub3A, %max3A_1006 : vector<16xf32>
      %mul3A_1008 = arith.constant 16 : i32
      %mul3A_1009 = arith.muli %scan3A_940, %mul3A_1008 : i32
      %add3A_1010 = arith.constant 192 : i32
      %add3A_1011 = arith.addi %add3A_1010, %mul3A_1009 : i32
      %swap3A = arith.index_cast %add3A_1011 : i32 to index
      %swap3A_1012 = tpu.vector_load %arg21[%swap3A] {strides = array<i32>} : memref<512xf32, #tpu.memory_space<vmem>>, vector<16xf32>,
      tpu.vector_store %arg21[%swap3A], %max3A_1007 {strides = array<i32>} : memref<512xf32, #tpu.memory_space<vmem>>, vector<16xf32>,
    }
    %scan3A_530 = arith.constant 4 : i32
    %dma_wait3A_531 = arith.constant 0 : i32
    %dma_wait3A_532 = arith.constant 0 : i32
    %dma_wait3A_533 = arith.constant 0 : i32
    %dma_wait3A_534 = arith.constant 0 : i32
    %dma_wait3A_535 = tpu.memref_slice %arg20[%dma_wait3A_531, %dma_wait3A_532, %dma_wait3A_533, %dma_wait3A_534] : memref<2x5x64x128xf32, #tpu.memory_space<vmem>> -> memref<1x1x64x128xf32, #tpu.memory_space<vmem>>
    %dma_wait3A_536 = tpu.memref_squeeze %dma_wait3A_535 : memref<1x1x64x128xf32, #tpu.memory_space<vmem>> -> memref<64x128xf32, #tpu.memory_space<vmem>>
    %dma_wait3A_537 = arith.constant 256 : i32
    %dma_wait3A_538 = tpu.memref_slice %arg15[%dma_wait3A_537] : memref<512xi32, #tpu.memory_space<vmem>> -> memref<64xi32, #tpu.memory_space<vmem>>
    %dma_wait3A_539 = arith.constant 0 : i32
    %dma_wait3A_540 = arith.constant 0 : i32
    %dma_wait3A_541 = tpu.memref_slice %arg7[%dma_wait3A_539, %dma_wait3A_540] : memref<500000x128xf32, #tpu.memory_space<hbm>> -> memref<500000x128xf32, #tpu.memory_space<hbm>>
    tpu.wait_indirect_dma semaphore(%arg22 : memref<!tpu.dma_semaphore, #tpu.memory_space<semaphore_mem>>) src(%dma_wait3A_541 : memref<500000x128xf32, #tpu.memory_space<hbm>>) dst(%dma_wait3A_536 : memref<64x128xf32, #tpu.memory_space<vmem>>)
    %dma_wait3A_542 = arith.constant 0 : i32
    %dma_wait3A_543 = arith.constant 1 : i32
    %dma_wait3A_544 = arith.constant 0 : i32
    %dma_wait3A_545 = arith.constant 0 : i32
    %dma_wait3A_546 = tpu.memref_slice %arg20[%dma_wait3A_542, %dma_wait3A_543, %dma_wait3A_544, %dma_wait3A_545] : memref<2x5x64x128xf32, #tpu.memory_space<vmem>> -> memref<1x1x64x128xf32, #tpu.memory_space<vmem>>
    %dma_wait3A_547 = tpu.memref_squeeze %dma_wait3A_546 : memref<1x1x64x128xf32, #tpu.memory_space<vmem>> -> memref<64x128xf32, #tpu.memory_space<vmem>>
    %dma_wait3A_548 = arith.constant 256 : i32
    %dma_wait3A_549 = tpu.memref_slice %arg16[%dma_wait3A_548] : memref<512xi32, #tpu.memory_space<vmem>> -> memref<64xi32, #tpu.memory_space<vmem>>
    %dma_wait3A_550 = arith.constant 0 : i32
    %dma_wait3A_551 = arith.constant 0 : i32
    %dma_wait3A_552 = tpu.memref_slice %arg8[%dma_wait3A_550, %dma_wait3A_551] : memref<500x128xf32, #tpu.memory_space<hbm>> -> memref<500x128xf32, #tpu.memory_space<hbm>>
    tpu.wait_indirect_dma semaphore(%arg22 : memref<!tpu.dma_semaphore, #tpu.memory_space<semaphore_mem>>) src(%dma_wait3A_552 : memref<500x128xf32, #tpu.memory_space<hbm>>) dst(%dma_wait3A_547 : memref<64x128xf32, #tpu.memory_space<vmem>>)
    %dma_wait3A_553 = arith.constant 0 : i32
    %dma_wait3A_554 = arith.constant 2 : i32
    %dma_wait3A_555 = arith.constant 0 : i32
    %dma_wait3A_556 = arith.constant 0 : i32
    %dma_wait3A_557 = tpu.memref_slice %arg20[%dma_wait3A_553, %dma_wait3A_554, %dma_wait3A_555, %dma_wait3A_556] : memref<2x5x64x128xf32, #tpu.memory_space<vmem>> -> memref<1x1x64x128xf32, #tpu.memory_space<vmem>>
    %dma_wait3A_558 = tpu.memref_squeeze %dma_wait3A_557 : memref<1x1x64x128xf32, #tpu.memory_space<vmem>> -> memref<64x128xf32, #tpu.memory_space<vmem>>
    %dma_wait3A_559 = arith.constant 256 : i32
    %dma_wait3A_560 = tpu.memref_slice %arg17[%dma_wait3A_559] : memref<512xi32, #tpu.memory_space<vmem>> -> memref<64xi32, #tpu.memory_space<vmem>>
    %dma_wait3A_561 = arith.constant 0 : i32
    %dma_wait3A_562 = arith.constant 0 : i32
    %dma_wait3A_563 = tpu.memref_slice %arg7[%dma_wait3A_561, %dma_wait3A_562] : memref<500000x128xf32, #tpu.memory_space<hbm>> -> memref<500000x128xf32, #tpu.memory_space<hbm>>
    tpu.wait_indirect_dma semaphore(%arg22 : memref<!tpu.dma_semaphore, #tpu.memory_space<semaphore_mem>>) src(%dma_wait3A_563 : memref<500000x128xf32, #tpu.memory_space<hbm>>) dst(%dma_wait3A_558 : memref<64x128xf32, #tpu.memory_space<vmem>>)
    %dma_wait3A_564 = arith.constant 0 : i32
    %dma_wait3A_565 = arith.constant 3 : i32
    %dma_wait3A_566 = arith.constant 0 : i32
    %dma_wait3A_567 = arith.constant 0 : i32
    %dma_wait3A_568 = tpu.memref_slice %arg20[%dma_wait3A_564, %dma_wait3A_565, %dma_wait3A_566, %dma_wait3A_567] : memref<2x5x64x128xf32, #tpu.memory_space<vmem>> -> memref<1x1x64x128xf32, #tpu.memory_space<vmem>>
    %dma_wait3A_569 = tpu.memref_squeeze %dma_wait3A_568 : memref<1x1x64x128xf32, #tpu.memory_space<vmem>> -> memref<64x128xf32, #tpu.memory_space<vmem>>
    %dma_wait3A_570 = arith.constant 256 : i32
    %dma_wait3A_571 = tpu.memref_slice %arg18[%dma_wait3A_570] : memref<512xi32, #tpu.memory_space<vmem>> -> memref<64xi32, #tpu.memory_space<vmem>>
    %dma_wait3A_572 = arith.constant 0 : i32
    %dma_wait3A_573 = arith.constant 0 : i32
    %dma_wait3A_574 = tpu.memref_slice %arg7[%dma_wait3A_572, %dma_wait3A_573] : memref<500000x128xf32, #tpu.memory_space<hbm>> -> memref<500000x128xf32, #tpu.memory_space<hbm>>
    tpu.wait_indirect_dma semaphore(%arg22 : memref<!tpu.dma_semaphore, #tpu.memory_space<semaphore_mem>>) src(%dma_wait3A_574 : memref<500000x128xf32, #tpu.memory_space<hbm>>) dst(%dma_wait3A_569 : memref<64x128xf32, #tpu.memory_space<vmem>>)
    %dma_wait3A_575 = arith.constant 0 : i32
    %dma_wait3A_576 = arith.constant 4 : i32
    %dma_wait3A_577 = arith.constant 0 : i32
    %dma_wait3A_578 = arith.constant 0 : i32
    %dma_wait3A_579 = tpu.memref_slice %arg20[%dma_wait3A_575, %dma_wait3A_576, %dma_wait3A_577, %dma_wait3A_578] : memref<2x5x64x128xf32, #tpu.memory_space<vmem>> -> memref<1x1x64x128xf32, #tpu.memory_space<vmem>>
    %dma_wait3A_580 = tpu.memref_squeeze %dma_wait3A_579 : memref<1x1x64x128xf32, #tpu.memory_space<vmem>> -> memref<64x128xf32, #tpu.memory_space<vmem>>
    %dma_wait3A_581 = arith.constant 256 : i32
    %dma_wait3A_582 = tpu.memref_slice %arg19[%dma_wait3A_581] : memref<512xi32, #tpu.memory_space<vmem>> -> memref<64xi32, #tpu.memory_space<vmem>>
    %dma_wait3A_583 = arith.constant 0 : i32
    %dma_wait3A_584 = arith.constant 0 : i32
    %dma_wait3A_585 = tpu.memref_slice %arg7[%dma_wait3A_583, %dma_wait3A_584] : memref<500000x128xf32, #tpu.memory_space<hbm>> -> memref<500000x128xf32, #tpu.memory_space<hbm>>
    tpu.wait_indirect_dma semaphore(%arg22 : memref<!tpu.dma_semaphore, #tpu.memory_space<semaphore_mem>>) src(%dma_wait3A_585 : memref<500000x128xf32, #tpu.memory_space<hbm>>) dst(%dma_wait3A_580 : memref<64x128xf32, #tpu.memory_space<vmem>>)
    %dma_start3A_586 = arith.constant 1 : i32
    %dma_start3A_587 = arith.constant 0 : i32
    %dma_start3A_588 = arith.constant 0 : i32
    %dma_start3A_589 = arith.constant 0 : i32
    %dma_start3A_590 = tpu.memref_slice %arg20[%dma_start3A_586, %dma_start3A_587, %dma_start3A_588, %dma_start3A_589] : memref<2x5x64x128xf32, #tpu.memory_space<vmem>> -> memref<1x1x64x128xf32, #tpu.memory_space<vmem>>
    %dma_start3A_591 = tpu.memref_squeeze %dma_start3A_590 : memref<1x1x64x128xf32, #tpu.memory_space<vmem>> -> memref<64x128xf32, #tpu.memory_space<vmem>>
    %dma_start3A_592 = arith.constant 320 : i32
    %dma_start3A_593 = tpu.memref_slice %arg15[%dma_start3A_592] : memref<512xi32, #tpu.memory_space<vmem>> -> memref<64xi32, #tpu.memory_space<vmem>>
    %dma_start3A_594 = arith.constant 0 : i32
    %dma_start3A_595 = arith.constant 0 : i32
    %dma_start3A_596 = tpu.memref_slice %arg7[%dma_start3A_594, %dma_start3A_595] : memref<500000x128xf32, #tpu.memory_space<hbm>> -> memref<500000x128xf32, #tpu.memory_space<hbm>>
    tpu.enqueue_indirect_dma source(%dma_start3A_596 : memref<500000x128xf32, #tpu.memory_space<hbm>>) target(%dma_start3A_591 : memref<64x128xf32, #tpu.memory_space<vmem>>) offsets(%dma_start3A_593 : memref<64xi32, #tpu.memory_space<vmem>>) semaphore(%arg22 : memref<!tpu.dma_semaphore, #tpu.memory_space<semaphore_mem>>)
    %dma_start3A_597 = arith.constant 1 : i32
    %dma_start3A_598 = arith.constant 1 : i32
    %dma_start3A_599 = arith.constant 0 : i32
    %dma_start3A_600 = arith.constant 0 : i32
    %dma_start3A_601 = tpu.memref_slice %arg20[%dma_start3A_597, %dma_start3A_598, %dma_start3A_599, %dma_start3A_600] : memref<2x5x64x128xf32, #tpu.memory_space<vmem>> -> memref<1x1x64x128xf32, #tpu.memory_space<vmem>>
    %dma_start3A_602 = tpu.memref_squeeze %dma_start3A_601 : memref<1x1x64x128xf32, #tpu.memory_space<vmem>> -> memref<64x128xf32, #tpu.memory_space<vmem>>
    %dma_start3A_603 = arith.constant 320 : i32
    %dma_start3A_604 = tpu.memref_slice %arg16[%dma_start3A_603] : memref<512xi32, #tpu.memory_space<vmem>> -> memref<64xi32, #tpu.memory_space<vmem>>
    %dma_start3A_605 = arith.constant 0 : i32
    %dma_start3A_606 = arith.constant 0 : i32
    %dma_start3A_607 = tpu.memref_slice %arg8[%dma_start3A_605, %dma_start3A_606] : memref<500x128xf32, #tpu.memory_space<hbm>> -> memref<500x128xf32, #tpu.memory_space<hbm>>
    tpu.enqueue_indirect_dma source(%dma_start3A_607 : memref<500x128xf32, #tpu.memory_space<hbm>>) target(%dma_start3A_602 : memref<64x128xf32, #tpu.memory_space<vmem>>) offsets(%dma_start3A_604 : memref<64xi32, #tpu.memory_space<vmem>>) semaphore(%arg22 : memref<!tpu.dma_semaphore, #tpu.memory_space<semaphore_mem>>)
    %dma_start3A_608 = arith.constant 1 : i32
    %dma_start3A_609 = arith.constant 2 : i32
    %dma_start3A_610 = arith.constant 0 : i32
    %dma_start3A_611 = arith.constant 0 : i32
    %dma_start3A_612 = tpu.memref_slice %arg20[%dma_start3A_608, %dma_start3A_609, %dma_start3A_610, %dma_start3A_611] : memref<2x5x64x128xf32, #tpu.memory_space<vmem>> -> memref<1x1x64x128xf32, #tpu.memory_space<vmem>>
    %dma_start3A_613 = tpu.memref_squeeze %dma_start3A_612 : memref<1x1x64x128xf32, #tpu.memory_space<vmem>> -> memref<64x128xf32, #tpu.memory_space<vmem>>
    %dma_start3A_614 = arith.constant 320 : i32
    %dma_start3A_615 = tpu.memref_slice %arg17[%dma_start3A_614] : memref<512xi32, #tpu.memory_space<vmem>> -> memref<64xi32, #tpu.memory_space<vmem>>
    %dma_start3A_616 = arith.constant 0 : i32
    %dma_start3A_617 = arith.constant 0 : i32
    %dma_start3A_618 = tpu.memref_slice %arg7[%dma_start3A_616, %dma_start3A_617] : memref<500000x128xf32, #tpu.memory_space<hbm>> -> memref<500000x128xf32, #tpu.memory_space<hbm>>
    tpu.enqueue_indirect_dma source(%dma_start3A_618 : memref<500000x128xf32, #tpu.memory_space<hbm>>) target(%dma_start3A_613 : memref<64x128xf32, #tpu.memory_space<vmem>>) offsets(%dma_start3A_615 : memref<64xi32, #tpu.memory_space<vmem>>) semaphore(%arg22 : memref<!tpu.dma_semaphore, #tpu.memory_space<semaphore_mem>>)
    %dma_start3A_619 = arith.constant 1 : i32
    %dma_start3A_620 = arith.constant 3 : i32
    %dma_start3A_621 = arith.constant 0 : i32
    %dma_start3A_622 = arith.constant 0 : i32
    %dma_start3A_623 = tpu.memref_slice %arg20[%dma_start3A_619, %dma_start3A_620, %dma_start3A_621, %dma_start3A_622] : memref<2x5x64x128xf32, #tpu.memory_space<vmem>> -> memref<1x1x64x128xf32, #tpu.memory_space<vmem>>
    %dma_start3A_624 = tpu.memref_squeeze %dma_start3A_623 : memref<1x1x64x128xf32, #tpu.memory_space<vmem>> -> memref<64x128xf32, #tpu.memory_space<vmem>>
    %dma_start3A_625 = arith.constant 320 : i32
    %dma_start3A_626 = tpu.memref_slice %arg18[%dma_start3A_625] : memref<512xi32, #tpu.memory_space<vmem>> -> memref<64xi32, #tpu.memory_space<vmem>>
    %dma_start3A_627 = arith.constant 0 : i32
    %dma_start3A_628 = arith.constant 0 : i32
    %dma_start3A_629 = tpu.memref_slice %arg7[%dma_start3A_627, %dma_start3A_628] : memref<500000x128xf32, #tpu.memory_space<hbm>> -> memref<500000x128xf32, #tpu.memory_space<hbm>>
    tpu.enqueue_indirect_dma source(%dma_start3A_629 : memref<500000x128xf32, #tpu.memory_space<hbm>>) target(%dma_start3A_624 : memref<64x128xf32, #tpu.memory_space<vmem>>) offsets(%dma_start3A_626 : memref<64xi32, #tpu.memory_space<vmem>>) semaphore(%arg22 : memref<!tpu.dma_semaphore, #tpu.memory_space<semaphore_mem>>)
    %dma_start3A_630 = arith.constant 1 : i32
    %dma_start3A_631 = arith.constant 4 : i32
    %dma_start3A_632 = arith.constant 0 : i32
    %dma_start3A_633 = arith.constant 0 : i32
    %dma_start3A_634 = tpu.memref_slice %arg20[%dma_start3A_630, %dma_start3A_631, %dma_start3A_632, %dma_start3A_633] : memref<2x5x64x128xf32, #tpu.memory_space<vmem>> -> memref<1x1x64x128xf32, #tpu.memory_space<vmem>>
    %dma_start3A_635 = tpu.memref_squeeze %dma_start3A_634 : memref<1x1x64x128xf32, #tpu.memory_space<vmem>> -> memref<64x128xf32, #tpu.memory_space<vmem>>
    %dma_start3A_636 = arith.constant 320 : i32
    %dma_start3A_637 = tpu.memref_slice %arg19[%dma_start3A_636] : memref<512xi32, #tpu.memory_space<vmem>> -> memref<64xi32, #tpu.memory_space<vmem>>
    %dma_start3A_638 = arith.constant 0 : i32
    %dma_start3A_639 = arith.constant 0 : i32
    %dma_start3A_640 = tpu.memref_slice %arg7[%dma_start3A_638, %dma_start3A_639] : memref<500000x128xf32, #tpu.memory_space<hbm>> -> memref<500000x128xf32, #tpu.memory_space<hbm>>
    tpu.enqueue_indirect_dma source(%dma_start3A_640 : memref<500000x128xf32, #tpu.memory_space<hbm>>) target(%dma_start3A_635 : memref<64x128xf32, #tpu.memory_space<vmem>>) offsets(%dma_start3A_637 : memref<64xi32, #tpu.memory_space<vmem>>) semaphore(%arg22 : memref<!tpu.dma_semaphore, #tpu.memory_space<semaphore_mem>>)
    %scan3A_641 = arith.constant 0 : i32
    %scan3A_642 = arith.constant 0 : i32
    %scan3A_643 = arith.constant 4 : i32
    %scan3A_644 = arith.addi %scan3A_642, %scan3A_643 : i32
    %scan3A_645 = arith.constant 1 : i32
    scf.for %scan3A_940 = %scan3A_642 to %scan3A_644 step %scan3A_645  : i32 {
      %mul3A_941 = arith.constant 16 : i32
      %mul3A_942 = arith.muli %scan3A_940, %mul3A_941 : i32
      %add3A_943 = arith.constant 256 : i32
      %add3A_944 = arith.addi %add3A_943, %mul3A_942 : i32
      %mul3A_945 = arith.constant 16 : i32
      %mul3A_946 = arith.muli %scan3A_940, %mul3A_945 : i32
      %iota3A = tpu.iota {dimensions = array<i32: 0>} : vector<16xi32>
      %add3A_947 = vector.broadcast %mul3A_946 : i32 to vector<16xi32>
      %add3A_948 = arith.addi %add3A_947, %iota3A : vector<16xi32>
      %get3A = arith.index_cast %add3A_944 : i32 to index
      %get3A_949 = tpu.vector_load %arg10[%get3A] {strides = array<i32>} : memref<512xi32, #tpu.memory_space<vmem>>, vector<16xi32>,
      %and3A = arith.constant 1 : i32
      %and3A_950 = vector.broadcast %and3A : i32 to vector<16xi32>
      %and3A_951 = arith.andi %get3A_949, %and3A_950 : vector<16xi32>
      %mul3A_952 = arith.constant 64 : i32
      %mul3A_953 = vector.broadcast %mul3A_952 : i32 to vector<16xi32>
      %mul3A_954 = arith.muli %and3A_951, %mul3A_953 : vector<16xi32>
      %get3A_955 = arith.index_cast %add3A_944 : i32 to index
      %get3A_956 = tpu.vector_load %arg11[%get3A_955] {strides = array<i32>} : memref<512xi32, #tpu.memory_space<vmem>>, vector<16xi32>,
      %and3A_957 = arith.constant 1 : i32
      %and3A_958 = vector.broadcast %and3A_957 : i32 to vector<16xi32>
      %and3A_959 = arith.andi %get3A_956, %and3A_958 : vector<16xi32>
      %mul3A_960 = arith.constant 64 : i32
      %mul3A_961 = vector.broadcast %mul3A_960 : i32 to vector<16xi32>
      %mul3A_962 = arith.muli %and3A_959, %mul3A_961 : vector<16xi32>
      %get3A_963 = arith.index_cast %add3A_944 : i32 to index
      %get3A_964 = tpu.vector_load %arg12[%get3A_963] {strides = array<i32>} : memref<512xi32, #tpu.memory_space<vmem>>, vector<16xi32>,
      %and3A_965 = arith.constant 1 : i32
      %and3A_966 = vector.broadcast %and3A_965 : i32 to vector<16xi32>
      %and3A_967 = arith.andi %get3A_964, %and3A_966 : vector<16xi32>
      %mul3A_968 = arith.constant 64 : i32
      %mul3A_969 = vector.broadcast %mul3A_968 : i32 to vector<16xi32>
      %mul3A_970 = arith.muli %and3A_967, %mul3A_969 : vector<16xi32>
      %get3A_971 = arith.index_cast %add3A_944 : i32 to index
      %get3A_972 = tpu.vector_load %arg13[%get3A_971] {strides = array<i32>} : memref<512xi32, #tpu.memory_space<vmem>>, vector<16xi32>,
      %and3A_973 = arith.constant 1 : i32
      %and3A_974 = vector.broadcast %and3A_973 : i32 to vector<16xi32>
      %and3A_975 = arith.andi %get3A_972, %and3A_974 : vector<16xi32>
      %mul3A_976 = arith.constant 64 : i32
      %mul3A_977 = vector.broadcast %mul3A_976 : i32 to vector<16xi32>
      %mul3A_978 = arith.muli %and3A_975, %mul3A_977 : vector<16xi32>
      %get3A_979 = arith.index_cast %add3A_944 : i32 to index
      %get3A_980 = tpu.vector_load %arg14[%get3A_979] {strides = array<i32>} : memref<512xi32, #tpu.memory_space<vmem>>, vector<16xi32>,
      %and3A_981 = arith.constant 1 : i32
      %and3A_982 = vector.broadcast %and3A_981 : i32 to vector<16xi32>
      %and3A_983 = arith.andi %get3A_980, %and3A_982 : vector<16xi32>
      %mul3A_984 = arith.constant 64 : i32
      %mul3A_985 = vector.broadcast %mul3A_984 : i32 to vector<16xi32>
      %mul3A_986 = arith.muli %and3A_983, %mul3A_985 : vector<16xi32>
      %broadcast_in_dim3A = arith.constant 0.000000e+00 : f32
      %broadcast_in_dim3A_987 = vector.broadcast %broadcast_in_dim3A : f32 to vector<16xf32>
      %parallel_loop3A = arith.constant 0 : i32
      %parallel_loop3A_988 = arith.constant 64 : i32
      %parallel_loop3A_989 = arith.constant 2 : i32
      %parallel_loop3A_990 = arith.constant 0 : i32
      %parallel_loop3A_991 = arith.constant 1 : i32
      %parallel_loop3A_992 = arith.constant 0 : i32
      %parallel_loop3A_993 = arith.constant 0 : i32
      %parallel_loop3A_994 = arith.constant 0 : i32
      %parallel_loop3A_995 = arith.constant 2 : i32
      %parallel_loop3A_996 = arith.constant 0 : i32
      %parallel_loop3A_997 = arith.constant 3 : i32
      %parallel_loop3A_998 = arith.constant 0 : i32
      %parallel_loop3A_999 = arith.constant 4 : i32
      %parallel_loop3A_1000:4 = scf.for %parallel_loop3A_1013 = %parallel_loop3A to %parallel_loop3A_988 step %parallel_loop3A_989 iter_args(%parallel_loop3A_1014 = %broadcast_in_dim3A_987, %parallel_loop3A_1015 = %broadcast_in_dim3A_987, %parallel_loop3A_1016 = %broadcast_in_dim3A_987, %parallel_loop3A_1017 = %broadcast_in_dim3A_987) -> (vector<16xf32>, vector<16xf32>, vector<16xf32>, vector<16xf32>)  : i32 {
        %parallel_loop3A_1018 = vector.broadcast %parallel_loop3A_1013 : i32 to vector<16xi32>
        %parallel_loop3A_1019 = arith.addi %mul3A_962, %parallel_loop3A_1018 : vector<16xi32>
        %parallel_loop3A_1020 = arith.constant 0 : i32
        %parallel_loop3A_1021 = arith.constant 0 : i32
        %parallel_loop3A_1022 = tpu.memref_slice %arg20[%parallel_loop3A_990, %parallel_loop3A_991, %parallel_loop3A_1020, %parallel_loop3A_1021] : memref<2x5x64x128xf32, #tpu.memory_space<vmem>> -> memref<1x1x64x128xf32, #tpu.memory_space<vmem>>
        %parallel_loop3A_1023 = tpu.memref_squeeze %parallel_loop3A_1022 : memref<1x1x64x128xf32, #tpu.memory_space<vmem>> -> memref<64x128xf32, #tpu.memory_space<vmem>>
        %parallel_loop3A_1024 = tpu.vector_load_idx %parallel_loop3A_1023[%add3A_948, %parallel_loop3A_1019] : memref<64x128xf32, #tpu.memory_space<vmem>>[vector<16xi32>, vector<16xi32>], vector<16xf32>,
        %parallel_loop3A_1025 = vector.broadcast %parallel_loop3A_1013 : i32 to vector<16xi32>
        %parallel_loop3A_1026 = arith.addi %mul3A_954, %parallel_loop3A_1025 : vector<16xi32>
        %parallel_loop3A_1027 = arith.constant 0 : i32
        %parallel_loop3A_1028 = arith.constant 0 : i32
        %parallel_loop3A_1029 = tpu.memref_slice %arg20[%parallel_loop3A_992, %parallel_loop3A_993, %parallel_loop3A_1027, %parallel_loop3A_1028] : memref<2x5x64x128xf32, #tpu.memory_space<vmem>> -> memref<1x1x64x128xf32, #tpu.memory_space<vmem>>
        %parallel_loop3A_1030 = tpu.memref_squeeze %parallel_loop3A_1029 : memref<1x1x64x128xf32, #tpu.memory_space<vmem>> -> memref<64x128xf32, #tpu.memory_space<vmem>>
        %parallel_loop3A_1031 = tpu.vector_load_idx %parallel_loop3A_1030[%add3A_948, %parallel_loop3A_1026] : memref<64x128xf32, #tpu.memory_space<vmem>>[vector<16xi32>, vector<16xi32>], vector<16xf32>,
        %parallel_loop3A_1032 = vector.broadcast %parallel_loop3A_1013 : i32 to vector<16xi32>
        %parallel_loop3A_1033 = arith.addi %mul3A_970, %parallel_loop3A_1032 : vector<16xi32>
        %parallel_loop3A_1034 = arith.constant 0 : i32
        %parallel_loop3A_1035 = arith.constant 0 : i32
        %parallel_loop3A_1036 = tpu.memref_slice %arg20[%parallel_loop3A_994, %parallel_loop3A_995, %parallel_loop3A_1034, %parallel_loop3A_1035] : memref<2x5x64x128xf32, #tpu.memory_space<vmem>> -> memref<1x1x64x128xf32, #tpu.memory_space<vmem>>
        %parallel_loop3A_1037 = tpu.memref_squeeze %parallel_loop3A_1036 : memref<1x1x64x128xf32, #tpu.memory_space<vmem>> -> memref<64x128xf32, #tpu.memory_space<vmem>>
        %parallel_loop3A_1038 = tpu.vector_load_idx %parallel_loop3A_1037[%add3A_948, %parallel_loop3A_1033] : memref<64x128xf32, #tpu.memory_space<vmem>>[vector<16xi32>, vector<16xi32>], vector<16xf32>,
        %parallel_loop3A_1039 = vector.broadcast %parallel_loop3A_1013 : i32 to vector<16xi32>
        %parallel_loop3A_1040 = arith.addi %mul3A_978, %parallel_loop3A_1039 : vector<16xi32>
        %parallel_loop3A_1041 = arith.constant 0 : i32
        %parallel_loop3A_1042 = arith.constant 0 : i32
        %parallel_loop3A_1043 = tpu.memref_slice %arg20[%parallel_loop3A_996, %parallel_loop3A_997, %parallel_loop3A_1041, %parallel_loop3A_1042] : memref<2x5x64x128xf32, #tpu.memory_space<vmem>> -> memref<1x1x64x128xf32, #tpu.memory_space<vmem>>
        %parallel_loop3A_1044 = tpu.memref_squeeze %parallel_loop3A_1043 : memref<1x1x64x128xf32, #tpu.memory_space<vmem>> -> memref<64x128xf32, #tpu.memory_space<vmem>>
        %parallel_loop3A_1045 = tpu.vector_load_idx %parallel_loop3A_1044[%add3A_948, %parallel_loop3A_1040] : memref<64x128xf32, #tpu.memory_space<vmem>>[vector<16xi32>, vector<16xi32>], vector<16xf32>,
        %parallel_loop3A_1046 = vector.broadcast %parallel_loop3A_1013 : i32 to vector<16xi32>
        %parallel_loop3A_1047 = arith.addi %mul3A_986, %parallel_loop3A_1046 : vector<16xi32>
        %parallel_loop3A_1048 = arith.constant 0 : i32
        %parallel_loop3A_1049 = arith.constant 0 : i32
        %parallel_loop3A_1050 = tpu.memref_slice %arg20[%parallel_loop3A_998, %parallel_loop3A_999, %parallel_loop3A_1048, %parallel_loop3A_1049] : memref<2x5x64x128xf32, #tpu.memory_space<vmem>> -> memref<1x1x64x128xf32, #tpu.memory_space<vmem>>
        %parallel_loop3A_1051 = tpu.memref_squeeze %parallel_loop3A_1050 : memref<1x1x64x128xf32, #tpu.memory_space<vmem>> -> memref<64x128xf32, #tpu.memory_space<vmem>>
        %parallel_loop3A_1052 = tpu.vector_load_idx %parallel_loop3A_1051[%add3A_948, %parallel_loop3A_1047] : memref<64x128xf32, #tpu.memory_space<vmem>>[vector<16xi32>, vector<16xi32>], vector<16xf32>,
        %parallel_loop3A_1053 = arith.addf %parallel_loop3A_1031, %parallel_loop3A_1024 : vector<16xf32>
        %parallel_loop3A_1054 = arith.subf %parallel_loop3A_1053, %parallel_loop3A_1038 : vector<16xf32>
        %parallel_loop3A_1055 = math.absf %parallel_loop3A_1054 : vector<16xf32>
        %parallel_loop3A_1056 = arith.addf %parallel_loop3A_1014, %parallel_loop3A_1055 : vector<16xf32>
        %parallel_loop3A_1057 = arith.addf %parallel_loop3A_1045, %parallel_loop3A_1024 : vector<16xf32>
        %parallel_loop3A_1058 = arith.subf %parallel_loop3A_1057, %parallel_loop3A_1052 : vector<16xf32>
        %parallel_loop3A_1059 = math.absf %parallel_loop3A_1058 : vector<16xf32>
        %parallel_loop3A_1060 = arith.addf %parallel_loop3A_1015, %parallel_loop3A_1059 : vector<16xf32>
        %parallel_loop3A_1061 = arith.constant 1 : i32
        %parallel_loop3A_1062 = arith.addi %parallel_loop3A_1013, %parallel_loop3A_1061 : i32
        %parallel_loop3A_1063 = vector.broadcast %parallel_loop3A_1062 : i32 to vector<16xi32>
        %parallel_loop3A_1064 = arith.addi %mul3A_962, %parallel_loop3A_1063 : vector<16xi32>
        %parallel_loop3A_1065 = arith.constant 0 : i32
        %parallel_loop3A_1066 = arith.constant 0 : i32
        %parallel_loop3A_1067 = tpu.memref_slice %arg20[%parallel_loop3A_990, %parallel_loop3A_991, %parallel_loop3A_1065, %parallel_loop3A_1066] : memref<2x5x64x128xf32, #tpu.memory_space<vmem>> -> memref<1x1x64x128xf32, #tpu.memory_space<vmem>>
        %parallel_loop3A_1068 = tpu.memref_squeeze %parallel_loop3A_1067 : memref<1x1x64x128xf32, #tpu.memory_space<vmem>> -> memref<64x128xf32, #tpu.memory_space<vmem>>
        %parallel_loop3A_1069 = tpu.vector_load_idx %parallel_loop3A_1068[%add3A_948, %parallel_loop3A_1064] : memref<64x128xf32, #tpu.memory_space<vmem>>[vector<16xi32>, vector<16xi32>], vector<16xf32>,
        %parallel_loop3A_1070 = arith.constant 1 : i32
        %parallel_loop3A_1071 = arith.addi %parallel_loop3A_1013, %parallel_loop3A_1070 : i32
        %parallel_loop3A_1072 = vector.broadcast %parallel_loop3A_1071 : i32 to vector<16xi32>
        %parallel_loop3A_1073 = arith.addi %mul3A_954, %parallel_loop3A_1072 : vector<16xi32>
        %parallel_loop3A_1074 = arith.constant 0 : i32
        %parallel_loop3A_1075 = arith.constant 0 : i32
        %parallel_loop3A_1076 = tpu.memref_slice %arg20[%parallel_loop3A_992, %parallel_loop3A_993, %parallel_loop3A_1074, %parallel_loop3A_1075] : memref<2x5x64x128xf32, #tpu.memory_space<vmem>> -> memref<1x1x64x128xf32, #tpu.memory_space<vmem>>
        %parallel_loop3A_1077 = tpu.memref_squeeze %parallel_loop3A_1076 : memref<1x1x64x128xf32, #tpu.memory_space<vmem>> -> memref<64x128xf32, #tpu.memory_space<vmem>>
        %parallel_loop3A_1078 = tpu.vector_load_idx %parallel_loop3A_1077[%add3A_948, %parallel_loop3A_1073] : memref<64x128xf32, #tpu.memory_space<vmem>>[vector<16xi32>, vector<16xi32>], vector<16xf32>,
        %parallel_loop3A_1079 = arith.constant 1 : i32
        %parallel_loop3A_1080 = arith.addi %parallel_loop3A_1013, %parallel_loop3A_1079 : i32
        %parallel_loop3A_1081 = vector.broadcast %parallel_loop3A_1080 : i32 to vector<16xi32>
        %parallel_loop3A_1082 = arith.addi %mul3A_970, %parallel_loop3A_1081 : vector<16xi32>
        %parallel_loop3A_1083 = arith.constant 0 : i32
        %parallel_loop3A_1084 = arith.constant 0 : i32
        %parallel_loop3A_1085 = tpu.memref_slice %arg20[%parallel_loop3A_994, %parallel_loop3A_995, %parallel_loop3A_1083, %parallel_loop3A_1084] : memref<2x5x64x128xf32, #tpu.memory_space<vmem>> -> memref<1x1x64x128xf32, #tpu.memory_space<vmem>>
        %parallel_loop3A_1086 = tpu.memref_squeeze %parallel_loop3A_1085 : memref<1x1x64x128xf32, #tpu.memory_space<vmem>> -> memref<64x128xf32, #tpu.memory_space<vmem>>
        %parallel_loop3A_1087 = tpu.vector_load_idx %parallel_loop3A_1086[%add3A_948, %parallel_loop3A_1082] : memref<64x128xf32, #tpu.memory_space<vmem>>[vector<16xi32>, vector<16xi32>], vector<16xf32>,
        %parallel_loop3A_1088 = arith.constant 1 : i32
        %parallel_loop3A_1089 = arith.addi %parallel_loop3A_1013, %parallel_loop3A_1088 : i32
        %parallel_loop3A_1090 = vector.broadcast %parallel_loop3A_1089 : i32 to vector<16xi32>
        %parallel_loop3A_1091 = arith.addi %mul3A_978, %parallel_loop3A_1090 : vector<16xi32>
        %parallel_loop3A_1092 = arith.constant 0 : i32
        %parallel_loop3A_1093 = arith.constant 0 : i32
        %parallel_loop3A_1094 = tpu.memref_slice %arg20[%parallel_loop3A_996, %parallel_loop3A_997, %parallel_loop3A_1092, %parallel_loop3A_1093] : memref<2x5x64x128xf32, #tpu.memory_space<vmem>> -> memref<1x1x64x128xf32, #tpu.memory_space<vmem>>
        %parallel_loop3A_1095 = tpu.memref_squeeze %parallel_loop3A_1094 : memref<1x1x64x128xf32, #tpu.memory_space<vmem>> -> memref<64x128xf32, #tpu.memory_space<vmem>>
        %parallel_loop3A_1096 = tpu.vector_load_idx %parallel_loop3A_1095[%add3A_948, %parallel_loop3A_1091] : memref<64x128xf32, #tpu.memory_space<vmem>>[vector<16xi32>, vector<16xi32>], vector<16xf32>,
        %parallel_loop3A_1097 = arith.constant 1 : i32
        %parallel_loop3A_1098 = arith.addi %parallel_loop3A_1013, %parallel_loop3A_1097 : i32
        %parallel_loop3A_1099 = vector.broadcast %parallel_loop3A_1098 : i32 to vector<16xi32>
        %parallel_loop3A_1100 = arith.addi %mul3A_986, %parallel_loop3A_1099 : vector<16xi32>
        %parallel_loop3A_1101 = arith.constant 0 : i32
        %parallel_loop3A_1102 = arith.constant 0 : i32
        %parallel_loop3A_1103 = tpu.memref_slice %arg20[%parallel_loop3A_998, %parallel_loop3A_999, %parallel_loop3A_1101, %parallel_loop3A_1102] : memref<2x5x64x128xf32, #tpu.memory_space<vmem>> -> memref<1x1x64x128xf32, #tpu.memory_space<vmem>>
        %parallel_loop3A_1104 = tpu.memref_squeeze %parallel_loop3A_1103 : memref<1x1x64x128xf32, #tpu.memory_space<vmem>> -> memref<64x128xf32, #tpu.memory_space<vmem>>
        %parallel_loop3A_1105 = tpu.vector_load_idx %parallel_loop3A_1104[%add3A_948, %parallel_loop3A_1100] : memref<64x128xf32, #tpu.memory_space<vmem>>[vector<16xi32>, vector<16xi32>], vector<16xf32>,
        %parallel_loop3A_1106 = arith.addf %parallel_loop3A_1078, %parallel_loop3A_1069 : vector<16xf32>
        %parallel_loop3A_1107 = arith.subf %parallel_loop3A_1106, %parallel_loop3A_1087 : vector<16xf32>
        %parallel_loop3A_1108 = math.absf %parallel_loop3A_1107 : vector<16xf32>
        %parallel_loop3A_1109 = arith.addf %parallel_loop3A_1016, %parallel_loop3A_1108 : vector<16xf32>
        %parallel_loop3A_1110 = arith.addf %parallel_loop3A_1096, %parallel_loop3A_1069 : vector<16xf32>
        %parallel_loop3A_1111 = arith.subf %parallel_loop3A_1110, %parallel_loop3A_1105 : vector<16xf32>
        %parallel_loop3A_1112 = math.absf %parallel_loop3A_1111 : vector<16xf32>
        %parallel_loop3A_1113 = arith.addf %parallel_loop3A_1017, %parallel_loop3A_1112 : vector<16xf32>
        scf.yield %parallel_loop3A_1056, %parallel_loop3A_1060, %parallel_loop3A_1109, %parallel_loop3A_1113 : vector<16xf32>, vector<16xf32>, vector<16xf32>, vector<16xf32>
      } {sc.loop_unroll_factor = 4 : i64, sc.parallel_access}
      %add3A_1001 = arith.addf %parallel_loop3A_1000#0, %parallel_loop3A_1000#2 : vector<16xf32>
      %add3A_1002 = arith.constant 2.000000e+00 : f32
      %add3A_1003 = vector.broadcast %add3A_1002 : f32 to vector<16xf32>
      %add3A_1004 = arith.addf %add3A_1003, %add3A_1001 : vector<16xf32>
      %add3A_1005 = arith.addf %parallel_loop3A_1000#1, %parallel_loop3A_1000#3 : vector<16xf32>
      %sub3A = arith.subf %add3A_1004, %add3A_1005 : vector<16xf32>
      %max3A = arith.constant 0.000000e+00 : f32
      %max3A_1006 = vector.broadcast %max3A : f32 to vector<16xf32>
      %max3A_1007 = arith.maximumf %sub3A, %max3A_1006 : vector<16xf32>
      %mul3A_1008 = arith.constant 16 : i32
      %mul3A_1009 = arith.muli %scan3A_940, %mul3A_1008 : i32
      %add3A_1010 = arith.constant 256 : i32
      %add3A_1011 = arith.addi %add3A_1010, %mul3A_1009 : i32
      %swap3A = arith.index_cast %add3A_1011 : i32 to index
      %swap3A_1012 = tpu.vector_load %arg21[%swap3A] {strides = array<i32>} : memref<512xf32, #tpu.memory_space<vmem>>, vector<16xf32>,
      tpu.vector_store %arg21[%swap3A], %max3A_1007 {strides = array<i32>} : memref<512xf32, #tpu.memory_space<vmem>>, vector<16xf32>,
    }
    %scan3A_646 = arith.constant 4 : i32
    %dma_wait3A_647 = arith.constant 1 : i32
    %dma_wait3A_648 = arith.constant 0 : i32
    %dma_wait3A_649 = arith.constant 0 : i32
    %dma_wait3A_650 = arith.constant 0 : i32
    %dma_wait3A_651 = tpu.memref_slice %arg20[%dma_wait3A_647, %dma_wait3A_648, %dma_wait3A_649, %dma_wait3A_650] : memref<2x5x64x128xf32, #tpu.memory_space<vmem>> -> memref<1x1x64x128xf32, #tpu.memory_space<vmem>>
    %dma_wait3A_652 = tpu.memref_squeeze %dma_wait3A_651 : memref<1x1x64x128xf32, #tpu.memory_space<vmem>> -> memref<64x128xf32, #tpu.memory_space<vmem>>
    %dma_wait3A_653 = arith.constant 320 : i32
    %dma_wait3A_654 = tpu.memref_slice %arg15[%dma_wait3A_653] : memref<512xi32, #tpu.memory_space<vmem>> -> memref<64xi32, #tpu.memory_space<vmem>>
    %dma_wait3A_655 = arith.constant 0 : i32
    %dma_wait3A_656 = arith.constant 0 : i32
    %dma_wait3A_657 = tpu.memref_slice %arg7[%dma_wait3A_655, %dma_wait3A_656] : memref<500000x128xf32, #tpu.memory_space<hbm>> -> memref<500000x128xf32, #tpu.memory_space<hbm>>
    tpu.wait_indirect_dma semaphore(%arg22 : memref<!tpu.dma_semaphore, #tpu.memory_space<semaphore_mem>>) src(%dma_wait3A_657 : memref<500000x128xf32, #tpu.memory_space<hbm>>) dst(%dma_wait3A_652 : memref<64x128xf32, #tpu.memory_space<vmem>>)
    %dma_wait3A_658 = arith.constant 1 : i32
    %dma_wait3A_659 = arith.constant 1 : i32
    %dma_wait3A_660 = arith.constant 0 : i32
    %dma_wait3A_661 = arith.constant 0 : i32
    %dma_wait3A_662 = tpu.memref_slice %arg20[%dma_wait3A_658, %dma_wait3A_659, %dma_wait3A_660, %dma_wait3A_661] : memref<2x5x64x128xf32, #tpu.memory_space<vmem>> -> memref<1x1x64x128xf32, #tpu.memory_space<vmem>>
    %dma_wait3A_663 = tpu.memref_squeeze %dma_wait3A_662 : memref<1x1x64x128xf32, #tpu.memory_space<vmem>> -> memref<64x128xf32, #tpu.memory_space<vmem>>
    %dma_wait3A_664 = arith.constant 320 : i32
    %dma_wait3A_665 = tpu.memref_slice %arg16[%dma_wait3A_664] : memref<512xi32, #tpu.memory_space<vmem>> -> memref<64xi32, #tpu.memory_space<vmem>>
    %dma_wait3A_666 = arith.constant 0 : i32
    %dma_wait3A_667 = arith.constant 0 : i32
    %dma_wait3A_668 = tpu.memref_slice %arg8[%dma_wait3A_666, %dma_wait3A_667] : memref<500x128xf32, #tpu.memory_space<hbm>> -> memref<500x128xf32, #tpu.memory_space<hbm>>
    tpu.wait_indirect_dma semaphore(%arg22 : memref<!tpu.dma_semaphore, #tpu.memory_space<semaphore_mem>>) src(%dma_wait3A_668 : memref<500x128xf32, #tpu.memory_space<hbm>>) dst(%dma_wait3A_663 : memref<64x128xf32, #tpu.memory_space<vmem>>)
    %dma_wait3A_669 = arith.constant 1 : i32
    %dma_wait3A_670 = arith.constant 2 : i32
    %dma_wait3A_671 = arith.constant 0 : i32
    %dma_wait3A_672 = arith.constant 0 : i32
    %dma_wait3A_673 = tpu.memref_slice %arg20[%dma_wait3A_669, %dma_wait3A_670, %dma_wait3A_671, %dma_wait3A_672] : memref<2x5x64x128xf32, #tpu.memory_space<vmem>> -> memref<1x1x64x128xf32, #tpu.memory_space<vmem>>
    %dma_wait3A_674 = tpu.memref_squeeze %dma_wait3A_673 : memref<1x1x64x128xf32, #tpu.memory_space<vmem>> -> memref<64x128xf32, #tpu.memory_space<vmem>>
    %dma_wait3A_675 = arith.constant 320 : i32
    %dma_wait3A_676 = tpu.memref_slice %arg17[%dma_wait3A_675] : memref<512xi32, #tpu.memory_space<vmem>> -> memref<64xi32, #tpu.memory_space<vmem>>
    %dma_wait3A_677 = arith.constant 0 : i32
    %dma_wait3A_678 = arith.constant 0 : i32
    %dma_wait3A_679 = tpu.memref_slice %arg7[%dma_wait3A_677, %dma_wait3A_678] : memref<500000x128xf32, #tpu.memory_space<hbm>> -> memref<500000x128xf32, #tpu.memory_space<hbm>>
    tpu.wait_indirect_dma semaphore(%arg22 : memref<!tpu.dma_semaphore, #tpu.memory_space<semaphore_mem>>) src(%dma_wait3A_679 : memref<500000x128xf32, #tpu.memory_space<hbm>>) dst(%dma_wait3A_674 : memref<64x128xf32, #tpu.memory_space<vmem>>)
    %dma_wait3A_680 = arith.constant 1 : i32
    %dma_wait3A_681 = arith.constant 3 : i32
    %dma_wait3A_682 = arith.constant 0 : i32
    %dma_wait3A_683 = arith.constant 0 : i32
    %dma_wait3A_684 = tpu.memref_slice %arg20[%dma_wait3A_680, %dma_wait3A_681, %dma_wait3A_682, %dma_wait3A_683] : memref<2x5x64x128xf32, #tpu.memory_space<vmem>> -> memref<1x1x64x128xf32, #tpu.memory_space<vmem>>
    %dma_wait3A_685 = tpu.memref_squeeze %dma_wait3A_684 : memref<1x1x64x128xf32, #tpu.memory_space<vmem>> -> memref<64x128xf32, #tpu.memory_space<vmem>>
    %dma_wait3A_686 = arith.constant 320 : i32
    %dma_wait3A_687 = tpu.memref_slice %arg18[%dma_wait3A_686] : memref<512xi32, #tpu.memory_space<vmem>> -> memref<64xi32, #tpu.memory_space<vmem>>
    %dma_wait3A_688 = arith.constant 0 : i32
    %dma_wait3A_689 = arith.constant 0 : i32
    %dma_wait3A_690 = tpu.memref_slice %arg7[%dma_wait3A_688, %dma_wait3A_689] : memref<500000x128xf32, #tpu.memory_space<hbm>> -> memref<500000x128xf32, #tpu.memory_space<hbm>>
    tpu.wait_indirect_dma semaphore(%arg22 : memref<!tpu.dma_semaphore, #tpu.memory_space<semaphore_mem>>) src(%dma_wait3A_690 : memref<500000x128xf32, #tpu.memory_space<hbm>>) dst(%dma_wait3A_685 : memref<64x128xf32, #tpu.memory_space<vmem>>)
    %dma_wait3A_691 = arith.constant 1 : i32
    %dma_wait3A_692 = arith.constant 4 : i32
    %dma_wait3A_693 = arith.constant 0 : i32
    %dma_wait3A_694 = arith.constant 0 : i32
    %dma_wait3A_695 = tpu.memref_slice %arg20[%dma_wait3A_691, %dma_wait3A_692, %dma_wait3A_693, %dma_wait3A_694] : memref<2x5x64x128xf32, #tpu.memory_space<vmem>> -> memref<1x1x64x128xf32, #tpu.memory_space<vmem>>
    %dma_wait3A_696 = tpu.memref_squeeze %dma_wait3A_695 : memref<1x1x64x128xf32, #tpu.memory_space<vmem>> -> memref<64x128xf32, #tpu.memory_space<vmem>>
    %dma_wait3A_697 = arith.constant 320 : i32
    %dma_wait3A_698 = tpu.memref_slice %arg19[%dma_wait3A_697] : memref<512xi32, #tpu.memory_space<vmem>> -> memref<64xi32, #tpu.memory_space<vmem>>
    %dma_wait3A_699 = arith.constant 0 : i32
    %dma_wait3A_700 = arith.constant 0 : i32
    %dma_wait3A_701 = tpu.memref_slice %arg7[%dma_wait3A_699, %dma_wait3A_700] : memref<500000x128xf32, #tpu.memory_space<hbm>> -> memref<500000x128xf32, #tpu.memory_space<hbm>>
    tpu.wait_indirect_dma semaphore(%arg22 : memref<!tpu.dma_semaphore, #tpu.memory_space<semaphore_mem>>) src(%dma_wait3A_701 : memref<500000x128xf32, #tpu.memory_space<hbm>>) dst(%dma_wait3A_696 : memref<64x128xf32, #tpu.memory_space<vmem>>)
    %dma_start3A_702 = arith.constant 0 : i32
    %dma_start3A_703 = arith.constant 0 : i32
    %dma_start3A_704 = arith.constant 0 : i32
    %dma_start3A_705 = arith.constant 0 : i32
    %dma_start3A_706 = tpu.memref_slice %arg20[%dma_start3A_702, %dma_start3A_703, %dma_start3A_704, %dma_start3A_705] : memref<2x5x64x128xf32, #tpu.memory_space<vmem>> -> memref<1x1x64x128xf32, #tpu.memory_space<vmem>>
    %dma_start3A_707 = tpu.memref_squeeze %dma_start3A_706 : memref<1x1x64x128xf32, #tpu.memory_space<vmem>> -> memref<64x128xf32, #tpu.memory_space<vmem>>
    %dma_start3A_708 = arith.constant 384 : i32
    %dma_start3A_709 = tpu.memref_slice %arg15[%dma_start3A_708] : memref<512xi32, #tpu.memory_space<vmem>> -> memref<64xi32, #tpu.memory_space<vmem>>
    %dma_start3A_710 = arith.constant 0 : i32
    %dma_start3A_711 = arith.constant 0 : i32
    %dma_start3A_712 = tpu.memref_slice %arg7[%dma_start3A_710, %dma_start3A_711] : memref<500000x128xf32, #tpu.memory_space<hbm>> -> memref<500000x128xf32, #tpu.memory_space<hbm>>
    tpu.enqueue_indirect_dma source(%dma_start3A_712 : memref<500000x128xf32, #tpu.memory_space<hbm>>) target(%dma_start3A_707 : memref<64x128xf32, #tpu.memory_space<vmem>>) offsets(%dma_start3A_709 : memref<64xi32, #tpu.memory_space<vmem>>) semaphore(%arg22 : memref<!tpu.dma_semaphore, #tpu.memory_space<semaphore_mem>>)
    %dma_start3A_713 = arith.constant 0 : i32
    %dma_start3A_714 = arith.constant 1 : i32
    %dma_start3A_715 = arith.constant 0 : i32
    %dma_start3A_716 = arith.constant 0 : i32
    %dma_start3A_717 = tpu.memref_slice %arg20[%dma_start3A_713, %dma_start3A_714, %dma_start3A_715, %dma_start3A_716] : memref<2x5x64x128xf32, #tpu.memory_space<vmem>> -> memref<1x1x64x128xf32, #tpu.memory_space<vmem>>
    %dma_start3A_718 = tpu.memref_squeeze %dma_start3A_717 : memref<1x1x64x128xf32, #tpu.memory_space<vmem>> -> memref<64x128xf32, #tpu.memory_space<vmem>>
    %dma_start3A_719 = arith.constant 384 : i32
    %dma_start3A_720 = tpu.memref_slice %arg16[%dma_start3A_719] : memref<512xi32, #tpu.memory_space<vmem>> -> memref<64xi32, #tpu.memory_space<vmem>>
    %dma_start3A_721 = arith.constant 0 : i32
    %dma_start3A_722 = arith.constant 0 : i32
    %dma_start3A_723 = tpu.memref_slice %arg8[%dma_start3A_721, %dma_start3A_722] : memref<500x128xf32, #tpu.memory_space<hbm>> -> memref<500x128xf32, #tpu.memory_space<hbm>>
    tpu.enqueue_indirect_dma source(%dma_start3A_723 : memref<500x128xf32, #tpu.memory_space<hbm>>) target(%dma_start3A_718 : memref<64x128xf32, #tpu.memory_space<vmem>>) offsets(%dma_start3A_720 : memref<64xi32, #tpu.memory_space<vmem>>) semaphore(%arg22 : memref<!tpu.dma_semaphore, #tpu.memory_space<semaphore_mem>>)
    %dma_start3A_724 = arith.constant 0 : i32
    %dma_start3A_725 = arith.constant 2 : i32
    %dma_start3A_726 = arith.constant 0 : i32
    %dma_start3A_727 = arith.constant 0 : i32
    %dma_start3A_728 = tpu.memref_slice %arg20[%dma_start3A_724, %dma_start3A_725, %dma_start3A_726, %dma_start3A_727] : memref<2x5x64x128xf32, #tpu.memory_space<vmem>> -> memref<1x1x64x128xf32, #tpu.memory_space<vmem>>
    %dma_start3A_729 = tpu.memref_squeeze %dma_start3A_728 : memref<1x1x64x128xf32, #tpu.memory_space<vmem>> -> memref<64x128xf32, #tpu.memory_space<vmem>>
    %dma_start3A_730 = arith.constant 384 : i32
    %dma_start3A_731 = tpu.memref_slice %arg17[%dma_start3A_730] : memref<512xi32, #tpu.memory_space<vmem>> -> memref<64xi32, #tpu.memory_space<vmem>>
    %dma_start3A_732 = arith.constant 0 : i32
    %dma_start3A_733 = arith.constant 0 : i32
    %dma_start3A_734 = tpu.memref_slice %arg7[%dma_start3A_732, %dma_start3A_733] : memref<500000x128xf32, #tpu.memory_space<hbm>> -> memref<500000x128xf32, #tpu.memory_space<hbm>>
    tpu.enqueue_indirect_dma source(%dma_start3A_734 : memref<500000x128xf32, #tpu.memory_space<hbm>>) target(%dma_start3A_729 : memref<64x128xf32, #tpu.memory_space<vmem>>) offsets(%dma_start3A_731 : memref<64xi32, #tpu.memory_space<vmem>>) semaphore(%arg22 : memref<!tpu.dma_semaphore, #tpu.memory_space<semaphore_mem>>)
    %dma_start3A_735 = arith.constant 0 : i32
    %dma_start3A_736 = arith.constant 3 : i32
    %dma_start3A_737 = arith.constant 0 : i32
    %dma_start3A_738 = arith.constant 0 : i32
    %dma_start3A_739 = tpu.memref_slice %arg20[%dma_start3A_735, %dma_start3A_736, %dma_start3A_737, %dma_start3A_738] : memref<2x5x64x128xf32, #tpu.memory_space<vmem>> -> memref<1x1x64x128xf32, #tpu.memory_space<vmem>>
    %dma_start3A_740 = tpu.memref_squeeze %dma_start3A_739 : memref<1x1x64x128xf32, #tpu.memory_space<vmem>> -> memref<64x128xf32, #tpu.memory_space<vmem>>
    %dma_start3A_741 = arith.constant 384 : i32
    %dma_start3A_742 = tpu.memref_slice %arg18[%dma_start3A_741] : memref<512xi32, #tpu.memory_space<vmem>> -> memref<64xi32, #tpu.memory_space<vmem>>
    %dma_start3A_743 = arith.constant 0 : i32
    %dma_start3A_744 = arith.constant 0 : i32
    %dma_start3A_745 = tpu.memref_slice %arg7[%dma_start3A_743, %dma_start3A_744] : memref<500000x128xf32, #tpu.memory_space<hbm>> -> memref<500000x128xf32, #tpu.memory_space<hbm>>
    tpu.enqueue_indirect_dma source(%dma_start3A_745 : memref<500000x128xf32, #tpu.memory_space<hbm>>) target(%dma_start3A_740 : memref<64x128xf32, #tpu.memory_space<vmem>>) offsets(%dma_start3A_742 : memref<64xi32, #tpu.memory_space<vmem>>) semaphore(%arg22 : memref<!tpu.dma_semaphore, #tpu.memory_space<semaphore_mem>>)
    %dma_start3A_746 = arith.constant 0 : i32
    %dma_start3A_747 = arith.constant 4 : i32
    %dma_start3A_748 = arith.constant 0 : i32
    %dma_start3A_749 = arith.constant 0 : i32
    %dma_start3A_750 = tpu.memref_slice %arg20[%dma_start3A_746, %dma_start3A_747, %dma_start3A_748, %dma_start3A_749] : memref<2x5x64x128xf32, #tpu.memory_space<vmem>> -> memref<1x1x64x128xf32, #tpu.memory_space<vmem>>
    %dma_start3A_751 = tpu.memref_squeeze %dma_start3A_750 : memref<1x1x64x128xf32, #tpu.memory_space<vmem>> -> memref<64x128xf32, #tpu.memory_space<vmem>>
    %dma_start3A_752 = arith.constant 384 : i32
    %dma_start3A_753 = tpu.memref_slice %arg19[%dma_start3A_752] : memref<512xi32, #tpu.memory_space<vmem>> -> memref<64xi32, #tpu.memory_space<vmem>>
    %dma_start3A_754 = arith.constant 0 : i32
    %dma_start3A_755 = arith.constant 0 : i32
    %dma_start3A_756 = tpu.memref_slice %arg7[%dma_start3A_754, %dma_start3A_755] : memref<500000x128xf32, #tpu.memory_space<hbm>> -> memref<500000x128xf32, #tpu.memory_space<hbm>>
    tpu.enqueue_indirect_dma source(%dma_start3A_756 : memref<500000x128xf32, #tpu.memory_space<hbm>>) target(%dma_start3A_751 : memref<64x128xf32, #tpu.memory_space<vmem>>) offsets(%dma_start3A_753 : memref<64xi32, #tpu.memory_space<vmem>>) semaphore(%arg22 : memref<!tpu.dma_semaphore, #tpu.memory_space<semaphore_mem>>)
    %scan3A_757 = arith.constant 0 : i32
    %scan3A_758 = arith.constant 0 : i32
    %scan3A_759 = arith.constant 4 : i32
    %scan3A_760 = arith.addi %scan3A_758, %scan3A_759 : i32
    %scan3A_761 = arith.constant 1 : i32
    scf.for %scan3A_940 = %scan3A_758 to %scan3A_760 step %scan3A_761  : i32 {
      %mul3A_941 = arith.constant 16 : i32
      %mul3A_942 = arith.muli %scan3A_940, %mul3A_941 : i32
      %add3A_943 = arith.constant 320 : i32
      %add3A_944 = arith.addi %add3A_943, %mul3A_942 : i32
      %mul3A_945 = arith.constant 16 : i32
      %mul3A_946 = arith.muli %scan3A_940, %mul3A_945 : i32
      %iota3A = tpu.iota {dimensions = array<i32: 0>} : vector<16xi32>
      %add3A_947 = vector.broadcast %mul3A_946 : i32 to vector<16xi32>
      %add3A_948 = arith.addi %add3A_947, %iota3A : vector<16xi32>
      %get3A = arith.index_cast %add3A_944 : i32 to index
      %get3A_949 = tpu.vector_load %arg10[%get3A] {strides = array<i32>} : memref<512xi32, #tpu.memory_space<vmem>>, vector<16xi32>,
      %and3A = arith.constant 1 : i32
      %and3A_950 = vector.broadcast %and3A : i32 to vector<16xi32>
      %and3A_951 = arith.andi %get3A_949, %and3A_950 : vector<16xi32>
      %mul3A_952 = arith.constant 64 : i32
      %mul3A_953 = vector.broadcast %mul3A_952 : i32 to vector<16xi32>
      %mul3A_954 = arith.muli %and3A_951, %mul3A_953 : vector<16xi32>
      %get3A_955 = arith.index_cast %add3A_944 : i32 to index
      %get3A_956 = tpu.vector_load %arg11[%get3A_955] {strides = array<i32>} : memref<512xi32, #tpu.memory_space<vmem>>, vector<16xi32>,
      %and3A_957 = arith.constant 1 : i32
      %and3A_958 = vector.broadcast %and3A_957 : i32 to vector<16xi32>
      %and3A_959 = arith.andi %get3A_956, %and3A_958 : vector<16xi32>
      %mul3A_960 = arith.constant 64 : i32
      %mul3A_961 = vector.broadcast %mul3A_960 : i32 to vector<16xi32>
      %mul3A_962 = arith.muli %and3A_959, %mul3A_961 : vector<16xi32>
      %get3A_963 = arith.index_cast %add3A_944 : i32 to index
      %get3A_964 = tpu.vector_load %arg12[%get3A_963] {strides = array<i32>} : memref<512xi32, #tpu.memory_space<vmem>>, vector<16xi32>,
      %and3A_965 = arith.constant 1 : i32
      %and3A_966 = vector.broadcast %and3A_965 : i32 to vector<16xi32>
      %and3A_967 = arith.andi %get3A_964, %and3A_966 : vector<16xi32>
      %mul3A_968 = arith.constant 64 : i32
      %mul3A_969 = vector.broadcast %mul3A_968 : i32 to vector<16xi32>
      %mul3A_970 = arith.muli %and3A_967, %mul3A_969 : vector<16xi32>
      %get3A_971 = arith.index_cast %add3A_944 : i32 to index
      %get3A_972 = tpu.vector_load %arg13[%get3A_971] {strides = array<i32>} : memref<512xi32, #tpu.memory_space<vmem>>, vector<16xi32>,
      %and3A_973 = arith.constant 1 : i32
      %and3A_974 = vector.broadcast %and3A_973 : i32 to vector<16xi32>
      %and3A_975 = arith.andi %get3A_972, %and3A_974 : vector<16xi32>
      %mul3A_976 = arith.constant 64 : i32
      %mul3A_977 = vector.broadcast %mul3A_976 : i32 to vector<16xi32>
      %mul3A_978 = arith.muli %and3A_975, %mul3A_977 : vector<16xi32>
      %get3A_979 = arith.index_cast %add3A_944 : i32 to index
      %get3A_980 = tpu.vector_load %arg14[%get3A_979] {strides = array<i32>} : memref<512xi32, #tpu.memory_space<vmem>>, vector<16xi32>,
      %and3A_981 = arith.constant 1 : i32
      %and3A_982 = vector.broadcast %and3A_981 : i32 to vector<16xi32>
      %and3A_983 = arith.andi %get3A_980, %and3A_982 : vector<16xi32>
      %mul3A_984 = arith.constant 64 : i32
      %mul3A_985 = vector.broadcast %mul3A_984 : i32 to vector<16xi32>
      %mul3A_986 = arith.muli %and3A_983, %mul3A_985 : vector<16xi32>
      %broadcast_in_dim3A = arith.constant 0.000000e+00 : f32
      %broadcast_in_dim3A_987 = vector.broadcast %broadcast_in_dim3A : f32 to vector<16xf32>
      %parallel_loop3A = arith.constant 0 : i32
      %parallel_loop3A_988 = arith.constant 64 : i32
      %parallel_loop3A_989 = arith.constant 2 : i32
      %parallel_loop3A_990 = arith.constant 1 : i32
      %parallel_loop3A_991 = arith.constant 1 : i32
      %parallel_loop3A_992 = arith.constant 1 : i32
      %parallel_loop3A_993 = arith.constant 0 : i32
      %parallel_loop3A_994 = arith.constant 1 : i32
      %parallel_loop3A_995 = arith.constant 2 : i32
      %parallel_loop3A_996 = arith.constant 1 : i32
      %parallel_loop3A_997 = arith.constant 3 : i32
      %parallel_loop3A_998 = arith.constant 1 : i32
      %parallel_loop3A_999 = arith.constant 4 : i32
      %parallel_loop3A_1000:4 = scf.for %parallel_loop3A_1013 = %parallel_loop3A to %parallel_loop3A_988 step %parallel_loop3A_989 iter_args(%parallel_loop3A_1014 = %broadcast_in_dim3A_987, %parallel_loop3A_1015 = %broadcast_in_dim3A_987, %parallel_loop3A_1016 = %broadcast_in_dim3A_987, %parallel_loop3A_1017 = %broadcast_in_dim3A_987) -> (vector<16xf32>, vector<16xf32>, vector<16xf32>, vector<16xf32>)  : i32 {
        %parallel_loop3A_1018 = vector.broadcast %parallel_loop3A_1013 : i32 to vector<16xi32>
        %parallel_loop3A_1019 = arith.addi %mul3A_962, %parallel_loop3A_1018 : vector<16xi32>
        %parallel_loop3A_1020 = arith.constant 0 : i32
        %parallel_loop3A_1021 = arith.constant 0 : i32
        %parallel_loop3A_1022 = tpu.memref_slice %arg20[%parallel_loop3A_990, %parallel_loop3A_991, %parallel_loop3A_1020, %parallel_loop3A_1021] : memref<2x5x64x128xf32, #tpu.memory_space<vmem>> -> memref<1x1x64x128xf32, #tpu.memory_space<vmem>>
        %parallel_loop3A_1023 = tpu.memref_squeeze %parallel_loop3A_1022 : memref<1x1x64x128xf32, #tpu.memory_space<vmem>> -> memref<64x128xf32, #tpu.memory_space<vmem>>
        %parallel_loop3A_1024 = tpu.vector_load_idx %parallel_loop3A_1023[%add3A_948, %parallel_loop3A_1019] : memref<64x128xf32, #tpu.memory_space<vmem>>[vector<16xi32>, vector<16xi32>], vector<16xf32>,
        %parallel_loop3A_1025 = vector.broadcast %parallel_loop3A_1013 : i32 to vector<16xi32>
        %parallel_loop3A_1026 = arith.addi %mul3A_954, %parallel_loop3A_1025 : vector<16xi32>
        %parallel_loop3A_1027 = arith.constant 0 : i32
        %parallel_loop3A_1028 = arith.constant 0 : i32
        %parallel_loop3A_1029 = tpu.memref_slice %arg20[%parallel_loop3A_992, %parallel_loop3A_993, %parallel_loop3A_1027, %parallel_loop3A_1028] : memref<2x5x64x128xf32, #tpu.memory_space<vmem>> -> memref<1x1x64x128xf32, #tpu.memory_space<vmem>>
        %parallel_loop3A_1030 = tpu.memref_squeeze %parallel_loop3A_1029 : memref<1x1x64x128xf32, #tpu.memory_space<vmem>> -> memref<64x128xf32, #tpu.memory_space<vmem>>
        %parallel_loop3A_1031 = tpu.vector_load_idx %parallel_loop3A_1030[%add3A_948, %parallel_loop3A_1026] : memref<64x128xf32, #tpu.memory_space<vmem>>[vector<16xi32>, vector<16xi32>], vector<16xf32>,
        %parallel_loop3A_1032 = vector.broadcast %parallel_loop3A_1013 : i32 to vector<16xi32>
        %parallel_loop3A_1033 = arith.addi %mul3A_970, %parallel_loop3A_1032 : vector<16xi32>
        %parallel_loop3A_1034 = arith.constant 0 : i32
        %parallel_loop3A_1035 = arith.constant 0 : i32
        %parallel_loop3A_1036 = tpu.memref_slice %arg20[%parallel_loop3A_994, %parallel_loop3A_995, %parallel_loop3A_1034, %parallel_loop3A_1035] : memref<2x5x64x128xf32, #tpu.memory_space<vmem>> -> memref<1x1x64x128xf32, #tpu.memory_space<vmem>>
        %parallel_loop3A_1037 = tpu.memref_squeeze %parallel_loop3A_1036 : memref<1x1x64x128xf32, #tpu.memory_space<vmem>> -> memref<64x128xf32, #tpu.memory_space<vmem>>
        %parallel_loop3A_1038 = tpu.vector_load_idx %parallel_loop3A_1037[%add3A_948, %parallel_loop3A_1033] : memref<64x128xf32, #tpu.memory_space<vmem>>[vector<16xi32>, vector<16xi32>], vector<16xf32>,
        %parallel_loop3A_1039 = vector.broadcast %parallel_loop3A_1013 : i32 to vector<16xi32>
        %parallel_loop3A_1040 = arith.addi %mul3A_978, %parallel_loop3A_1039 : vector<16xi32>
        %parallel_loop3A_1041 = arith.constant 0 : i32
        %parallel_loop3A_1042 = arith.constant 0 : i32
        %parallel_loop3A_1043 = tpu.memref_slice %arg20[%parallel_loop3A_996, %parallel_loop3A_997, %parallel_loop3A_1041, %parallel_loop3A_1042] : memref<2x5x64x128xf32, #tpu.memory_space<vmem>> -> memref<1x1x64x128xf32, #tpu.memory_space<vmem>>
        %parallel_loop3A_1044 = tpu.memref_squeeze %parallel_loop3A_1043 : memref<1x1x64x128xf32, #tpu.memory_space<vmem>> -> memref<64x128xf32, #tpu.memory_space<vmem>>
        %parallel_loop3A_1045 = tpu.vector_load_idx %parallel_loop3A_1044[%add3A_948, %parallel_loop3A_1040] : memref<64x128xf32, #tpu.memory_space<vmem>>[vector<16xi32>, vector<16xi32>], vector<16xf32>,
        %parallel_loop3A_1046 = vector.broadcast %parallel_loop3A_1013 : i32 to vector<16xi32>
        %parallel_loop3A_1047 = arith.addi %mul3A_986, %parallel_loop3A_1046 : vector<16xi32>
        %parallel_loop3A_1048 = arith.constant 0 : i32
        %parallel_loop3A_1049 = arith.constant 0 : i32
        %parallel_loop3A_1050 = tpu.memref_slice %arg20[%parallel_loop3A_998, %parallel_loop3A_999, %parallel_loop3A_1048, %parallel_loop3A_1049] : memref<2x5x64x128xf32, #tpu.memory_space<vmem>> -> memref<1x1x64x128xf32, #tpu.memory_space<vmem>>
        %parallel_loop3A_1051 = tpu.memref_squeeze %parallel_loop3A_1050 : memref<1x1x64x128xf32, #tpu.memory_space<vmem>> -> memref<64x128xf32, #tpu.memory_space<vmem>>
        %parallel_loop3A_1052 = tpu.vector_load_idx %parallel_loop3A_1051[%add3A_948, %parallel_loop3A_1047] : memref<64x128xf32, #tpu.memory_space<vmem>>[vector<16xi32>, vector<16xi32>], vector<16xf32>,
        %parallel_loop3A_1053 = arith.addf %parallel_loop3A_1031, %parallel_loop3A_1024 : vector<16xf32>
        %parallel_loop3A_1054 = arith.subf %parallel_loop3A_1053, %parallel_loop3A_1038 : vector<16xf32>
        %parallel_loop3A_1055 = math.absf %parallel_loop3A_1054 : vector<16xf32>
        %parallel_loop3A_1056 = arith.addf %parallel_loop3A_1014, %parallel_loop3A_1055 : vector<16xf32>
        %parallel_loop3A_1057 = arith.addf %parallel_loop3A_1045, %parallel_loop3A_1024 : vector<16xf32>
        %parallel_loop3A_1058 = arith.subf %parallel_loop3A_1057, %parallel_loop3A_1052 : vector<16xf32>
        %parallel_loop3A_1059 = math.absf %parallel_loop3A_1058 : vector<16xf32>
        %parallel_loop3A_1060 = arith.addf %parallel_loop3A_1015, %parallel_loop3A_1059 : vector<16xf32>
        %parallel_loop3A_1061 = arith.constant 1 : i32
        %parallel_loop3A_1062 = arith.addi %parallel_loop3A_1013, %parallel_loop3A_1061 : i32
        %parallel_loop3A_1063 = vector.broadcast %parallel_loop3A_1062 : i32 to vector<16xi32>
        %parallel_loop3A_1064 = arith.addi %mul3A_962, %parallel_loop3A_1063 : vector<16xi32>
        %parallel_loop3A_1065 = arith.constant 0 : i32
        %parallel_loop3A_1066 = arith.constant 0 : i32
        %parallel_loop3A_1067 = tpu.memref_slice %arg20[%parallel_loop3A_990, %parallel_loop3A_991, %parallel_loop3A_1065, %parallel_loop3A_1066] : memref<2x5x64x128xf32, #tpu.memory_space<vmem>> -> memref<1x1x64x128xf32, #tpu.memory_space<vmem>>
        %parallel_loop3A_1068 = tpu.memref_squeeze %parallel_loop3A_1067 : memref<1x1x64x128xf32, #tpu.memory_space<vmem>> -> memref<64x128xf32, #tpu.memory_space<vmem>>
        %parallel_loop3A_1069 = tpu.vector_load_idx %parallel_loop3A_1068[%add3A_948, %parallel_loop3A_1064] : memref<64x128xf32, #tpu.memory_space<vmem>>[vector<16xi32>, vector<16xi32>], vector<16xf32>,
        %parallel_loop3A_1070 = arith.constant 1 : i32
        %parallel_loop3A_1071 = arith.addi %parallel_loop3A_1013, %parallel_loop3A_1070 : i32
        %parallel_loop3A_1072 = vector.broadcast %parallel_loop3A_1071 : i32 to vector<16xi32>
        %parallel_loop3A_1073 = arith.addi %mul3A_954, %parallel_loop3A_1072 : vector<16xi32>
        %parallel_loop3A_1074 = arith.constant 0 : i32
        %parallel_loop3A_1075 = arith.constant 0 : i32
        %parallel_loop3A_1076 = tpu.memref_slice %arg20[%parallel_loop3A_992, %parallel_loop3A_993, %parallel_loop3A_1074, %parallel_loop3A_1075] : memref<2x5x64x128xf32, #tpu.memory_space<vmem>> -> memref<1x1x64x128xf32, #tpu.memory_space<vmem>>
        %parallel_loop3A_1077 = tpu.memref_squeeze %parallel_loop3A_1076 : memref<1x1x64x128xf32, #tpu.memory_space<vmem>> -> memref<64x128xf32, #tpu.memory_space<vmem>>
        %parallel_loop3A_1078 = tpu.vector_load_idx %parallel_loop3A_1077[%add3A_948, %parallel_loop3A_1073] : memref<64x128xf32, #tpu.memory_space<vmem>>[vector<16xi32>, vector<16xi32>], vector<16xf32>,
        %parallel_loop3A_1079 = arith.constant 1 : i32
        %parallel_loop3A_1080 = arith.addi %parallel_loop3A_1013, %parallel_loop3A_1079 : i32
        %parallel_loop3A_1081 = vector.broadcast %parallel_loop3A_1080 : i32 to vector<16xi32>
        %parallel_loop3A_1082 = arith.addi %mul3A_970, %parallel_loop3A_1081 : vector<16xi32>
        %parallel_loop3A_1083 = arith.constant 0 : i32
        %parallel_loop3A_1084 = arith.constant 0 : i32
        %parallel_loop3A_1085 = tpu.memref_slice %arg20[%parallel_loop3A_994, %parallel_loop3A_995, %parallel_loop3A_1083, %parallel_loop3A_1084] : memref<2x5x64x128xf32, #tpu.memory_space<vmem>> -> memref<1x1x64x128xf32, #tpu.memory_space<vmem>>
        %parallel_loop3A_1086 = tpu.memref_squeeze %parallel_loop3A_1085 : memref<1x1x64x128xf32, #tpu.memory_space<vmem>> -> memref<64x128xf32, #tpu.memory_space<vmem>>
        %parallel_loop3A_1087 = tpu.vector_load_idx %parallel_loop3A_1086[%add3A_948, %parallel_loop3A_1082] : memref<64x128xf32, #tpu.memory_space<vmem>>[vector<16xi32>, vector<16xi32>], vector<16xf32>,
        %parallel_loop3A_1088 = arith.constant 1 : i32
        %parallel_loop3A_1089 = arith.addi %parallel_loop3A_1013, %parallel_loop3A_1088 : i32
        %parallel_loop3A_1090 = vector.broadcast %parallel_loop3A_1089 : i32 to vector<16xi32>
        %parallel_loop3A_1091 = arith.addi %mul3A_978, %parallel_loop3A_1090 : vector<16xi32>
        %parallel_loop3A_1092 = arith.constant 0 : i32
        %parallel_loop3A_1093 = arith.constant 0 : i32
        %parallel_loop3A_1094 = tpu.memref_slice %arg20[%parallel_loop3A_996, %parallel_loop3A_997, %parallel_loop3A_1092, %parallel_loop3A_1093] : memref<2x5x64x128xf32, #tpu.memory_space<vmem>> -> memref<1x1x64x128xf32, #tpu.memory_space<vmem>>
        %parallel_loop3A_1095 = tpu.memref_squeeze %parallel_loop3A_1094 : memref<1x1x64x128xf32, #tpu.memory_space<vmem>> -> memref<64x128xf32, #tpu.memory_space<vmem>>
        %parallel_loop3A_1096 = tpu.vector_load_idx %parallel_loop3A_1095[%add3A_948, %parallel_loop3A_1091] : memref<64x128xf32, #tpu.memory_space<vmem>>[vector<16xi32>, vector<16xi32>], vector<16xf32>,
        %parallel_loop3A_1097 = arith.constant 1 : i32
        %parallel_loop3A_1098 = arith.addi %parallel_loop3A_1013, %parallel_loop3A_1097 : i32
        %parallel_loop3A_1099 = vector.broadcast %parallel_loop3A_1098 : i32 to vector<16xi32>
        %parallel_loop3A_1100 = arith.addi %mul3A_986, %parallel_loop3A_1099 : vector<16xi32>
        %parallel_loop3A_1101 = arith.constant 0 : i32
        %parallel_loop3A_1102 = arith.constant 0 : i32
        %parallel_loop3A_1103 = tpu.memref_slice %arg20[%parallel_loop3A_998, %parallel_loop3A_999, %parallel_loop3A_1101, %parallel_loop3A_1102] : memref<2x5x64x128xf32, #tpu.memory_space<vmem>> -> memref<1x1x64x128xf32, #tpu.memory_space<vmem>>
        %parallel_loop3A_1104 = tpu.memref_squeeze %parallel_loop3A_1103 : memref<1x1x64x128xf32, #tpu.memory_space<vmem>> -> memref<64x128xf32, #tpu.memory_space<vmem>>
        %parallel_loop3A_1105 = tpu.vector_load_idx %parallel_loop3A_1104[%add3A_948, %parallel_loop3A_1100] : memref<64x128xf32, #tpu.memory_space<vmem>>[vector<16xi32>, vector<16xi32>], vector<16xf32>,
        %parallel_loop3A_1106 = arith.addf %parallel_loop3A_1078, %parallel_loop3A_1069 : vector<16xf32>
        %parallel_loop3A_1107 = arith.subf %parallel_loop3A_1106, %parallel_loop3A_1087 : vector<16xf32>
        %parallel_loop3A_1108 = math.absf %parallel_loop3A_1107 : vector<16xf32>
        %parallel_loop3A_1109 = arith.addf %parallel_loop3A_1016, %parallel_loop3A_1108 : vector<16xf32>
        %parallel_loop3A_1110 = arith.addf %parallel_loop3A_1096, %parallel_loop3A_1069 : vector<16xf32>
        %parallel_loop3A_1111 = arith.subf %parallel_loop3A_1110, %parallel_loop3A_1105 : vector<16xf32>
        %parallel_loop3A_1112 = math.absf %parallel_loop3A_1111 : vector<16xf32>
        %parallel_loop3A_1113 = arith.addf %parallel_loop3A_1017, %parallel_loop3A_1112 : vector<16xf32>
        scf.yield %parallel_loop3A_1056, %parallel_loop3A_1060, %parallel_loop3A_1109, %parallel_loop3A_1113 : vector<16xf32>, vector<16xf32>, vector<16xf32>, vector<16xf32>
      } {sc.loop_unroll_factor = 4 : i64, sc.parallel_access}
      %add3A_1001 = arith.addf %parallel_loop3A_1000#0, %parallel_loop3A_1000#2 : vector<16xf32>
      %add3A_1002 = arith.constant 2.000000e+00 : f32
      %add3A_1003 = vector.broadcast %add3A_1002 : f32 to vector<16xf32>
      %add3A_1004 = arith.addf %add3A_1003, %add3A_1001 : vector<16xf32>
      %add3A_1005 = arith.addf %parallel_loop3A_1000#1, %parallel_loop3A_1000#3 : vector<16xf32>
      %sub3A = arith.subf %add3A_1004, %add3A_1005 : vector<16xf32>
      %max3A = arith.constant 0.000000e+00 : f32
      %max3A_1006 = vector.broadcast %max3A : f32 to vector<16xf32>
      %max3A_1007 = arith.maximumf %sub3A, %max3A_1006 : vector<16xf32>
      %mul3A_1008 = arith.constant 16 : i32
      %mul3A_1009 = arith.muli %scan3A_940, %mul3A_1008 : i32
      %add3A_1010 = arith.constant 320 : i32
      %add3A_1011 = arith.addi %add3A_1010, %mul3A_1009 : i32
      %swap3A = arith.index_cast %add3A_1011 : i32 to index
      %swap3A_1012 = tpu.vector_load %arg21[%swap3A] {strides = array<i32>} : memref<512xf32, #tpu.memory_space<vmem>>, vector<16xf32>,
      tpu.vector_store %arg21[%swap3A], %max3A_1007 {strides = array<i32>} : memref<512xf32, #tpu.memory_space<vmem>>, vector<16xf32>,
    }
    %scan3A_762 = arith.constant 4 : i32
    %dma_wait3A_763 = arith.constant 0 : i32
    %dma_wait3A_764 = arith.constant 0 : i32
    %dma_wait3A_765 = arith.constant 0 : i32
    %dma_wait3A_766 = arith.constant 0 : i32
    %dma_wait3A_767 = tpu.memref_slice %arg20[%dma_wait3A_763, %dma_wait3A_764, %dma_wait3A_765, %dma_wait3A_766] : memref<2x5x64x128xf32, #tpu.memory_space<vmem>> -> memref<1x1x64x128xf32, #tpu.memory_space<vmem>>
    %dma_wait3A_768 = tpu.memref_squeeze %dma_wait3A_767 : memref<1x1x64x128xf32, #tpu.memory_space<vmem>> -> memref<64x128xf32, #tpu.memory_space<vmem>>
    %dma_wait3A_769 = arith.constant 384 : i32
    %dma_wait3A_770 = tpu.memref_slice %arg15[%dma_wait3A_769] : memref<512xi32, #tpu.memory_space<vmem>> -> memref<64xi32, #tpu.memory_space<vmem>>
    %dma_wait3A_771 = arith.constant 0 : i32
    %dma_wait3A_772 = arith.constant 0 : i32
    %dma_wait3A_773 = tpu.memref_slice %arg7[%dma_wait3A_771, %dma_wait3A_772] : memref<500000x128xf32, #tpu.memory_space<hbm>> -> memref<500000x128xf32, #tpu.memory_space<hbm>>
    tpu.wait_indirect_dma semaphore(%arg22 : memref<!tpu.dma_semaphore, #tpu.memory_space<semaphore_mem>>) src(%dma_wait3A_773 : memref<500000x128xf32, #tpu.memory_space<hbm>>) dst(%dma_wait3A_768 : memref<64x128xf32, #tpu.memory_space<vmem>>)
    %dma_wait3A_774 = arith.constant 0 : i32
    %dma_wait3A_775 = arith.constant 1 : i32
    %dma_wait3A_776 = arith.constant 0 : i32
    %dma_wait3A_777 = arith.constant 0 : i32
    %dma_wait3A_778 = tpu.memref_slice %arg20[%dma_wait3A_774, %dma_wait3A_775, %dma_wait3A_776, %dma_wait3A_777] : memref<2x5x64x128xf32, #tpu.memory_space<vmem>> -> memref<1x1x64x128xf32, #tpu.memory_space<vmem>>
    %dma_wait3A_779 = tpu.memref_squeeze %dma_wait3A_778 : memref<1x1x64x128xf32, #tpu.memory_space<vmem>> -> memref<64x128xf32, #tpu.memory_space<vmem>>
    %dma_wait3A_780 = arith.constant 384 : i32
    %dma_wait3A_781 = tpu.memref_slice %arg16[%dma_wait3A_780] : memref<512xi32, #tpu.memory_space<vmem>> -> memref<64xi32, #tpu.memory_space<vmem>>
    %dma_wait3A_782 = arith.constant 0 : i32
    %dma_wait3A_783 = arith.constant 0 : i32
    %dma_wait3A_784 = tpu.memref_slice %arg8[%dma_wait3A_782, %dma_wait3A_783] : memref<500x128xf32, #tpu.memory_space<hbm>> -> memref<500x128xf32, #tpu.memory_space<hbm>>
    tpu.wait_indirect_dma semaphore(%arg22 : memref<!tpu.dma_semaphore, #tpu.memory_space<semaphore_mem>>) src(%dma_wait3A_784 : memref<500x128xf32, #tpu.memory_space<hbm>>) dst(%dma_wait3A_779 : memref<64x128xf32, #tpu.memory_space<vmem>>)
    %dma_wait3A_785 = arith.constant 0 : i32
    %dma_wait3A_786 = arith.constant 2 : i32
    %dma_wait3A_787 = arith.constant 0 : i32
    %dma_wait3A_788 = arith.constant 0 : i32
    %dma_wait3A_789 = tpu.memref_slice %arg20[%dma_wait3A_785, %dma_wait3A_786, %dma_wait3A_787, %dma_wait3A_788] : memref<2x5x64x128xf32, #tpu.memory_space<vmem>> -> memref<1x1x64x128xf32, #tpu.memory_space<vmem>>
    %dma_wait3A_790 = tpu.memref_squeeze %dma_wait3A_789 : memref<1x1x64x128xf32, #tpu.memory_space<vmem>> -> memref<64x128xf32, #tpu.memory_space<vmem>>
    %dma_wait3A_791 = arith.constant 384 : i32
    %dma_wait3A_792 = tpu.memref_slice %arg17[%dma_wait3A_791] : memref<512xi32, #tpu.memory_space<vmem>> -> memref<64xi32, #tpu.memory_space<vmem>>
    %dma_wait3A_793 = arith.constant 0 : i32
    %dma_wait3A_794 = arith.constant 0 : i32
    %dma_wait3A_795 = tpu.memref_slice %arg7[%dma_wait3A_793, %dma_wait3A_794] : memref<500000x128xf32, #tpu.memory_space<hbm>> -> memref<500000x128xf32, #tpu.memory_space<hbm>>
    tpu.wait_indirect_dma semaphore(%arg22 : memref<!tpu.dma_semaphore, #tpu.memory_space<semaphore_mem>>) src(%dma_wait3A_795 : memref<500000x128xf32, #tpu.memory_space<hbm>>) dst(%dma_wait3A_790 : memref<64x128xf32, #tpu.memory_space<vmem>>)
    %dma_wait3A_796 = arith.constant 0 : i32
    %dma_wait3A_797 = arith.constant 3 : i32
    %dma_wait3A_798 = arith.constant 0 : i32
    %dma_wait3A_799 = arith.constant 0 : i32
    %dma_wait3A_800 = tpu.memref_slice %arg20[%dma_wait3A_796, %dma_wait3A_797, %dma_wait3A_798, %dma_wait3A_799] : memref<2x5x64x128xf32, #tpu.memory_space<vmem>> -> memref<1x1x64x128xf32, #tpu.memory_space<vmem>>
    %dma_wait3A_801 = tpu.memref_squeeze %dma_wait3A_800 : memref<1x1x64x128xf32, #tpu.memory_space<vmem>> -> memref<64x128xf32, #tpu.memory_space<vmem>>
    %dma_wait3A_802 = arith.constant 384 : i32
    %dma_wait3A_803 = tpu.memref_slice %arg18[%dma_wait3A_802] : memref<512xi32, #tpu.memory_space<vmem>> -> memref<64xi32, #tpu.memory_space<vmem>>
    %dma_wait3A_804 = arith.constant 0 : i32
    %dma_wait3A_805 = arith.constant 0 : i32
    %dma_wait3A_806 = tpu.memref_slice %arg7[%dma_wait3A_804, %dma_wait3A_805] : memref<500000x128xf32, #tpu.memory_space<hbm>> -> memref<500000x128xf32, #tpu.memory_space<hbm>>
    tpu.wait_indirect_dma semaphore(%arg22 : memref<!tpu.dma_semaphore, #tpu.memory_space<semaphore_mem>>) src(%dma_wait3A_806 : memref<500000x128xf32, #tpu.memory_space<hbm>>) dst(%dma_wait3A_801 : memref<64x128xf32, #tpu.memory_space<vmem>>)
    %dma_wait3A_807 = arith.constant 0 : i32
    %dma_wait3A_808 = arith.constant 4 : i32
    %dma_wait3A_809 = arith.constant 0 : i32
    %dma_wait3A_810 = arith.constant 0 : i32
    %dma_wait3A_811 = tpu.memref_slice %arg20[%dma_wait3A_807, %dma_wait3A_808, %dma_wait3A_809, %dma_wait3A_810] : memref<2x5x64x128xf32, #tpu.memory_space<vmem>> -> memref<1x1x64x128xf32, #tpu.memory_space<vmem>>
    %dma_wait3A_812 = tpu.memref_squeeze %dma_wait3A_811 : memref<1x1x64x128xf32, #tpu.memory_space<vmem>> -> memref<64x128xf32, #tpu.memory_space<vmem>>
    %dma_wait3A_813 = arith.constant 384 : i32
    %dma_wait3A_814 = tpu.memref_slice %arg19[%dma_wait3A_813] : memref<512xi32, #tpu.memory_space<vmem>> -> memref<64xi32, #tpu.memory_space<vmem>>
    %dma_wait3A_815 = arith.constant 0 : i32
    %dma_wait3A_816 = arith.constant 0 : i32
    %dma_wait3A_817 = tpu.memref_slice %arg7[%dma_wait3A_815, %dma_wait3A_816] : memref<500000x128xf32, #tpu.memory_space<hbm>> -> memref<500000x128xf32, #tpu.memory_space<hbm>>
    tpu.wait_indirect_dma semaphore(%arg22 : memref<!tpu.dma_semaphore, #tpu.memory_space<semaphore_mem>>) src(%dma_wait3A_817 : memref<500000x128xf32, #tpu.memory_space<hbm>>) dst(%dma_wait3A_812 : memref<64x128xf32, #tpu.memory_space<vmem>>)
    %dma_start3A_818 = arith.constant 1 : i32
    %dma_start3A_819 = arith.constant 0 : i32
    %dma_start3A_820 = arith.constant 0 : i32
    %dma_start3A_821 = arith.constant 0 : i32
    %dma_start3A_822 = tpu.memref_slice %arg20[%dma_start3A_818, %dma_start3A_819, %dma_start3A_820, %dma_start3A_821] : memref<2x5x64x128xf32, #tpu.memory_space<vmem>> -> memref<1x1x64x128xf32, #tpu.memory_space<vmem>>
    %dma_start3A_823 = tpu.memref_squeeze %dma_start3A_822 : memref<1x1x64x128xf32, #tpu.memory_space<vmem>> -> memref<64x128xf32, #tpu.memory_space<vmem>>
    %dma_start3A_824 = arith.constant 448 : i32
    %dma_start3A_825 = tpu.memref_slice %arg15[%dma_start3A_824] : memref<512xi32, #tpu.memory_space<vmem>> -> memref<64xi32, #tpu.memory_space<vmem>>
    %dma_start3A_826 = arith.constant 0 : i32
    %dma_start3A_827 = arith.constant 0 : i32
    %dma_start3A_828 = tpu.memref_slice %arg7[%dma_start3A_826, %dma_start3A_827] : memref<500000x128xf32, #tpu.memory_space<hbm>> -> memref<500000x128xf32, #tpu.memory_space<hbm>>
    tpu.enqueue_indirect_dma source(%dma_start3A_828 : memref<500000x128xf32, #tpu.memory_space<hbm>>) target(%dma_start3A_823 : memref<64x128xf32, #tpu.memory_space<vmem>>) offsets(%dma_start3A_825 : memref<64xi32, #tpu.memory_space<vmem>>) semaphore(%arg22 : memref<!tpu.dma_semaphore, #tpu.memory_space<semaphore_mem>>)
    %dma_start3A_829 = arith.constant 1 : i32
    %dma_start3A_830 = arith.constant 1 : i32
    %dma_start3A_831 = arith.constant 0 : i32
    %dma_start3A_832 = arith.constant 0 : i32
    %dma_start3A_833 = tpu.memref_slice %arg20[%dma_start3A_829, %dma_start3A_830, %dma_start3A_831, %dma_start3A_832] : memref<2x5x64x128xf32, #tpu.memory_space<vmem>> -> memref<1x1x64x128xf32, #tpu.memory_space<vmem>>
    %dma_start3A_834 = tpu.memref_squeeze %dma_start3A_833 : memref<1x1x64x128xf32, #tpu.memory_space<vmem>> -> memref<64x128xf32, #tpu.memory_space<vmem>>
    %dma_start3A_835 = arith.constant 448 : i32
    %dma_start3A_836 = tpu.memref_slice %arg16[%dma_start3A_835] : memref<512xi32, #tpu.memory_space<vmem>> -> memref<64xi32, #tpu.memory_space<vmem>>
    %dma_start3A_837 = arith.constant 0 : i32
    %dma_start3A_838 = arith.constant 0 : i32
    %dma_start3A_839 = tpu.memref_slice %arg8[%dma_start3A_837, %dma_start3A_838] : memref<500x128xf32, #tpu.memory_space<hbm>> -> memref<500x128xf32, #tpu.memory_space<hbm>>
    tpu.enqueue_indirect_dma source(%dma_start3A_839 : memref<500x128xf32, #tpu.memory_space<hbm>>) target(%dma_start3A_834 : memref<64x128xf32, #tpu.memory_space<vmem>>) offsets(%dma_start3A_836 : memref<64xi32, #tpu.memory_space<vmem>>) semaphore(%arg22 : memref<!tpu.dma_semaphore, #tpu.memory_space<semaphore_mem>>)
    %dma_start3A_840 = arith.constant 1 : i32
    %dma_start3A_841 = arith.constant 2 : i32
    %dma_start3A_842 = arith.constant 0 : i32
    %dma_start3A_843 = arith.constant 0 : i32
    %dma_start3A_844 = tpu.memref_slice %arg20[%dma_start3A_840, %dma_start3A_841, %dma_start3A_842, %dma_start3A_843] : memref<2x5x64x128xf32, #tpu.memory_space<vmem>> -> memref<1x1x64x128xf32, #tpu.memory_space<vmem>>
    %dma_start3A_845 = tpu.memref_squeeze %dma_start3A_844 : memref<1x1x64x128xf32, #tpu.memory_space<vmem>> -> memref<64x128xf32, #tpu.memory_space<vmem>>
    %dma_start3A_846 = arith.constant 448 : i32
    %dma_start3A_847 = tpu.memref_slice %arg17[%dma_start3A_846] : memref<512xi32, #tpu.memory_space<vmem>> -> memref<64xi32, #tpu.memory_space<vmem>>
    %dma_start3A_848 = arith.constant 0 : i32
    %dma_start3A_849 = arith.constant 0 : i32
    %dma_start3A_850 = tpu.memref_slice %arg7[%dma_start3A_848, %dma_start3A_849] : memref<500000x128xf32, #tpu.memory_space<hbm>> -> memref<500000x128xf32, #tpu.memory_space<hbm>>
    tpu.enqueue_indirect_dma source(%dma_start3A_850 : memref<500000x128xf32, #tpu.memory_space<hbm>>) target(%dma_start3A_845 : memref<64x128xf32, #tpu.memory_space<vmem>>) offsets(%dma_start3A_847 : memref<64xi32, #tpu.memory_space<vmem>>) semaphore(%arg22 : memref<!tpu.dma_semaphore, #tpu.memory_space<semaphore_mem>>)
    %dma_start3A_851 = arith.constant 1 : i32
    %dma_start3A_852 = arith.constant 3 : i32
    %dma_start3A_853 = arith.constant 0 : i32
    %dma_start3A_854 = arith.constant 0 : i32
    %dma_start3A_855 = tpu.memref_slice %arg20[%dma_start3A_851, %dma_start3A_852, %dma_start3A_853, %dma_start3A_854] : memref<2x5x64x128xf32, #tpu.memory_space<vmem>> -> memref<1x1x64x128xf32, #tpu.memory_space<vmem>>
    %dma_start3A_856 = tpu.memref_squeeze %dma_start3A_855 : memref<1x1x64x128xf32, #tpu.memory_space<vmem>> -> memref<64x128xf32, #tpu.memory_space<vmem>>
    %dma_start3A_857 = arith.constant 448 : i32
    %dma_start3A_858 = tpu.memref_slice %arg18[%dma_start3A_857] : memref<512xi32, #tpu.memory_space<vmem>> -> memref<64xi32, #tpu.memory_space<vmem>>
    %dma_start3A_859 = arith.constant 0 : i32
    %dma_start3A_860 = arith.constant 0 : i32
    %dma_start3A_861 = tpu.memref_slice %arg7[%dma_start3A_859, %dma_start3A_860] : memref<500000x128xf32, #tpu.memory_space<hbm>> -> memref<500000x128xf32, #tpu.memory_space<hbm>>
    tpu.enqueue_indirect_dma source(%dma_start3A_861 : memref<500000x128xf32, #tpu.memory_space<hbm>>) target(%dma_start3A_856 : memref<64x128xf32, #tpu.memory_space<vmem>>) offsets(%dma_start3A_858 : memref<64xi32, #tpu.memory_space<vmem>>) semaphore(%arg22 : memref<!tpu.dma_semaphore, #tpu.memory_space<semaphore_mem>>)
    %dma_start3A_862 = arith.constant 1 : i32
    %dma_start3A_863 = arith.constant 4 : i32
    %dma_start3A_864 = arith.constant 0 : i32
    %dma_start3A_865 = arith.constant 0 : i32
    %dma_start3A_866 = tpu.memref_slice %arg20[%dma_start3A_862, %dma_start3A_863, %dma_start3A_864, %dma_start3A_865] : memref<2x5x64x128xf32, #tpu.memory_space<vmem>> -> memref<1x1x64x128xf32, #tpu.memory_space<vmem>>
    %dma_start3A_867 = tpu.memref_squeeze %dma_start3A_866 : memref<1x1x64x128xf32, #tpu.memory_space<vmem>> -> memref<64x128xf32, #tpu.memory_space<vmem>>
    %dma_start3A_868 = arith.constant 448 : i32
    %dma_start3A_869 = tpu.memref_slice %arg19[%dma_start3A_868] : memref<512xi32, #tpu.memory_space<vmem>> -> memref<64xi32, #tpu.memory_space<vmem>>
    %dma_start3A_870 = arith.constant 0 : i32
    %dma_start3A_871 = arith.constant 0 : i32
    %dma_start3A_872 = tpu.memref_slice %arg7[%dma_start3A_870, %dma_start3A_871] : memref<500000x128xf32, #tpu.memory_space<hbm>> -> memref<500000x128xf32, #tpu.memory_space<hbm>>
    tpu.enqueue_indirect_dma source(%dma_start3A_872 : memref<500000x128xf32, #tpu.memory_space<hbm>>) target(%dma_start3A_867 : memref<64x128xf32, #tpu.memory_space<vmem>>) offsets(%dma_start3A_869 : memref<64xi32, #tpu.memory_space<vmem>>) semaphore(%arg22 : memref<!tpu.dma_semaphore, #tpu.memory_space<semaphore_mem>>)
    %scan3A_873 = arith.constant 0 : i32
    %scan3A_874 = arith.constant 0 : i32
    %scan3A_875 = arith.constant 4 : i32
    %scan3A_876 = arith.addi %scan3A_874, %scan3A_875 : i32
    %scan3A_877 = arith.constant 1 : i32
    scf.for %scan3A_940 = %scan3A_874 to %scan3A_876 step %scan3A_877  : i32 {
      %mul3A_941 = arith.constant 16 : i32
      %mul3A_942 = arith.muli %scan3A_940, %mul3A_941 : i32
      %add3A_943 = arith.constant 384 : i32
      %add3A_944 = arith.addi %add3A_943, %mul3A_942 : i32
      %mul3A_945 = arith.constant 16 : i32
      %mul3A_946 = arith.muli %scan3A_940, %mul3A_945 : i32
      %iota3A = tpu.iota {dimensions = array<i32: 0>} : vector<16xi32>
      %add3A_947 = vector.broadcast %mul3A_946 : i32 to vector<16xi32>
      %add3A_948 = arith.addi %add3A_947, %iota3A : vector<16xi32>
      %get3A = arith.index_cast %add3A_944 : i32 to index
      %get3A_949 = tpu.vector_load %arg10[%get3A] {strides = array<i32>} : memref<512xi32, #tpu.memory_space<vmem>>, vector<16xi32>,
      %and3A = arith.constant 1 : i32
      %and3A_950 = vector.broadcast %and3A : i32 to vector<16xi32>
      %and3A_951 = arith.andi %get3A_949, %and3A_950 : vector<16xi32>
      %mul3A_952 = arith.constant 64 : i32
      %mul3A_953 = vector.broadcast %mul3A_952 : i32 to vector<16xi32>
      %mul3A_954 = arith.muli %and3A_951, %mul3A_953 : vector<16xi32>
      %get3A_955 = arith.index_cast %add3A_944 : i32 to index
      %get3A_956 = tpu.vector_load %arg11[%get3A_955] {strides = array<i32>} : memref<512xi32, #tpu.memory_space<vmem>>, vector<16xi32>,
      %and3A_957 = arith.constant 1 : i32
      %and3A_958 = vector.broadcast %and3A_957 : i32 to vector<16xi32>
      %and3A_959 = arith.andi %get3A_956, %and3A_958 : vector<16xi32>
      %mul3A_960 = arith.constant 64 : i32
      %mul3A_961 = vector.broadcast %mul3A_960 : i32 to vector<16xi32>
      %mul3A_962 = arith.muli %and3A_959, %mul3A_961 : vector<16xi32>
      %get3A_963 = arith.index_cast %add3A_944 : i32 to index
      %get3A_964 = tpu.vector_load %arg12[%get3A_963] {strides = array<i32>} : memref<512xi32, #tpu.memory_space<vmem>>, vector<16xi32>,
      %and3A_965 = arith.constant 1 : i32
      %and3A_966 = vector.broadcast %and3A_965 : i32 to vector<16xi32>
      %and3A_967 = arith.andi %get3A_964, %and3A_966 : vector<16xi32>
      %mul3A_968 = arith.constant 64 : i32
      %mul3A_969 = vector.broadcast %mul3A_968 : i32 to vector<16xi32>
      %mul3A_970 = arith.muli %and3A_967, %mul3A_969 : vector<16xi32>
      %get3A_971 = arith.index_cast %add3A_944 : i32 to index
      %get3A_972 = tpu.vector_load %arg13[%get3A_971] {strides = array<i32>} : memref<512xi32, #tpu.memory_space<vmem>>, vector<16xi32>,
      %and3A_973 = arith.constant 1 : i32
      %and3A_974 = vector.broadcast %and3A_973 : i32 to vector<16xi32>
      %and3A_975 = arith.andi %get3A_972, %and3A_974 : vector<16xi32>
      %mul3A_976 = arith.constant 64 : i32
      %mul3A_977 = vector.broadcast %mul3A_976 : i32 to vector<16xi32>
      %mul3A_978 = arith.muli %and3A_975, %mul3A_977 : vector<16xi32>
      %get3A_979 = arith.index_cast %add3A_944 : i32 to index
      %get3A_980 = tpu.vector_load %arg14[%get3A_979] {strides = array<i32>} : memref<512xi32, #tpu.memory_space<vmem>>, vector<16xi32>,
      %and3A_981 = arith.constant 1 : i32
      %and3A_982 = vector.broadcast %and3A_981 : i32 to vector<16xi32>
      %and3A_983 = arith.andi %get3A_980, %and3A_982 : vector<16xi32>
      %mul3A_984 = arith.constant 64 : i32
      %mul3A_985 = vector.broadcast %mul3A_984 : i32 to vector<16xi32>
      %mul3A_986 = arith.muli %and3A_983, %mul3A_985 : vector<16xi32>
      %broadcast_in_dim3A = arith.constant 0.000000e+00 : f32
      %broadcast_in_dim3A_987 = vector.broadcast %broadcast_in_dim3A : f32 to vector<16xf32>
      %parallel_loop3A = arith.constant 0 : i32
      %parallel_loop3A_988 = arith.constant 64 : i32
      %parallel_loop3A_989 = arith.constant 2 : i32
      %parallel_loop3A_990 = arith.constant 0 : i32
      %parallel_loop3A_991 = arith.constant 1 : i32
      %parallel_loop3A_992 = arith.constant 0 : i32
      %parallel_loop3A_993 = arith.constant 0 : i32
      %parallel_loop3A_994 = arith.constant 0 : i32
      %parallel_loop3A_995 = arith.constant 2 : i32
      %parallel_loop3A_996 = arith.constant 0 : i32
      %parallel_loop3A_997 = arith.constant 3 : i32
      %parallel_loop3A_998 = arith.constant 0 : i32
      %parallel_loop3A_999 = arith.constant 4 : i32
      %parallel_loop3A_1000:4 = scf.for %parallel_loop3A_1013 = %parallel_loop3A to %parallel_loop3A_988 step %parallel_loop3A_989 iter_args(%parallel_loop3A_1014 = %broadcast_in_dim3A_987, %parallel_loop3A_1015 = %broadcast_in_dim3A_987, %parallel_loop3A_1016 = %broadcast_in_dim3A_987, %parallel_loop3A_1017 = %broadcast_in_dim3A_987) -> (vector<16xf32>, vector<16xf32>, vector<16xf32>, vector<16xf32>)  : i32 {
        %parallel_loop3A_1018 = vector.broadcast %parallel_loop3A_1013 : i32 to vector<16xi32>
        %parallel_loop3A_1019 = arith.addi %mul3A_962, %parallel_loop3A_1018 : vector<16xi32>
        %parallel_loop3A_1020 = arith.constant 0 : i32
        %parallel_loop3A_1021 = arith.constant 0 : i32
        %parallel_loop3A_1022 = tpu.memref_slice %arg20[%parallel_loop3A_990, %parallel_loop3A_991, %parallel_loop3A_1020, %parallel_loop3A_1021] : memref<2x5x64x128xf32, #tpu.memory_space<vmem>> -> memref<1x1x64x128xf32, #tpu.memory_space<vmem>>
        %parallel_loop3A_1023 = tpu.memref_squeeze %parallel_loop3A_1022 : memref<1x1x64x128xf32, #tpu.memory_space<vmem>> -> memref<64x128xf32, #tpu.memory_space<vmem>>
        %parallel_loop3A_1024 = tpu.vector_load_idx %parallel_loop3A_1023[%add3A_948, %parallel_loop3A_1019] : memref<64x128xf32, #tpu.memory_space<vmem>>[vector<16xi32>, vector<16xi32>], vector<16xf32>,
        %parallel_loop3A_1025 = vector.broadcast %parallel_loop3A_1013 : i32 to vector<16xi32>
        %parallel_loop3A_1026 = arith.addi %mul3A_954, %parallel_loop3A_1025 : vector<16xi32>
        %parallel_loop3A_1027 = arith.constant 0 : i32
        %parallel_loop3A_1028 = arith.constant 0 : i32
        %parallel_loop3A_1029 = tpu.memref_slice %arg20[%parallel_loop3A_992, %parallel_loop3A_993, %parallel_loop3A_1027, %parallel_loop3A_1028] : memref<2x5x64x128xf32, #tpu.memory_space<vmem>> -> memref<1x1x64x128xf32, #tpu.memory_space<vmem>>
        %parallel_loop3A_1030 = tpu.memref_squeeze %parallel_loop3A_1029 : memref<1x1x64x128xf32, #tpu.memory_space<vmem>> -> memref<64x128xf32, #tpu.memory_space<vmem>>
        %parallel_loop3A_1031 = tpu.vector_load_idx %parallel_loop3A_1030[%add3A_948, %parallel_loop3A_1026] : memref<64x128xf32, #tpu.memory_space<vmem>>[vector<16xi32>, vector<16xi32>], vector<16xf32>,
        %parallel_loop3A_1032 = vector.broadcast %parallel_loop3A_1013 : i32 to vector<16xi32>
        %parallel_loop3A_1033 = arith.addi %mul3A_970, %parallel_loop3A_1032 : vector<16xi32>
        %parallel_loop3A_1034 = arith.constant 0 : i32
        %parallel_loop3A_1035 = arith.constant 0 : i32
        %parallel_loop3A_1036 = tpu.memref_slice %arg20[%parallel_loop3A_994, %parallel_loop3A_995, %parallel_loop3A_1034, %parallel_loop3A_1035] : memref<2x5x64x128xf32, #tpu.memory_space<vmem>> -> memref<1x1x64x128xf32, #tpu.memory_space<vmem>>
        %parallel_loop3A_1037 = tpu.memref_squeeze %parallel_loop3A_1036 : memref<1x1x64x128xf32, #tpu.memory_space<vmem>> -> memref<64x128xf32, #tpu.memory_space<vmem>>
        %parallel_loop3A_1038 = tpu.vector_load_idx %parallel_loop3A_1037[%add3A_948, %parallel_loop3A_1033] : memref<64x128xf32, #tpu.memory_space<vmem>>[vector<16xi32>, vector<16xi32>], vector<16xf32>,
        %parallel_loop3A_1039 = vector.broadcast %parallel_loop3A_1013 : i32 to vector<16xi32>
        %parallel_loop3A_1040 = arith.addi %mul3A_978, %parallel_loop3A_1039 : vector<16xi32>
        %parallel_loop3A_1041 = arith.constant 0 : i32
        %parallel_loop3A_1042 = arith.constant 0 : i32
        %parallel_loop3A_1043 = tpu.memref_slice %arg20[%parallel_loop3A_996, %parallel_loop3A_997, %parallel_loop3A_1041, %parallel_loop3A_1042] : memref<2x5x64x128xf32, #tpu.memory_space<vmem>> -> memref<1x1x64x128xf32, #tpu.memory_space<vmem>>
        %parallel_loop3A_1044 = tpu.memref_squeeze %parallel_loop3A_1043 : memref<1x1x64x128xf32, #tpu.memory_space<vmem>> -> memref<64x128xf32, #tpu.memory_space<vmem>>
        %parallel_loop3A_1045 = tpu.vector_load_idx %parallel_loop3A_1044[%add3A_948, %parallel_loop3A_1040] : memref<64x128xf32, #tpu.memory_space<vmem>>[vector<16xi32>, vector<16xi32>], vector<16xf32>,
        %parallel_loop3A_1046 = vector.broadcast %parallel_loop3A_1013 : i32 to vector<16xi32>
        %parallel_loop3A_1047 = arith.addi %mul3A_986, %parallel_loop3A_1046 : vector<16xi32>
        %parallel_loop3A_1048 = arith.constant 0 : i32
        %parallel_loop3A_1049 = arith.constant 0 : i32
        %parallel_loop3A_1050 = tpu.memref_slice %arg20[%parallel_loop3A_998, %parallel_loop3A_999, %parallel_loop3A_1048, %parallel_loop3A_1049] : memref<2x5x64x128xf32, #tpu.memory_space<vmem>> -> memref<1x1x64x128xf32, #tpu.memory_space<vmem>>
        %parallel_loop3A_1051 = tpu.memref_squeeze %parallel_loop3A_1050 : memref<1x1x64x128xf32, #tpu.memory_space<vmem>> -> memref<64x128xf32, #tpu.memory_space<vmem>>
        %parallel_loop3A_1052 = tpu.vector_load_idx %parallel_loop3A_1051[%add3A_948, %parallel_loop3A_1047] : memref<64x128xf32, #tpu.memory_space<vmem>>[vector<16xi32>, vector<16xi32>], vector<16xf32>,
        %parallel_loop3A_1053 = arith.addf %parallel_loop3A_1031, %parallel_loop3A_1024 : vector<16xf32>
        %parallel_loop3A_1054 = arith.subf %parallel_loop3A_1053, %parallel_loop3A_1038 : vector<16xf32>
        %parallel_loop3A_1055 = math.absf %parallel_loop3A_1054 : vector<16xf32>
        %parallel_loop3A_1056 = arith.addf %parallel_loop3A_1014, %parallel_loop3A_1055 : vector<16xf32>
        %parallel_loop3A_1057 = arith.addf %parallel_loop3A_1045, %parallel_loop3A_1024 : vector<16xf32>
        %parallel_loop3A_1058 = arith.subf %parallel_loop3A_1057, %parallel_loop3A_1052 : vector<16xf32>
        %parallel_loop3A_1059 = math.absf %parallel_loop3A_1058 : vector<16xf32>
        %parallel_loop3A_1060 = arith.addf %parallel_loop3A_1015, %parallel_loop3A_1059 : vector<16xf32>
        %parallel_loop3A_1061 = arith.constant 1 : i32
        %parallel_loop3A_1062 = arith.addi %parallel_loop3A_1013, %parallel_loop3A_1061 : i32
        %parallel_loop3A_1063 = vector.broadcast %parallel_loop3A_1062 : i32 to vector<16xi32>
        %parallel_loop3A_1064 = arith.addi %mul3A_962, %parallel_loop3A_1063 : vector<16xi32>
        %parallel_loop3A_1065 = arith.constant 0 : i32
        %parallel_loop3A_1066 = arith.constant 0 : i32
        %parallel_loop3A_1067 = tpu.memref_slice %arg20[%parallel_loop3A_990, %parallel_loop3A_991, %parallel_loop3A_1065, %parallel_loop3A_1066] : memref<2x5x64x128xf32, #tpu.memory_space<vmem>> -> memref<1x1x64x128xf32, #tpu.memory_space<vmem>>
        %parallel_loop3A_1068 = tpu.memref_squeeze %parallel_loop3A_1067 : memref<1x1x64x128xf32, #tpu.memory_space<vmem>> -> memref<64x128xf32, #tpu.memory_space<vmem>>
        %parallel_loop3A_1069 = tpu.vector_load_idx %parallel_loop3A_1068[%add3A_948, %parallel_loop3A_1064] : memref<64x128xf32, #tpu.memory_space<vmem>>[vector<16xi32>, vector<16xi32>], vector<16xf32>,
        %parallel_loop3A_1070 = arith.constant 1 : i32
        %parallel_loop3A_1071 = arith.addi %parallel_loop3A_1013, %parallel_loop3A_1070 : i32
        %parallel_loop3A_1072 = vector.broadcast %parallel_loop3A_1071 : i32 to vector<16xi32>
        %parallel_loop3A_1073 = arith.addi %mul3A_954, %parallel_loop3A_1072 : vector<16xi32>
        %parallel_loop3A_1074 = arith.constant 0 : i32
        %parallel_loop3A_1075 = arith.constant 0 : i32
        %parallel_loop3A_1076 = tpu.memref_slice %arg20[%parallel_loop3A_992, %parallel_loop3A_993, %parallel_loop3A_1074, %parallel_loop3A_1075] : memref<2x5x64x128xf32, #tpu.memory_space<vmem>> -> memref<1x1x64x128xf32, #tpu.memory_space<vmem>>
        %parallel_loop3A_1077 = tpu.memref_squeeze %parallel_loop3A_1076 : memref<1x1x64x128xf32, #tpu.memory_space<vmem>> -> memref<64x128xf32, #tpu.memory_space<vmem>>
        %parallel_loop3A_1078 = tpu.vector_load_idx %parallel_loop3A_1077[%add3A_948, %parallel_loop3A_1073] : memref<64x128xf32, #tpu.memory_space<vmem>>[vector<16xi32>, vector<16xi32>], vector<16xf32>,
        %parallel_loop3A_1079 = arith.constant 1 : i32
        %parallel_loop3A_1080 = arith.addi %parallel_loop3A_1013, %parallel_loop3A_1079 : i32
        %parallel_loop3A_1081 = vector.broadcast %parallel_loop3A_1080 : i32 to vector<16xi32>
        %parallel_loop3A_1082 = arith.addi %mul3A_970, %parallel_loop3A_1081 : vector<16xi32>
        %parallel_loop3A_1083 = arith.constant 0 : i32
        %parallel_loop3A_1084 = arith.constant 0 : i32
        %parallel_loop3A_1085 = tpu.memref_slice %arg20[%parallel_loop3A_994, %parallel_loop3A_995, %parallel_loop3A_1083, %parallel_loop3A_1084] : memref<2x5x64x128xf32, #tpu.memory_space<vmem>> -> memref<1x1x64x128xf32, #tpu.memory_space<vmem>>
        %parallel_loop3A_1086 = tpu.memref_squeeze %parallel_loop3A_1085 : memref<1x1x64x128xf32, #tpu.memory_space<vmem>> -> memref<64x128xf32, #tpu.memory_space<vmem>>
        %parallel_loop3A_1087 = tpu.vector_load_idx %parallel_loop3A_1086[%add3A_948, %parallel_loop3A_1082] : memref<64x128xf32, #tpu.memory_space<vmem>>[vector<16xi32>, vector<16xi32>], vector<16xf32>,
        %parallel_loop3A_1088 = arith.constant 1 : i32
        %parallel_loop3A_1089 = arith.addi %parallel_loop3A_1013, %parallel_loop3A_1088 : i32
        %parallel_loop3A_1090 = vector.broadcast %parallel_loop3A_1089 : i32 to vector<16xi32>
        %parallel_loop3A_1091 = arith.addi %mul3A_978, %parallel_loop3A_1090 : vector<16xi32>
        %parallel_loop3A_1092 = arith.constant 0 : i32
        %parallel_loop3A_1093 = arith.constant 0 : i32
        %parallel_loop3A_1094 = tpu.memref_slice %arg20[%parallel_loop3A_996, %parallel_loop3A_997, %parallel_loop3A_1092, %parallel_loop3A_1093] : memref<2x5x64x128xf32, #tpu.memory_space<vmem>> -> memref<1x1x64x128xf32, #tpu.memory_space<vmem>>
        %parallel_loop3A_1095 = tpu.memref_squeeze %parallel_loop3A_1094 : memref<1x1x64x128xf32, #tpu.memory_space<vmem>> -> memref<64x128xf32, #tpu.memory_space<vmem>>
        %parallel_loop3A_1096 = tpu.vector_load_idx %parallel_loop3A_1095[%add3A_948, %parallel_loop3A_1091] : memref<64x128xf32, #tpu.memory_space<vmem>>[vector<16xi32>, vector<16xi32>], vector<16xf32>,
        %parallel_loop3A_1097 = arith.constant 1 : i32
        %parallel_loop3A_1098 = arith.addi %parallel_loop3A_1013, %parallel_loop3A_1097 : i32
        %parallel_loop3A_1099 = vector.broadcast %parallel_loop3A_1098 : i32 to vector<16xi32>
        %parallel_loop3A_1100 = arith.addi %mul3A_986, %parallel_loop3A_1099 : vector<16xi32>
        %parallel_loop3A_1101 = arith.constant 0 : i32
        %parallel_loop3A_1102 = arith.constant 0 : i32
        %parallel_loop3A_1103 = tpu.memref_slice %arg20[%parallel_loop3A_998, %parallel_loop3A_999, %parallel_loop3A_1101, %parallel_loop3A_1102] : memref<2x5x64x128xf32, #tpu.memory_space<vmem>> -> memref<1x1x64x128xf32, #tpu.memory_space<vmem>>
        %parallel_loop3A_1104 = tpu.memref_squeeze %parallel_loop3A_1103 : memref<1x1x64x128xf32, #tpu.memory_space<vmem>> -> memref<64x128xf32, #tpu.memory_space<vmem>>
        %parallel_loop3A_1105 = tpu.vector_load_idx %parallel_loop3A_1104[%add3A_948, %parallel_loop3A_1100] : memref<64x128xf32, #tpu.memory_space<vmem>>[vector<16xi32>, vector<16xi32>], vector<16xf32>,
        %parallel_loop3A_1106 = arith.addf %parallel_loop3A_1078, %parallel_loop3A_1069 : vector<16xf32>
        %parallel_loop3A_1107 = arith.subf %parallel_loop3A_1106, %parallel_loop3A_1087 : vector<16xf32>
        %parallel_loop3A_1108 = math.absf %parallel_loop3A_1107 : vector<16xf32>
        %parallel_loop3A_1109 = arith.addf %parallel_loop3A_1016, %parallel_loop3A_1108 : vector<16xf32>
        %parallel_loop3A_1110 = arith.addf %parallel_loop3A_1096, %parallel_loop3A_1069 : vector<16xf32>
        %parallel_loop3A_1111 = arith.subf %parallel_loop3A_1110, %parallel_loop3A_1105 : vector<16xf32>
        %parallel_loop3A_1112 = math.absf %parallel_loop3A_1111 : vector<16xf32>
        %parallel_loop3A_1113 = arith.addf %parallel_loop3A_1017, %parallel_loop3A_1112 : vector<16xf32>
        scf.yield %parallel_loop3A_1056, %parallel_loop3A_1060, %parallel_loop3A_1109, %parallel_loop3A_1113 : vector<16xf32>, vector<16xf32>, vector<16xf32>, vector<16xf32>
      } {sc.loop_unroll_factor = 4 : i64, sc.parallel_access}
      %add3A_1001 = arith.addf %parallel_loop3A_1000#0, %parallel_loop3A_1000#2 : vector<16xf32>
      %add3A_1002 = arith.constant 2.000000e+00 : f32
      %add3A_1003 = vector.broadcast %add3A_1002 : f32 to vector<16xf32>
      %add3A_1004 = arith.addf %add3A_1003, %add3A_1001 : vector<16xf32>
      %add3A_1005 = arith.addf %parallel_loop3A_1000#1, %parallel_loop3A_1000#3 : vector<16xf32>
      %sub3A = arith.subf %add3A_1004, %add3A_1005 : vector<16xf32>
      %max3A = arith.constant 0.000000e+00 : f32
      %max3A_1006 = vector.broadcast %max3A : f32 to vector<16xf32>
      %max3A_1007 = arith.maximumf %sub3A, %max3A_1006 : vector<16xf32>
      %mul3A_1008 = arith.constant 16 : i32
      %mul3A_1009 = arith.muli %scan3A_940, %mul3A_1008 : i32
      %add3A_1010 = arith.constant 384 : i32
      %add3A_1011 = arith.addi %add3A_1010, %mul3A_1009 : i32
      %swap3A = arith.index_cast %add3A_1011 : i32 to index
      %swap3A_1012 = tpu.vector_load %arg21[%swap3A] {strides = array<i32>} : memref<512xf32, #tpu.memory_space<vmem>>, vector<16xf32>,
      tpu.vector_store %arg21[%swap3A], %max3A_1007 {strides = array<i32>} : memref<512xf32, #tpu.memory_space<vmem>>, vector<16xf32>,
    }
    %scan3A_878 = arith.constant 4 : i32
    %dma_wait3A_879 = arith.constant 1 : i32
    %dma_wait3A_880 = arith.constant 0 : i32
    %dma_wait3A_881 = arith.constant 0 : i32
    %dma_wait3A_882 = arith.constant 0 : i32
    %dma_wait3A_883 = tpu.memref_slice %arg20[%dma_wait3A_879, %dma_wait3A_880, %dma_wait3A_881, %dma_wait3A_882] : memref<2x5x64x128xf32, #tpu.memory_space<vmem>> -> memref<1x1x64x128xf32, #tpu.memory_space<vmem>>
    %dma_wait3A_884 = tpu.memref_squeeze %dma_wait3A_883 : memref<1x1x64x128xf32, #tpu.memory_space<vmem>> -> memref<64x128xf32, #tpu.memory_space<vmem>>
    %dma_wait3A_885 = arith.constant 448 : i32
    %dma_wait3A_886 = tpu.memref_slice %arg15[%dma_wait3A_885] : memref<512xi32, #tpu.memory_space<vmem>> -> memref<64xi32, #tpu.memory_space<vmem>>
    %dma_wait3A_887 = arith.constant 0 : i32
    %dma_wait3A_888 = arith.constant 0 : i32
    %dma_wait3A_889 = tpu.memref_slice %arg7[%dma_wait3A_887, %dma_wait3A_888] : memref<500000x128xf32, #tpu.memory_space<hbm>> -> memref<500000x128xf32, #tpu.memory_space<hbm>>
    tpu.wait_indirect_dma semaphore(%arg22 : memref<!tpu.dma_semaphore, #tpu.memory_space<semaphore_mem>>) src(%dma_wait3A_889 : memref<500000x128xf32, #tpu.memory_space<hbm>>) dst(%dma_wait3A_884 : memref<64x128xf32, #tpu.memory_space<vmem>>)
    %dma_wait3A_890 = arith.constant 1 : i32
    %dma_wait3A_891 = arith.constant 1 : i32
    %dma_wait3A_892 = arith.constant 0 : i32
    %dma_wait3A_893 = arith.constant 0 : i32
    %dma_wait3A_894 = tpu.memref_slice %arg20[%dma_wait3A_890, %dma_wait3A_891, %dma_wait3A_892, %dma_wait3A_893] : memref<2x5x64x128xf32, #tpu.memory_space<vmem>> -> memref<1x1x64x128xf32, #tpu.memory_space<vmem>>
    %dma_wait3A_895 = tpu.memref_squeeze %dma_wait3A_894 : memref<1x1x64x128xf32, #tpu.memory_space<vmem>> -> memref<64x128xf32, #tpu.memory_space<vmem>>
    %dma_wait3A_896 = arith.constant 448 : i32
    %dma_wait3A_897 = tpu.memref_slice %arg16[%dma_wait3A_896] : memref<512xi32, #tpu.memory_space<vmem>> -> memref<64xi32, #tpu.memory_space<vmem>>
    %dma_wait3A_898 = arith.constant 0 : i32
    %dma_wait3A_899 = arith.constant 0 : i32
    %dma_wait3A_900 = tpu.memref_slice %arg8[%dma_wait3A_898, %dma_wait3A_899] : memref<500x128xf32, #tpu.memory_space<hbm>> -> memref<500x128xf32, #tpu.memory_space<hbm>>
    tpu.wait_indirect_dma semaphore(%arg22 : memref<!tpu.dma_semaphore, #tpu.memory_space<semaphore_mem>>) src(%dma_wait3A_900 : memref<500x128xf32, #tpu.memory_space<hbm>>) dst(%dma_wait3A_895 : memref<64x128xf32, #tpu.memory_space<vmem>>)
    %dma_wait3A_901 = arith.constant 1 : i32
    %dma_wait3A_902 = arith.constant 2 : i32
    %dma_wait3A_903 = arith.constant 0 : i32
    %dma_wait3A_904 = arith.constant 0 : i32
    %dma_wait3A_905 = tpu.memref_slice %arg20[%dma_wait3A_901, %dma_wait3A_902, %dma_wait3A_903, %dma_wait3A_904] : memref<2x5x64x128xf32, #tpu.memory_space<vmem>> -> memref<1x1x64x128xf32, #tpu.memory_space<vmem>>
    %dma_wait3A_906 = tpu.memref_squeeze %dma_wait3A_905 : memref<1x1x64x128xf32, #tpu.memory_space<vmem>> -> memref<64x128xf32, #tpu.memory_space<vmem>>
    %dma_wait3A_907 = arith.constant 448 : i32
    %dma_wait3A_908 = tpu.memref_slice %arg17[%dma_wait3A_907] : memref<512xi32, #tpu.memory_space<vmem>> -> memref<64xi32, #tpu.memory_space<vmem>>
    %dma_wait3A_909 = arith.constant 0 : i32
    %dma_wait3A_910 = arith.constant 0 : i32
    %dma_wait3A_911 = tpu.memref_slice %arg7[%dma_wait3A_909, %dma_wait3A_910] : memref<500000x128xf32, #tpu.memory_space<hbm>> -> memref<500000x128xf32, #tpu.memory_space<hbm>>
    tpu.wait_indirect_dma semaphore(%arg22 : memref<!tpu.dma_semaphore, #tpu.memory_space<semaphore_mem>>) src(%dma_wait3A_911 : memref<500000x128xf32, #tpu.memory_space<hbm>>) dst(%dma_wait3A_906 : memref<64x128xf32, #tpu.memory_space<vmem>>)
    %dma_wait3A_912 = arith.constant 1 : i32
    %dma_wait3A_913 = arith.constant 3 : i32
    %dma_wait3A_914 = arith.constant 0 : i32
    %dma_wait3A_915 = arith.constant 0 : i32
    %dma_wait3A_916 = tpu.memref_slice %arg20[%dma_wait3A_912, %dma_wait3A_913, %dma_wait3A_914, %dma_wait3A_915] : memref<2x5x64x128xf32, #tpu.memory_space<vmem>> -> memref<1x1x64x128xf32, #tpu.memory_space<vmem>>
    %dma_wait3A_917 = tpu.memref_squeeze %dma_wait3A_916 : memref<1x1x64x128xf32, #tpu.memory_space<vmem>> -> memref<64x128xf32, #tpu.memory_space<vmem>>
    %dma_wait3A_918 = arith.constant 448 : i32
    %dma_wait3A_919 = tpu.memref_slice %arg18[%dma_wait3A_918] : memref<512xi32, #tpu.memory_space<vmem>> -> memref<64xi32, #tpu.memory_space<vmem>>
    %dma_wait3A_920 = arith.constant 0 : i32
    %dma_wait3A_921 = arith.constant 0 : i32
    %dma_wait3A_922 = tpu.memref_slice %arg7[%dma_wait3A_920, %dma_wait3A_921] : memref<500000x128xf32, #tpu.memory_space<hbm>> -> memref<500000x128xf32, #tpu.memory_space<hbm>>
    tpu.wait_indirect_dma semaphore(%arg22 : memref<!tpu.dma_semaphore, #tpu.memory_space<semaphore_mem>>) src(%dma_wait3A_922 : memref<500000x128xf32, #tpu.memory_space<hbm>>) dst(%dma_wait3A_917 : memref<64x128xf32, #tpu.memory_space<vmem>>)
    %dma_wait3A_923 = arith.constant 1 : i32
    %dma_wait3A_924 = arith.constant 4 : i32
    %dma_wait3A_925 = arith.constant 0 : i32
    %dma_wait3A_926 = arith.constant 0 : i32
    %dma_wait3A_927 = tpu.memref_slice %arg20[%dma_wait3A_923, %dma_wait3A_924, %dma_wait3A_925, %dma_wait3A_926] : memref<2x5x64x128xf32, #tpu.memory_space<vmem>> -> memref<1x1x64x128xf32, #tpu.memory_space<vmem>>
    %dma_wait3A_928 = tpu.memref_squeeze %dma_wait3A_927 : memref<1x1x64x128xf32, #tpu.memory_space<vmem>> -> memref<64x128xf32, #tpu.memory_space<vmem>>
    %dma_wait3A_929 = arith.constant 448 : i32
    %dma_wait3A_930 = tpu.memref_slice %arg19[%dma_wait3A_929] : memref<512xi32, #tpu.memory_space<vmem>> -> memref<64xi32, #tpu.memory_space<vmem>>
    %dma_wait3A_931 = arith.constant 0 : i32
    %dma_wait3A_932 = arith.constant 0 : i32
    %dma_wait3A_933 = tpu.memref_slice %arg7[%dma_wait3A_931, %dma_wait3A_932] : memref<500000x128xf32, #tpu.memory_space<hbm>> -> memref<500000x128xf32, #tpu.memory_space<hbm>>
    tpu.wait_indirect_dma semaphore(%arg22 : memref<!tpu.dma_semaphore, #tpu.memory_space<semaphore_mem>>) src(%dma_wait3A_933 : memref<500000x128xf32, #tpu.memory_space<hbm>>) dst(%dma_wait3A_928 : memref<64x128xf32, #tpu.memory_space<vmem>>)
    %scan3A_934 = arith.constant 0 : i32
    %scan3A_935 = arith.constant 0 : i32
    %scan3A_936 = arith.constant 4 : i32
    %scan3A_937 = arith.addi %scan3A_935, %scan3A_936 : i32
    %scan3A_938 = arith.constant 1 : i32
    scf.for %scan3A_940 = %scan3A_935 to %scan3A_937 step %scan3A_938  : i32 {
      %mul3A_941 = arith.constant 16 : i32
      %mul3A_942 = arith.muli %scan3A_940, %mul3A_941 : i32
      %add3A_943 = arith.constant 448 : i32
      %add3A_944 = arith.addi %add3A_943, %mul3A_942 : i32
      %mul3A_945 = arith.constant 16 : i32
      %mul3A_946 = arith.muli %scan3A_940, %mul3A_945 : i32
      %iota3A = tpu.iota {dimensions = array<i32: 0>} : vector<16xi32>
      %add3A_947 = vector.broadcast %mul3A_946 : i32 to vector<16xi32>
      %add3A_948 = arith.addi %add3A_947, %iota3A : vector<16xi32>
      %get3A = arith.index_cast %add3A_944 : i32 to index
      %get3A_949 = tpu.vector_load %arg10[%get3A] {strides = array<i32>} : memref<512xi32, #tpu.memory_space<vmem>>, vector<16xi32>,
      %and3A = arith.constant 1 : i32
      %and3A_950 = vector.broadcast %and3A : i32 to vector<16xi32>
      %and3A_951 = arith.andi %get3A_949, %and3A_950 : vector<16xi32>
      %mul3A_952 = arith.constant 64 : i32
      %mul3A_953 = vector.broadcast %mul3A_952 : i32 to vector<16xi32>
      %mul3A_954 = arith.muli %and3A_951, %mul3A_953 : vector<16xi32>
      %get3A_955 = arith.index_cast %add3A_944 : i32 to index
      %get3A_956 = tpu.vector_load %arg11[%get3A_955] {strides = array<i32>} : memref<512xi32, #tpu.memory_space<vmem>>, vector<16xi32>,
      %and3A_957 = arith.constant 1 : i32
      %and3A_958 = vector.broadcast %and3A_957 : i32 to vector<16xi32>
      %and3A_959 = arith.andi %get3A_956, %and3A_958 : vector<16xi32>
      %mul3A_960 = arith.constant 64 : i32
      %mul3A_961 = vector.broadcast %mul3A_960 : i32 to vector<16xi32>
      %mul3A_962 = arith.muli %and3A_959, %mul3A_961 : vector<16xi32>
      %get3A_963 = arith.index_cast %add3A_944 : i32 to index
      %get3A_964 = tpu.vector_load %arg12[%get3A_963] {strides = array<i32>} : memref<512xi32, #tpu.memory_space<vmem>>, vector<16xi32>,
      %and3A_965 = arith.constant 1 : i32
      %and3A_966 = vector.broadcast %and3A_965 : i32 to vector<16xi32>
      %and3A_967 = arith.andi %get3A_964, %and3A_966 : vector<16xi32>
      %mul3A_968 = arith.constant 64 : i32
      %mul3A_969 = vector.broadcast %mul3A_968 : i32 to vector<16xi32>
      %mul3A_970 = arith.muli %and3A_967, %mul3A_969 : vector<16xi32>
      %get3A_971 = arith.index_cast %add3A_944 : i32 to index
      %get3A_972 = tpu.vector_load %arg13[%get3A_971] {strides = array<i32>} : memref<512xi32, #tpu.memory_space<vmem>>, vector<16xi32>,
      %and3A_973 = arith.constant 1 : i32
      %and3A_974 = vector.broadcast %and3A_973 : i32 to vector<16xi32>
      %and3A_975 = arith.andi %get3A_972, %and3A_974 : vector<16xi32>
      %mul3A_976 = arith.constant 64 : i32
      %mul3A_977 = vector.broadcast %mul3A_976 : i32 to vector<16xi32>
      %mul3A_978 = arith.muli %and3A_975, %mul3A_977 : vector<16xi32>
      %get3A_979 = arith.index_cast %add3A_944 : i32 to index
      %get3A_980 = tpu.vector_load %arg14[%get3A_979] {strides = array<i32>} : memref<512xi32, #tpu.memory_space<vmem>>, vector<16xi32>,
      %and3A_981 = arith.constant 1 : i32
      %and3A_982 = vector.broadcast %and3A_981 : i32 to vector<16xi32>
      %and3A_983 = arith.andi %get3A_980, %and3A_982 : vector<16xi32>
      %mul3A_984 = arith.constant 64 : i32
      %mul3A_985 = vector.broadcast %mul3A_984 : i32 to vector<16xi32>
      %mul3A_986 = arith.muli %and3A_983, %mul3A_985 : vector<16xi32>
      %broadcast_in_dim3A = arith.constant 0.000000e+00 : f32
      %broadcast_in_dim3A_987 = vector.broadcast %broadcast_in_dim3A : f32 to vector<16xf32>
      %parallel_loop3A = arith.constant 0 : i32
      %parallel_loop3A_988 = arith.constant 64 : i32
      %parallel_loop3A_989 = arith.constant 2 : i32
      %parallel_loop3A_990 = arith.constant 1 : i32
      %parallel_loop3A_991 = arith.constant 1 : i32
      %parallel_loop3A_992 = arith.constant 1 : i32
      %parallel_loop3A_993 = arith.constant 0 : i32
      %parallel_loop3A_994 = arith.constant 1 : i32
      %parallel_loop3A_995 = arith.constant 2 : i32
      %parallel_loop3A_996 = arith.constant 1 : i32
      %parallel_loop3A_997 = arith.constant 3 : i32
      %parallel_loop3A_998 = arith.constant 1 : i32
      %parallel_loop3A_999 = arith.constant 4 : i32
      %parallel_loop3A_1000:4 = scf.for %parallel_loop3A_1013 = %parallel_loop3A to %parallel_loop3A_988 step %parallel_loop3A_989 iter_args(%parallel_loop3A_1014 = %broadcast_in_dim3A_987, %parallel_loop3A_1015 = %broadcast_in_dim3A_987, %parallel_loop3A_1016 = %broadcast_in_dim3A_987, %parallel_loop3A_1017 = %broadcast_in_dim3A_987) -> (vector<16xf32>, vector<16xf32>, vector<16xf32>, vector<16xf32>)  : i32 {
        %parallel_loop3A_1018 = vector.broadcast %parallel_loop3A_1013 : i32 to vector<16xi32>
        %parallel_loop3A_1019 = arith.addi %mul3A_962, %parallel_loop3A_1018 : vector<16xi32>
        %parallel_loop3A_1020 = arith.constant 0 : i32
        %parallel_loop3A_1021 = arith.constant 0 : i32
        %parallel_loop3A_1022 = tpu.memref_slice %arg20[%parallel_loop3A_990, %parallel_loop3A_991, %parallel_loop3A_1020, %parallel_loop3A_1021] : memref<2x5x64x128xf32, #tpu.memory_space<vmem>> -> memref<1x1x64x128xf32, #tpu.memory_space<vmem>>
        %parallel_loop3A_1023 = tpu.memref_squeeze %parallel_loop3A_1022 : memref<1x1x64x128xf32, #tpu.memory_space<vmem>> -> memref<64x128xf32, #tpu.memory_space<vmem>>
        %parallel_loop3A_1024 = tpu.vector_load_idx %parallel_loop3A_1023[%add3A_948, %parallel_loop3A_1019] : memref<64x128xf32, #tpu.memory_space<vmem>>[vector<16xi32>, vector<16xi32>], vector<16xf32>,
        %parallel_loop3A_1025 = vector.broadcast %parallel_loop3A_1013 : i32 to vector<16xi32>
        %parallel_loop3A_1026 = arith.addi %mul3A_954, %parallel_loop3A_1025 : vector<16xi32>
        %parallel_loop3A_1027 = arith.constant 0 : i32
        %parallel_loop3A_1028 = arith.constant 0 : i32
        %parallel_loop3A_1029 = tpu.memref_slice %arg20[%parallel_loop3A_992, %parallel_loop3A_993, %parallel_loop3A_1027, %parallel_loop3A_1028] : memref<2x5x64x128xf32, #tpu.memory_space<vmem>> -> memref<1x1x64x128xf32, #tpu.memory_space<vmem>>
        %parallel_loop3A_1030 = tpu.memref_squeeze %parallel_loop3A_1029 : memref<1x1x64x128xf32, #tpu.memory_space<vmem>> -> memref<64x128xf32, #tpu.memory_space<vmem>>
        %parallel_loop3A_1031 = tpu.vector_load_idx %parallel_loop3A_1030[%add3A_948, %parallel_loop3A_1026] : memref<64x128xf32, #tpu.memory_space<vmem>>[vector<16xi32>, vector<16xi32>], vector<16xf32>,
        %parallel_loop3A_1032 = vector.broadcast %parallel_loop3A_1013 : i32 to vector<16xi32>
        %parallel_loop3A_1033 = arith.addi %mul3A_970, %parallel_loop3A_1032 : vector<16xi32>
        %parallel_loop3A_1034 = arith.constant 0 : i32
        %parallel_loop3A_1035 = arith.constant 0 : i32
        %parallel_loop3A_1036 = tpu.memref_slice %arg20[%parallel_loop3A_994, %parallel_loop3A_995, %parallel_loop3A_1034, %parallel_loop3A_1035] : memref<2x5x64x128xf32, #tpu.memory_space<vmem>> -> memref<1x1x64x128xf32, #tpu.memory_space<vmem>>
        %parallel_loop3A_1037 = tpu.memref_squeeze %parallel_loop3A_1036 : memref<1x1x64x128xf32, #tpu.memory_space<vmem>> -> memref<64x128xf32, #tpu.memory_space<vmem>>
        %parallel_loop3A_1038 = tpu.vector_load_idx %parallel_loop3A_1037[%add3A_948, %parallel_loop3A_1033] : memref<64x128xf32, #tpu.memory_space<vmem>>[vector<16xi32>, vector<16xi32>], vector<16xf32>,
        %parallel_loop3A_1039 = vector.broadcast %parallel_loop3A_1013 : i32 to vector<16xi32>
        %parallel_loop3A_1040 = arith.addi %mul3A_978, %parallel_loop3A_1039 : vector<16xi32>
        %parallel_loop3A_1041 = arith.constant 0 : i32
        %parallel_loop3A_1042 = arith.constant 0 : i32
        %parallel_loop3A_1043 = tpu.memref_slice %arg20[%parallel_loop3A_996, %parallel_loop3A_997, %parallel_loop3A_1041, %parallel_loop3A_1042] : memref<2x5x64x128xf32, #tpu.memory_space<vmem>> -> memref<1x1x64x128xf32, #tpu.memory_space<vmem>>
        %parallel_loop3A_1044 = tpu.memref_squeeze %parallel_loop3A_1043 : memref<1x1x64x128xf32, #tpu.memory_space<vmem>> -> memref<64x128xf32, #tpu.memory_space<vmem>>
        %parallel_loop3A_1045 = tpu.vector_load_idx %parallel_loop3A_1044[%add3A_948, %parallel_loop3A_1040] : memref<64x128xf32, #tpu.memory_space<vmem>>[vector<16xi32>, vector<16xi32>], vector<16xf32>,
        %parallel_loop3A_1046 = vector.broadcast %parallel_loop3A_1013 : i32 to vector<16xi32>
        %parallel_loop3A_1047 = arith.addi %mul3A_986, %parallel_loop3A_1046 : vector<16xi32>
        %parallel_loop3A_1048 = arith.constant 0 : i32
        %parallel_loop3A_1049 = arith.constant 0 : i32
        %parallel_loop3A_1050 = tpu.memref_slice %arg20[%parallel_loop3A_998, %parallel_loop3A_999, %parallel_loop3A_1048, %parallel_loop3A_1049] : memref<2x5x64x128xf32, #tpu.memory_space<vmem>> -> memref<1x1x64x128xf32, #tpu.memory_space<vmem>>
        %parallel_loop3A_1051 = tpu.memref_squeeze %parallel_loop3A_1050 : memref<1x1x64x128xf32, #tpu.memory_space<vmem>> -> memref<64x128xf32, #tpu.memory_space<vmem>>
        %parallel_loop3A_1052 = tpu.vector_load_idx %parallel_loop3A_1051[%add3A_948, %parallel_loop3A_1047] : memref<64x128xf32, #tpu.memory_space<vmem>>[vector<16xi32>, vector<16xi32>], vector<16xf32>,
        %parallel_loop3A_1053 = arith.addf %parallel_loop3A_1031, %parallel_loop3A_1024 : vector<16xf32>
        %parallel_loop3A_1054 = arith.subf %parallel_loop3A_1053, %parallel_loop3A_1038 : vector<16xf32>
        %parallel_loop3A_1055 = math.absf %parallel_loop3A_1054 : vector<16xf32>
        %parallel_loop3A_1056 = arith.addf %parallel_loop3A_1014, %parallel_loop3A_1055 : vector<16xf32>
        %parallel_loop3A_1057 = arith.addf %parallel_loop3A_1045, %parallel_loop3A_1024 : vector<16xf32>
        %parallel_loop3A_1058 = arith.subf %parallel_loop3A_1057, %parallel_loop3A_1052 : vector<16xf32>
        %parallel_loop3A_1059 = math.absf %parallel_loop3A_1058 : vector<16xf32>
        %parallel_loop3A_1060 = arith.addf %parallel_loop3A_1015, %parallel_loop3A_1059 : vector<16xf32>
        %parallel_loop3A_1061 = arith.constant 1 : i32
        %parallel_loop3A_1062 = arith.addi %parallel_loop3A_1013, %parallel_loop3A_1061 : i32
        %parallel_loop3A_1063 = vector.broadcast %parallel_loop3A_1062 : i32 to vector<16xi32>
        %parallel_loop3A_1064 = arith.addi %mul3A_962, %parallel_loop3A_1063 : vector<16xi32>
        %parallel_loop3A_1065 = arith.constant 0 : i32
        %parallel_loop3A_1066 = arith.constant 0 : i32
        %parallel_loop3A_1067 = tpu.memref_slice %arg20[%parallel_loop3A_990, %parallel_loop3A_991, %parallel_loop3A_1065, %parallel_loop3A_1066] : memref<2x5x64x128xf32, #tpu.memory_space<vmem>> -> memref<1x1x64x128xf32, #tpu.memory_space<vmem>>
        %parallel_loop3A_1068 = tpu.memref_squeeze %parallel_loop3A_1067 : memref<1x1x64x128xf32, #tpu.memory_space<vmem>> -> memref<64x128xf32, #tpu.memory_space<vmem>>
        %parallel_loop3A_1069 = tpu.vector_load_idx %parallel_loop3A_1068[%add3A_948, %parallel_loop3A_1064] : memref<64x128xf32, #tpu.memory_space<vmem>>[vector<16xi32>, vector<16xi32>], vector<16xf32>,
        %parallel_loop3A_1070 = arith.constant 1 : i32
        %parallel_loop3A_1071 = arith.addi %parallel_loop3A_1013, %parallel_loop3A_1070 : i32
        %parallel_loop3A_1072 = vector.broadcast %parallel_loop3A_1071 : i32 to vector<16xi32>
        %parallel_loop3A_1073 = arith.addi %mul3A_954, %parallel_loop3A_1072 : vector<16xi32>
        %parallel_loop3A_1074 = arith.constant 0 : i32
        %parallel_loop3A_1075 = arith.constant 0 : i32
        %parallel_loop3A_1076 = tpu.memref_slice %arg20[%parallel_loop3A_992, %parallel_loop3A_993, %parallel_loop3A_1074, %parallel_loop3A_1075] : memref<2x5x64x128xf32, #tpu.memory_space<vmem>> -> memref<1x1x64x128xf32, #tpu.memory_space<vmem>>
        %parallel_loop3A_1077 = tpu.memref_squeeze %parallel_loop3A_1076 : memref<1x1x64x128xf32, #tpu.memory_space<vmem>> -> memref<64x128xf32, #tpu.memory_space<vmem>>
        %parallel_loop3A_1078 = tpu.vector_load_idx %parallel_loop3A_1077[%add3A_948, %parallel_loop3A_1073] : memref<64x128xf32, #tpu.memory_space<vmem>>[vector<16xi32>, vector<16xi32>], vector<16xf32>,
        %parallel_loop3A_1079 = arith.constant 1 : i32
        %parallel_loop3A_1080 = arith.addi %parallel_loop3A_1013, %parallel_loop3A_1079 : i32
        %parallel_loop3A_1081 = vector.broadcast %parallel_loop3A_1080 : i32 to vector<16xi32>
        %parallel_loop3A_1082 = arith.addi %mul3A_970, %parallel_loop3A_1081 : vector<16xi32>
        %parallel_loop3A_1083 = arith.constant 0 : i32
        %parallel_loop3A_1084 = arith.constant 0 : i32
        %parallel_loop3A_1085 = tpu.memref_slice %arg20[%parallel_loop3A_994, %parallel_loop3A_995, %parallel_loop3A_1083, %parallel_loop3A_1084] : memref<2x5x64x128xf32, #tpu.memory_space<vmem>> -> memref<1x1x64x128xf32, #tpu.memory_space<vmem>>
        %parallel_loop3A_1086 = tpu.memref_squeeze %parallel_loop3A_1085 : memref<1x1x64x128xf32, #tpu.memory_space<vmem>> -> memref<64x128xf32, #tpu.memory_space<vmem>>
        %parallel_loop3A_1087 = tpu.vector_load_idx %parallel_loop3A_1086[%add3A_948, %parallel_loop3A_1082] : memref<64x128xf32, #tpu.memory_space<vmem>>[vector<16xi32>, vector<16xi32>], vector<16xf32>,
        %parallel_loop3A_1088 = arith.constant 1 : i32
        %parallel_loop3A_1089 = arith.addi %parallel_loop3A_1013, %parallel_loop3A_1088 : i32
        %parallel_loop3A_1090 = vector.broadcast %parallel_loop3A_1089 : i32 to vector<16xi32>
        %parallel_loop3A_1091 = arith.addi %mul3A_978, %parallel_loop3A_1090 : vector<16xi32>
        %parallel_loop3A_1092 = arith.constant 0 : i32
        %parallel_loop3A_1093 = arith.constant 0 : i32
        %parallel_loop3A_1094 = tpu.memref_slice %arg20[%parallel_loop3A_996, %parallel_loop3A_997, %parallel_loop3A_1092, %parallel_loop3A_1093] : memref<2x5x64x128xf32, #tpu.memory_space<vmem>> -> memref<1x1x64x128xf32, #tpu.memory_space<vmem>>
        %parallel_loop3A_1095 = tpu.memref_squeeze %parallel_loop3A_1094 : memref<1x1x64x128xf32, #tpu.memory_space<vmem>> -> memref<64x128xf32, #tpu.memory_space<vmem>>
        %parallel_loop3A_1096 = tpu.vector_load_idx %parallel_loop3A_1095[%add3A_948, %parallel_loop3A_1091] : memref<64x128xf32, #tpu.memory_space<vmem>>[vector<16xi32>, vector<16xi32>], vector<16xf32>,
        %parallel_loop3A_1097 = arith.constant 1 : i32
        %parallel_loop3A_1098 = arith.addi %parallel_loop3A_1013, %parallel_loop3A_1097 : i32
        %parallel_loop3A_1099 = vector.broadcast %parallel_loop3A_1098 : i32 to vector<16xi32>
        %parallel_loop3A_1100 = arith.addi %mul3A_986, %parallel_loop3A_1099 : vector<16xi32>
        %parallel_loop3A_1101 = arith.constant 0 : i32
        %parallel_loop3A_1102 = arith.constant 0 : i32
        %parallel_loop3A_1103 = tpu.memref_slice %arg20[%parallel_loop3A_998, %parallel_loop3A_999, %parallel_loop3A_1101, %parallel_loop3A_1102] : memref<2x5x64x128xf32, #tpu.memory_space<vmem>> -> memref<1x1x64x128xf32, #tpu.memory_space<vmem>>
        %parallel_loop3A_1104 = tpu.memref_squeeze %parallel_loop3A_1103 : memref<1x1x64x128xf32, #tpu.memory_space<vmem>> -> memref<64x128xf32, #tpu.memory_space<vmem>>
        %parallel_loop3A_1105 = tpu.vector_load_idx %parallel_loop3A_1104[%add3A_948, %parallel_loop3A_1100] : memref<64x128xf32, #tpu.memory_space<vmem>>[vector<16xi32>, vector<16xi32>], vector<16xf32>,
        %parallel_loop3A_1106 = arith.addf %parallel_loop3A_1078, %parallel_loop3A_1069 : vector<16xf32>
        %parallel_loop3A_1107 = arith.subf %parallel_loop3A_1106, %parallel_loop3A_1087 : vector<16xf32>
        %parallel_loop3A_1108 = math.absf %parallel_loop3A_1107 : vector<16xf32>
        %parallel_loop3A_1109 = arith.addf %parallel_loop3A_1016, %parallel_loop3A_1108 : vector<16xf32>
        %parallel_loop3A_1110 = arith.addf %parallel_loop3A_1096, %parallel_loop3A_1069 : vector<16xf32>
        %parallel_loop3A_1111 = arith.subf %parallel_loop3A_1110, %parallel_loop3A_1105 : vector<16xf32>
        %parallel_loop3A_1112 = math.absf %parallel_loop3A_1111 : vector<16xf32>
        %parallel_loop3A_1113 = arith.addf %parallel_loop3A_1017, %parallel_loop3A_1112 : vector<16xf32>
        scf.yield %parallel_loop3A_1056, %parallel_loop3A_1060, %parallel_loop3A_1109, %parallel_loop3A_1113 : vector<16xf32>, vector<16xf32>, vector<16xf32>, vector<16xf32>
      } {sc.loop_unroll_factor = 4 : i64, sc.parallel_access}
      %add3A_1001 = arith.addf %parallel_loop3A_1000#0, %parallel_loop3A_1000#2 : vector<16xf32>
      %add3A_1002 = arith.constant 2.000000e+00 : f32
      %add3A_1003 = vector.broadcast %add3A_1002 : f32 to vector<16xf32>
      %add3A_1004 = arith.addf %add3A_1003, %add3A_1001 : vector<16xf32>
      %add3A_1005 = arith.addf %parallel_loop3A_1000#1, %parallel_loop3A_1000#3 : vector<16xf32>
      %sub3A = arith.subf %add3A_1004, %add3A_1005 : vector<16xf32>
      %max3A = arith.constant 0.000000e+00 : f32
      %max3A_1006 = vector.broadcast %max3A : f32 to vector<16xf32>
      %max3A_1007 = arith.maximumf %sub3A, %max3A_1006 : vector<16xf32>
      %mul3A_1008 = arith.constant 16 : i32
      %mul3A_1009 = arith.muli %scan3A_940, %mul3A_1008 : i32
      %add3A_1010 = arith.constant 448 : i32
      %add3A_1011 = arith.addi %add3A_1010, %mul3A_1009 : i32
      %swap3A = arith.index_cast %add3A_1011 : i32 to index
      %swap3A_1012 = tpu.vector_load %arg21[%swap3A] {strides = array<i32>} : memref<512xf32, #tpu.memory_space<vmem>>, vector<16xf32>,
      tpu.vector_store %arg21[%swap3A], %max3A_1007 {strides = array<i32>} : memref<512xf32, #tpu.memory_space<vmem>>, vector<16xf32>,
    }
    %scan3A_939 = arith.constant 4 : i32
    "tpu.region"() ({
      %run_scoped3A = tpu.sem_alloc : memref<!tpu.dma_semaphore, #tpu.memory_space<semaphore_mem>>
      %dma_start3A_940 = tpu.memref_slice %arg9[%mul3A_2] : memref<16384xf32, #tpu.memory_space<hbm>> -> memref<512xf32, #tpu.memory_space<hbm>>
      %dma_start3A_941 = tpu.memref_slice %arg9[%mul3A_2] : memref<16384xf32, #tpu.memory_space<hbm>> -> memref<512xf32, #tpu.memory_space<hbm>>
      tpu.enqueue_dma source(%arg21 : memref<512xf32, #tpu.memory_space<vmem>>) target(%dma_start3A_941 : memref<512xf32, #tpu.memory_space<hbm>>) target_semaphore(%run_scoped3A : memref<!tpu.dma_semaphore, #tpu.memory_space<semaphore_mem>>)
      %dma_wait3A_942 = tpu.memref_slice %arg9[%mul3A_2] : memref<16384xf32, #tpu.memory_space<hbm>> -> memref<512xf32, #tpu.memory_space<hbm>>
      %dma_wait3A_943 = tpu.memref_slice %arg9[%mul3A_2] : memref<16384xf32, #tpu.memory_space<hbm>> -> memref<512xf32, #tpu.memory_space<hbm>>
      tpu.wait_dma2 semaphore(%run_scoped3A : memref<!tpu.dma_semaphore, #tpu.memory_space<semaphore_mem>>) src(%arg21 : memref<512xf32, #tpu.memory_space<vmem>>) dst(%dma_wait3A_943 : memref<512xf32, #tpu.memory_space<hbm>>)
      tpu.yield
    }) : () -> ()
    return
  }
}

</mosaic_0001>

<sc_bundles>
// kernel: kernel.3.cloned.1.call-start
scs
__scs_entry_jumppad:
0x0: {  	(pc) =	sbr.rel $0x88, $3  }
0x1: {  	(tag) =	ssettag $0x0;
	lr =	simm.s32 $0x1  }
0x2: {  	[smem:$0x3F9A] =	sst lr;
	_ =	strace $0xD0000000  }
0x3: {  	_ = 	snop  }
0x4: {  	_ = 	snop  }
0x5: {  	_ = 	snop  }
0x6: {  	_ = 	snop  }
0x7: {  	_ = 	snop  }
__scs_overlays_trampoline_lowered:
0x8: {  	[smem:$0x3FA9] =	sst s0  }
0x9: {  	[smem:$0x3FAA] =	sst s1  }
0xa: {  	[smem:$0x3FAB] =	sst s2  }
0xb: {  	[smem:$0x3FAC] =	sst s3  }
0xc: {  	[smem:$0x3FAD] =	sst s4  }
0xd: {  	[smem:$0x3FAE] =	sst s5  }
0xe: {  	[smem:$0x3FAF] =	sst s6  }
0xf: {  	[smem:$0x3FB0] =	sst s7  }
0x10: {  	[smem:$0x3FB1] =	sst s8  }
0x11: {  	[smem:$0x3FB2] =	sst s9;
	s0 =	simm.s32 @!p0 $0x0  }
0x12: {  	s1 =	sld [smem:$0x3F98];
	s0 =	simm.s32 @p0 $0x1  }
0x13: {  	[smem:$0x3FB3] =	sst s0;
	s0 =	simm.s32 @!p1 $0x0  }
0x14: {  	s2 =	sld [smem:$0x3F97];
	s0 =	simm.s32 @p1 $0x1  }
0x15: {  	[smem:$0x3FB4] =	sst s0;
	s0 =	simm.s32 @!p2 $0x0  }
0x16: {  	s3 =	sld [smem:$0x3FDB];
	s0 =	simm.s32 @p2 $0x1  }
0x17: {  	s4 =	simm.s32 $0x1BF5;
	[smem:$0x3FB6] =	sst s0  }
0x18: {  	s0 =	sld [smem:$0x3F99];
	_ =	swait.ge [sflag:s4], $0x0  }
0x19: {  	s7 =	sld [smem:$0x3F9A]  }
0x1a: {  	s8 =	sadd.s32 $0xFFFFE003, lr  }
0x1b: {  	s9 =	sadd.s32 $0xFFFFFEF7, lr;
	s5 =	simm.s32 $0xFFFFFFFF;
	p2 =	slt.u32 s8, $0xFFFFF086  }
0x1c: {  	p1 =	slt.u32 s9, $0xF7A;
	s5 =	simm.s32 @!p2 $0x0  }
0x1d: {  	s5 =	simm.s32 @p1 $0x1;
	p0 =	seq.s32 s7, s2  }
0x1e: {  	s7 =	smul.u32 @!p0 $0xF7A, s2;
	p2 =	seq.s32 @!p0 s5, $0x0  }
0x1f: {  	s9 =	smul.u32 $0xF7A, s1;
	s8 =	simm.s32 @!p0 $0x1BF5;
	p2 =	por !p2, p0  }
0x20: {  	[sflag:s8] =	ssyncset.s32 @!p0 $0xFFFFF086;
	s6 =	sadd.s32 @!p0 s3, s7;
	s7 =	simm.s32 @!p0 $0x108  }
0x21: {  	s3 =	sadd.s32 s3, s9;
	s6 =	sadd.s32 @!p0 $0x88, s6;
	s7 =	simm.s32 @p2 $0x1082  }
0x22: {  	[simem:s7], [sflag:s8] =	dma.local @!p0 [hbm:s6], $0xF7A  }
0x23: {  	s9 =	sor.u32 $0xD0000000, s2;
	s6 =	simm.s32 $0x108;
	_ =	swait.ge @!p0 [sflag:s8], $0x0  }
0x24: {  	s3 =	sadd.s32 $0x88, s3;
	s6 =	simm.s32 @!p1 $0x1082;
	[sflag:s4] =	ssyncset.s32 $0xFFFFF086  }
0x25: {  	[simem:s6], [sflag:s4] =	dma.local [hbm:s3], $0xF7A  }
0x26: {  	[smem:$0x3F9A] =	sst s1;
	(tag) =	ssettag s2;
	_ =	strace s9  }
0x27: {  	s1 =	sld [smem:$0x3FAA]  }
0x28: {  	s2 =	sld [smem:$0x3FAB]  }
0x29: {  	s4 =	sld [smem:$0x3FAD]  }
0x2a: {  	p0 =	seq.s32 s5, $0x0;
	s5 =	sld [smem:$0x3FAE]  }
0x2b: {  	s6 =	sld [smem:$0x3FAF]  }
0x2c: {  	s7 =	sld [smem:$0x3FB0]  }
0x2d: {  	s3 =	simm.s32 $0x108;
	s8 =	sld [smem:$0x3FB1]  }
0x2e: {  	s3 =	simm.s32 @!p0 $0x1082;
	s9 =	sld [smem:$0x3FB2]  }
0x2f: {  	lr =	sadd.s32 s0, s3;
	s0 =	sld [smem:$0x3FA9]  }
0x30: {  	s3 =	sld [smem:$0x3FAC]  }
0x31: {  	[smem:$0x3FB5] =	sst s10  }
0x32: {  	s10 =	sld [smem:$0x3FB3];
	_ =	sdelay $0x3  }
0x33: {  	p0 =	seq.s32 s10, $0x1;
	s10 =	sld [smem:$0x3FB5];
	_ =	sdelay $0x3  }
0x34: {  	[smem:$0x3FB5] =	sst s10  }
0x35: {  	s10 =	sld [smem:$0x3FB4];
	_ =	sdelay $0x3  }
0x36: {  	p1 =	seq.s32 s10, $0x1;
	s10 =	sld [smem:$0x3FB5];
	_ =	sdelay $0x3  }
0x37: {  	[smem:$0x3FB5] =	sst s10  }
0x38: {  	s10 =	sld [smem:$0x3FB6]  }
0x39: {  	_ = 	snop;
	(pc) =	sbr.ind lr, $3  }
0x3a: {  	_ = 	snop  }
0x3b: {  	_ = 	snop  }
0x3c: {  	p2 =	seq.s32 s10, $0x1;
	s10 =	sld [smem:$0x3FB5]  }
0x3d: {  	_ =	shalt  }
0x3e: {  	_ =	shalt  }
0x3f: {  	_ =	shalt  }
0x40: {  	_ =	shalt  }
0x41: {  	_ =	shalt  }
0x42: {  	_ =	shalt  }
0x43: {  	_ =	shalt  }
0x44: {  	_ =	shalt  }
0x45: {  	_ =	shalt  }
0x46: {  	_ =	shalt  }
0x47: {  	_ =	shalt  }
0x48: {  	_ =	shalt  }
0x49: {  	_ =	shalt  }
0x4a: {  	_ =	shalt  }
0x4b: {  	_ =	shalt  }
0x4c: {  	_ =	shalt  }
0x4d: {  	_ =	shalt  }
0x4e: {  	_ =	shalt  }
0x4f: {  	_ =	shalt  }
0x50: {  	_ =	shalt  }
0x51: {  	_ =	shalt  }
0x52: {  	_ =	shalt  }
0x53: {  	_ =	shalt  }
0x54: {  	_ =	shalt  }
0x55: {  	_ =	shalt  }
0x56: {  	_ =	shalt  }
0x57: {  	_ =	shalt  }
0x58: {  	_ =	shalt  }
0x59: {  	_ =	shalt  }
0x5a: {  	_ =	shalt  }
0x5b: {  	_ =	shalt  }
0x5c: {  	_ =	shalt  }
0x5d: {  	_ =	shalt  }
0x5e: {  	_ =	shalt  }
0x5f: {  	_ =	shalt  }
0x60: {  	_ =	shalt  }
0x61: {  	_ =	shalt  }
0x62: {  	_ =	shalt  }
0x63: {  	_ =	shalt  }
0x64: {  	_ =	shalt  }
0x65: {  	_ =	shalt  }
0x66: {  	_ =	shalt  }
0x67: {  	_ =	shalt  }
0x68: {  	_ =	shalt  }
0x69: {  	_ =	shalt  }
0x6a: {  	_ =	shalt  }
0x6b: {  	_ =	shalt  }
0x6c: {  	_ =	shalt  }
0x6d: {  	_ =	shalt  }
0x6e: {  	_ =	shalt  }
0x6f: {  	_ =	shalt  }
0x70: {  	_ =	shalt  }
0x71: {  	_ =	shalt  }
0x72: {  	_ =	shalt  }
0x73: {  	_ =	shalt  }
0x74: {  	_ =	shalt  }
0x75: {  	_ =	shalt  }
0x76: {  	_ =	shalt  }
0x77: {  	_ =	shalt  }
0x78: {  	_ =	shalt  }
0x79: {  	_ =	shalt  }
0x7a: {  	_ =	shalt  }
0x7b: {  	_ =	shalt  }
0x7c: {  	_ =	shalt  }
0x7d: {  	_ =	shalt  }
0x7e: {  	_ =	shalt  }
0x7f: {  	_ =	shalt  }
0x80: {  	_ =	shalt  }
0x81: {  	_ =	shalt  }
0x82: {  	_ =	shalt  }
0x83: {  	_ =	shalt  }
0x84: {  	_ =	shalt  }
0x85: {  	_ =	shalt  }
0x86: {  	_ =	shalt  }
0x87: {  	_ =	shalt  }
.Lfunc_end0:
.L_simem_size_0:
called_computation_lowered:
.L_overlay_start_0:
0x88: {  	s2 =	sld [smem:$0x3FD9]  }
0x89: {  	s3 =	sld [smem:$0x3FFE];
	_ =	sdelay $0x1  }
0x8a: {  	s1 =	srdreg.scid  }
0x8b: {  	s0 =	sand.u32 $0x1, s1  }
0x8c: {  	s17 =	sshll.u32 s0, $0xA;
	s2 =	sadd.s32 s3, s2  }
0x8d: {  	s2 =	sadd.s32 s2, s17  }
0x8e: {  	[smem:$0x3FC1] =	sst s2  }
0x8f: {  	_ = 	snop  }
0x90: {  	s2 =	sld [smem:$0x3FC9]  }
0x91: {  	s18 =	sld [smem:$0x3FC8]  }
0x92: {  	s4 =	sld [smem:$0x3FC7]  }
0x93: {  	s5 =	sld [smem:$0x3FC6]  }
0x94: {  	s6 =	sld [smem:$0x3FC5]  }
0x95: {  	s7 =	sld [smem:$0x3FD0];
	(tm) =	ssettm $0x1  }
0x96: {  	s8 =	sld [smem:$0x3FFB];
	_ =	sdelay $0x3  }
0x97: {  	_ =	strace s8  }
0x98: {  	s8 =	sld [smem:$0x3FFC];
	_ =	sdelay $0x3  }
0x99: {  	_ =	strace s8  }
0x9a: {  	s8 =	sld [smem:$0x3FFD];
	_ =	sdelay $0x3  }
0x9b: {  	_ =	strace s8  }
0x9c: {  	_ =	strace $0x8FFFFFFF  }
0x9d: {  	s19 =	sld [smem:$0x3FDB];
	_ =	sdelay $0x1  }
0x9e: {  	s9 =	simm.s32 $_scs_section_size  }
0x9f: {  	s10 =	simm.s32 $_size__tile_overlayer_lowered;
	s11 =	simm.s32 $_tile_overlayer_lowered  }
0xa0: {  	s22 =	simm.s32 $0x1BFF;
	s21 =	sshll.u32 s11, $0x1;
	s8 =	sadd.s32 s9, s19  }
0xa1: {  	s12 =	simm.s32 $0x0;
	s20 =	sshll.u32 s10, $0x1;
	s10 =	sadd.s32 s21, s8  }
0xa2: {  	[timem:s12], [sflag:s22] =	dma.local [hbm:s10], s20  }
0xa3: {  	_ =	swait.ge [sflag:s22], s20  }
0xa4: {  	s9 =	ssub.s32 $0x0, s20;
	[sflag:s22] =	ssyncset.done $0x0  }
0xa5: {  	[sflag:s22] =	ssyncadd.s32 s9;
	_ =	sdelay $0x1  }
0xa6: {  	s23 =	simm.s32 $0x1B8B  }
0xa7: {  	_ =	swait.ge [sflag:s23], $0x1  }
0xa8: {  	[sflag:s23] =	ssyncset.done $0x0  }
0xa9: {  	s25 =	simm.s32 $0x1B8E;
	s24 =	sld [smem:$0x3FFE];
	[sflag:s23] =	ssyncadd.s32 $0xFFFFFFFF  }
0xaa: {  	s26 =	simm.s32 $execute0_lowered;
	[smem:$0x3FD2] =	sst s25  }
0xab: {  	s10 =	sshll.u32 s26, $0x1;
	_ =	strace $0x80000046;
	[dreg:$0x1] =	wrdreg $0xFFFFFFFF  }
0xac: {  	s28 =	simm.s32 $_size_execute0_lowered;
	s8 =	sadd.s32 s8, s10;
	[dreg:$0x0] =	wrdreg $0x0  }
0xad: {  	s10 =	sshll.u32 s28, $0x1;
	[dreg:$0x2] =	wrdreg s8  }
0xae: {  	[dreg:$0x3] =	wrdreg s10  }
0xaf: {  	[dreg:$0x4] =	wrdreg $0xC0  }
0xb0: {  	_ =	task [dreg:s12], $0x5FFFF  }
0xb1: {  	[dreg:$0x1] =	wrdreg $0xFFFFFFFF  }
0xb2: {  	[dreg:$0x0] =	wrdreg $0x60  }
0xb3: {  	[dreg:$0x2] =	wrdreg s2  }
0xb4: {  	[dreg:$0x3] =	wrdreg s18  }
0xb5: {  	[dreg:$0x4] =	wrdreg s4  }
0xb6: {  	[dreg:$0x5] =	wrdreg s5  }
0xb7: {  	[dreg:$0x6] =	wrdreg s6  }
0xb8: {  	[dreg:$0x7] =	wrdreg s24  }
0xb9: {  	[dreg:$0x8] =	wrdreg s7  }
0xba: {  	[dreg:$0x9] =	wrdreg $0x9  }
0xbb: {  	_ =	task.clear_ibuf [dreg:s12], $0xAFFFF;
	_ =	strace $0x90000046  }
0xbc: {  	s29 =	simm.s32 $0x9;
	_ =	strace $0x80000048  }
0xbd: {  	_ =	swait.ge [sflag:s29], $0x1  }
0xbe: {  	[sflag:s29] =	ssyncadd.s32 $0xFFFFFFFF  }
0xbf: {  	_ =	strace $0x90000048  }
0xc0: {  	_ =	sfence  }
0xc1: {  	s30 =	sld [smem:$0x0];
	_ =	sdelay $0x2  }
0xc2: {  	s31 =	sshll.u32 s1, $0xD;
	s1 =	sshrl.u32 s1, $0x2  }
0xc3: {  	s3 =	sand.u32 $0x4000, s31;
	s1 =	sadd.s32 s1, s30  }
0xc4: {  	s0 =	sor.u32 s3, s0;
	s1 =	sshll.u32 s1, $0x11  }
0xc5: {  	s0 =	sor.u32 s1, s0  }
0xc6: {  	s0 =	sadd.s32 $0x8F2B, s0  }
0xc7: {  	[sflag:s0] =	ssyncadd.remote.s32 $0x1  }
0xc8: {  	_ =	sfence.sel $0xFFFF  }
0xc9: {  	[dreg:$0x0] =	wrdreg $0xFFFFFFFF;
	(pc) =	sbr.abs _section_cstart, $3  }
0xca: {  	[dreg:$0x1] =	wrdreg $0xFFFFFFFF  }
0xcb: {  	_ =	task.clear_ibuf [dreg:s12], $0x2FFFF;
	_ =	strace $0x9FFFFFFF  }
0xcc: {  	(tm) =	ssettm $0x7FFFFFFF  }
0xcd: {  	_ =	shalt  }
tec
execute0_lowered:
.L_overlay_start_1:
0x0: {  	(tag) =	ssettag $0x1  }
0x1: {  	s0 =	rddreg [dreg:$0x0]  }
0x2: {  	s1 =	rddreg [dreg:$0x1]  }
0x3: {  	s3 =	rddreg [dreg:$0x2]  }
0x4: {  	s4 =	rddreg [dreg:$0x3]  }
0x5: {  	s5 =	rddreg [dreg:$0x4];
	s8 =	srdreg.scid  }
0x6: {  	s6 =	rddreg [dreg:$0x5];
	s10 =	stileid.u32;
	s8 =	sand.u32 $0x1, s8  }
0x7: {  	s10 =	sshll.u32 s10, $0x7;
	s9 =	ssub.s32 $0x2, s8;
	s8 =	sshll.u32 s8, $0x6  }
0x8: {  	s7 =	rddreg [dreg:$0x6];
	s2 =	simm.s32 $0x0;
	s8 =	sor.u32 s8, s10  }
0x9: {  	[smem:$0x7FF] =	sst s2;
	s7 =	sadd.s32 s7, s8  }
0xa: {  	_ =	strace $0x80000047;
	s23 =	sadd.s32 s0, s8;
	[dreg:$0x8] =	wrdreg s7  }
0xb: {  	s24 =	sadd.s32 s1, s8;
	[dreg:$0x9] =	wrdreg s23  }
0xc: {  	s25 =	sadd.s32 s3, s8;
	[dreg:$0xa] =	wrdreg s24  }
0xd: {  	s10 =	sadd.s32 s4, s8;
	[dreg:$0xb] =	wrdreg s25  }
0xe: {  	s26 =	sor.u32 $0x10, s8;
	s12 =	sadd.s32 s5, s8;
	[dreg:$0xc] =	wrdreg s10  }
0xf: {  	[dreg:$0xd] =	wrdreg s12;
	s13 =	sadd.s32 s0, s26  }
0x10: {  	s29 =	simm.s32 $0x1400;
	s14 =	sadd.s32 s1, s26;
	[dreg:$0xe] =	wrdreg s13  }
0x11: {  	s31 =	simm.s32 $0x3400;
	s15 =	sadd.s32 s3, s26;
	[dreg:$0xf] =	wrdreg s14  }
0x12: {  	s30 =	simm.s32 $0x5400;
	s17 =	sadd.s32 s4, s26;
	[dreg:$0x10] =	wrdreg s15  }
0x13: {  	s16 =	sor.u32 $0x20, s8;
	s7 =	sadd.s32 s5, s26;
	[dreg:$0x11] =	wrdreg s17  }
0x14: {  	s28 =	simm.s32 $0x7400;
	s18 =	sadd.s32 s0, s16;
	[dreg:$0x12] =	wrdreg s7  }
0x15: {  	s11 =	sshrl.u32 s9, $0x1;
	s19 =	sadd.s32 s1, s16;
	[dreg:$0x13] =	wrdreg s18  }
0x16: {  	s9 =	ssub.s32 s9, s11;
	s20 =	sadd.s32 s3, s16;
	[dreg:$0x14] =	wrdreg s19  }
0x17: {  	s21 =	sor.u32 $0x30, s8;
	s23 =	sadd.s32 s4, s16;
	[dreg:$0x15] =	wrdreg s20  }
0x18: {  	s8 =	simm.s32 $0x13400;
	s24 =	sadd.s32 s5, s16;
	[dreg:$0x16] =	wrdreg s23  }
0x19: {  	s0 =	sadd.s32 s0, s21;
	s25 =	sadd.s32 s1, s21;
	[dreg:$0x17] =	wrdreg s24  }
0x1a: {  	s26 =	sadd.s32 s3, s21;
	s22 =	sadd.s32 s4, s21;
	[dreg:$0x18] =	wrdreg s0  }
0x1b: {  	s1 =	simm.s32 $0x40;
	s3 =	simm.s32 $0x9400;
	[dreg:$0x19] =	wrdreg s25  }
0x1c: {  	s4 =	simm.s32 $0xB400;
	s10 =	simm.s32 $0x0;
	[dreg:$0x1a] =	wrdreg s26  }
0x1d: {  	s23 =	sadd.s32 s5, s21;
	s24 =	sadd.s32 $0xF42A00, s6;
	s25 =	sadd.s32 $0x600, s6  }
0x1e: {  	v0 =	vlaneseq.u32;
	s26 =	smax.u32 s9, $0x1;
	s0 =	simm.s32 $0x1;
	s5 =	simm.s32 $0xD400  }
0x1f: {  	v0 =	vmul.u32 $0x80, v0;
	s6 =	simm.s32 $0xF400;
	s7 =	simm.s32 $0x11400;
	s9 =	simm.s32 $0x2  }
.LBB2_1:
0x20: {  	s11 =	rddreg [dreg:$0x9]  }
0x21: {  	[tilespmem:s2], [sflag:$0x1] =	stream.linear.gather [hbm4b:s11+s2], $0x80, $0x38;
	[tilespmem:$0x15600] =	vst v63  }
0x22: {  	s17 =	rddreg [dreg:$0xa];
	s12 =	simm.s32 $0x200  }
0x23: {  	[tilespmem:s12], [sflag:$0x1] =	stream.linear.gather [hbm4b:s17+s2], $0x80, $0x38;
	[tilespmem:$0x15600] =	vst v63  }
0x24: {  	s18 =	rddreg [dreg:$0xb];
	s19 =	simm.s32 $0x400  }
0x25: {  	[tilespmem:s19], [sflag:$0x1] =	stream.linear.gather [hbm4b:s18+s2], $0x80, $0x38;
	[tilespmem:$0x15600] =	vst v63  }
0x26: {  	s20 =	rddreg [dreg:$0xc];
	s21 =	simm.s32 $0x600  }
0x27: {  	[tilespmem:s21], [sflag:$0x1] =	stream.linear.gather [hbm4b:s20+s2], $0x80, $0x38;
	[tilespmem:$0x15600] =	vst v63  }
0x28: {  	s13 =	simm.s32 $0x800;
	s12 =	rddreg [dreg:$0xd]  }
0x29: {  	[tilespmem:s13], [sflag:$0x1] =	stream.linear.gather [hbm4b:s12+s2], $0x80, $0x38;
	[tilespmem:$0x15600] =	vst v63  }
0x2a: {  	_ =	swait.ge [sflag:s0], $0x80  }
0x2b: {  	[sflag:s0] =	ssyncset.done $0x0  }
0x2c: {  	[sflag:s0] =	ssyncadd.s32 $0xFFFFFF80  }
0x2d: {  	_ =	swait.ge [sflag:s0], $0x80  }
0x2e: {  	[sflag:s0] =	ssyncset.done $0x0  }
0x2f: {  	[sflag:s0] =	ssyncadd.s32 $0xFFFFFF80  }
0x30: {  	_ =	swait.ge [sflag:s0], $0x80  }
0x31: {  	[sflag:s0] =	ssyncset.done $0x0  }
0x32: {  	[sflag:s0] =	ssyncadd.s32 $0xFFFFFF80  }
0x33: {  	_ =	swait.ge [sflag:s0], $0x80  }
0x34: {  	[sflag:s0] =	ssyncset.done $0x0  }
0x35: {  	[sflag:s0] =	ssyncadd.s32 $0xFFFFFF80  }
0x36: {  	_ =	swait.ge [sflag:s0], $0x80  }
0x37: {  	[sflag:s0] =	ssyncset.done $0x0  }
0x38: {  	s15 =	simm.s32 $0x80;
	s14 =	rddreg [dreg:$0xe];
	[sflag:s0] =	ssyncadd.s32 $0xFFFFFF80  }
0x39: {  	[tilespmem:s15], [sflag:$0x1] =	stream.linear.gather [hbm4b:s14+s2], $0x80, $0x38;
	[tilespmem:$0x15600] =	vst v63  }
0x3a: {  	s17 =	simm.s32 $0x280;
	s16 =	rddreg [dreg:$0xf]  }
0x3b: {  	[tilespmem:s17], [sflag:$0x1] =	stream.linear.gather [hbm4b:s16+s2], $0x80, $0x38;
	[tilespmem:$0x15600] =	vst v63  }
0x3c: {  	s19 =	simm.s32 $0x480;
	s18 =	rddreg [dreg:$0x10]  }
0x3d: {  	[tilespmem:s19], [sflag:$0x1] =	stream.linear.gather [hbm4b:s18+s2], $0x80, $0x38;
	[tilespmem:$0x15600] =	vst v63  }
0x3e: {  	s21 =	simm.s32 $0x680;
	s20 =	rddreg [dreg:$0x11]  }
0x3f: {  	[tilespmem:s21], [sflag:$0x1] =	stream.linear.gather [hbm4b:s20+s2], $0x80, $0x38;
	[tilespmem:$0x15600] =	vst v63  }
0x40: {  	s13 =	simm.s32 $0x880;
	s12 =	rddreg [dreg:$0x12]  }
0x41: {  	[tilespmem:s13], [sflag:$0x1] =	stream.linear.gather [hbm4b:s12+s2], $0x80, $0x38;
	[tilespmem:$0x15600] =	vst v63  }
0x42: {  	_ =	swait.ge [sflag:s0], $0x80  }
0x43: {  	[sflag:s0] =	ssyncset.done $0x0  }
0x44: {  	[sflag:s0] =	ssyncadd.s32 $0xFFFFFF80  }
0x45: {  	_ =	swait.ge [sflag:s0], $0x80  }
0x46: {  	[sflag:s0] =	ssyncset.done $0x0  }
0x47: {  	[sflag:s0] =	ssyncadd.s32 $0xFFFFFF80  }
0x48: {  	_ =	swait.ge [sflag:s0], $0x80  }
0x49: {  	[sflag:s0] =	ssyncset.done $0x0  }
0x4a: {  	[sflag:s0] =	ssyncadd.s32 $0xFFFFFF80  }
0x4b: {  	_ =	swait.ge [sflag:s0], $0x80  }
0x4c: {  	[sflag:s0] =	ssyncset.done $0x0  }
0x4d: {  	[sflag:s0] =	ssyncadd.s32 $0xFFFFFF80  }
0x4e: {  	_ =	swait.ge [sflag:s0], $0x80  }
0x4f: {  	[sflag:s0] =	ssyncset.done $0x0  }
0x50: {  	s15 =	simm.s32 $0x100;
	s14 =	rddreg [dreg:$0x13];
	[sflag:s0] =	ssyncadd.s32 $0xFFFFFF80  }
0x51: {  	[tilespmem:s15], [sflag:$0x1] =	stream.linear.gather [hbm4b:s14+s2], $0x80, $0x38;
	[tilespmem:$0x15600] =	vst v63  }
0x52: {  	s17 =	simm.s32 $0x300;
	s16 =	rddreg [dreg:$0x14]  }
0x53: {  	[tilespmem:s17], [sflag:$0x1] =	stream.linear.gather [hbm4b:s16+s2], $0x80, $0x38;
	[tilespmem:$0x15600] =	vst v63  }
0x54: {  	s19 =	simm.s32 $0x500;
	s18 =	rddreg [dreg:$0x15]  }
0x55: {  	[tilespmem:s19], [sflag:$0x1] =	stream.linear.gather [hbm4b:s18+s2], $0x80, $0x38;
	[tilespmem:$0x15600] =	vst v63  }
0x56: {  	s21 =	simm.s32 $0x700;
	s20 =	rddreg [dreg:$0x16]  }
0x57: {  	[tilespmem:s21], [sflag:$0x1] =	stream.linear.gather [hbm4b:s20+s2], $0x80, $0x38;
	[tilespmem:$0x15600] =	vst v63  }
0x58: {  	s13 =	simm.s32 $0x900;
	s12 =	rddreg [dreg:$0x17]  }
0x59: {  	[tilespmem:s13], [sflag:$0x1] =	stream.linear.gather [hbm4b:s12+s2], $0x80, $0x38;
	[tilespmem:$0x15600] =	vst v63  }
0x5a: {  	_ =	swait.ge [sflag:s0], $0x80  }
0x5b: {  	[sflag:s0] =	ssyncset.done $0x0  }
0x5c: {  	[sflag:s0] =	ssyncadd.s32 $0xFFFFFF80  }
0x5d: {  	_ =	swait.ge [sflag:s0], $0x80  }
0x5e: {  	[sflag:s0] =	ssyncset.done $0x0  }
0x5f: {  	[sflag:s0] =	ssyncadd.s32 $0xFFFFFF80  }
0x60: {  	_ =	swait.ge [sflag:s0], $0x80  }
0x61: {  	[sflag:s0] =	ssyncset.done $0x0  }
0x62: {  	[sflag:s0] =	ssyncadd.s32 $0xFFFFFF80  }
0x63: {  	_ =	swait.ge [sflag:s0], $0x80  }
0x64: {  	[sflag:s0] =	ssyncset.done $0x0  }
0x65: {  	[sflag:s0] =	ssyncadd.s32 $0xFFFFFF80  }
0x66: {  	_ =	swait.ge [sflag:s0], $0x80  }
0x67: {  	[sflag:s0] =	ssyncset.done $0x0  }
0x68: {  	s15 =	simm.s32 $0x180;
	s14 =	rddreg [dreg:$0x18];
	[sflag:s0] =	ssyncadd.s32 $0xFFFFFF80  }
0x69: {  	[tilespmem:s15], [sflag:$0x1] =	stream.linear.gather [hbm4b:s14+s2], $0x80, $0x38;
	[tilespmem:$0x15600] =	vst v63  }
0x6a: {  	s17 =	simm.s32 $0x380;
	s16 =	rddreg [dreg:$0x19]  }
0x6b: {  	[tilespmem:s17], [sflag:$0x1] =	stream.linear.gather [hbm4b:s16+s2], $0x80, $0x38;
	[tilespmem:$0x15600] =	vst v63  }
0x6c: {  	s19 =	simm.s32 $0x580;
	s18 =	rddreg [dreg:$0x1a]  }
0x6d: {  	[tilespmem:s19], [sflag:$0x1] =	stream.linear.gather [hbm4b:s18+s2], $0x80, $0x38;
	[tilespmem:$0x15600] =	vst v63  }
0x6e: {  	s20 =	simm.s32 $0x780  }
0x6f: {  	[tilespmem:s20], [sflag:$0x1] =	stream.linear.gather [hbm4b:s22+s2], $0x80, $0x38;
	[tilespmem:$0x15600] =	vst v63  }
0x70: {  	s21 =	simm.s32 $0x980  }
0x71: {  	[tilespmem:s21], [sflag:$0x1] =	stream.linear.gather [hbm4b:s23+s2], $0x80, $0x38;
	[tilespmem:$0x15600] =	vst v63  }
0x72: {  	_ =	swait.ge [sflag:s0], $0x80  }
0x73: {  	[sflag:s0] =	ssyncset.done $0x0  }
0x74: {  	[sflag:s0] =	ssyncadd.s32 $0xFFFFFF80  }
0x75: {  	_ =	swait.ge [sflag:s0], $0x80  }
0x76: {  	[sflag:s0] =	ssyncset.done $0x0  }
0x77: {  	[sflag:s0] =	ssyncadd.s32 $0xFFFFFF80  }
0x78: {  	_ =	swait.ge [sflag:s0], $0x80  }
0x79: {  	[sflag:s0] =	ssyncset.done $0x0  }
0x7a: {  	[sflag:s0] =	ssyncadd.s32 $0xFFFFFF80  }
0x7b: {  	_ =	swait.ge [sflag:s0], $0x80  }
0x7c: {  	[sflag:s0] =	ssyncset.done $0x0  }
0x7d: {  	[sflag:s0] =	ssyncadd.s32 $0xFFFFFF80  }
0x7e: {  	_ =	swait.ge [sflag:s0], $0x80  }
0x7f: {  	[sflag:s0] =	ssyncset.done $0x0  }
0x80: {  	s11 =	simm.s32 $0x0;
	[sflag:s0] =	ssyncadd.s32 $0xFFFFFF80  }
0x81: {  	v4 =	vld [tilespmem:s11+$0x800]  }
0x82: {  	v5 =	vld [tilespmem:s11+$0x0]  }
0x83: {  	v3 =	vld [tilespmem:s11+$0x200]  }
0x84: {  	v1 =	vld [tilespmem:s11+$0x400]  }
0x85: {  	s12 =	simm.s32 $0x40;
	v2 =	vld [tilespmem:s11+$0x600]  }
.LBB2_2:
0x86: {  	s13 =	sshra.s32 s12, $0x2;
	p0 =	sne.s32 s12, $0x7C0;
	s12 =	sadd.s32 $0x40, s12;
	v6 =	vshra.s32 v4, $0x1  }
.Ltmp0:
0x87: {  	v4 =	vld [tilespmem:s13+$0x800];
	v7 =	vshra.s32 v5, $0x1;
	[tilespmem:s11+$0x1200] =	vst v6;
	(pc) =	sbr.rel @p0 .LBB2_2-.Ltmp0, $4  }
0x88: {  	v5 =	vld [tilespmem:s13+$0x0];
	[tilespmem:s11+$0xA00] =	vst v7;
	v6 =	vshra.s32 v3, $0x1  }
0x89: {  	v3 =	vld [tilespmem:s13+$0x200];
	[tilespmem:s11+$0xC00] =	vst v6;
	v6 =	vshra.s32 v1, $0x1  }
0x8a: {  	v1 =	vld [tilespmem:s13+$0x400];
	[tilespmem:s11+$0xE00] =	vst v6;
	v6 =	vshra.s32 v2, $0x1  }
0x8b: {  	v2 =	vld [tilespmem:s13+$0x600];
	[tilespmem:s11+$0x1000] =	vst v6;
	s11 =	smov.u32 s13  }
0x8c: {  	v4 =	vshra.s32 v4, $0x1  }
0x8d: {  	v5 =	vshra.s32 v5, $0x1;
	[tilespmem:s11+$0x1200] =	vst v4  }
0x8e: {  	[tilespmem:s11+$0xA00] =	vst v5;
	v3 =	vshra.s32 v3, $0x1  }
0x8f: {  	[tilespmem:s11+$0xC00] =	vst v3;
	v1 =	vshra.s32 v1, $0x1  }
0x90: {  	[tilespmem:s11+$0xE00] =	vst v1;
	v1 =	vshra.s32 v2, $0x1  }
0x91: {  	s12 =	simm.s32 $0xA00;
	[tilespmem:s11+$0x1000] =	vst v1  }
0x92: {  	[tilespmem:s29], [sflag:$0x1] =	stream.indirect.gather [hbm4b:s24+s1], $0x80, s12, s1, $0xb8;
	[tilespmem:$0x15600] =	vst v63  }
0x93: {  	s13 =	simm.s32 $0xC00  }
0x94: {  	[tilespmem:s31], [sflag:$0x1] =	stream.indirect.gather [hbm4b:s25+s1], $0x80, s13, s1, $0xb8;
	[tilespmem:$0x15600] =	vst v63  }
0x95: {  	s14 =	simm.s32 $0xE00  }
0x96: {  	[tilespmem:s30], [sflag:$0x1] =	stream.indirect.gather [hbm4b:s24+s1], $0x80, s14, s1, $0xb8;
	[tilespmem:$0x15600] =	vst v63  }
0x97: {  	s15 =	simm.s32 $0x1000  }
0x98: {  	[tilespmem:s28], [sflag:$0x1] =	stream.indirect.gather [hbm4b:s24+s1], $0x80, s15, s1, $0xb8;
	[tilespmem:$0x15600] =	vst v63  }
0x99: {  	s16 =	simm.s32 $0x1200  }
0x9a: {  	[tilespmem:s3], [sflag:$0x1] =	stream.indirect.gather [hbm4b:s24+s1], $0x80, s16, s1, $0xb8;
	[tilespmem:$0x15600] =	vst v63  }
0x9b: {  	_ =	swait.ge [sflag:s0], $0x2000  }
0x9c: {  	[sflag:s0] =	ssyncset.done $0x0  }
0x9d: {  	[sflag:s0] =	ssyncadd.s32 $0xFFFFE000  }
0x9e: {  	_ =	swait.ge [sflag:s0], $0x2000  }
0x9f: {  	[sflag:s0] =	ssyncset.done $0x0  }
0xa0: {  	[sflag:s0] =	ssyncadd.s32 $0xFFFFE000  }
0xa1: {  	_ =	swait.ge [sflag:s0], $0x2000  }
0xa2: {  	[sflag:s0] =	ssyncset.done $0x0  }
0xa3: {  	[sflag:s0] =	ssyncadd.s32 $0xFFFFE000  }
0xa4: {  	_ =	swait.ge [sflag:s0], $0x2000  }
0xa5: {  	[sflag:s0] =	ssyncset.done $0x0  }
0xa6: {  	[sflag:s0] =	ssyncadd.s32 $0xFFFFE000  }
0xa7: {  	_ =	swait.ge [sflag:s0], $0x2000  }
0xa8: {  	[sflag:s0] =	ssyncset.done $0x0  }
0xa9: {  	s17 =	simm.s32 $0xA40;
	[sflag:s0] =	ssyncadd.s32 $0xFFFFE000  }
0xaa: {  	[tilespmem:s4], [sflag:$0x1] =	stream.indirect.gather [hbm4b:s24+s1], $0x80, s17, s1, $0xb8;
	[tilespmem:$0x15600] =	vst v63  }
0xab: {  	s18 =	simm.s32 $0xC40  }
0xac: {  	[tilespmem:s5], [sflag:$0x1] =	stream.indirect.gather [hbm4b:s25+s1], $0x80, s18, s1, $0xb8;
	[tilespmem:$0x15600] =	vst v63  }
0xad: {  	s19 =	simm.s32 $0xE40  }
0xae: {  	[tilespmem:s6], [sflag:$0x1] =	stream.indirect.gather [hbm4b:s24+s1], $0x80, s19, s1, $0xb8;
	[tilespmem:$0x15600] =	vst v63  }
0xaf: {  	s20 =	simm.s32 $0x1040  }
0xb0: {  	[tilespmem:s7], [sflag:$0x1] =	stream.indirect.gather [hbm4b:s24+s1], $0x80, s20, s1, $0xb8;
	[tilespmem:$0x15600] =	vst v63  }
0xb1: {  	s21 =	simm.s32 $0x1240;
	s11 =	simm.s32 $0x0;
	s12 =	simm.s32 $0x0  }
0xb2: {  	[tilespmem:s8], [sflag:$0x1] =	stream.indirect.gather [hbm4b:s24+s1], $0x80, s21, s1, $0xb8;
	[tilespmem:$0x15600] =	vst v63  }
.LBB2_4:
0xb3: {  	s13 =	sshll.u32 s12, $0x4  }
0xb4: {  	v1 =	vld [tilespmem:s13+$0x200];
	_ =	sdelay $0x1  }
0xb5: {  	v2 =	vld [tilespmem:s13+$0x0]  }
0xb6: {  	v3 =	vld [tilespmem:s13+$0x600]  }
0xb7: {  	v4 =	vmov s13  }
0xb8: {  	v4 =	vshll.u32 v4, $0x7;
	v1 =	vshll.u32 v1, $0x6  }
0xb9: {  	v5 =	vor.u32 v0, v4;
	v1 =	vand.u32 $0x40, v1  }
0xba: {  	v2 =	vshll.u32 v2, $0x6;
	v1 =	vor.u32 v5, v1  }
0xbb: {  	s16 =	simm.s32 $0x1;
	v3 =	vshll.u32 v3, $0x6;
	v2 =	vand.u32 $0x40, v2;
	v6 =	vor.u32 s11, v1  }
0xbc: {  	v3 =	vand.u32 $0x40, v3;
	v2 =	vor.u32 v5, v2;
	v7 =	vor.u32 s16, v1  }
0xbd: {  	s17 =	simm.s32 $0x4;
	v4 =	vld [tilespmem:s13+$0x800];
	v3 =	vor.u32 v5, v3;
	v9 =	vor.u32 s16, v2  }
0xbe: {  	s14 =	simm.s32 $0x5;
	v10 =	vor.u32 s17, v3  }
0xbf: {  	v8 =	vld [tilespmem:s13+$0x400];
	v11 =	vor.u32 s14, v3  }
0xc0: {  	v14 =	vor.u32 s14, v1;
	v13 =	vld.idx.msk [tilespmem:v6+s31+$0x0], $0xffff  }
0xc1: {  	s18 =	simm.s32 $0x2;
	v20 =	vor.u32 s11, v2;
	v15 =	vld.idx.msk [tilespmem:v7+s31+$0x0], $0xffff  }
0xc2: {  	v4 =	vshll.u32 v4, $0x6;
	v24 =	vor.u32 s18, v1;
	v16 =	vld.idx.msk [tilespmem:v9+s29+$0x0], $0xffff  }
0xc3: {  	s15 =	simm.s32 $0x3;
	v4 =	vand.u32 $0x40, v4;
	v26 =	vor.u32 s18, v2;
	v10 =	vld.idx.msk [tilespmem:v10+s28+$0x0], $0xffff  }
0xc4: {  	v12 =	vor.u32 s15, v1;
	v4 =	vor.u32 v5, v4;
	v11 =	vld.idx.msk [tilespmem:v11+s28+$0x0], $0xffff  }
0xc5: {  	v23 =	vor.u32 s16, v4;
	v19 =	vld.idx.msk [tilespmem:v14+s31+$0x0], $0xffff  }
0xc6: {  	v30 =	vor.u32 s17, v4;
	v20 =	vld.idx.msk [tilespmem:v20+s29+$0x0], $0xffff  }
0xc7: {  	v6 =	vshll.u32 v8, $0x6;
	v9 =	vor.u32 s17, v1;
	v24 =	vld.idx.msk [tilespmem:v24+s31+$0x0], $0xffff  }
0xc8: {  	v7 =	vor.u32 s11, v4;
	v26 =	vld.idx.msk [tilespmem:v26+s29+$0x0], $0xffff;
	v6 =	vand.u32 $0x40, v6  }
0xc9: {  	v8 =	vor.u32 s15, v2;
	v5 =	vor.u32 v5, v6;
	v6 =	vld.idx.msk [tilespmem:v12+s31+$0x0], $0xffff  }
0xca: {  	v14 =	vor.u32 s18, v4;
	v23 =	vld.idx.msk [tilespmem:v23+s3+$0x0], $0xffff  }
0xcb: {  	v30 =	vld.idx.msk [tilespmem:v30+s3+$0x0], $0xffff;
	v12 =	vor.u32 s17, v5  }
0xcc: {  	v21 =	vld.idx.msk [tilespmem:v9+s31+$0x0], $0xffff;
	v9 =	vor.u32 s11, v3  }
0xcd: {  	v18 =	vld.idx.msk [tilespmem:v7+s3+$0x0], $0xffff;
	v7 =	vor.u32 s16, v3  }
0xce: {  	v17 =	vor.u32 s11, v5;
	v8 =	vld.idx.msk [tilespmem:v8+s29+$0x0], $0xffff  }
0xcf: {  	v27 =	vor.u32 s18, v3;
	v14 =	vld.idx.msk [tilespmem:v14+s3+$0x0], $0xffff  }
0xd0: {  	v22 =	vor.u32 s16, v5;
	v12 =	vld.idx.msk [tilespmem:v12+s30+$0x0], $0xffff  }
0xd1: {  	s20 =	simm.s32 $0x6;
	v29 =	vor.u32 s17, v2;
	v28 =	vld.idx.msk [tilespmem:v9+s28+$0x0], $0xffff  }
0xd2: {  	s21 =	simm.s32 $0x7;
	v33 =	vor.u32 s20, v1;
	v31 =	vor.u32 s18, v5;
	v25 =	vld.idx.msk [tilespmem:v7+s28+$0x0], $0xffff  }
0xd3: {  	v35 =	vor.u32 s15, v3;
	v36 =	vor.u32 s14, v2;
	v60 =	vor.u32 s21, v1;
	v17 =	vld.idx.msk [tilespmem:v17+s30+$0x0], $0xffff  }
0xd4: {  	v34 =	vadd.f32 v10, v21;
	v10 =	vadd.f32 v20, v13;
	v20 =	vld.idx.msk [tilespmem:v27+s28+$0x0], $0xffff;
	v27 =	vor.u32 s20, v2  }
0xd5: {  	v39 =	vor.u32 s21, v2;
	v32 =	vor.u32 s15, v5;
	v22 =	vld.idx.msk [tilespmem:v22+s30+$0x0], $0xffff;
	v9 =	vadd.f32 v8, v6  }
0xd6: {  	v38 =	vor.u32 s20, v4;
	v8 =	vadd.f32 v11, v19;
	v11 =	vadd.f32 v28, v13;
	v28 =	vld.idx.msk [tilespmem:v29+s29+$0x0], $0xffff  }
0xd7: {  	v13 =	vadd.f32 v16, v15;
	v15 =	vadd.f32 v25, v15;
	v16 =	vld.idx.msk [tilespmem:v31+s30+$0x0], $0xffff;
	v25 =	vor.u32 s20, v5  }
0xd8: {  	v26 =	vadd.f32 v26, v24;
	v29 =	vsub.f32 v10, v17;
	v31 =	vor.u32 s15, v4;
	v17 =	vld.idx.msk [tilespmem:v33+s31+$0x0], $0xffff  }
0xd9: {  	v7 =	vimm.f32 $0.0e+00;
	v37 =	vld.idx.msk [tilespmem:v27+s29+$0x0], $0xffff;
	v20 =	vadd.f32 v20, v24;
	v24 =	vor.u32 s20, v3  }
0xda: {  	v10 =	vor.u32 s21, v4;
	v11 =	vsub.f32 v11, v18;
	v58 =	vsub.f32 v13, v22;
	v13 =	vld.idx.msk [tilespmem:v32+s30+$0x0], $0xffff  }
0xdb: {  	v18 =	vor.u32 s21, v5;
	v23 =	vsub.f32 v15, v23;
	v21 =	vadd.f32 v28, v21;
	v28 =	vld.idx.msk [tilespmem:v36+s29+$0x0], $0xffff  }
0xdc: {  	v22 =	vor.u32 s14, v4;
	v14 =	vsub.f32 v20, v14;
	v11 =	vand.u32 $0x7FFFFFFF, v11;
	v25 =	vld.idx.msk [tilespmem:v25+s30+$0x0], $0xffff  }
0xdd: {  	v59 =	vand.u32 $0x7FFFFFFF, v58;
	v23 =	vand.u32 $0x7FFFFFFF, v23;
	v61 =	vadd.f32 v11, v7;
	v11 =	vld.idx.msk [tilespmem:v31+s3+$0x0], $0xffff  }
0xde: {  	v16 =	vsub.f32 v26, v16;
	v26 =	vand.u32 $0x7FFFFFFF, v14;
	v14 =	vsub.f32 v34, v30;
	v27 =	vld.idx.msk [tilespmem:v24+s28+$0x0], $0xffff  }
0xdf: {  	v31 =	vor.u32 s14, v5;
	v20 =	vsub.f32 v21, v12;
	v21 =	vand.u32 $0x7FFFFFFF, v29;
	v12 =	vld.idx.msk [tilespmem:v35+s28+$0x0], $0xffff  }
0xe0: {  	v63 =	vand.u32 $0x7FFFFFFF, v16;
	v29 =	vadd.f32 v37, v17;
	v16 =	vld.idx.msk [tilespmem:v60+s31+$0x0], $0xffff;
	v62 =	vadd.f32 v21, v7  }
0xe1: {  	v30 =	vor.u32 s21, v3;
	v15 =	vadd.f32 v26, v61;
	v26 =	vld.idx.msk [tilespmem:v38+s3+$0x0], $0xffff;
	v21 =	vadd.f32 v59, v7  }
0xe2: {  	s14 =	simm.s32 $0x8;
	v20 =	vand.u32 $0x7FFFFFFF, v20;
	v19 =	vadd.f32 v28, v19;
	v24 =	vadd.f32 v63, v62;
	v28 =	vld.idx.msk [tilespmem:v39+s29+$0x0], $0xffff  }
.LBB2_5:
0xe3: {  	v32 =	vor.u32 s14, v1;
	v33 =	vor.u32 s14, v4;
	s20 =	sadd.s32 $0x1, s14;
	s19 =	sadd.s32 $0x4, s14;
	s15 =	sadd.s32 $0x5, s14;
	v9 =	vsub.f32 v9, v13;
	v22 =	vld.idx.msk [tilespmem:v22+s3+$0x0], $0xffff  }
0xe4: {  	s18 =	sadd.s32 $0x3, s14;
	s17 =	sadd.s32 $0x6, s14;
	s16 =	sadd.s32 $0x7, s14;
	v25 =	vsub.f32 v29, v25;
	v34 =	vor.u32 s20, v1;
	v35 =	vor.u32 s19, v3;
	v18 =	vld.idx.msk [tilespmem:v18+s30+$0x0], $0xffff  }
0xe5: {  	p0 =	slt.u32 s14, $0x38;
	s21 =	smov.u32 s14;
	s14 =	sadd.s32 $0x8, s14;
	v29 =	vor.u32 s20, v2;
	v13 =	vor.u32 s18, v5;
	v17 =	vadd.f32 v27, v17;
	v31 =	vld.idx.msk [tilespmem:v31+s30+$0x0], $0xffff  }
0xe6: {  	v27 =	vor.u32 s20, v3;
	v36 =	vor.u32 s18, v1;
	v37 =	vor.u32 s15, v3;
	v30 =	vld.idx.msk [tilespmem:v30+s28+$0x0], $0xffff  }
0xe7: {  	v40 =	vadd.f32 v12, v6;
	v38 =	vor.u32 s21, v2;
	v39 =	vor.u32 s15, v1;
	v10 =	vld.idx.msk [tilespmem:v10+s3+$0x0], $0xffff  }
0xe8: {  	v41 =	vor.u32 s21, v3;
	v12 =	vor.u32 s18, v3;
	v17 =	vsub.f32 v17, v26;
	v32 =	vld.idx.msk [tilespmem:v32+s31+$0x0], $0xffff  }
0xe9: {  	v42 =	vor.u32 s18, v2;
	v6 =	vadd.f32 v28, v16;
	v26 =	vld.idx.msk [tilespmem:v34+s31+$0x0], $0xffff;
	v34 =	vor.u32 s20, v5  }
0xea: {  	v43 =	vor.u32 s20, v4;
	v9 =	vand.u32 $0x7FFFFFFF, v9;
	v28 =	vor.u32 s21, v5;
	s20 =	sadd.s32 $0x2, s21;
	v29 =	vld.idx.msk [tilespmem:v29+s29+$0x0], $0xffff  }
0xeb: {  	v8 =	vsub.f32 v8, v22;
	v44 =	vor.u32 s20, v1;
	v45 =	vor.u32 s20, v4;
	v35 =	vld.idx.msk [tilespmem:v35+s28+$0x0], $0xffff  }
0xec: {  	v46 =	vor.u32 s19, v1;
	v18 =	vsub.f32 v6, v18;
	v22 =	vor.u32 s20, v2;
	v37 =	vld.idx.msk [tilespmem:v37+s28+$0x0], $0xffff  }
0xed: {  	v20 =	vadd.f32 v20, v24;
	v47 =	vor.u32 s20, v3;
	v6 =	vld.idx.msk [tilespmem:v36+s31+$0x0], $0xffff;
	v36 =	vor.u32 s19, v5  }
0xee: {  	v7 =	vadd.f32 v23, v7;
	v9 =	vadd.f32 v9, v21;
	v21 =	vand.u32 $0x7FFFFFFF, v25;
	v24 =	vld.idx.msk [tilespmem:v39+s31+$0x0], $0xffff  }
0xef: {  	v14 =	vand.u32 $0x7FFFFFFF, v14;
	v11 =	vsub.f32 v40, v11;
	v19 =	vsub.f32 v19, v31;
	v23 =	vld.idx.msk [tilespmem:v33+s3+$0x0], $0xffff  }
0xf0: {  	v14 =	vadd.f32 v14, v15;
	v8 =	vand.u32 $0x7FFFFFFF, v8;
	v15 =	vadd.f32 v30, v16;
	v25 =	vld.idx.msk [tilespmem:v42+s29+$0x0], $0xffff  }
0xf1: {  	v11 =	vand.u32 $0x7FFFFFFF, v11;
	v17 =	vand.u32 $0x7FFFFFFF, v17;
	v19 =	vand.u32 $0x7FFFFFFF, v19;
	v16 =	vld.idx.msk [tilespmem:v46+s31+$0x0], $0xffff  }
0xf2: {  	v14 =	vadd.f32 v17, v14;
	v17 =	vand.u32 $0x7FFFFFFF, v18;
	v10 =	vsub.f32 v15, v10;
	v30 =	vld.idx.msk [tilespmem:v36+s30+$0x0], $0xffff  }
0xf3: {  	v20 =	vadd.f32 v21, v20;
	v7 =	vadd.f32 v11, v7;
	v18 =	vor.u32 s20, v5;
	v15 =	vld.idx.msk [tilespmem:v28+s30+$0x0], $0xffff  }
0xf4: {  	v9 =	vadd.f32 v19, v9;
	v11 =	vld.idx.msk [tilespmem:v45+s3+$0x0], $0xffff  }
0xf5: {  	v7 =	vadd.f32 v8, v7;
	v8 =	vand.u32 $0x7FFFFFFF, v10;
	v19 =	vld.idx.msk [tilespmem:v27+s28+$0x0], $0xffff  }
0xf6: {  	v21 =	vadd.f32 v17, v9;
	v10 =	vld.idx.msk [tilespmem:v38+s29+$0x0], $0xffff  }
0xf7: {  	v7 =	vadd.f32 v8, v7;
	v9 =	vadd.f32 v25, v6;
	v17 =	vld.idx.msk [tilespmem:v41+s28+$0x0], $0xffff  }
0xf8: {  	v27 =	vor.u32 s19, v2;
	v28 =	vadd.f32 v35, v16;
	v25 =	vld.idx.msk [tilespmem:v34+s30+$0x0], $0xffff  }
0xf9: {  	v33 =	vor.u32 s19, v4;
	v8 =	vadd.f32 v37, v24;
	v31 =	vld.idx.msk [tilespmem:v43+s3+$0x0], $0xffff  }
0xfa: {  	v34 =	vld.idx.msk [tilespmem:v44+s31+$0x0], $0xffff  }
0xfb: {  	v35 =	vor.u32 s17, v1;
	v22 =	vld.idx.msk [tilespmem:v22+s29+$0x0], $0xffff  }
0xfc: {  	v37 =	vor.u32 s17, v2;
	v10 =	vadd.f32 v10, v32;
	v36 =	vld.idx.msk [tilespmem:v47+s28+$0x0], $0xffff  }
0xfd: {  	v17 =	vadd.f32 v17, v32;
	v27 =	vld.idx.msk [tilespmem:v27+s29+$0x0], $0xffff  }
0xfe: {  	v15 =	vsub.f32 v10, v15;
	v10 =	vor.u32 s16, v4;
	v32 =	vld.idx.msk [tilespmem:v33+s3+$0x0], $0xffff;
	v33 =	vor.u32 s15, v2  }
0xff: {  	v29 =	vadd.f32 v29, v26;
	v38 =	vor.u32 s17, v5;
	v19 =	vadd.f32 v19, v26;
	v26 =	vld.idx.msk [tilespmem:v18+s30+$0x0], $0xffff  }
0x100: {  	v39 =	vor.u32 s18, v4;
	v23 =	vsub.f32 v17, v23;
	v18 =	vor.u32 s16, v5;
	v17 =	vld.idx.msk [tilespmem:v35+s31+$0x0], $0xffff  }
0x101: {  	v25 =	vsub.f32 v29, v25;
	v29 =	vadd.f32 v22, v34;
	v22 =	vor.u32 s15, v4;
	v35 =	vld.idx.msk [tilespmem:v37+s29+$0x0], $0xffff  }
0x102: {  	v23 =	vand.u32 $0x7FFFFFFF, v23;
	v34 =	vadd.f32 v36, v34;
	v36 =	vor.u32 s17, v3;
	v13 =	vld.idx.msk [tilespmem:v13+s30+$0x0], $0xffff  }
0x103: {  	v40 =	vor.u32 s16, v1;
	v37 =	vand.u32 $0x7FFFFFFF, v25;
	v16 =	vadd.f32 v27, v16;
	v33 =	vld.idx.msk [tilespmem:v33+s29+$0x0], $0xffff  }
0x104: {  	v23 =	vadd.f32 v23, v14;
	v14 =	vsub.f32 v34, v11;
	v34 =	vor.u32 s17, v4;
	v25 =	vld.idx.msk [tilespmem:v38+s30+$0x0], $0xffff  }
0x105: {  	v26 =	vsub.f32 v29, v26;
	v30 =	vsub.f32 v16, v30;
	v38 =	vor.u32 s16, v2;
	v11 =	vld.idx.msk [tilespmem:v39+s3+$0x0], $0xffff  }
.Ltmp1:
0x106: {  	v15 =	vand.u32 $0x7FFFFFFF, v15;
	v16 =	vand.u32 $0x7FFFFFFF, v14;
	v14 =	vsub.f32 v28, v32;
	v12 =	vld.idx.msk [tilespmem:v12+s28+$0x0], $0xffff;
	(pc) =	sbr.rel @p0 .LBB2_5-.Ltmp1, $4  }
0x107: {  	v28 =	vadd.f32 v15, v20;
	v32 =	vand.u32 $0x7FFFFFFF, v26;
	v29 =	vadd.f32 v35, v17;
	v27 =	vld.idx.msk [tilespmem:v36+s28+$0x0], $0xffff  }
0x108: {  	v35 =	vsub.f32 v19, v31;
	v15 =	vadd.f32 v16, v23;
	v31 =	vor.u32 s15, v5;
	v16 =	vld.idx.msk [tilespmem:v40+s31+$0x0], $0xffff  }
0x109: {  	v20 =	vand.u32 $0x7FFFFFFF, v30;
	v30 =	vor.u32 s16, v3;
	v19 =	vadd.f32 v33, v24;
	v26 =	vld.idx.msk [tilespmem:v34+s3+$0x0], $0xffff  }
0x10a: {  	v21 =	vadd.f32 v37, v21;
	v23 =	vand.u32 $0x7FFFFFFF, v35;
	v24 =	vadd.f32 v32, v28;
	v28 =	vld.idx.msk [tilespmem:v38+s29+$0x0], $0xffff  }
0x10b: {  	_ =	sdelay $0x3  }
0x10c: {  	v1 =	vld.idx.msk [tilespmem:v22+s3+$0x0], $0xffff  }
0x10d: {  	v3 =	vsub.f32 v9, v13;
	v4 =	vld.idx.msk [tilespmem:v31+s30+$0x0], $0xffff;
	v55 =	vsub.f32 v29, v25  }
0x10e: {  	v2 =	vld.idx.msk [tilespmem:v18+s30+$0x0], $0xffff;
	v6 =	vadd.f32 v12, v6;
	v7 =	vadd.f32 v23, v7  }
0x10f: {  	v57 =	vld.idx.msk [tilespmem:v30+s28+$0x0], $0xffff;
	v60 =	vand.u32 $0x7FFFFFFF, v14;
	v5 =	vadd.f32 v27, v17;
	v59 =	vadd.f32 v20, v24  }
0x110: {  	v3 =	vand.u32 $0x7FFFFFFF, v3;
	v6 =	vsub.f32 v6, v11;
	v11 =	vadd.f32 v60, v15  }
0x111: {  	v58 =	vld.idx.msk [tilespmem:v10+s3+$0x0], $0xffff;
	v5 =	vsub.f32 v5, v26;
	v3 =	vadd.f32 v3, v21  }
0x112: {  	v9 =	vand.u32 $0x7FFFFFFF, v55;
	v56 =	vadd.f32 v28, v16;
	v4 =	vsub.f32 v19, v4  }
0x113: {  	v63 =	vadd.f32 v9, v59;
	v6 =	vand.u32 $0x7FFFFFFF, v6;
	v1 =	vsub.f32 v8, v1  }
0x114: {  	v61 =	vadd.f32 v57, v16;
	v2 =	vsub.f32 v56, v2;
	v4 =	vand.u32 $0x7FFFFFFF, v4  }
0x115: {  	v6 =	vadd.f32 v6, v7;
	v3 =	vadd.f32 v4, v3  }
0x116: {  	v1 =	vand.u32 $0x7FFFFFFF, v1;
	v62 =	vsub.f32 v61, v58;
	v2 =	vand.u32 $0x7FFFFFFF, v2  }
0x117: {  	v5 =	vand.u32 $0x7FFFFFFF, v5;
	v1 =	vadd.f32 v1, v6;
	v2 =	vadd.f32 v2, v3  }
0x118: {  	v4 =	vand.u32 $0x7FFFFFFF, v62;
	v3 =	vadd.f32 v5, v11  }
0x119: {  	v1 =	vadd.f32 v4, v1;
	v2 =	vadd.f32 v2, v63  }
0x11a: {  	s12 =	sadd.s32 $0x1, s12  }
0x11b: {  	p0 =	sne.s32 s12, $0x4;
	v1 =	vadd.f32 v1, v3;
	v2 =	vadd.f32 $2.000000000e+00, v2  }
.Ltmp2:
0x11c: {  	_ = 	snop;
	(pc) =	sbr.rel @p0 .LBB2_4-.Ltmp2, $3  }
0x11d: {  	v1 =	vsub.f32 v2, v1;
	_ =	sdelay $0x1  }
0x11e: {  	v1 =	vmax.f32 v1, $0.0e+00  }
0x11f: {  	[tilespmem:s13+$0x15400] =	vst v1  }
0x120: {  	_ =	swait.ge [sflag:s0], $0x2000  }
0x121: {  	[sflag:s0] =	ssyncset.done $0x0  }
0x122: {  	[sflag:s0] =	ssyncadd.s32 $0xFFFFE000  }
0x123: {  	_ =	swait.ge [sflag:s0], $0x2000  }
0x124: {  	[sflag:s0] =	ssyncset.done $0x0  }
0x125: {  	[sflag:s0] =	ssyncadd.s32 $0xFFFFE000  }
0x126: {  	_ =	swait.ge [sflag:s0], $0x2000  }
0x127: {  	[sflag:s0] =	ssyncset.done $0x0  }
0x128: {  	[sflag:s0] =	ssyncadd.s32 $0xFFFFE000  }
0x129: {  	_ =	swait.ge [sflag:s0], $0x2000  }
0x12a: {  	[sflag:s0] =	ssyncset.done $0x0  }
0x12b: {  	[sflag:s0] =	ssyncadd.s32 $0xFFFFE000  }
0x12c: {  	_ =	swait.ge [sflag:s0], $0x2000  }
0x12d: {  	[sflag:s0] =	ssyncset.done $0x0  }
0x12e: {  	s11 =	simm.s32 $0xA80;
	[sflag:s0] =	ssyncadd.s32 $0xFFFFE000  }
0x12f: {  	[tilespmem:s29], [sflag:$0x1] =	stream.indirect.gather [hbm4b:s24+s1], $0x80, s11, s1, $0xb8;
	[tilespmem:$0x15600] =	vst v63  }
0x130: {  	s18 =	simm.s32 $0xC80  }
0x131: {  	[tilespmem:s31], [sflag:$0x1] =	stream.indirect.gather [hbm4b:s25+s1], $0x80, s18, s1, $0xb8;
	[tilespmem:$0x15600] =	vst v63  }
0x132: {  	s19 =	simm.s32 $0xE80  }
0x133: {  	[tilespmem:s30], [sflag:$0x1] =	stream.indirect.gather [hbm4b:s24+s1], $0x80, s19, s1, $0xb8;
	[tilespmem:$0x15600] =	vst v63  }
0x134: {  	s20 =	simm.s32 $0x1080  }
0x135: {  	[tilespmem:s28], [sflag:$0x1] =	stream.indirect.gather [hbm4b:s24+s1], $0x80, s20, s1, $0xb8;
	[tilespmem:$0x15600] =	vst v63  }
0x136: {  	s21 =	simm.s32 $0x1280;
	s12 =	simm.s32 $0x0;
	s11 =	simm.s32 $0x0  }
0x137: {  	[tilespmem:s3], [sflag:$0x1] =	stream.indirect.gather [hbm4b:s24+s1], $0x80, s21, s1, $0xb8;
	[tilespmem:$0x15600] =	vst v63  }
.LBB2_8:
0x138: {  	s14 =	sshll.u32 s12, $0x4  }
0x139: {  	v1 =	vld [tilespmem:s14+$0x240];
	_ =	sdelay $0x1  }
0x13a: {  	v3 =	vld [tilespmem:s14+$0x640];
	_ =	sdelay $0x1  }
0x13b: {  	v4 =	vmov s14  }
0x13c: {  	s13 =	sor.u32 $0x40, s14;
	v4 =	vshll.u32 v4, $0x7;
	v1 =	vshll.u32 v1, $0x6  }
0x13d: {  	v2 =	vld [tilespmem:s13+$0x0];
	v5 =	vor.u32 v0, v4;
	v1 =	vand.u32 $0x40, v1  }
0x13e: {  	v3 =	vshll.u32 v3, $0x6;
	v1 =	vor.u32 v5, v1  }
0x13f: {  	s16 =	simm.s32 $0x1;
	v3 =	vand.u32 $0x40, v3;
	v6 =	vor.u32 s11, v1  }
0x140: {  	s17 =	simm.s32 $0x4;
	v3 =	vor.u32 v5, v3;
	v7 =	vor.u32 s16, v1  }
0x141: {  	s19 =	simm.s32 $0x5;
	v4 =	vld [tilespmem:s14+$0x840];
	v10 =	vor.u32 s17, v3  }
0x142: {  	v2 =	vshll.u32 v2, $0x6;
	v11 =	vor.u32 s19, v3  }
0x143: {  	s18 =	simm.s32 $0x2;
	v8 =	vld [tilespmem:s14+$0x440];
	v2 =	vand.u32 $0x40, v2;
	v14 =	vor.u32 s19, v1  }
0x144: {  	v2 =	vor.u32 v5, v2;
	v24 =	vor.u32 s18, v1;
	v13 =	vld.idx.msk [tilespmem:v6+s5+$0x0], $0xffff  }
0x145: {  	v9 =	vor.u32 s16, v2;
	v15 =	vld.idx.msk [tilespmem:v7+s5+$0x0], $0xffff  }
0x146: {  	v4 =	vshll.u32 v4, $0x6;
	v20 =	vor.u32 s11, v2;
	v10 =	vld.idx.msk [tilespmem:v10+s7+$0x0], $0xffff  }
0x147: {  	s15 =	simm.s32 $0x3;
	v4 =	vand.u32 $0x40, v4;
	v26 =	vor.u32 s18, v2;
	v11 =	vld.idx.msk [tilespmem:v11+s7+$0x0], $0xffff  }
0x148: {  	v12 =	vor.u32 s15, v1;
	v4 =	vor.u32 v5, v4;
	v19 =	vld.idx.msk [tilespmem:v14+s5+$0x0], $0xffff  }
0x149: {  	v23 =	vor.u32 s16, v4;
	v24 =	vld.idx.msk [tilespmem:v24+s5+$0x0], $0xffff  }
0x14a: {  	v30 =	vor.u32 s17, v4;
	v16 =	vld.idx.msk [tilespmem:v9+s4+$0x0], $0xffff  }
0x14b: {  	v6 =	vshll.u32 v8, $0x6;
	v9 =	vor.u32 s17, v1;
	v20 =	vld.idx.msk [tilespmem:v20+s4+$0x0], $0xffff  }
0x14c: {  	v7 =	vor.u32 s11, v4;
	v6 =	vand.u32 $0x40, v6;
	v26 =	vld.idx.msk [tilespmem:v26+s4+$0x0], $0xffff  }
0x14d: {  	v8 =	vor.u32 s15, v2;
	v5 =	vor.u32 v5, v6;
	v6 =	vld.idx.msk [tilespmem:v12+s5+$0x0], $0xffff  }
0x14e: {  	v14 =	vor.u32 s18, v4;
	v23 =	vld.idx.msk [tilespmem:v23+s8+$0x0], $0xffff  }
0x14f: {  	v30 =	vld.idx.msk [tilespmem:v30+s8+$0x0], $0xffff;
	v12 =	vor.u32 s17, v5  }
0x150: {  	v21 =	vld.idx.msk [tilespmem:v9+s5+$0x0], $0xffff;
	v9 =	vor.u32 s11, v3  }
0x151: {  	v18 =	vld.idx.msk [tilespmem:v7+s8+$0x0], $0xffff;
	v7 =	vor.u32 s16, v3  }
0x152: {  	v17 =	vor.u32 s11, v5;
	v8 =	vld.idx.msk [tilespmem:v8+s4+$0x0], $0xffff  }
0x153: {  	v27 =	vor.u32 s18, v3;
	v14 =	vld.idx.msk [tilespmem:v14+s8+$0x0], $0xffff  }
0x154: {  	v22 =	vor.u32 s16, v5;
	v12 =	vld.idx.msk [tilespmem:v12+s6+$0x0], $0xffff  }
0x155: {  	s20 =	simm.s32 $0x6;
	v29 =	vor.u32 s17, v2;
	v28 =	vld.idx.msk [tilespmem:v9+s7+$0x0], $0xffff  }
0x156: {  	s21 =	simm.s32 $0x7;
	v33 =	vor.u32 s20, v1;
	v31 =	vor.u32 s18, v5;
	v25 =	vld.idx.msk [tilespmem:v7+s7+$0x0], $0xffff  }
0x157: {  	v35 =	vor.u32 s15, v3;
	v60 =	vor.u32 s21, v1;
	v36 =	vor.u32 s19, v2;
	v17 =	vld.idx.msk [tilespmem:v17+s6+$0x0], $0xffff  }
0x158: {  	v34 =	vadd.f32 v10, v21;
	v10 =	vadd.f32 v20, v13;
	v20 =	vld.idx.msk [tilespmem:v27+s7+$0x0], $0xffff;
	v27 =	vor.u32 s20, v2  }
0x159: {  	v39 =	vor.u32 s21, v2;
	v32 =	vor.u32 s15, v5;
	v22 =	vld.idx.msk [tilespmem:v22+s6+$0x0], $0xffff;
	v9 =	vadd.f32 v8, v6  }
0x15a: {  	v38 =	vor.u32 s20, v4;
	v8 =	vadd.f32 v11, v19;
	v11 =	vadd.f32 v28, v13;
	v28 =	vld.idx.msk [tilespmem:v29+s4+$0x0], $0xffff  }
0x15b: {  	v13 =	vadd.f32 v16, v15;
	v15 =	vadd.f32 v25, v15;
	v16 =	vld.idx.msk [tilespmem:v31+s6+$0x0], $0xffff;
	v25 =	vor.u32 s20, v5  }
0x15c: {  	v26 =	vadd.f32 v26, v24;
	v29 =	vsub.f32 v10, v17;
	v31 =	vor.u32 s15, v4;
	v17 =	vld.idx.msk [tilespmem:v33+s5+$0x0], $0xffff  }
0x15d: {  	v7 =	vimm.f32 $0.0e+00;
	v37 =	vld.idx.msk [tilespmem:v27+s4+$0x0], $0xffff;
	v20 =	vadd.f32 v20, v24;
	v24 =	vor.u32 s20, v3  }
0x15e: {  	v10 =	vor.u32 s21, v4;
	v11 =	vsub.f32 v11, v18;
	v58 =	vsub.f32 v13, v22;
	v13 =	vld.idx.msk [tilespmem:v32+s6+$0x0], $0xffff  }
0x15f: {  	v18 =	vor.u32 s21, v5;
	v23 =	vsub.f32 v15, v23;
	v21 =	vadd.f32 v28, v21;
	v28 =	vld.idx.msk [tilespmem:v36+s4+$0x0], $0xffff  }
0x160: {  	v22 =	vor.u32 s19, v4;
	v14 =	vsub.f32 v20, v14;
	v11 =	vand.u32 $0x7FFFFFFF, v11;
	v25 =	vld.idx.msk [tilespmem:v25+s6+$0x0], $0xffff  }
0x161: {  	v59 =	vand.u32 $0x7FFFFFFF, v58;
	v23 =	vand.u32 $0x7FFFFFFF, v23;
	v61 =	vadd.f32 v11, v7;
	v11 =	vld.idx.msk [tilespmem:v31+s8+$0x0], $0xffff  }
0x162: {  	v16 =	vsub.f32 v26, v16;
	v26 =	vand.u32 $0x7FFFFFFF, v14;
	v14 =	vsub.f32 v34, v30;
	v27 =	vld.idx.msk [tilespmem:v24+s7+$0x0], $0xffff  }
0x163: {  	v31 =	vor.u32 s19, v5;
	v20 =	vsub.f32 v21, v12;
	v21 =	vand.u32 $0x7FFFFFFF, v29;
	v12 =	vld.idx.msk [tilespmem:v35+s7+$0x0], $0xffff  }
0x164: {  	v63 =	vand.u32 $0x7FFFFFFF, v16;
	v29 =	vadd.f32 v37, v17;
	v16 =	vld.idx.msk [tilespmem:v60+s5+$0x0], $0xffff;
	v62 =	vadd.f32 v21, v7  }
0x165: {  	v30 =	vor.u32 s21, v3;
	v15 =	vadd.f32 v26, v61;
	v26 =	vld.idx.msk [tilespmem:v38+s8+$0x0], $0xffff;
	v21 =	vadd.f32 v59, v7  }
0x166: {  	s14 =	simm.s32 $0x8;
	v20 =	vand.u32 $0x7FFFFFFF, v20;
	v19 =	vadd.f32 v28, v19;
	v24 =	vadd.f32 v63, v62;
	v28 =	vld.idx.msk [tilespmem:v39+s4+$0x0], $0xffff  }
.LBB2_9:
0x167: {  	v32 =	vor.u32 s14, v1;
	v33 =	vor.u32 s14, v4;
	s20 =	sadd.s32 $0x1, s14;
	s19 =	sadd.s32 $0x4, s14;
	s15 =	sadd.s32 $0x5, s14;
	v9 =	vsub.f32 v9, v13;
	v22 =	vld.idx.msk [tilespmem:v22+s8+$0x0], $0xffff  }
0x168: {  	s18 =	sadd.s32 $0x3, s14;
	s17 =	sadd.s32 $0x6, s14;
	s16 =	sadd.s32 $0x7, s14;
	v25 =	vsub.f32 v29, v25;
	v34 =	vor.u32 s20, v1;
	v35 =	vor.u32 s19, v3;
	v18 =	vld.idx.msk [tilespmem:v18+s6+$0x0], $0xffff  }
0x169: {  	p0 =	slt.u32 s14, $0x38;
	s21 =	smov.u32 s14;
	s14 =	sadd.s32 $0x8, s14;
	v29 =	vor.u32 s20, v2;
	v13 =	vor.u32 s18, v5;
	v17 =	vadd.f32 v27, v17;
	v31 =	vld.idx.msk [tilespmem:v31+s6+$0x0], $0xffff  }
0x16a: {  	v27 =	vor.u32 s20, v3;
	v36 =	vor.u32 s18, v1;
	v37 =	vor.u32 s15, v3;
	v30 =	vld.idx.msk [tilespmem:v30+s7+$0x0], $0xffff  }
0x16b: {  	v40 =	vadd.f32 v12, v6;
	v38 =	vor.u32 s21, v2;
	v39 =	vor.u32 s15, v1;
	v10 =	vld.idx.msk [tilespmem:v10+s8+$0x0], $0xffff  }
0x16c: {  	v41 =	vor.u32 s21, v3;
	v12 =	vor.u32 s18, v3;
	v17 =	vsub.f32 v17, v26;
	v32 =	vld.idx.msk [tilespmem:v32+s5+$0x0], $0xffff  }
0x16d: {  	v42 =	vor.u32 s18, v2;
	v6 =	vadd.f32 v28, v16;
	v26 =	vld.idx.msk [tilespmem:v34+s5+$0x0], $0xffff;
	v34 =	vor.u32 s20, v5  }
0x16e: {  	v43 =	vor.u32 s20, v4;
	v9 =	vand.u32 $0x7FFFFFFF, v9;
	v28 =	vor.u32 s21, v5;
	s20 =	sadd.s32 $0x2, s21;
	v29 =	vld.idx.msk [tilespmem:v29+s4+$0x0], $0xffff  }
0x16f: {  	v8 =	vsub.f32 v8, v22;
	v44 =	vor.u32 s20, v1;
	v45 =	vor.u32 s20, v4;
	v35 =	vld.idx.msk [tilespmem:v35+s7+$0x0], $0xffff  }
0x170: {  	v46 =	vor.u32 s19, v1;
	v18 =	vsub.f32 v6, v18;
	v22 =	vor.u32 s20, v2;
	v37 =	vld.idx.msk [tilespmem:v37+s7+$0x0], $0xffff  }
0x171: {  	v20 =	vadd.f32 v20, v24;
	v47 =	vor.u32 s20, v3;
	v6 =	vld.idx.msk [tilespmem:v36+s5+$0x0], $0xffff;
	v36 =	vor.u32 s19, v5  }
0x172: {  	v7 =	vadd.f32 v23, v7;
	v9 =	vadd.f32 v9, v21;
	v21 =	vand.u32 $0x7FFFFFFF, v25;
	v24 =	vld.idx.msk [tilespmem:v39+s5+$0x0], $0xffff  }
0x173: {  	v14 =	vand.u32 $0x7FFFFFFF, v14;
	v11 =	vsub.f32 v40, v11;
	v19 =	vsub.f32 v19, v31;
	v23 =	vld.idx.msk [tilespmem:v33+s8+$0x0], $0xffff  }
0x174: {  	v14 =	vadd.f32 v14, v15;
	v8 =	vand.u32 $0x7FFFFFFF, v8;
	v15 =	vadd.f32 v30, v16;
	v25 =	vld.idx.msk [tilespmem:v42+s4+$0x0], $0xffff  }
0x175: {  	v11 =	vand.u32 $0x7FFFFFFF, v11;
	v17 =	vand.u32 $0x7FFFFFFF, v17;
	v19 =	vand.u32 $0x7FFFFFFF, v19;
	v16 =	vld.idx.msk [tilespmem:v46+s5+$0x0], $0xffff  }
0x176: {  	v14 =	vadd.f32 v17, v14;
	v17 =	vand.u32 $0x7FFFFFFF, v18;
	v10 =	vsub.f32 v15, v10;
	v30 =	vld.idx.msk [tilespmem:v36+s6+$0x0], $0xffff  }
0x177: {  	v20 =	vadd.f32 v21, v20;
	v7 =	vadd.f32 v11, v7;
	v18 =	vor.u32 s20, v5;
	v15 =	vld.idx.msk [tilespmem:v28+s6+$0x0], $0xffff  }
0x178: {  	v9 =	vadd.f32 v19, v9;
	v11 =	vld.idx.msk [tilespmem:v45+s8+$0x0], $0xffff  }
0x179: {  	v7 =	vadd.f32 v8, v7;
	v8 =	vand.u32 $0x7FFFFFFF, v10;
	v19 =	vld.idx.msk [tilespmem:v27+s7+$0x0], $0xffff  }
0x17a: {  	v21 =	vadd.f32 v17, v9;
	v10 =	vld.idx.msk [tilespmem:v38+s4+$0x0], $0xffff  }
0x17b: {  	v7 =	vadd.f32 v8, v7;
	v9 =	vadd.f32 v25, v6;
	v17 =	vld.idx.msk [tilespmem:v41+s7+$0x0], $0xffff  }
0x17c: {  	v27 =	vor.u32 s19, v2;
	v28 =	vadd.f32 v35, v16;
	v25 =	vld.idx.msk [tilespmem:v34+s6+$0x0], $0xffff  }
0x17d: {  	v33 =	vor.u32 s19, v4;
	v8 =	vadd.f32 v37, v24;
	v31 =	vld.idx.msk [tilespmem:v43+s8+$0x0], $0xffff  }
0x17e: {  	v34 =	vld.idx.msk [tilespmem:v44+s5+$0x0], $0xffff  }
0x17f: {  	v35 =	vor.u32 s17, v1;
	v22 =	vld.idx.msk [tilespmem:v22+s4+$0x0], $0xffff  }
0x180: {  	v37 =	vor.u32 s17, v2;
	v10 =	vadd.f32 v10, v32;
	v36 =	vld.idx.msk [tilespmem:v47+s7+$0x0], $0xffff  }
0x181: {  	v17 =	vadd.f32 v17, v32;
	v27 =	vld.idx.msk [tilespmem:v27+s4+$0x0], $0xffff  }
0x182: {  	v15 =	vsub.f32 v10, v15;
	v10 =	vor.u32 s16, v4;
	v32 =	vld.idx.msk [tilespmem:v33+s8+$0x0], $0xffff;
	v33 =	vor.u32 s15, v2  }
0x183: {  	v29 =	vadd.f32 v29, v26;
	v38 =	vor.u32 s17, v5;
	v19 =	vadd.f32 v19, v26;
	v26 =	vld.idx.msk [tilespmem:v18+s6+$0x0], $0xffff  }
0x184: {  	v39 =	vor.u32 s18, v4;
	v23 =	vsub.f32 v17, v23;
	v18 =	vor.u32 s16, v5;
	v17 =	vld.idx.msk [tilespmem:v35+s5+$0x0], $0xffff  }
0x185: {  	v25 =	vsub.f32 v29, v25;
	v29 =	vadd.f32 v22, v34;
	v22 =	vor.u32 s15, v4;
	v35 =	vld.idx.msk [tilespmem:v37+s4+$0x0], $0xffff  }
0x186: {  	v23 =	vand.u32 $0x7FFFFFFF, v23;
	v34 =	vadd.f32 v36, v34;
	v36 =	vor.u32 s17, v3;
	v13 =	vld.idx.msk [tilespmem:v13+s6+$0x0], $0xffff  }
0x187: {  	v40 =	vor.u32 s16, v1;
	v37 =	vand.u32 $0x7FFFFFFF, v25;
	v16 =	vadd.f32 v27, v16;
	v33 =	vld.idx.msk [tilespmem:v33+s4+$0x0], $0xffff  }
0x188: {  	v23 =	vadd.f32 v23, v14;
	v14 =	vsub.f32 v34, v11;
	v34 =	vor.u32 s17, v4;
	v25 =	vld.idx.msk [tilespmem:v38+s6+$0x0], $0xffff  }
0x189: {  	v26 =	vsub.f32 v29, v26;
	v30 =	vsub.f32 v16, v30;
	v38 =	vor.u32 s16, v2;
	v11 =	vld.idx.msk [tilespmem:v39+s8+$0x0], $0xffff  }
.Ltmp3:
0x18a: {  	v15 =	vand.u32 $0x7FFFFFFF, v15;
	v16 =	vand.u32 $0x7FFFFFFF, v14;
	v14 =	vsub.f32 v28, v32;
	v12 =	vld.idx.msk [tilespmem:v12+s7+$0x0], $0xffff;
	(pc) =	sbr.rel @p0 .LBB2_9-.Ltmp3, $4  }
0x18b: {  	v28 =	vadd.f32 v15, v20;
	v32 =	vand.u32 $0x7FFFFFFF, v26;
	v29 =	vadd.f32 v35, v17;
	v27 =	vld.idx.msk [tilespmem:v36+s7+$0x0], $0xffff  }
0x18c: {  	v35 =	vsub.f32 v19, v31;
	v15 =	vadd.f32 v16, v23;
	v31 =	vor.u32 s15, v5;
	v16 =	vld.idx.msk [tilespmem:v40+s5+$0x0], $0xffff  }
0x18d: {  	v20 =	vand.u32 $0x7FFFFFFF, v30;
	v30 =	vor.u32 s16, v3;
	v19 =	vadd.f32 v33, v24;
	v26 =	vld.idx.msk [tilespmem:v34+s8+$0x0], $0xffff  }
0x18e: {  	v21 =	vadd.f32 v37, v21;
	v23 =	vand.u32 $0x7FFFFFFF, v35;
	v24 =	vadd.f32 v32, v28;
	v28 =	vld.idx.msk [tilespmem:v38+s4+$0x0], $0xffff  }
0x18f: {  	_ =	sdelay $0x3  }
0x190: {  	v1 =	vld.idx.msk [tilespmem:v22+s8+$0x0], $0xffff  }
0x191: {  	v3 =	vsub.f32 v9, v13;
	v4 =	vld.idx.msk [tilespmem:v31+s6+$0x0], $0xffff;
	v55 =	vsub.f32 v29, v25  }
0x192: {  	v2 =	vld.idx.msk [tilespmem:v18+s6+$0x0], $0xffff;
	v6 =	vadd.f32 v12, v6;
	v7 =	vadd.f32 v23, v7  }
0x193: {  	v57 =	vld.idx.msk [tilespmem:v30+s7+$0x0], $0xffff;
	v60 =	vand.u32 $0x7FFFFFFF, v14;
	v5 =	vadd.f32 v27, v17;
	v59 =	vadd.f32 v20, v24  }
0x194: {  	v3 =	vand.u32 $0x7FFFFFFF, v3;
	v6 =	vsub.f32 v6, v11;
	v11 =	vadd.f32 v60, v15  }
0x195: {  	v58 =	vld.idx.msk [tilespmem:v10+s8+$0x0], $0xffff;
	v5 =	vsub.f32 v5, v26;
	v3 =	vadd.f32 v3, v21  }
0x196: {  	v9 =	vand.u32 $0x7FFFFFFF, v55;
	v56 =	vadd.f32 v28, v16;
	v4 =	vsub.f32 v19, v4  }
0x197: {  	v63 =	vadd.f32 v9, v59;
	v6 =	vand.u32 $0x7FFFFFFF, v6;
	v1 =	vsub.f32 v8, v1  }
0x198: {  	v61 =	vadd.f32 v57, v16;
	v2 =	vsub.f32 v56, v2;
	v4 =	vand.u32 $0x7FFFFFFF, v4  }
0x199: {  	v6 =	vadd.f32 v6, v7;
	v3 =	vadd.f32 v4, v3  }
0x19a: {  	v1 =	vand.u32 $0x7FFFFFFF, v1;
	v62 =	vsub.f32 v61, v58;
	v2 =	vand.u32 $0x7FFFFFFF, v2  }
0x19b: {  	v5 =	vand.u32 $0x7FFFFFFF, v5;
	v1 =	vadd.f32 v1, v6;
	v2 =	vadd.f32 v2, v3  }
0x19c: {  	v4 =	vand.u32 $0x7FFFFFFF, v62;
	v3 =	vadd.f32 v5, v11  }
0x19d: {  	v1 =	vadd.f32 v4, v1;
	v2 =	vadd.f32 v2, v63  }
0x19e: {  	s12 =	sadd.s32 $0x1, s12  }
0x19f: {  	p0 =	sne.s32 s12, $0x4;
	v1 =	vadd.f32 v1, v3;
	v2 =	vadd.f32 $2.000000000e+00, v2  }
.Ltmp4:
0x1a0: {  	_ = 	snop;
	(pc) =	sbr.rel @p0 .LBB2_8-.Ltmp4, $3  }
0x1a1: {  	v1 =	vsub.f32 v2, v1;
	_ =	sdelay $0x1  }
0x1a2: {  	v1 =	vmax.f32 v1, $0.0e+00  }
0x1a3: {  	[tilespmem:s13+$0x15400] =	vst v1  }
0x1a4: {  	_ =	swait.ge [sflag:s0], $0x2000  }
0x1a5: {  	[sflag:s0] =	ssyncset.done $0x0  }
0x1a6: {  	[sflag:s0] =	ssyncadd.s32 $0xFFFFE000  }
0x1a7: {  	_ =	swait.ge [sflag:s0], $0x2000  }
0x1a8: {  	[sflag:s0] =	ssyncset.done $0x0  }
0x1a9: {  	[sflag:s0] =	ssyncadd.s32 $0xFFFFE000  }
0x1aa: {  	_ =	swait.ge [sflag:s0], $0x2000  }
0x1ab: {  	[sflag:s0] =	ssyncset.done $0x0  }
0x1ac: {  	[sflag:s0] =	ssyncadd.s32 $0xFFFFE000  }
0x1ad: {  	_ =	swait.ge [sflag:s0], $0x2000  }
0x1ae: {  	[sflag:s0] =	ssyncset.done $0x0  }
0x1af: {  	[sflag:s0] =	ssyncadd.s32 $0xFFFFE000  }
0x1b0: {  	_ =	swait.ge [sflag:s0], $0x2000  }
0x1b1: {  	[sflag:s0] =	ssyncset.done $0x0  }
0x1b2: {  	s11 =	simm.s32 $0xAC0;
	[sflag:s0] =	ssyncadd.s32 $0xFFFFE000  }
0x1b3: {  	[tilespmem:s4], [sflag:$0x1] =	stream.indirect.gather [hbm4b:s24+s1], $0x80, s11, s1, $0xb8;
	[tilespmem:$0x15600] =	vst v63  }
0x1b4: {  	s18 =	simm.s32 $0xCC0  }
0x1b5: {  	[tilespmem:s5], [sflag:$0x1] =	stream.indirect.gather [hbm4b:s25+s1], $0x80, s18, s1, $0xb8;
	[tilespmem:$0x15600] =	vst v63  }
0x1b6: {  	s19 =	simm.s32 $0xEC0  }
0x1b7: {  	[tilespmem:s6], [sflag:$0x1] =	stream.indirect.gather [hbm4b:s24+s1], $0x80, s19, s1, $0xb8;
	[tilespmem:$0x15600] =	vst v63  }
0x1b8: {  	s20 =	simm.s32 $0x10C0  }
0x1b9: {  	[tilespmem:s7], [sflag:$0x1] =	stream.indirect.gather [hbm4b:s24+s1], $0x80, s20, s1, $0xb8;
	[tilespmem:$0x15600] =	vst v63  }
0x1ba: {  	s21 =	simm.s32 $0x12C0;
	s12 =	simm.s32 $0x0;
	s11 =	simm.s32 $0x0  }
0x1bb: {  	[tilespmem:s8], [sflag:$0x1] =	stream.indirect.gather [hbm4b:s24+s1], $0x80, s21, s1, $0xb8;
	[tilespmem:$0x15600] =	vst v63  }
.LBB2_12:
0x1bc: {  	s14 =	sshll.u32 s12, $0x4  }
0x1bd: {  	v1 =	vld [tilespmem:s14+$0x280];
	_ =	sdelay $0x1  }
0x1be: {  	v3 =	vld [tilespmem:s14+$0x680];
	_ =	sdelay $0x1  }
0x1bf: {  	v4 =	vmov s14  }
0x1c0: {  	s13 =	sor.u32 $0x80, s14;
	v4 =	vshll.u32 v4, $0x7;
	v1 =	vshll.u32 v1, $0x6  }
0x1c1: {  	v2 =	vld [tilespmem:s13+$0x0];
	v5 =	vor.u32 v0, v4;
	v1 =	vand.u32 $0x40, v1  }
0x1c2: {  	v3 =	vshll.u32 v3, $0x6;
	v1 =	vor.u32 v5, v1  }
0x1c3: {  	s16 =	simm.s32 $0x1;
	v3 =	vand.u32 $0x40, v3;
	v6 =	vor.u32 s11, v1  }
0x1c4: {  	s17 =	simm.s32 $0x4;
	v3 =	vor.u32 v5, v3;
	v7 =	vor.u32 s16, v1  }
0x1c5: {  	s19 =	simm.s32 $0x5;
	v4 =	vld [tilespmem:s14+$0x880];
	v10 =	vor.u32 s17, v3  }
0x1c6: {  	v2 =	vshll.u32 v2, $0x6;
	v11 =	vor.u32 s19, v3  }
0x1c7: {  	s18 =	simm.s32 $0x2;
	v8 =	vld [tilespmem:s14+$0x480];
	v2 =	vand.u32 $0x40, v2;
	v14 =	vor.u32 s19, v1  }
0x1c8: {  	v2 =	vor.u32 v5, v2;
	v24 =	vor.u32 s18, v1;
	v13 =	vld.idx.msk [tilespmem:v6+s31+$0x0], $0xffff  }
0x1c9: {  	v9 =	vor.u32 s16, v2;
	v15 =	vld.idx.msk [tilespmem:v7+s31+$0x0], $0xffff  }
0x1ca: {  	v4 =	vshll.u32 v4, $0x6;
	v20 =	vor.u32 s11, v2;
	v10 =	vld.idx.msk [tilespmem:v10+s28+$0x0], $0xffff  }
0x1cb: {  	s15 =	simm.s32 $0x3;
	v4 =	vand.u32 $0x40, v4;
	v26 =	vor.u32 s18, v2;
	v11 =	vld.idx.msk [tilespmem:v11+s28+$0x0], $0xffff  }
0x1cc: {  	v12 =	vor.u32 s15, v1;
	v4 =	vor.u32 v5, v4;
	v19 =	vld.idx.msk [tilespmem:v14+s31+$0x0], $0xffff  }
0x1cd: {  	v23 =	vor.u32 s16, v4;
	v24 =	vld.idx.msk [tilespmem:v24+s31+$0x0], $0xffff  }
0x1ce: {  	v30 =	vor.u32 s17, v4;
	v16 =	vld.idx.msk [tilespmem:v9+s29+$0x0], $0xffff  }
0x1cf: {  	v6 =	vshll.u32 v8, $0x6;
	v9 =	vor.u32 s17, v1;
	v20 =	vld.idx.msk [tilespmem:v20+s29+$0x0], $0xffff  }
0x1d0: {  	v7 =	vor.u32 s11, v4;
	v6 =	vand.u32 $0x40, v6;
	v26 =	vld.idx.msk [tilespmem:v26+s29+$0x0], $0xffff  }
0x1d1: {  	v8 =	vor.u32 s15, v2;
	v5 =	vor.u32 v5, v6;
	v6 =	vld.idx.msk [tilespmem:v12+s31+$0x0], $0xffff  }
0x1d2: {  	v14 =	vor.u32 s18, v4;
	v23 =	vld.idx.msk [tilespmem:v23+s3+$0x0], $0xffff  }
0x1d3: {  	v30 =	vld.idx.msk [tilespmem:v30+s3+$0x0], $0xffff;
	v12 =	vor.u32 s17, v5  }
0x1d4: {  	v21 =	vld.idx.msk [tilespmem:v9+s31+$0x0], $0xffff;
	v9 =	vor.u32 s11, v3  }
0x1d5: {  	v18 =	vld.idx.msk [tilespmem:v7+s3+$0x0], $0xffff;
	v7 =	vor.u32 s16, v3  }
0x1d6: {  	v17 =	vor.u32 s11, v5;
	v8 =	vld.idx.msk [tilespmem:v8+s29+$0x0], $0xffff  }
0x1d7: {  	v27 =	vor.u32 s18, v3;
	v14 =	vld.idx.msk [tilespmem:v14+s3+$0x0], $0xffff  }
0x1d8: {  	v22 =	vor.u32 s16, v5;
	v12 =	vld.idx.msk [tilespmem:v12+s30+$0x0], $0xffff  }
0x1d9: {  	s20 =	simm.s32 $0x6;
	v29 =	vor.u32 s17, v2;
	v28 =	vld.idx.msk [tilespmem:v9+s28+$0x0], $0xffff  }
0x1da: {  	s21 =	simm.s32 $0x7;
	v33 =	vor.u32 s20, v1;
	v31 =	vor.u32 s18, v5;
	v25 =	vld.idx.msk [tilespmem:v7+s28+$0x0], $0xffff  }
0x1db: {  	v35 =	vor.u32 s15, v3;
	v60 =	vor.u32 s21, v1;
	v36 =	vor.u32 s19, v2;
	v17 =	vld.idx.msk [tilespmem:v17+s30+$0x0], $0xffff  }
0x1dc: {  	v34 =	vadd.f32 v10, v21;
	v10 =	vadd.f32 v20, v13;
	v20 =	vld.idx.msk [tilespmem:v27+s28+$0x0], $0xffff;
	v27 =	vor.u32 s20, v2  }
0x1dd: {  	v39 =	vor.u32 s21, v2;
	v32 =	vor.u32 s15, v5;
	v22 =	vld.idx.msk [tilespmem:v22+s30+$0x0], $0xffff;
	v9 =	vadd.f32 v8, v6  }
0x1de: {  	v38 =	vor.u32 s20, v4;
	v8 =	vadd.f32 v11, v19;
	v11 =	vadd.f32 v28, v13;
	v28 =	vld.idx.msk [tilespmem:v29+s29+$0x0], $0xffff  }
0x1df: {  	v13 =	vadd.f32 v16, v15;
	v15 =	vadd.f32 v25, v15;
	v16 =	vld.idx.msk [tilespmem:v31+s30+$0x0], $0xffff;
	v25 =	vor.u32 s20, v5  }
0x1e0: {  	v26 =	vadd.f32 v26, v24;
	v29 =	vsub.f32 v10, v17;
	v31 =	vor.u32 s15, v4;
	v17 =	vld.idx.msk [tilespmem:v33+s31+$0x0], $0xffff  }
0x1e1: {  	v7 =	vimm.f32 $0.0e+00;
	v37 =	vld.idx.msk [tilespmem:v27+s29+$0x0], $0xffff;
	v20 =	vadd.f32 v20, v24;
	v24 =	vor.u32 s20, v3  }
0x1e2: {  	v10 =	vor.u32 s21, v4;
	v11 =	vsub.f32 v11, v18;
	v58 =	vsub.f32 v13, v22;
	v13 =	vld.idx.msk [tilespmem:v32+s30+$0x0], $0xffff  }
0x1e3: {  	v18 =	vor.u32 s21, v5;
	v23 =	vsub.f32 v15, v23;
	v21 =	vadd.f32 v28, v21;
	v28 =	vld.idx.msk [tilespmem:v36+s29+$0x0], $0xffff  }
0x1e4: {  	v22 =	vor.u32 s19, v4;
	v14 =	vsub.f32 v20, v14;
	v11 =	vand.u32 $0x7FFFFFFF, v11;
	v25 =	vld.idx.msk [tilespmem:v25+s30+$0x0], $0xffff  }
0x1e5: {  	v59 =	vand.u32 $0x7FFFFFFF, v58;
	v23 =	vand.u32 $0x7FFFFFFF, v23;
	v61 =	vadd.f32 v11, v7;
	v11 =	vld.idx.msk [tilespmem:v31+s3+$0x0], $0xffff  }
0x1e6: {  	v16 =	vsub.f32 v26, v16;
	v26 =	vand.u32 $0x7FFFFFFF, v14;
	v14 =	vsub.f32 v34, v30;
	v27 =	vld.idx.msk [tilespmem:v24+s28+$0x0], $0xffff  }
0x1e7: {  	v31 =	vor.u32 s19, v5;
	v20 =	vsub.f32 v21, v12;
	v21 =	vand.u32 $0x7FFFFFFF, v29;
	v12 =	vld.idx.msk [tilespmem:v35+s28+$0x0], $0xffff  }
0x1e8: {  	v63 =	vand.u32 $0x7FFFFFFF, v16;
	v29 =	vadd.f32 v37, v17;
	v16 =	vld.idx.msk [tilespmem:v60+s31+$0x0], $0xffff;
	v62 =	vadd.f32 v21, v7  }
0x1e9: {  	v30 =	vor.u32 s21, v3;
	v15 =	vadd.f32 v26, v61;
	v26 =	vld.idx.msk [tilespmem:v38+s3+$0x0], $0xffff;
	v21 =	vadd.f32 v59, v7  }
0x1ea: {  	s14 =	simm.s32 $0x8;
	v20 =	vand.u32 $0x7FFFFFFF, v20;
	v19 =	vadd.f32 v28, v19;
	v24 =	vadd.f32 v63, v62;
	v28 =	vld.idx.msk [tilespmem:v39+s29+$0x0], $0xffff  }
.LBB2_13:
0x1eb: {  	v32 =	vor.u32 s14, v1;
	v33 =	vor.u32 s14, v4;
	s20 =	sadd.s32 $0x1, s14;
	s19 =	sadd.s32 $0x4, s14;
	s15 =	sadd.s32 $0x5, s14;
	v9 =	vsub.f32 v9, v13;
	v22 =	vld.idx.msk [tilespmem:v22+s3+$0x0], $0xffff  }
0x1ec: {  	s18 =	sadd.s32 $0x3, s14;
	s17 =	sadd.s32 $0x6, s14;
	s16 =	sadd.s32 $0x7, s14;
	v25 =	vsub.f32 v29, v25;
	v34 =	vor.u32 s20, v1;
	v35 =	vor.u32 s19, v3;
	v18 =	vld.idx.msk [tilespmem:v18+s30+$0x0], $0xffff  }
0x1ed: {  	p0 =	slt.u32 s14, $0x38;
	s21 =	smov.u32 s14;
	s14 =	sadd.s32 $0x8, s14;
	v29 =	vor.u32 s20, v2;
	v13 =	vor.u32 s18, v5;
	v17 =	vadd.f32 v27, v17;
	v31 =	vld.idx.msk [tilespmem:v31+s30+$0x0], $0xffff  }
0x1ee: {  	v27 =	vor.u32 s20, v3;
	v36 =	vor.u32 s18, v1;
	v37 =	vor.u32 s15, v3;
	v30 =	vld.idx.msk [tilespmem:v30+s28+$0x0], $0xffff  }
0x1ef: {  	v40 =	vadd.f32 v12, v6;
	v38 =	vor.u32 s21, v2;
	v39 =	vor.u32 s15, v1;
	v10 =	vld.idx.msk [tilespmem:v10+s3+$0x0], $0xffff  }
0x1f0: {  	v41 =	vor.u32 s21, v3;
	v12 =	vor.u32 s18, v3;
	v17 =	vsub.f32 v17, v26;
	v32 =	vld.idx.msk [tilespmem:v32+s31+$0x0], $0xffff  }
0x1f1: {  	v42 =	vor.u32 s18, v2;
	v6 =	vadd.f32 v28, v16;
	v26 =	vld.idx.msk [tilespmem:v34+s31+$0x0], $0xffff;
	v34 =	vor.u32 s20, v5  }
0x1f2: {  	v43 =	vor.u32 s20, v4;
	v9 =	vand.u32 $0x7FFFFFFF, v9;
	v28 =	vor.u32 s21, v5;
	s20 =	sadd.s32 $0x2, s21;
	v29 =	vld.idx.msk [tilespmem:v29+s29+$0x0], $0xffff  }
0x1f3: {  	v8 =	vsub.f32 v8, v22;
	v44 =	vor.u32 s20, v1;
	v45 =	vor.u32 s20, v4;
	v35 =	vld.idx.msk [tilespmem:v35+s28+$0x0], $0xffff  }
0x1f4: {  	v46 =	vor.u32 s19, v1;
	v18 =	vsub.f32 v6, v18;
	v22 =	vor.u32 s20, v2;
	v37 =	vld.idx.msk [tilespmem:v37+s28+$0x0], $0xffff  }
0x1f5: {  	v20 =	vadd.f32 v20, v24;
	v47 =	vor.u32 s20, v3;
	v6 =	vld.idx.msk [tilespmem:v36+s31+$0x0], $0xffff;
	v36 =	vor.u32 s19, v5  }
0x1f6: {  	v7 =	vadd.f32 v23, v7;
	v9 =	vadd.f32 v9, v21;
	v21 =	vand.u32 $0x7FFFFFFF, v25;
	v24 =	vld.idx.msk [tilespmem:v39+s31+$0x0], $0xffff  }
0x1f7: {  	v14 =	vand.u32 $0x7FFFFFFF, v14;
	v11 =	vsub.f32 v40, v11;
	v19 =	vsub.f32 v19, v31;
	v23 =	vld.idx.msk [tilespmem:v33+s3+$0x0], $0xffff  }
0x1f8: {  	v14 =	vadd.f32 v14, v15;
	v8 =	vand.u32 $0x7FFFFFFF, v8;
	v15 =	vadd.f32 v30, v16;
	v25 =	vld.idx.msk [tilespmem:v42+s29+$0x0], $0xffff  }
0x1f9: {  	v11 =	vand.u32 $0x7FFFFFFF, v11;
	v17 =	vand.u32 $0x7FFFFFFF, v17;
	v19 =	vand.u32 $0x7FFFFFFF, v19;
	v16 =	vld.idx.msk [tilespmem:v46+s31+$0x0], $0xffff  }
0x1fa: {  	v14 =	vadd.f32 v17, v14;
	v17 =	vand.u32 $0x7FFFFFFF, v18;
	v10 =	vsub.f32 v15, v10;
	v30 =	vld.idx.msk [tilespmem:v36+s30+$0x0], $0xffff  }
0x1fb: {  	v20 =	vadd.f32 v21, v20;
	v7 =	vadd.f32 v11, v7;
	v18 =	vor.u32 s20, v5;
	v15 =	vld.idx.msk [tilespmem:v28+s30+$0x0], $0xffff  }
0x1fc: {  	v9 =	vadd.f32 v19, v9;
	v11 =	vld.idx.msk [tilespmem:v45+s3+$0x0], $0xffff  }
0x1fd: {  	v7 =	vadd.f32 v8, v7;
	v8 =	vand.u32 $0x7FFFFFFF, v10;
	v19 =	vld.idx.msk [tilespmem:v27+s28+$0x0], $0xffff  }
0x1fe: {  	v21 =	vadd.f32 v17, v9;
	v10 =	vld.idx.msk [tilespmem:v38+s29+$0x0], $0xffff  }
0x1ff: {  	v7 =	vadd.f32 v8, v7;
	v9 =	vadd.f32 v25, v6;
	v17 =	vld.idx.msk [tilespmem:v41+s28+$0x0], $0xffff  }
0x200: {  	v27 =	vor.u32 s19, v2;
	v28 =	vadd.f32 v35, v16;
	v25 =	vld.idx.msk [tilespmem:v34+s30+$0x0], $0xffff  }
0x201: {  	v33 =	vor.u32 s19, v4;
	v8 =	vadd.f32 v37, v24;
	v31 =	vld.idx.msk [tilespmem:v43+s3+$0x0], $0xffff  }
0x202: {  	v34 =	vld.idx.msk [tilespmem:v44+s31+$0x0], $0xffff  }
0x203: {  	v35 =	vor.u32 s17, v1;
	v22 =	vld.idx.msk [tilespmem:v22+s29+$0x0], $0xffff  }
0x204: {  	v37 =	vor.u32 s17, v2;
	v10 =	vadd.f32 v10, v32;
	v36 =	vld.idx.msk [tilespmem:v47+s28+$0x0], $0xffff  }
0x205: {  	v17 =	vadd.f32 v17, v32;
	v27 =	vld.idx.msk [tilespmem:v27+s29+$0x0], $0xffff  }
0x206: {  	v15 =	vsub.f32 v10, v15;
	v10 =	vor.u32 s16, v4;
	v32 =	vld.idx.msk [tilespmem:v33+s3+$0x0], $0xffff;
	v33 =	vor.u32 s15, v2  }
0x207: {  	v29 =	vadd.f32 v29, v26;
	v38 =	vor.u32 s17, v5;
	v19 =	vadd.f32 v19, v26;
	v26 =	vld.idx.msk [tilespmem:v18+s30+$0x0], $0xffff  }
0x208: {  	v39 =	vor.u32 s18, v4;
	v23 =	vsub.f32 v17, v23;
	v18 =	vor.u32 s16, v5;
	v17 =	vld.idx.msk [tilespmem:v35+s31+$0x0], $0xffff  }
0x209: {  	v25 =	vsub.f32 v29, v25;
	v29 =	vadd.f32 v22, v34;
	v22 =	vor.u32 s15, v4;
	v35 =	vld.idx.msk [tilespmem:v37+s29+$0x0], $0xffff  }
0x20a: {  	v23 =	vand.u32 $0x7FFFFFFF, v23;
	v34 =	vadd.f32 v36, v34;
	v36 =	vor.u32 s17, v3;
	v13 =	vld.idx.msk [tilespmem:v13+s30+$0x0], $0xffff  }
0x20b: {  	v40 =	vor.u32 s16, v1;
	v37 =	vand.u32 $0x7FFFFFFF, v25;
	v16 =	vadd.f32 v27, v16;
	v33 =	vld.idx.msk [tilespmem:v33+s29+$0x0], $0xffff  }
0x20c: {  	v23 =	vadd.f32 v23, v14;
	v14 =	vsub.f32 v34, v11;
	v34 =	vor.u32 s17, v4;
	v25 =	vld.idx.msk [tilespmem:v38+s30+$0x0], $0xffff  }
0x20d: {  	v26 =	vsub.f32 v29, v26;
	v30 =	vsub.f32 v16, v30;
	v38 =	vor.u32 s16, v2;
	v11 =	vld.idx.msk [tilespmem:v39+s3+$0x0], $0xffff  }
.Ltmp5:
0x20e: {  	v15 =	vand.u32 $0x7FFFFFFF, v15;
	v16 =	vand.u32 $0x7FFFFFFF, v14;
	v14 =	vsub.f32 v28, v32;
	v12 =	vld.idx.msk [tilespmem:v12+s28+$0x0], $0xffff;
	(pc) =	sbr.rel @p0 .LBB2_13-.Ltmp5, $4  }
0x20f: {  	v28 =	vadd.f32 v15, v20;
	v32 =	vand.u32 $0x7FFFFFFF, v26;
	v29 =	vadd.f32 v35, v17;
	v27 =	vld.idx.msk [tilespmem:v36+s28+$0x0], $0xffff  }
0x210: {  	v35 =	vsub.f32 v19, v31;
	v15 =	vadd.f32 v16, v23;
	v31 =	vor.u32 s15, v5;
	v16 =	vld.idx.msk [tilespmem:v40+s31+$0x0], $0xffff  }
0x211: {  	v20 =	vand.u32 $0x7FFFFFFF, v30;
	v30 =	vor.u32 s16, v3;
	v19 =	vadd.f32 v33, v24;
	v26 =	vld.idx.msk [tilespmem:v34+s3+$0x0], $0xffff  }
0x212: {  	v21 =	vadd.f32 v37, v21;
	v23 =	vand.u32 $0x7FFFFFFF, v35;
	v24 =	vadd.f32 v32, v28;
	v28 =	vld.idx.msk [tilespmem:v38+s29+$0x0], $0xffff  }
0x213: {  	_ =	sdelay $0x3  }
0x214: {  	v1 =	vld.idx.msk [tilespmem:v22+s3+$0x0], $0xffff  }
0x215: {  	v3 =	vsub.f32 v9, v13;
	v4 =	vld.idx.msk [tilespmem:v31+s30+$0x0], $0xffff;
	v55 =	vsub.f32 v29, v25  }
0x216: {  	v2 =	vld.idx.msk [tilespmem:v18+s30+$0x0], $0xffff;
	v6 =	vadd.f32 v12, v6;
	v7 =	vadd.f32 v23, v7  }
0x217: {  	v57 =	vld.idx.msk [tilespmem:v30+s28+$0x0], $0xffff;
	v60 =	vand.u32 $0x7FFFFFFF, v14;
	v5 =	vadd.f32 v27, v17;
	v59 =	vadd.f32 v20, v24  }
0x218: {  	v3 =	vand.u32 $0x7FFFFFFF, v3;
	v6 =	vsub.f32 v6, v11;
	v11 =	vadd.f32 v60, v15  }
0x219: {  	v58 =	vld.idx.msk [tilespmem:v10+s3+$0x0], $0xffff;
	v5 =	vsub.f32 v5, v26;
	v3 =	vadd.f32 v3, v21  }
0x21a: {  	v9 =	vand.u32 $0x7FFFFFFF, v55;
	v56 =	vadd.f32 v28, v16;
	v4 =	vsub.f32 v19, v4  }
0x21b: {  	v63 =	vadd.f32 v9, v59;
	v6 =	vand.u32 $0x7FFFFFFF, v6;
	v1 =	vsub.f32 v8, v1  }
0x21c: {  	v61 =	vadd.f32 v57, v16;
	v2 =	vsub.f32 v56, v2;
	v4 =	vand.u32 $0x7FFFFFFF, v4  }
0x21d: {  	v6 =	vadd.f32 v6, v7;
	v3 =	vadd.f32 v4, v3  }
0x21e: {  	v1 =	vand.u32 $0x7FFFFFFF, v1;
	v62 =	vsub.f32 v61, v58;
	v2 =	vand.u32 $0x7FFFFFFF, v2  }
0x21f: {  	v5 =	vand.u32 $0x7FFFFFFF, v5;
	v1 =	vadd.f32 v1, v6;
	v2 =	vadd.f32 v2, v3  }
0x220: {  	v4 =	vand.u32 $0x7FFFFFFF, v62;
	v3 =	vadd.f32 v5, v11  }
0x221: {  	v1 =	vadd.f32 v4, v1;
	v2 =	vadd.f32 v2, v63  }
0x222: {  	s12 =	sadd.s32 $0x1, s12  }
0x223: {  	p0 =	sne.s32 s12, $0x4;
	v1 =	vadd.f32 v1, v3;
	v2 =	vadd.f32 $2.000000000e+00, v2  }
.Ltmp6:
0x224: {  	_ = 	snop;
	(pc) =	sbr.rel @p0 .LBB2_12-.Ltmp6, $3  }
0x225: {  	v1 =	vsub.f32 v2, v1;
	_ =	sdelay $0x1  }
0x226: {  	v1 =	vmax.f32 v1, $0.0e+00  }
0x227: {  	[tilespmem:s13+$0x15400] =	vst v1  }
0x228: {  	_ =	swait.ge [sflag:s0], $0x2000  }
0x229: {  	[sflag:s0] =	ssyncset.done $0x0  }
0x22a: {  	[sflag:s0] =	ssyncadd.s32 $0xFFFFE000  }
0x22b: {  	_ =	swait.ge [sflag:s0], $0x2000  }
0x22c: {  	[sflag:s0] =	ssyncset.done $0x0  }
0x22d: {  	[sflag:s0] =	ssyncadd.s32 $0xFFFFE000  }
0x22e: {  	_ =	swait.ge [sflag:s0], $0x2000  }
0x22f: {  	[sflag:s0] =	ssyncset.done $0x0  }
0x230: {  	[sflag:s0] =	ssyncadd.s32 $0xFFFFE000  }
0x231: {  	_ =	swait.ge [sflag:s0], $0x2000  }
0x232: {  	[sflag:s0] =	ssyncset.done $0x0  }
0x233: {  	[sflag:s0] =	ssyncadd.s32 $0xFFFFE000  }
0x234: {  	_ =	swait.ge [sflag:s0], $0x2000  }
0x235: {  	[sflag:s0] =	ssyncset.done $0x0  }
0x236: {  	s11 =	simm.s32 $0xB00;
	[sflag:s0] =	ssyncadd.s32 $0xFFFFE000  }
0x237: {  	[tilespmem:s29], [sflag:$0x1] =	stream.indirect.gather [hbm4b:s24+s1], $0x80, s11, s1, $0xb8;
	[tilespmem:$0x15600] =	vst v63  }
0x238: {  	s18 =	simm.s32 $0xD00  }
0x239: {  	[tilespmem:s31], [sflag:$0x1] =	stream.indirect.gather [hbm4b:s25+s1], $0x80, s18, s1, $0xb8;
	[tilespmem:$0x15600] =	vst v63  }
0x23a: {  	s19 =	simm.s32 $0xF00  }
0x23b: {  	[tilespmem:s30], [sflag:$0x1] =	stream.indirect.gather [hbm4b:s24+s1], $0x80, s19, s1, $0xb8;
	[tilespmem:$0x15600] =	vst v63  }
0x23c: {  	s20 =	simm.s32 $0x1100  }
0x23d: {  	[tilespmem:s28], [sflag:$0x1] =	stream.indirect.gather [hbm4b:s24+s1], $0x80, s20, s1, $0xb8;
	[tilespmem:$0x15600] =	vst v63  }
0x23e: {  	s21 =	simm.s32 $0x1300;
	s12 =	simm.s32 $0x0;
	s11 =	simm.s32 $0x0  }
0x23f: {  	[tilespmem:s3], [sflag:$0x1] =	stream.indirect.gather [hbm4b:s24+s1], $0x80, s21, s1, $0xb8;
	[tilespmem:$0x15600] =	vst v63  }
.LBB2_16:
0x240: {  	s14 =	sshll.u32 s12, $0x4  }
0x241: {  	v1 =	vld [tilespmem:s14+$0x2C0];
	_ =	sdelay $0x1  }
0x242: {  	v3 =	vld [tilespmem:s14+$0x6C0];
	_ =	sdelay $0x1  }
0x243: {  	v4 =	vmov s14  }
0x244: {  	s13 =	sor.u32 $0xC0, s14;
	v4 =	vshll.u32 v4, $0x7;
	v1 =	vshll.u32 v1, $0x6  }
0x245: {  	v2 =	vld [tilespmem:s13+$0x0];
	v5 =	vor.u32 v0, v4;
	v1 =	vand.u32 $0x40, v1  }
0x246: {  	v3 =	vshll.u32 v3, $0x6;
	v1 =	vor.u32 v5, v1  }
0x247: {  	s16 =	simm.s32 $0x1;
	v3 =	vand.u32 $0x40, v3;
	v6 =	vor.u32 s11, v1  }
0x248: {  	s17 =	simm.s32 $0x4;
	v3 =	vor.u32 v5, v3;
	v7 =	vor.u32 s16, v1  }
0x249: {  	s19 =	simm.s32 $0x5;
	v4 =	vld [tilespmem:s14+$0x8C0];
	v10 =	vor.u32 s17, v3  }
0x24a: {  	v2 =	vshll.u32 v2, $0x6;
	v11 =	vor.u32 s19, v3  }
0x24b: {  	s18 =	simm.s32 $0x2;
	v8 =	vld [tilespmem:s14+$0x4C0];
	v2 =	vand.u32 $0x40, v2;
	v14 =	vor.u32 s19, v1  }
0x24c: {  	v2 =	vor.u32 v5, v2;
	v24 =	vor.u32 s18, v1;
	v13 =	vld.idx.msk [tilespmem:v6+s5+$0x0], $0xffff  }
0x24d: {  	v9 =	vor.u32 s16, v2;
	v15 =	vld.idx.msk [tilespmem:v7+s5+$0x0], $0xffff  }
0x24e: {  	v4 =	vshll.u32 v4, $0x6;
	v20 =	vor.u32 s11, v2;
	v10 =	vld.idx.msk [tilespmem:v10+s7+$0x0], $0xffff  }
0x24f: {  	s15 =	simm.s32 $0x3;
	v4 =	vand.u32 $0x40, v4;
	v26 =	vor.u32 s18, v2;
	v11 =	vld.idx.msk [tilespmem:v11+s7+$0x0], $0xffff  }
0x250: {  	v12 =	vor.u32 s15, v1;
	v4 =	vor.u32 v5, v4;
	v19 =	vld.idx.msk [tilespmem:v14+s5+$0x0], $0xffff  }
0x251: {  	v23 =	vor.u32 s16, v4;
	v24 =	vld.idx.msk [tilespmem:v24+s5+$0x0], $0xffff  }
0x252: {  	v30 =	vor.u32 s17, v4;
	v16 =	vld.idx.msk [tilespmem:v9+s4+$0x0], $0xffff  }
0x253: {  	v6 =	vshll.u32 v8, $0x6;
	v9 =	vor.u32 s17, v1;
	v20 =	vld.idx.msk [tilespmem:v20+s4+$0x0], $0xffff  }
0x254: {  	v7 =	vor.u32 s11, v4;
	v6 =	vand.u32 $0x40, v6;
	v26 =	vld.idx.msk [tilespmem:v26+s4+$0x0], $0xffff  }
0x255: {  	v8 =	vor.u32 s15, v2;
	v5 =	vor.u32 v5, v6;
	v6 =	vld.idx.msk [tilespmem:v12+s5+$0x0], $0xffff  }
0x256: {  	v14 =	vor.u32 s18, v4;
	v23 =	vld.idx.msk [tilespmem:v23+s8+$0x0], $0xffff  }
0x257: {  	v30 =	vld.idx.msk [tilespmem:v30+s8+$0x0], $0xffff;
	v12 =	vor.u32 s17, v5  }
0x258: {  	v21 =	vld.idx.msk [tilespmem:v9+s5+$0x0], $0xffff;
	v9 =	vor.u32 s11, v3  }
0x259: {  	v18 =	vld.idx.msk [tilespmem:v7+s8+$0x0], $0xffff;
	v7 =	vor.u32 s16, v3  }
0x25a: {  	v17 =	vor.u32 s11, v5;
	v8 =	vld.idx.msk [tilespmem:v8+s4+$0x0], $0xffff  }
0x25b: {  	v27 =	vor.u32 s18, v3;
	v14 =	vld.idx.msk [tilespmem:v14+s8+$0x0], $0xffff  }
0x25c: {  	v22 =	vor.u32 s16, v5;
	v12 =	vld.idx.msk [tilespmem:v12+s6+$0x0], $0xffff  }
0x25d: {  	s20 =	simm.s32 $0x6;
	v29 =	vor.u32 s17, v2;
	v28 =	vld.idx.msk [tilespmem:v9+s7+$0x0], $0xffff  }
0x25e: {  	s21 =	simm.s32 $0x7;
	v33 =	vor.u32 s20, v1;
	v31 =	vor.u32 s18, v5;
	v25 =	vld.idx.msk [tilespmem:v7+s7+$0x0], $0xffff  }
0x25f: {  	v35 =	vor.u32 s15, v3;
	v60 =	vor.u32 s21, v1;
	v36 =	vor.u32 s19, v2;
	v17 =	vld.idx.msk [tilespmem:v17+s6+$0x0], $0xffff  }
0x260: {  	v34 =	vadd.f32 v10, v21;
	v10 =	vadd.f32 v20, v13;
	v20 =	vld.idx.msk [tilespmem:v27+s7+$0x0], $0xffff;
	v27 =	vor.u32 s20, v2  }
0x261: {  	v39 =	vor.u32 s21, v2;
	v32 =	vor.u32 s15, v5;
	v22 =	vld.idx.msk [tilespmem:v22+s6+$0x0], $0xffff;
	v9 =	vadd.f32 v8, v6  }
0x262: {  	v38 =	vor.u32 s20, v4;
	v8 =	vadd.f32 v11, v19;
	v11 =	vadd.f32 v28, v13;
	v28 =	vld.idx.msk [tilespmem:v29+s4+$0x0], $0xffff  }
0x263: {  	v13 =	vadd.f32 v16, v15;
	v15 =	vadd.f32 v25, v15;
	v16 =	vld.idx.msk [tilespmem:v31+s6+$0x0], $0xffff;
	v25 =	vor.u32 s20, v5  }
0x264: {  	v26 =	vadd.f32 v26, v24;
	v29 =	vsub.f32 v10, v17;
	v31 =	vor.u32 s15, v4;
	v17 =	vld.idx.msk [tilespmem:v33+s5+$0x0], $0xffff  }
0x265: {  	v7 =	vimm.f32 $0.0e+00;
	v37 =	vld.idx.msk [tilespmem:v27+s4+$0x0], $0xffff;
	v20 =	vadd.f32 v20, v24;
	v24 =	vor.u32 s20, v3  }
0x266: {  	v10 =	vor.u32 s21, v4;
	v11 =	vsub.f32 v11, v18;
	v58 =	vsub.f32 v13, v22;
	v13 =	vld.idx.msk [tilespmem:v32+s6+$0x0], $0xffff  }
0x267: {  	v18 =	vor.u32 s21, v5;
	v23 =	vsub.f32 v15, v23;
	v21 =	vadd.f32 v28, v21;
	v28 =	vld.idx.msk [tilespmem:v36+s4+$0x0], $0xffff  }
0x268: {  	v22 =	vor.u32 s19, v4;
	v14 =	vsub.f32 v20, v14;
	v11 =	vand.u32 $0x7FFFFFFF, v11;
	v25 =	vld.idx.msk [tilespmem:v25+s6+$0x0], $0xffff  }
0x269: {  	v59 =	vand.u32 $0x7FFFFFFF, v58;
	v23 =	vand.u32 $0x7FFFFFFF, v23;
	v61 =	vadd.f32 v11, v7;
	v11 =	vld.idx.msk [tilespmem:v31+s8+$0x0], $0xffff  }
0x26a: {  	v16 =	vsub.f32 v26, v16;
	v26 =	vand.u32 $0x7FFFFFFF, v14;
	v14 =	vsub.f32 v34, v30;
	v27 =	vld.idx.msk [tilespmem:v24+s7+$0x0], $0xffff  }
0x26b: {  	v31 =	vor.u32 s19, v5;
	v20 =	vsub.f32 v21, v12;
	v21 =	vand.u32 $0x7FFFFFFF, v29;
	v12 =	vld.idx.msk [tilespmem:v35+s7+$0x0], $0xffff  }
0x26c: {  	v63 =	vand.u32 $0x7FFFFFFF, v16;
	v29 =	vadd.f32 v37, v17;
	v16 =	vld.idx.msk [tilespmem:v60+s5+$0x0], $0xffff;
	v62 =	vadd.f32 v21, v7  }
0x26d: {  	v30 =	vor.u32 s21, v3;
	v15 =	vadd.f32 v26, v61;
	v26 =	vld.idx.msk [tilespmem:v38+s8+$0x0], $0xffff;
	v21 =	vadd.f32 v59, v7  }
0x26e: {  	s14 =	simm.s32 $0x8;
	v20 =	vand.u32 $0x7FFFFFFF, v20;
	v19 =	vadd.f32 v28, v19;
	v24 =	vadd.f32 v63, v62;
	v28 =	vld.idx.msk [tilespmem:v39+s4+$0x0], $0xffff  }
.LBB2_17:
0x26f: {  	v32 =	vor.u32 s14, v1;
	v33 =	vor.u32 s14, v4;
	s20 =	sadd.s32 $0x1, s14;
	s19 =	sadd.s32 $0x4, s14;
	s15 =	sadd.s32 $0x5, s14;
	v9 =	vsub.f32 v9, v13;
	v22 =	vld.idx.msk [tilespmem:v22+s8+$0x0], $0xffff  }
0x270: {  	s18 =	sadd.s32 $0x3, s14;
	s17 =	sadd.s32 $0x6, s14;
	s16 =	sadd.s32 $0x7, s14;
	v25 =	vsub.f32 v29, v25;
	v34 =	vor.u32 s20, v1;
	v35 =	vor.u32 s19, v3;
	v18 =	vld.idx.msk [tilespmem:v18+s6+$0x0], $0xffff  }
0x271: {  	p0 =	slt.u32 s14, $0x38;
	s21 =	smov.u32 s14;
	s14 =	sadd.s32 $0x8, s14;
	v29 =	vor.u32 s20, v2;
	v13 =	vor.u32 s18, v5;
	v17 =	vadd.f32 v27, v17;
	v31 =	vld.idx.msk [tilespmem:v31+s6+$0x0], $0xffff  }
0x272: {  	v27 =	vor.u32 s20, v3;
	v36 =	vor.u32 s18, v1;
	v37 =	vor.u32 s15, v3;
	v30 =	vld.idx.msk [tilespmem:v30+s7+$0x0], $0xffff  }
0x273: {  	v40 =	vadd.f32 v12, v6;
	v38 =	vor.u32 s21, v2;
	v39 =	vor.u32 s15, v1;
	v10 =	vld.idx.msk [tilespmem:v10+s8+$0x0], $0xffff  }
0x274: {  	v41 =	vor.u32 s21, v3;
	v12 =	vor.u32 s18, v3;
	v17 =	vsub.f32 v17, v26;
	v32 =	vld.idx.msk [tilespmem:v32+s5+$0x0], $0xffff  }
0x275: {  	v42 =	vor.u32 s18, v2;
	v6 =	vadd.f32 v28, v16;
	v26 =	vld.idx.msk [tilespmem:v34+s5+$0x0], $0xffff;
	v34 =	vor.u32 s20, v5  }
0x276: {  	v43 =	vor.u32 s20, v4;
	v9 =	vand.u32 $0x7FFFFFFF, v9;
	v28 =	vor.u32 s21, v5;
	s20 =	sadd.s32 $0x2, s21;
	v29 =	vld.idx.msk [tilespmem:v29+s4+$0x0], $0xffff  }
0x277: {  	v8 =	vsub.f32 v8, v22;
	v44 =	vor.u32 s20, v1;
	v45 =	vor.u32 s20, v4;
	v35 =	vld.idx.msk [tilespmem:v35+s7+$0x0], $0xffff  }
0x278: {  	v46 =	vor.u32 s19, v1;
	v18 =	vsub.f32 v6, v18;
	v22 =	vor.u32 s20, v2;
	v37 =	vld.idx.msk [tilespmem:v37+s7+$0x0], $0xffff  }
0x279: {  	v20 =	vadd.f32 v20, v24;
	v47 =	vor.u32 s20, v3;
	v6 =	vld.idx.msk [tilespmem:v36+s5+$0x0], $0xffff;
	v36 =	vor.u32 s19, v5  }
0x27a: {  	v7 =	vadd.f32 v23, v7;
	v9 =	vadd.f32 v9, v21;
	v21 =	vand.u32 $0x7FFFFFFF, v25;
	v24 =	vld.idx.msk [tilespmem:v39+s5+$0x0], $0xffff  }
0x27b: {  	v14 =	vand.u32 $0x7FFFFFFF, v14;
	v11 =	vsub.f32 v40, v11;
	v19 =	vsub.f32 v19, v31;
	v23 =	vld.idx.msk [tilespmem:v33+s8+$0x0], $0xffff  }
0x27c: {  	v14 =	vadd.f32 v14, v15;
	v8 =	vand.u32 $0x7FFFFFFF, v8;
	v15 =	vadd.f32 v30, v16;
	v25 =	vld.idx.msk [tilespmem:v42+s4+$0x0], $0xffff  }
0x27d: {  	v11 =	vand.u32 $0x7FFFFFFF, v11;
	v17 =	vand.u32 $0x7FFFFFFF, v17;
	v19 =	vand.u32 $0x7FFFFFFF, v19;
	v16 =	vld.idx.msk [tilespmem:v46+s5+$0x0], $0xffff  }
0x27e: {  	v14 =	vadd.f32 v17, v14;
	v17 =	vand.u32 $0x7FFFFFFF, v18;
	v10 =	vsub.f32 v15, v10;
	v30 =	vld.idx.msk [tilespmem:v36+s6+$0x0], $0xffff  }
0x27f: {  	v20 =	vadd.f32 v21, v20;
	v7 =	vadd.f32 v11, v7;
	v18 =	vor.u32 s20, v5;
	v15 =	vld.idx.msk [tilespmem:v28+s6+$0x0], $0xffff  }
0x280: {  	v9 =	vadd.f32 v19, v9;
	v11 =	vld.idx.msk [tilespmem:v45+s8+$0x0], $0xffff  }
0x281: {  	v7 =	vadd.f32 v8, v7;
	v8 =	vand.u32 $0x7FFFFFFF, v10;
	v19 =	vld.idx.msk [tilespmem:v27+s7+$0x0], $0xffff  }
0x282: {  	v21 =	vadd.f32 v17, v9;
	v10 =	vld.idx.msk [tilespmem:v38+s4+$0x0], $0xffff  }
0x283: {  	v7 =	vadd.f32 v8, v7;
	v9 =	vadd.f32 v25, v6;
	v17 =	vld.idx.msk [tilespmem:v41+s7+$0x0], $0xffff  }
0x284: {  	v27 =	vor.u32 s19, v2;
	v28 =	vadd.f32 v35, v16;
	v25 =	vld.idx.msk [tilespmem:v34+s6+$0x0], $0xffff  }
0x285: {  	v33 =	vor.u32 s19, v4;
	v8 =	vadd.f32 v37, v24;
	v31 =	vld.idx.msk [tilespmem:v43+s8+$0x0], $0xffff  }
0x286: {  	v34 =	vld.idx.msk [tilespmem:v44+s5+$0x0], $0xffff  }
0x287: {  	v35 =	vor.u32 s17, v1;
	v22 =	vld.idx.msk [tilespmem:v22+s4+$0x0], $0xffff  }
0x288: {  	v37 =	vor.u32 s17, v2;
	v10 =	vadd.f32 v10, v32;
	v36 =	vld.idx.msk [tilespmem:v47+s7+$0x0], $0xffff  }
0x289: {  	v17 =	vadd.f32 v17, v32;
	v27 =	vld.idx.msk [tilespmem:v27+s4+$0x0], $0xffff  }
0x28a: {  	v15 =	vsub.f32 v10, v15;
	v10 =	vor.u32 s16, v4;
	v32 =	vld.idx.msk [tilespmem:v33+s8+$0x0], $0xffff;
	v33 =	vor.u32 s15, v2  }
0x28b: {  	v29 =	vadd.f32 v29, v26;
	v38 =	vor.u32 s17, v5;
	v19 =	vadd.f32 v19, v26;
	v26 =	vld.idx.msk [tilespmem:v18+s6+$0x0], $0xffff  }
0x28c: {  	v39 =	vor.u32 s18, v4;
	v23 =	vsub.f32 v17, v23;
	v18 =	vor.u32 s16, v5;
	v17 =	vld.idx.msk [tilespmem:v35+s5+$0x0], $0xffff  }
0x28d: {  	v25 =	vsub.f32 v29, v25;
	v29 =	vadd.f32 v22, v34;
	v22 =	vor.u32 s15, v4;
	v35 =	vld.idx.msk [tilespmem:v37+s4+$0x0], $0xffff  }
0x28e: {  	v23 =	vand.u32 $0x7FFFFFFF, v23;
	v34 =	vadd.f32 v36, v34;
	v36 =	vor.u32 s17, v3;
	v13 =	vld.idx.msk [tilespmem:v13+s6+$0x0], $0xffff  }
0x28f: {  	v40 =	vor.u32 s16, v1;
	v37 =	vand.u32 $0x7FFFFFFF, v25;
	v16 =	vadd.f32 v27, v16;
	v33 =	vld.idx.msk [tilespmem:v33+s4+$0x0], $0xffff  }
0x290: {  	v23 =	vadd.f32 v23, v14;
	v14 =	vsub.f32 v34, v11;
	v34 =	vor.u32 s17, v4;
	v25 =	vld.idx.msk [tilespmem:v38+s6+$0x0], $0xffff  }
0x291: {  	v26 =	vsub.f32 v29, v26;
	v30 =	vsub.f32 v16, v30;
	v38 =	vor.u32 s16, v2;
	v11 =	vld.idx.msk [tilespmem:v39+s8+$0x0], $0xffff  }
.Ltmp7:
0x292: {  	v15 =	vand.u32 $0x7FFFFFFF, v15;
	v16 =	vand.u32 $0x7FFFFFFF, v14;
	v14 =	vsub.f32 v28, v32;
	v12 =	vld.idx.msk [tilespmem:v12+s7+$0x0], $0xffff;
	(pc) =	sbr.rel @p0 .LBB2_17-.Ltmp7, $4  }
0x293: {  	v28 =	vadd.f32 v15, v20;
	v32 =	vand.u32 $0x7FFFFFFF, v26;
	v29 =	vadd.f32 v35, v17;
	v27 =	vld.idx.msk [tilespmem:v36+s7+$0x0], $0xffff  }
0x294: {  	v35 =	vsub.f32 v19, v31;
	v15 =	vadd.f32 v16, v23;
	v31 =	vor.u32 s15, v5;
	v16 =	vld.idx.msk [tilespmem:v40+s5+$0x0], $0xffff  }
0x295: {  	v20 =	vand.u32 $0x7FFFFFFF, v30;
	v30 =	vor.u32 s16, v3;
	v19 =	vadd.f32 v33, v24;
	v26 =	vld.idx.msk [tilespmem:v34+s8+$0x0], $0xffff  }
0x296: {  	v21 =	vadd.f32 v37, v21;
	v23 =	vand.u32 $0x7FFFFFFF, v35;
	v24 =	vadd.f32 v32, v28;
	v28 =	vld.idx.msk [tilespmem:v38+s4+$0x0], $0xffff  }
0x297: {  	_ =	sdelay $0x3  }
0x298: {  	v1 =	vld.idx.msk [tilespmem:v22+s8+$0x0], $0xffff  }
0x299: {  	v3 =	vsub.f32 v9, v13;
	v4 =	vld.idx.msk [tilespmem:v31+s6+$0x0], $0xffff;
	v55 =	vsub.f32 v29, v25  }
0x29a: {  	v2 =	vld.idx.msk [tilespmem:v18+s6+$0x0], $0xffff;
	v6 =	vadd.f32 v12, v6;
	v7 =	vadd.f32 v23, v7  }
0x29b: {  	v57 =	vld.idx.msk [tilespmem:v30+s7+$0x0], $0xffff;
	v60 =	vand.u32 $0x7FFFFFFF, v14;
	v5 =	vadd.f32 v27, v17;
	v59 =	vadd.f32 v20, v24  }
0x29c: {  	v3 =	vand.u32 $0x7FFFFFFF, v3;
	v6 =	vsub.f32 v6, v11;
	v11 =	vadd.f32 v60, v15  }
0x29d: {  	v58 =	vld.idx.msk [tilespmem:v10+s8+$0x0], $0xffff;
	v5 =	vsub.f32 v5, v26;
	v3 =	vadd.f32 v3, v21  }
0x29e: {  	v9 =	vand.u32 $0x7FFFFFFF, v55;
	v56 =	vadd.f32 v28, v16;
	v4 =	vsub.f32 v19, v4  }
0x29f: {  	v63 =	vadd.f32 v9, v59;
	v6 =	vand.u32 $0x7FFFFFFF, v6;
	v1 =	vsub.f32 v8, v1  }
0x2a0: {  	v61 =	vadd.f32 v57, v16;
	v2 =	vsub.f32 v56, v2;
	v4 =	vand.u32 $0x7FFFFFFF, v4  }
0x2a1: {  	v6 =	vadd.f32 v6, v7;
	v3 =	vadd.f32 v4, v3  }
0x2a2: {  	v1 =	vand.u32 $0x7FFFFFFF, v1;
	v62 =	vsub.f32 v61, v58;
	v2 =	vand.u32 $0x7FFFFFFF, v2  }
0x2a3: {  	v5 =	vand.u32 $0x7FFFFFFF, v5;
	v1 =	vadd.f32 v1, v6;
	v2 =	vadd.f32 v2, v3  }
0x2a4: {  	v4 =	vand.u32 $0x7FFFFFFF, v62;
	v3 =	vadd.f32 v5, v11  }
0x2a5: {  	v1 =	vadd.f32 v4, v1;
	v2 =	vadd.f32 v2, v63  }
0x2a6: {  	s12 =	sadd.s32 $0x1, s12  }
0x2a7: {  	p0 =	sne.s32 s12, $0x4;
	v1 =	vadd.f32 v1, v3;
	v2 =	vadd.f32 $2.000000000e+00, v2  }
.Ltmp8:
0x2a8: {  	_ = 	snop;
	(pc) =	sbr.rel @p0 .LBB2_16-.Ltmp8, $3  }
0x2a9: {  	v1 =	vsub.f32 v2, v1;
	_ =	sdelay $0x1  }
0x2aa: {  	v1 =	vmax.f32 v1, $0.0e+00  }
0x2ab: {  	[tilespmem:s13+$0x15400] =	vst v1  }
0x2ac: {  	_ =	swait.ge [sflag:s0], $0x2000  }
0x2ad: {  	[sflag:s0] =	ssyncset.done $0x0  }
0x2ae: {  	[sflag:s0] =	ssyncadd.s32 $0xFFFFE000  }
0x2af: {  	_ =	swait.ge [sflag:s0], $0x2000  }
0x2b0: {  	[sflag:s0] =	ssyncset.done $0x0  }
0x2b1: {  	[sflag:s0] =	ssyncadd.s32 $0xFFFFE000  }
0x2b2: {  	_ =	swait.ge [sflag:s0], $0x2000  }
0x2b3: {  	[sflag:s0] =	ssyncset.done $0x0  }
0x2b4: {  	[sflag:s0] =	ssyncadd.s32 $0xFFFFE000  }
0x2b5: {  	_ =	swait.ge [sflag:s0], $0x2000  }
0x2b6: {  	[sflag:s0] =	ssyncset.done $0x0  }
0x2b7: {  	[sflag:s0] =	ssyncadd.s32 $0xFFFFE000  }
0x2b8: {  	_ =	swait.ge [sflag:s0], $0x2000  }
0x2b9: {  	[sflag:s0] =	ssyncset.done $0x0  }
0x2ba: {  	s11 =	simm.s32 $0xB40;
	[sflag:s0] =	ssyncadd.s32 $0xFFFFE000  }
0x2bb: {  	[tilespmem:s4], [sflag:$0x1] =	stream.indirect.gather [hbm4b:s24+s1], $0x80, s11, s1, $0xb8;
	[tilespmem:$0x15600] =	vst v63  }
0x2bc: {  	s18 =	simm.s32 $0xD40  }
0x2bd: {  	[tilespmem:s5], [sflag:$0x1] =	stream.indirect.gather [hbm4b:s25+s1], $0x80, s18, s1, $0xb8;
	[tilespmem:$0x15600] =	vst v63  }
0x2be: {  	s19 =	simm.s32 $0xF40  }
0x2bf: {  	[tilespmem:s6], [sflag:$0x1] =	stream.indirect.gather [hbm4b:s24+s1], $0x80, s19, s1, $0xb8;
	[tilespmem:$0x15600] =	vst v63  }
0x2c0: {  	s20 =	simm.s32 $0x1140  }
0x2c1: {  	[tilespmem:s7], [sflag:$0x1] =	stream.indirect.gather [hbm4b:s24+s1], $0x80, s20, s1, $0xb8;
	[tilespmem:$0x15600] =	vst v63  }
0x2c2: {  	s21 =	simm.s32 $0x1340;
	s12 =	simm.s32 $0x0;
	s11 =	simm.s32 $0x0  }
0x2c3: {  	[tilespmem:s8], [sflag:$0x1] =	stream.indirect.gather [hbm4b:s24+s1], $0x80, s21, s1, $0xb8;
	[tilespmem:$0x15600] =	vst v63  }
.LBB2_20:
0x2c4: {  	s14 =	sshll.u32 s12, $0x4  }
0x2c5: {  	v1 =	vld [tilespmem:s14+$0x300];
	_ =	sdelay $0x1  }
0x2c6: {  	v3 =	vld [tilespmem:s14+$0x700];
	_ =	sdelay $0x1  }
0x2c7: {  	v4 =	vmov s14  }
0x2c8: {  	s13 =	sor.u32 $0x100, s14;
	v4 =	vshll.u32 v4, $0x7;
	v1 =	vshll.u32 v1, $0x6  }
0x2c9: {  	v2 =	vld [tilespmem:s13+$0x0];
	v5 =	vor.u32 v0, v4;
	v1 =	vand.u32 $0x40, v1  }
0x2ca: {  	v3 =	vshll.u32 v3, $0x6;
	v1 =	vor.u32 v5, v1  }
0x2cb: {  	s16 =	simm.s32 $0x1;
	v3 =	vand.u32 $0x40, v3;
	v6 =	vor.u32 s11, v1  }
0x2cc: {  	s17 =	simm.s32 $0x4;
	v3 =	vor.u32 v5, v3;
	v7 =	vor.u32 s16, v1  }
0x2cd: {  	s19 =	simm.s32 $0x5;
	v4 =	vld [tilespmem:s14+$0x900];
	v10 =	vor.u32 s17, v3  }
0x2ce: {  	v2 =	vshll.u32 v2, $0x6;
	v11 =	vor.u32 s19, v3  }
0x2cf: {  	s18 =	simm.s32 $0x2;
	v8 =	vld [tilespmem:s14+$0x500];
	v2 =	vand.u32 $0x40, v2;
	v14 =	vor.u32 s19, v1  }
0x2d0: {  	v2 =	vor.u32 v5, v2;
	v24 =	vor.u32 s18, v1;
	v13 =	vld.idx.msk [tilespmem:v6+s31+$0x0], $0xffff  }
0x2d1: {  	v9 =	vor.u32 s16, v2;
	v15 =	vld.idx.msk [tilespmem:v7+s31+$0x0], $0xffff  }
0x2d2: {  	v4 =	vshll.u32 v4, $0x6;
	v20 =	vor.u32 s11, v2;
	v10 =	vld.idx.msk [tilespmem:v10+s28+$0x0], $0xffff  }
0x2d3: {  	s15 =	simm.s32 $0x3;
	v4 =	vand.u32 $0x40, v4;
	v26 =	vor.u32 s18, v2;
	v11 =	vld.idx.msk [tilespmem:v11+s28+$0x0], $0xffff  }
0x2d4: {  	v12 =	vor.u32 s15, v1;
	v4 =	vor.u32 v5, v4;
	v19 =	vld.idx.msk [tilespmem:v14+s31+$0x0], $0xffff  }
0x2d5: {  	v23 =	vor.u32 s16, v4;
	v24 =	vld.idx.msk [tilespmem:v24+s31+$0x0], $0xffff  }
0x2d6: {  	v30 =	vor.u32 s17, v4;
	v16 =	vld.idx.msk [tilespmem:v9+s29+$0x0], $0xffff  }
0x2d7: {  	v6 =	vshll.u32 v8, $0x6;
	v9 =	vor.u32 s17, v1;
	v20 =	vld.idx.msk [tilespmem:v20+s29+$0x0], $0xffff  }
0x2d8: {  	v7 =	vor.u32 s11, v4;
	v6 =	vand.u32 $0x40, v6;
	v26 =	vld.idx.msk [tilespmem:v26+s29+$0x0], $0xffff  }
0x2d9: {  	v8 =	vor.u32 s15, v2;
	v5 =	vor.u32 v5, v6;
	v6 =	vld.idx.msk [tilespmem:v12+s31+$0x0], $0xffff  }
0x2da: {  	v14 =	vor.u32 s18, v4;
	v23 =	vld.idx.msk [tilespmem:v23+s3+$0x0], $0xffff  }
0x2db: {  	v30 =	vld.idx.msk [tilespmem:v30+s3+$0x0], $0xffff;
	v12 =	vor.u32 s17, v5  }
0x2dc: {  	v21 =	vld.idx.msk [tilespmem:v9+s31+$0x0], $0xffff;
	v9 =	vor.u32 s11, v3  }
0x2dd: {  	v18 =	vld.idx.msk [tilespmem:v7+s3+$0x0], $0xffff;
	v7 =	vor.u32 s16, v3  }
0x2de: {  	v17 =	vor.u32 s11, v5;
	v8 =	vld.idx.msk [tilespmem:v8+s29+$0x0], $0xffff  }
0x2df: {  	v27 =	vor.u32 s18, v3;
	v14 =	vld.idx.msk [tilespmem:v14+s3+$0x0], $0xffff  }
0x2e0: {  	v22 =	vor.u32 s16, v5;
	v12 =	vld.idx.msk [tilespmem:v12+s30+$0x0], $0xffff  }
0x2e1: {  	s20 =	simm.s32 $0x6;
	v29 =	vor.u32 s17, v2;
	v28 =	vld.idx.msk [tilespmem:v9+s28+$0x0], $0xffff  }
0x2e2: {  	s21 =	simm.s32 $0x7;
	v33 =	vor.u32 s20, v1;
	v31 =	vor.u32 s18, v5;
	v25 =	vld.idx.msk [tilespmem:v7+s28+$0x0], $0xffff  }
0x2e3: {  	v35 =	vor.u32 s15, v3;
	v60 =	vor.u32 s21, v1;
	v36 =	vor.u32 s19, v2;
	v17 =	vld.idx.msk [tilespmem:v17+s30+$0x0], $0xffff  }
0x2e4: {  	v34 =	vadd.f32 v10, v21;
	v10 =	vadd.f32 v20, v13;
	v20 =	vld.idx.msk [tilespmem:v27+s28+$0x0], $0xffff;
	v27 =	vor.u32 s20, v2  }
0x2e5: {  	v39 =	vor.u32 s21, v2;
	v32 =	vor.u32 s15, v5;
	v22 =	vld.idx.msk [tilespmem:v22+s30+$0x0], $0xffff;
	v9 =	vadd.f32 v8, v6  }
0x2e6: {  	v38 =	vor.u32 s20, v4;
	v8 =	vadd.f32 v11, v19;
	v11 =	vadd.f32 v28, v13;
	v28 =	vld.idx.msk [tilespmem:v29+s29+$0x0], $0xffff  }
0x2e7: {  	v13 =	vadd.f32 v16, v15;
	v15 =	vadd.f32 v25, v15;
	v16 =	vld.idx.msk [tilespmem:v31+s30+$0x0], $0xffff;
	v25 =	vor.u32 s20, v5  }
0x2e8: {  	v26 =	vadd.f32 v26, v24;
	v29 =	vsub.f32 v10, v17;
	v31 =	vor.u32 s15, v4;
	v17 =	vld.idx.msk [tilespmem:v33+s31+$0x0], $0xffff  }
0x2e9: {  	v7 =	vimm.f32 $0.0e+00;
	v37 =	vld.idx.msk [tilespmem:v27+s29+$0x0], $0xffff;
	v20 =	vadd.f32 v20, v24;
	v24 =	vor.u32 s20, v3  }
0x2ea: {  	v10 =	vor.u32 s21, v4;
	v11 =	vsub.f32 v11, v18;
	v58 =	vsub.f32 v13, v22;
	v13 =	vld.idx.msk [tilespmem:v32+s30+$0x0], $0xffff  }
0x2eb: {  	v18 =	vor.u32 s21, v5;
	v23 =	vsub.f32 v15, v23;
	v21 =	vadd.f32 v28, v21;
	v28 =	vld.idx.msk [tilespmem:v36+s29+$0x0], $0xffff  }
0x2ec: {  	v22 =	vor.u32 s19, v4;
	v14 =	vsub.f32 v20, v14;
	v11 =	vand.u32 $0x7FFFFFFF, v11;
	v25 =	vld.idx.msk [tilespmem:v25+s30+$0x0], $0xffff  }
0x2ed: {  	v59 =	vand.u32 $0x7FFFFFFF, v58;
	v23 =	vand.u32 $0x7FFFFFFF, v23;
	v61 =	vadd.f32 v11, v7;
	v11 =	vld.idx.msk [tilespmem:v31+s3+$0x0], $0xffff  }
0x2ee: {  	v16 =	vsub.f32 v26, v16;
	v26 =	vand.u32 $0x7FFFFFFF, v14;
	v14 =	vsub.f32 v34, v30;
	v27 =	vld.idx.msk [tilespmem:v24+s28+$0x0], $0xffff  }
0x2ef: {  	v31 =	vor.u32 s19, v5;
	v20 =	vsub.f32 v21, v12;
	v21 =	vand.u32 $0x7FFFFFFF, v29;
	v12 =	vld.idx.msk [tilespmem:v35+s28+$0x0], $0xffff  }
0x2f0: {  	v63 =	vand.u32 $0x7FFFFFFF, v16;
	v29 =	vadd.f32 v37, v17;
	v16 =	vld.idx.msk [tilespmem:v60+s31+$0x0], $0xffff;
	v62 =	vadd.f32 v21, v7  }
0x2f1: {  	v30 =	vor.u32 s21, v3;
	v15 =	vadd.f32 v26, v61;
	v26 =	vld.idx.msk [tilespmem:v38+s3+$0x0], $0xffff;
	v21 =	vadd.f32 v59, v7  }
0x2f2: {  	s14 =	simm.s32 $0x8;
	v20 =	vand.u32 $0x7FFFFFFF, v20;
	v19 =	vadd.f32 v28, v19;
	v24 =	vadd.f32 v63, v62;
	v28 =	vld.idx.msk [tilespmem:v39+s29+$0x0], $0xffff  }
.LBB2_21:
0x2f3: {  	v32 =	vor.u32 s14, v1;
	v33 =	vor.u32 s14, v4;
	s20 =	sadd.s32 $0x1, s14;
	s19 =	sadd.s32 $0x4, s14;
	s15 =	sadd.s32 $0x5, s14;
	v9 =	vsub.f32 v9, v13;
	v22 =	vld.idx.msk [tilespmem:v22+s3+$0x0], $0xffff  }
0x2f4: {  	s18 =	sadd.s32 $0x3, s14;
	s17 =	sadd.s32 $0x6, s14;
	s16 =	sadd.s32 $0x7, s14;
	v25 =	vsub.f32 v29, v25;
	v34 =	vor.u32 s20, v1;
	v35 =	vor.u32 s19, v3;
	v18 =	vld.idx.msk [tilespmem:v18+s30+$0x0], $0xffff  }
0x2f5: {  	p0 =	slt.u32 s14, $0x38;
	s21 =	smov.u32 s14;
	s14 =	sadd.s32 $0x8, s14;
	v29 =	vor.u32 s20, v2;
	v13 =	vor.u32 s18, v5;
	v17 =	vadd.f32 v27, v17;
	v31 =	vld.idx.msk [tilespmem:v31+s30+$0x0], $0xffff  }
0x2f6: {  	v27 =	vor.u32 s20, v3;
	v36 =	vor.u32 s18, v1;
	v37 =	vor.u32 s15, v3;
	v30 =	vld.idx.msk [tilespmem:v30+s28+$0x0], $0xffff  }
0x2f7: {  	v40 =	vadd.f32 v12, v6;
	v38 =	vor.u32 s21, v2;
	v39 =	vor.u32 s15, v1;
	v10 =	vld.idx.msk [tilespmem:v10+s3+$0x0], $0xffff  }
0x2f8: {  	v41 =	vor.u32 s21, v3;
	v12 =	vor.u32 s18, v3;
	v17 =	vsub.f32 v17, v26;
	v32 =	vld.idx.msk [tilespmem:v32+s31+$0x0], $0xffff  }
0x2f9: {  	v42 =	vor.u32 s18, v2;
	v6 =	vadd.f32 v28, v16;
	v26 =	vld.idx.msk [tilespmem:v34+s31+$0x0], $0xffff;
	v34 =	vor.u32 s20, v5  }
0x2fa: {  	v43 =	vor.u32 s20, v4;
	v9 =	vand.u32 $0x7FFFFFFF, v9;
	v28 =	vor.u32 s21, v5;
	s20 =	sadd.s32 $0x2, s21;
	v29 =	vld.idx.msk [tilespmem:v29+s29+$0x0], $0xffff  }
0x2fb: {  	v8 =	vsub.f32 v8, v22;
	v44 =	vor.u32 s20, v1;
	v45 =	vor.u32 s20, v4;
	v35 =	vld.idx.msk [tilespmem:v35+s28+$0x0], $0xffff  }
0x2fc: {  	v46 =	vor.u32 s19, v1;
	v18 =	vsub.f32 v6, v18;
	v22 =	vor.u32 s20, v2;
	v37 =	vld.idx.msk [tilespmem:v37+s28+$0x0], $0xffff  }
0x2fd: {  	v20 =	vadd.f32 v20, v24;
	v47 =	vor.u32 s20, v3;
	v6 =	vld.idx.msk [tilespmem:v36+s31+$0x0], $0xffff;
	v36 =	vor.u32 s19, v5  }
0x2fe: {  	v7 =	vadd.f32 v23, v7;
	v9 =	vadd.f32 v9, v21;
	v21 =	vand.u32 $0x7FFFFFFF, v25;
	v24 =	vld.idx.msk [tilespmem:v39+s31+$0x0], $0xffff  }
0x2ff: {  	v14 =	vand.u32 $0x7FFFFFFF, v14;
	v11 =	vsub.f32 v40, v11;
	v19 =	vsub.f32 v19, v31;
	v23 =	vld.idx.msk [tilespmem:v33+s3+$0x0], $0xffff  }
0x300: {  	v14 =	vadd.f32 v14, v15;
	v8 =	vand.u32 $0x7FFFFFFF, v8;
	v15 =	vadd.f32 v30, v16;
	v25 =	vld.idx.msk [tilespmem:v42+s29+$0x0], $0xffff  }
0x301: {  	v11 =	vand.u32 $0x7FFFFFFF, v11;
	v17 =	vand.u32 $0x7FFFFFFF, v17;
	v19 =	vand.u32 $0x7FFFFFFF, v19;
	v16 =	vld.idx.msk [tilespmem:v46+s31+$0x0], $0xffff  }
0x302: {  	v14 =	vadd.f32 v17, v14;
	v17 =	vand.u32 $0x7FFFFFFF, v18;
	v10 =	vsub.f32 v15, v10;
	v30 =	vld.idx.msk [tilespmem:v36+s30+$0x0], $0xffff  }
0x303: {  	v20 =	vadd.f32 v21, v20;
	v7 =	vadd.f32 v11, v7;
	v18 =	vor.u32 s20, v5;
	v15 =	vld.idx.msk [tilespmem:v28+s30+$0x0], $0xffff  }
0x304: {  	v9 =	vadd.f32 v19, v9;
	v11 =	vld.idx.msk [tilespmem:v45+s3+$0x0], $0xffff  }
0x305: {  	v7 =	vadd.f32 v8, v7;
	v8 =	vand.u32 $0x7FFFFFFF, v10;
	v19 =	vld.idx.msk [tilespmem:v27+s28+$0x0], $0xffff  }
0x306: {  	v21 =	vadd.f32 v17, v9;
	v10 =	vld.idx.msk [tilespmem:v38+s29+$0x0], $0xffff  }
0x307: {  	v7 =	vadd.f32 v8, v7;
	v9 =	vadd.f32 v25, v6;
	v17 =	vld.idx.msk [tilespmem:v41+s28+$0x0], $0xffff  }
0x308: {  	v27 =	vor.u32 s19, v2;
	v28 =	vadd.f32 v35, v16;
	v25 =	vld.idx.msk [tilespmem:v34+s30+$0x0], $0xffff  }
0x309: {  	v33 =	vor.u32 s19, v4;
	v8 =	vadd.f32 v37, v24;
	v31 =	vld.idx.msk [tilespmem:v43+s3+$0x0], $0xffff  }
0x30a: {  	v34 =	vld.idx.msk [tilespmem:v44+s31+$0x0], $0xffff  }
0x30b: {  	v35 =	vor.u32 s17, v1;
	v22 =	vld.idx.msk [tilespmem:v22+s29+$0x0], $0xffff  }
0x30c: {  	v37 =	vor.u32 s17, v2;
	v10 =	vadd.f32 v10, v32;
	v36 =	vld.idx.msk [tilespmem:v47+s28+$0x0], $0xffff  }
0x30d: {  	v17 =	vadd.f32 v17, v32;
	v27 =	vld.idx.msk [tilespmem:v27+s29+$0x0], $0xffff  }
0x30e: {  	v15 =	vsub.f32 v10, v15;
	v10 =	vor.u32 s16, v4;
	v32 =	vld.idx.msk [tilespmem:v33+s3+$0x0], $0xffff;
	v33 =	vor.u32 s15, v2  }
0x30f: {  	v29 =	vadd.f32 v29, v26;
	v38 =	vor.u32 s17, v5;
	v19 =	vadd.f32 v19, v26;
	v26 =	vld.idx.msk [tilespmem:v18+s30+$0x0], $0xffff  }
0x310: {  	v39 =	vor.u32 s18, v4;
	v23 =	vsub.f32 v17, v23;
	v18 =	vor.u32 s16, v5;
	v17 =	vld.idx.msk [tilespmem:v35+s31+$0x0], $0xffff  }
0x311: {  	v25 =	vsub.f32 v29, v25;
	v29 =	vadd.f32 v22, v34;
	v22 =	vor.u32 s15, v4;
	v35 =	vld.idx.msk [tilespmem:v37+s29+$0x0], $0xffff  }
0x312: {  	v23 =	vand.u32 $0x7FFFFFFF, v23;
	v34 =	vadd.f32 v36, v34;
	v36 =	vor.u32 s17, v3;
	v13 =	vld.idx.msk [tilespmem:v13+s30+$0x0], $0xffff  }
0x313: {  	v40 =	vor.u32 s16, v1;
	v37 =	vand.u32 $0x7FFFFFFF, v25;
	v16 =	vadd.f32 v27, v16;
	v33 =	vld.idx.msk [tilespmem:v33+s29+$0x0], $0xffff  }
0x314: {  	v23 =	vadd.f32 v23, v14;
	v14 =	vsub.f32 v34, v11;
	v34 =	vor.u32 s17, v4;
	v25 =	vld.idx.msk [tilespmem:v38+s30+$0x0], $0xffff  }
0x315: {  	v26 =	vsub.f32 v29, v26;
	v30 =	vsub.f32 v16, v30;
	v38 =	vor.u32 s16, v2;
	v11 =	vld.idx.msk [tilespmem:v39+s3+$0x0], $0xffff  }
.Ltmp9:
0x316: {  	v15 =	vand.u32 $0x7FFFFFFF, v15;
	v16 =	vand.u32 $0x7FFFFFFF, v14;
	v14 =	vsub.f32 v28, v32;
	v12 =	vld.idx.msk [tilespmem:v12+s28+$0x0], $0xffff;
	(pc) =	sbr.rel @p0 .LBB2_21-.Ltmp9, $4  }
0x317: {  	v28 =	vadd.f32 v15, v20;
	v32 =	vand.u32 $0x7FFFFFFF, v26;
	v29 =	vadd.f32 v35, v17;
	v27 =	vld.idx.msk [tilespmem:v36+s28+$0x0], $0xffff  }
0x318: {  	v35 =	vsub.f32 v19, v31;
	v15 =	vadd.f32 v16, v23;
	v31 =	vor.u32 s15, v5;
	v16 =	vld.idx.msk [tilespmem:v40+s31+$0x0], $0xffff  }
0x319: {  	v20 =	vand.u32 $0x7FFFFFFF, v30;
	v30 =	vor.u32 s16, v3;
	v19 =	vadd.f32 v33, v24;
	v26 =	vld.idx.msk [tilespmem:v34+s3+$0x0], $0xffff  }
0x31a: {  	v21 =	vadd.f32 v37, v21;
	v23 =	vand.u32 $0x7FFFFFFF, v35;
	v24 =	vadd.f32 v32, v28;
	v28 =	vld.idx.msk [tilespmem:v38+s29+$0x0], $0xffff  }
0x31b: {  	_ =	sdelay $0x3  }
0x31c: {  	v1 =	vld.idx.msk [tilespmem:v22+s3+$0x0], $0xffff  }
0x31d: {  	v3 =	vsub.f32 v9, v13;
	v4 =	vld.idx.msk [tilespmem:v31+s30+$0x0], $0xffff;
	v55 =	vsub.f32 v29, v25  }
0x31e: {  	v2 =	vld.idx.msk [tilespmem:v18+s30+$0x0], $0xffff;
	v6 =	vadd.f32 v12, v6;
	v7 =	vadd.f32 v23, v7  }
0x31f: {  	v57 =	vld.idx.msk [tilespmem:v30+s28+$0x0], $0xffff;
	v60 =	vand.u32 $0x7FFFFFFF, v14;
	v5 =	vadd.f32 v27, v17;
	v59 =	vadd.f32 v20, v24  }
0x320: {  	v3 =	vand.u32 $0x7FFFFFFF, v3;
	v6 =	vsub.f32 v6, v11;
	v11 =	vadd.f32 v60, v15  }
0x321: {  	v58 =	vld.idx.msk [tilespmem:v10+s3+$0x0], $0xffff;
	v5 =	vsub.f32 v5, v26;
	v3 =	vadd.f32 v3, v21  }
0x322: {  	v9 =	vand.u32 $0x7FFFFFFF, v55;
	v56 =	vadd.f32 v28, v16;
	v4 =	vsub.f32 v19, v4  }
0x323: {  	v63 =	vadd.f32 v9, v59;
	v6 =	vand.u32 $0x7FFFFFFF, v6;
	v1 =	vsub.f32 v8, v1  }
0x324: {  	v61 =	vadd.f32 v57, v16;
	v2 =	vsub.f32 v56, v2;
	v4 =	vand.u32 $0x7FFFFFFF, v4  }
0x325: {  	v6 =	vadd.f32 v6, v7;
	v3 =	vadd.f32 v4, v3  }
0x326: {  	v1 =	vand.u32 $0x7FFFFFFF, v1;
	v62 =	vsub.f32 v61, v58;
	v2 =	vand.u32 $0x7FFFFFFF, v2  }
0x327: {  	v5 =	vand.u32 $0x7FFFFFFF, v5;
	v1 =	vadd.f32 v1, v6;
	v2 =	vadd.f32 v2, v3  }
0x328: {  	v4 =	vand.u32 $0x7FFFFFFF, v62;
	v3 =	vadd.f32 v5, v11  }
0x329: {  	v1 =	vadd.f32 v4, v1;
	v2 =	vadd.f32 v2, v63  }
0x32a: {  	s12 =	sadd.s32 $0x1, s12  }
0x32b: {  	p0 =	sne.s32 s12, $0x4;
	v1 =	vadd.f32 v1, v3;
	v2 =	vadd.f32 $2.000000000e+00, v2  }
.Ltmp10:
0x32c: {  	_ = 	snop;
	(pc) =	sbr.rel @p0 .LBB2_20-.Ltmp10, $3  }
0x32d: {  	v1 =	vsub.f32 v2, v1;
	_ =	sdelay $0x1  }
0x32e: {  	v1 =	vmax.f32 v1, $0.0e+00  }
0x32f: {  	[tilespmem:s13+$0x15400] =	vst v1  }
0x330: {  	_ =	swait.ge [sflag:s0], $0x2000  }
0x331: {  	[sflag:s0] =	ssyncset.done $0x0  }
0x332: {  	[sflag:s0] =	ssyncadd.s32 $0xFFFFE000  }
0x333: {  	_ =	swait.ge [sflag:s0], $0x2000  }
0x334: {  	[sflag:s0] =	ssyncset.done $0x0  }
0x335: {  	[sflag:s0] =	ssyncadd.s32 $0xFFFFE000  }
0x336: {  	_ =	swait.ge [sflag:s0], $0x2000  }
0x337: {  	[sflag:s0] =	ssyncset.done $0x0  }
0x338: {  	[sflag:s0] =	ssyncadd.s32 $0xFFFFE000  }
0x339: {  	_ =	swait.ge [sflag:s0], $0x2000  }
0x33a: {  	[sflag:s0] =	ssyncset.done $0x0  }
0x33b: {  	[sflag:s0] =	ssyncadd.s32 $0xFFFFE000  }
0x33c: {  	_ =	swait.ge [sflag:s0], $0x2000  }
0x33d: {  	[sflag:s0] =	ssyncset.done $0x0  }
0x33e: {  	s11 =	simm.s32 $0xB80;
	[sflag:s0] =	ssyncadd.s32 $0xFFFFE000  }
0x33f: {  	[tilespmem:s29], [sflag:$0x1] =	stream.indirect.gather [hbm4b:s24+s1], $0x80, s11, s1, $0xb8;
	[tilespmem:$0x15600] =	vst v63  }
0x340: {  	s18 =	simm.s32 $0xD80  }
0x341: {  	[tilespmem:s31], [sflag:$0x1] =	stream.indirect.gather [hbm4b:s25+s1], $0x80, s18, s1, $0xb8;
	[tilespmem:$0x15600] =	vst v63  }
0x342: {  	s19 =	simm.s32 $0xF80  }
0x343: {  	[tilespmem:s30], [sflag:$0x1] =	stream.indirect.gather [hbm4b:s24+s1], $0x80, s19, s1, $0xb8;
	[tilespmem:$0x15600] =	vst v63  }
0x344: {  	s20 =	simm.s32 $0x1180  }
0x345: {  	[tilespmem:s28], [sflag:$0x1] =	stream.indirect.gather [hbm4b:s24+s1], $0x80, s20, s1, $0xb8;
	[tilespmem:$0x15600] =	vst v63  }
0x346: {  	s21 =	simm.s32 $0x1380;
	s12 =	simm.s32 $0x0;
	s11 =	simm.s32 $0x0  }
0x347: {  	[tilespmem:s3], [sflag:$0x1] =	stream.indirect.gather [hbm4b:s24+s1], $0x80, s21, s1, $0xb8;
	[tilespmem:$0x15600] =	vst v63  }
.LBB2_24:
0x348: {  	s14 =	sshll.u32 s12, $0x4  }
0x349: {  	v1 =	vld [tilespmem:s14+$0x340];
	_ =	sdelay $0x1  }
0x34a: {  	v3 =	vld [tilespmem:s14+$0x740];
	_ =	sdelay $0x1  }
0x34b: {  	v4 =	vmov s14  }
0x34c: {  	s13 =	sor.u32 $0x140, s14;
	v4 =	vshll.u32 v4, $0x7;
	v1 =	vshll.u32 v1, $0x6  }
0x34d: {  	v2 =	vld [tilespmem:s13+$0x0];
	v5 =	vor.u32 v0, v4;
	v1 =	vand.u32 $0x40, v1  }
0x34e: {  	v3 =	vshll.u32 v3, $0x6;
	v1 =	vor.u32 v5, v1  }
0x34f: {  	s16 =	simm.s32 $0x1;
	v3 =	vand.u32 $0x40, v3;
	v6 =	vor.u32 s11, v1  }
0x350: {  	s17 =	simm.s32 $0x4;
	v3 =	vor.u32 v5, v3;
	v7 =	vor.u32 s16, v1  }
0x351: {  	s19 =	simm.s32 $0x5;
	v4 =	vld [tilespmem:s14+$0x940];
	v10 =	vor.u32 s17, v3  }
0x352: {  	v2 =	vshll.u32 v2, $0x6;
	v11 =	vor.u32 s19, v3  }
0x353: {  	s18 =	simm.s32 $0x2;
	v8 =	vld [tilespmem:s14+$0x540];
	v2 =	vand.u32 $0x40, v2;
	v14 =	vor.u32 s19, v1  }
0x354: {  	v2 =	vor.u32 v5, v2;
	v24 =	vor.u32 s18, v1;
	v13 =	vld.idx.msk [tilespmem:v6+s5+$0x0], $0xffff  }
0x355: {  	v9 =	vor.u32 s16, v2;
	v15 =	vld.idx.msk [tilespmem:v7+s5+$0x0], $0xffff  }
0x356: {  	v4 =	vshll.u32 v4, $0x6;
	v20 =	vor.u32 s11, v2;
	v10 =	vld.idx.msk [tilespmem:v10+s7+$0x0], $0xffff  }
0x357: {  	s15 =	simm.s32 $0x3;
	v4 =	vand.u32 $0x40, v4;
	v26 =	vor.u32 s18, v2;
	v11 =	vld.idx.msk [tilespmem:v11+s7+$0x0], $0xffff  }
0x358: {  	v12 =	vor.u32 s15, v1;
	v4 =	vor.u32 v5, v4;
	v19 =	vld.idx.msk [tilespmem:v14+s5+$0x0], $0xffff  }
0x359: {  	v23 =	vor.u32 s16, v4;
	v24 =	vld.idx.msk [tilespmem:v24+s5+$0x0], $0xffff  }
0x35a: {  	v30 =	vor.u32 s17, v4;
	v16 =	vld.idx.msk [tilespmem:v9+s4+$0x0], $0xffff  }
0x35b: {  	v6 =	vshll.u32 v8, $0x6;
	v9 =	vor.u32 s17, v1;
	v20 =	vld.idx.msk [tilespmem:v20+s4+$0x0], $0xffff  }
0x35c: {  	v7 =	vor.u32 s11, v4;
	v6 =	vand.u32 $0x40, v6;
	v26 =	vld.idx.msk [tilespmem:v26+s4+$0x0], $0xffff  }
0x35d: {  	v8 =	vor.u32 s15, v2;
	v5 =	vor.u32 v5, v6;
	v6 =	vld.idx.msk [tilespmem:v12+s5+$0x0], $0xffff  }
0x35e: {  	v14 =	vor.u32 s18, v4;
	v23 =	vld.idx.msk [tilespmem:v23+s8+$0x0], $0xffff  }
0x35f: {  	v30 =	vld.idx.msk [tilespmem:v30+s8+$0x0], $0xffff;
	v12 =	vor.u32 s17, v5  }
0x360: {  	v21 =	vld.idx.msk [tilespmem:v9+s5+$0x0], $0xffff;
	v9 =	vor.u32 s11, v3  }
0x361: {  	v18 =	vld.idx.msk [tilespmem:v7+s8+$0x0], $0xffff;
	v7 =	vor.u32 s16, v3  }
0x362: {  	v17 =	vor.u32 s11, v5;
	v8 =	vld.idx.msk [tilespmem:v8+s4+$0x0], $0xffff  }
0x363: {  	v27 =	vor.u32 s18, v3;
	v14 =	vld.idx.msk [tilespmem:v14+s8+$0x0], $0xffff  }
0x364: {  	v22 =	vor.u32 s16, v5;
	v12 =	vld.idx.msk [tilespmem:v12+s6+$0x0], $0xffff  }
0x365: {  	s20 =	simm.s32 $0x6;
	v29 =	vor.u32 s17, v2;
	v28 =	vld.idx.msk [tilespmem:v9+s7+$0x0], $0xffff  }
0x366: {  	s21 =	simm.s32 $0x7;
	v33 =	vor.u32 s20, v1;
	v31 =	vor.u32 s18, v5;
	v25 =	vld.idx.msk [tilespmem:v7+s7+$0x0], $0xffff  }
0x367: {  	v35 =	vor.u32 s15, v3;
	v60 =	vor.u32 s21, v1;
	v36 =	vor.u32 s19, v2;
	v17 =	vld.idx.msk [tilespmem:v17+s6+$0x0], $0xffff  }
0x368: {  	v34 =	vadd.f32 v10, v21;
	v10 =	vadd.f32 v20, v13;
	v20 =	vld.idx.msk [tilespmem:v27+s7+$0x0], $0xffff;
	v27 =	vor.u32 s20, v2  }
0x369: {  	v39 =	vor.u32 s21, v2;
	v32 =	vor.u32 s15, v5;
	v22 =	vld.idx.msk [tilespmem:v22+s6+$0x0], $0xffff;
	v9 =	vadd.f32 v8, v6  }
0x36a: {  	v38 =	vor.u32 s20, v4;
	v8 =	vadd.f32 v11, v19;
	v11 =	vadd.f32 v28, v13;
	v28 =	vld.idx.msk [tilespmem:v29+s4+$0x0], $0xffff  }
0x36b: {  	v13 =	vadd.f32 v16, v15;
	v15 =	vadd.f32 v25, v15;
	v16 =	vld.idx.msk [tilespmem:v31+s6+$0x0], $0xffff;
	v25 =	vor.u32 s20, v5  }
0x36c: {  	v26 =	vadd.f32 v26, v24;
	v29 =	vsub.f32 v10, v17;
	v31 =	vor.u32 s15, v4;
	v17 =	vld.idx.msk [tilespmem:v33+s5+$0x0], $0xffff  }
0x36d: {  	v7 =	vimm.f32 $0.0e+00;
	v37 =	vld.idx.msk [tilespmem:v27+s4+$0x0], $0xffff;
	v20 =	vadd.f32 v20, v24;
	v24 =	vor.u32 s20, v3  }
0x36e: {  	v10 =	vor.u32 s21, v4;
	v11 =	vsub.f32 v11, v18;
	v58 =	vsub.f32 v13, v22;
	v13 =	vld.idx.msk [tilespmem:v32+s6+$0x0], $0xffff  }
0x36f: {  	v18 =	vor.u32 s21, v5;
	v23 =	vsub.f32 v15, v23;
	v21 =	vadd.f32 v28, v21;
	v28 =	vld.idx.msk [tilespmem:v36+s4+$0x0], $0xffff  }
0x370: {  	v22 =	vor.u32 s19, v4;
	v14 =	vsub.f32 v20, v14;
	v11 =	vand.u32 $0x7FFFFFFF, v11;
	v25 =	vld.idx.msk [tilespmem:v25+s6+$0x0], $0xffff  }
0x371: {  	v59 =	vand.u32 $0x7FFFFFFF, v58;
	v23 =	vand.u32 $0x7FFFFFFF, v23;
	v61 =	vadd.f32 v11, v7;
	v11 =	vld.idx.msk [tilespmem:v31+s8+$0x0], $0xffff  }
0x372: {  	v16 =	vsub.f32 v26, v16;
	v26 =	vand.u32 $0x7FFFFFFF, v14;
	v14 =	vsub.f32 v34, v30;
	v27 =	vld.idx.msk [tilespmem:v24+s7+$0x0], $0xffff  }
0x373: {  	v31 =	vor.u32 s19, v5;
	v20 =	vsub.f32 v21, v12;
	v21 =	vand.u32 $0x7FFFFFFF, v29;
	v12 =	vld.idx.msk [tilespmem:v35+s7+$0x0], $0xffff  }
0x374: {  	v63 =	vand.u32 $0x7FFFFFFF, v16;
	v29 =	vadd.f32 v37, v17;
	v16 =	vld.idx.msk [tilespmem:v60+s5+$0x0], $0xffff;
	v62 =	vadd.f32 v21, v7  }
0x375: {  	v30 =	vor.u32 s21, v3;
	v15 =	vadd.f32 v26, v61;
	v26 =	vld.idx.msk [tilespmem:v38+s8+$0x0], $0xffff;
	v21 =	vadd.f32 v59, v7  }
0x376: {  	s14 =	simm.s32 $0x8;
	v20 =	vand.u32 $0x7FFFFFFF, v20;
	v19 =	vadd.f32 v28, v19;
	v24 =	vadd.f32 v63, v62;
	v28 =	vld.idx.msk [tilespmem:v39+s4+$0x0], $0xffff  }
.LBB2_25:
0x377: {  	v32 =	vor.u32 s14, v1;
	v33 =	vor.u32 s14, v4;
	s20 =	sadd.s32 $0x1, s14;
	s19 =	sadd.s32 $0x4, s14;
	s15 =	sadd.s32 $0x5, s14;
	v9 =	vsub.f32 v9, v13;
	v22 =	vld.idx.msk [tilespmem:v22+s8+$0x0], $0xffff  }
0x378: {  	s18 =	sadd.s32 $0x3, s14;
	s17 =	sadd.s32 $0x6, s14;
	s16 =	sadd.s32 $0x7, s14;
	v25 =	vsub.f32 v29, v25;
	v34 =	vor.u32 s20, v1;
	v35 =	vor.u32 s19, v3;
	v18 =	vld.idx.msk [tilespmem:v18+s6+$0x0], $0xffff  }
0x379: {  	p0 =	slt.u32 s14, $0x38;
	s21 =	smov.u32 s14;
	s14 =	sadd.s32 $0x8, s14;
	v29 =	vor.u32 s20, v2;
	v13 =	vor.u32 s18, v5;
	v17 =	vadd.f32 v27, v17;
	v31 =	vld.idx.msk [tilespmem:v31+s6+$0x0], $0xffff  }
0x37a: {  	v27 =	vor.u32 s20, v3;
	v36 =	vor.u32 s18, v1;
	v37 =	vor.u32 s15, v3;
	v30 =	vld.idx.msk [tilespmem:v30+s7+$0x0], $0xffff  }
0x37b: {  	v40 =	vadd.f32 v12, v6;
	v38 =	vor.u32 s21, v2;
	v39 =	vor.u32 s15, v1;
	v10 =	vld.idx.msk [tilespmem:v10+s8+$0x0], $0xffff  }
0x37c: {  	v41 =	vor.u32 s21, v3;
	v12 =	vor.u32 s18, v3;
	v17 =	vsub.f32 v17, v26;
	v32 =	vld.idx.msk [tilespmem:v32+s5+$0x0], $0xffff  }
0x37d: {  	v42 =	vor.u32 s18, v2;
	v6 =	vadd.f32 v28, v16;
	v26 =	vld.idx.msk [tilespmem:v34+s5+$0x0], $0xffff;
	v34 =	vor.u32 s20, v5  }
0x37e: {  	v43 =	vor.u32 s20, v4;
	v9 =	vand.u32 $0x7FFFFFFF, v9;
	v28 =	vor.u32 s21, v5;
	s20 =	sadd.s32 $0x2, s21;
	v29 =	vld.idx.msk [tilespmem:v29+s4+$0x0], $0xffff  }
0x37f: {  	v8 =	vsub.f32 v8, v22;
	v44 =	vor.u32 s20, v1;
	v45 =	vor.u32 s20, v4;
	v35 =	vld.idx.msk [tilespmem:v35+s7+$0x0], $0xffff  }
0x380: {  	v46 =	vor.u32 s19, v1;
	v18 =	vsub.f32 v6, v18;
	v22 =	vor.u32 s20, v2;
	v37 =	vld.idx.msk [tilespmem:v37+s7+$0x0], $0xffff  }
0x381: {  	v20 =	vadd.f32 v20, v24;
	v47 =	vor.u32 s20, v3;
	v6 =	vld.idx.msk [tilespmem:v36+s5+$0x0], $0xffff;
	v36 =	vor.u32 s19, v5  }
0x382: {  	v7 =	vadd.f32 v23, v7;
	v9 =	vadd.f32 v9, v21;
	v21 =	vand.u32 $0x7FFFFFFF, v25;
	v24 =	vld.idx.msk [tilespmem:v39+s5+$0x0], $0xffff  }
0x383: {  	v14 =	vand.u32 $0x7FFFFFFF, v14;
	v11 =	vsub.f32 v40, v11;
	v19 =	vsub.f32 v19, v31;
	v23 =	vld.idx.msk [tilespmem:v33+s8+$0x0], $0xffff  }
0x384: {  	v14 =	vadd.f32 v14, v15;
	v8 =	vand.u32 $0x7FFFFFFF, v8;
	v15 =	vadd.f32 v30, v16;
	v25 =	vld.idx.msk [tilespmem:v42+s4+$0x0], $0xffff  }
0x385: {  	v11 =	vand.u32 $0x7FFFFFFF, v11;
	v17 =	vand.u32 $0x7FFFFFFF, v17;
	v19 =	vand.u32 $0x7FFFFFFF, v19;
	v16 =	vld.idx.msk [tilespmem:v46+s5+$0x0], $0xffff  }
0x386: {  	v14 =	vadd.f32 v17, v14;
	v17 =	vand.u32 $0x7FFFFFFF, v18;
	v10 =	vsub.f32 v15, v10;
	v30 =	vld.idx.msk [tilespmem:v36+s6+$0x0], $0xffff  }
0x387: {  	v20 =	vadd.f32 v21, v20;
	v7 =	vadd.f32 v11, v7;
	v18 =	vor.u32 s20, v5;
	v15 =	vld.idx.msk [tilespmem:v28+s6+$0x0], $0xffff  }
0x388: {  	v9 =	vadd.f32 v19, v9;
	v11 =	vld.idx.msk [tilespmem:v45+s8+$0x0], $0xffff  }
0x389: {  	v7 =	vadd.f32 v8, v7;
	v8 =	vand.u32 $0x7FFFFFFF, v10;
	v19 =	vld.idx.msk [tilespmem:v27+s7+$0x0], $0xffff  }
0x38a: {  	v21 =	vadd.f32 v17, v9;
	v10 =	vld.idx.msk [tilespmem:v38+s4+$0x0], $0xffff  }
0x38b: {  	v7 =	vadd.f32 v8, v7;
	v9 =	vadd.f32 v25, v6;
	v17 =	vld.idx.msk [tilespmem:v41+s7+$0x0], $0xffff  }
0x38c: {  	v27 =	vor.u32 s19, v2;
	v28 =	vadd.f32 v35, v16;
	v25 =	vld.idx.msk [tilespmem:v34+s6+$0x0], $0xffff  }
0x38d: {  	v33 =	vor.u32 s19, v4;
	v8 =	vadd.f32 v37, v24;
	v31 =	vld.idx.msk [tilespmem:v43+s8+$0x0], $0xffff  }
0x38e: {  	v34 =	vld.idx.msk [tilespmem:v44+s5+$0x0], $0xffff  }
0x38f: {  	v35 =	vor.u32 s17, v1;
	v22 =	vld.idx.msk [tilespmem:v22+s4+$0x0], $0xffff  }
0x390: {  	v37 =	vor.u32 s17, v2;
	v10 =	vadd.f32 v10, v32;
	v36 =	vld.idx.msk [tilespmem:v47+s7+$0x0], $0xffff  }
0x391: {  	v17 =	vadd.f32 v17, v32;
	v27 =	vld.idx.msk [tilespmem:v27+s4+$0x0], $0xffff  }
0x392: {  	v15 =	vsub.f32 v10, v15;
	v10 =	vor.u32 s16, v4;
	v32 =	vld.idx.msk [tilespmem:v33+s8+$0x0], $0xffff;
	v33 =	vor.u32 s15, v2  }
0x393: {  	v29 =	vadd.f32 v29, v26;
	v38 =	vor.u32 s17, v5;
	v19 =	vadd.f32 v19, v26;
	v26 =	vld.idx.msk [tilespmem:v18+s6+$0x0], $0xffff  }
0x394: {  	v39 =	vor.u32 s18, v4;
	v23 =	vsub.f32 v17, v23;
	v18 =	vor.u32 s16, v5;
	v17 =	vld.idx.msk [tilespmem:v35+s5+$0x0], $0xffff  }
0x395: {  	v25 =	vsub.f32 v29, v25;
	v29 =	vadd.f32 v22, v34;
	v22 =	vor.u32 s15, v4;
	v35 =	vld.idx.msk [tilespmem:v37+s4+$0x0], $0xffff  }
0x396: {  	v23 =	vand.u32 $0x7FFFFFFF, v23;
	v34 =	vadd.f32 v36, v34;
	v36 =	vor.u32 s17, v3;
	v13 =	vld.idx.msk [tilespmem:v13+s6+$0x0], $0xffff  }
0x397: {  	v40 =	vor.u32 s16, v1;
	v37 =	vand.u32 $0x7FFFFFFF, v25;
	v16 =	vadd.f32 v27, v16;
	v33 =	vld.idx.msk [tilespmem:v33+s4+$0x0], $0xffff  }
0x398: {  	v23 =	vadd.f32 v23, v14;
	v14 =	vsub.f32 v34, v11;
	v34 =	vor.u32 s17, v4;
	v25 =	vld.idx.msk [tilespmem:v38+s6+$0x0], $0xffff  }
0x399: {  	v26 =	vsub.f32 v29, v26;
	v30 =	vsub.f32 v16, v30;
	v38 =	vor.u32 s16, v2;
	v11 =	vld.idx.msk [tilespmem:v39+s8+$0x0], $0xffff  }
.Ltmp11:
0x39a: {  	v15 =	vand.u32 $0x7FFFFFFF, v15;
	v16 =	vand.u32 $0x7FFFFFFF, v14;
	v14 =	vsub.f32 v28, v32;
	v12 =	vld.idx.msk [tilespmem:v12+s7+$0x0], $0xffff;
	(pc) =	sbr.rel @p0 .LBB2_25-.Ltmp11, $4  }
0x39b: {  	v28 =	vadd.f32 v15, v20;
	v32 =	vand.u32 $0x7FFFFFFF, v26;
	v29 =	vadd.f32 v35, v17;
	v27 =	vld.idx.msk [tilespmem:v36+s7+$0x0], $0xffff  }
0x39c: {  	v35 =	vsub.f32 v19, v31;
	v15 =	vadd.f32 v16, v23;
	v31 =	vor.u32 s15, v5;
	v16 =	vld.idx.msk [tilespmem:v40+s5+$0x0], $0xffff  }
0x39d: {  	v20 =	vand.u32 $0x7FFFFFFF, v30;
	v30 =	vor.u32 s16, v3;
	v19 =	vadd.f32 v33, v24;
	v26 =	vld.idx.msk [tilespmem:v34+s8+$0x0], $0xffff  }
0x39e: {  	v21 =	vadd.f32 v37, v21;
	v23 =	vand.u32 $0x7FFFFFFF, v35;
	v24 =	vadd.f32 v32, v28;
	v28 =	vld.idx.msk [tilespmem:v38+s4+$0x0], $0xffff  }
0x39f: {  	_ =	sdelay $0x3  }
0x3a0: {  	v1 =	vld.idx.msk [tilespmem:v22+s8+$0x0], $0xffff  }
0x3a1: {  	v3 =	vsub.f32 v9, v13;
	v4 =	vld.idx.msk [tilespmem:v31+s6+$0x0], $0xffff;
	v55 =	vsub.f32 v29, v25  }
0x3a2: {  	v2 =	vld.idx.msk [tilespmem:v18+s6+$0x0], $0xffff;
	v6 =	vadd.f32 v12, v6;
	v7 =	vadd.f32 v23, v7  }
0x3a3: {  	v57 =	vld.idx.msk [tilespmem:v30+s7+$0x0], $0xffff;
	v60 =	vand.u32 $0x7FFFFFFF, v14;
	v5 =	vadd.f32 v27, v17;
	v59 =	vadd.f32 v20, v24  }
0x3a4: {  	v3 =	vand.u32 $0x7FFFFFFF, v3;
	v6 =	vsub.f32 v6, v11;
	v11 =	vadd.f32 v60, v15  }
0x3a5: {  	v58 =	vld.idx.msk [tilespmem:v10+s8+$0x0], $0xffff;
	v5 =	vsub.f32 v5, v26;
	v3 =	vadd.f32 v3, v21  }
0x3a6: {  	v9 =	vand.u32 $0x7FFFFFFF, v55;
	v56 =	vadd.f32 v28, v16;
	v4 =	vsub.f32 v19, v4  }
0x3a7: {  	v63 =	vadd.f32 v9, v59;
	v6 =	vand.u32 $0x7FFFFFFF, v6;
	v1 =	vsub.f32 v8, v1  }
0x3a8: {  	v61 =	vadd.f32 v57, v16;
	v2 =	vsub.f32 v56, v2;
	v4 =	vand.u32 $0x7FFFFFFF, v4  }
0x3a9: {  	v6 =	vadd.f32 v6, v7;
	v3 =	vadd.f32 v4, v3  }
0x3aa: {  	v1 =	vand.u32 $0x7FFFFFFF, v1;
	v62 =	vsub.f32 v61, v58;
	v2 =	vand.u32 $0x7FFFFFFF, v2  }
0x3ab: {  	v5 =	vand.u32 $0x7FFFFFFF, v5;
	v1 =	vadd.f32 v1, v6;
	v2 =	vadd.f32 v2, v3  }
0x3ac: {  	v4 =	vand.u32 $0x7FFFFFFF, v62;
	v3 =	vadd.f32 v5, v11  }
0x3ad: {  	v1 =	vadd.f32 v4, v1;
	v2 =	vadd.f32 v2, v63  }
0x3ae: {  	s12 =	sadd.s32 $0x1, s12  }
0x3af: {  	p0 =	sne.s32 s12, $0x4;
	v1 =	vadd.f32 v1, v3;
	v2 =	vadd.f32 $2.000000000e+00, v2  }
.Ltmp12:
0x3b0: {  	_ = 	snop;
	(pc) =	sbr.rel @p0 .LBB2_24-.Ltmp12, $3  }
0x3b1: {  	v1 =	vsub.f32 v2, v1;
	_ =	sdelay $0x1  }
0x3b2: {  	v1 =	vmax.f32 v1, $0.0e+00  }
0x3b3: {  	[tilespmem:s13+$0x15400] =	vst v1  }
0x3b4: {  	_ =	swait.ge [sflag:s0], $0x2000  }
0x3b5: {  	[sflag:s0] =	ssyncset.done $0x0  }
0x3b6: {  	[sflag:s0] =	ssyncadd.s32 $0xFFFFE000  }
0x3b7: {  	_ =	swait.ge [sflag:s0], $0x2000  }
0x3b8: {  	[sflag:s0] =	ssyncset.done $0x0  }
0x3b9: {  	[sflag:s0] =	ssyncadd.s32 $0xFFFFE000  }
0x3ba: {  	_ =	swait.ge [sflag:s0], $0x2000  }
0x3bb: {  	[sflag:s0] =	ssyncset.done $0x0  }
0x3bc: {  	[sflag:s0] =	ssyncadd.s32 $0xFFFFE000  }
0x3bd: {  	_ =	swait.ge [sflag:s0], $0x2000  }
0x3be: {  	[sflag:s0] =	ssyncset.done $0x0  }
0x3bf: {  	[sflag:s0] =	ssyncadd.s32 $0xFFFFE000  }
0x3c0: {  	_ =	swait.ge [sflag:s0], $0x2000  }
0x3c1: {  	[sflag:s0] =	ssyncset.done $0x0  }
0x3c2: {  	s11 =	simm.s32 $0xBC0;
	[sflag:s0] =	ssyncadd.s32 $0xFFFFE000  }
0x3c3: {  	[tilespmem:s4], [sflag:$0x1] =	stream.indirect.gather [hbm4b:s24+s1], $0x80, s11, s1, $0xb8;
	[tilespmem:$0x15600] =	vst v63  }
0x3c4: {  	s18 =	simm.s32 $0xDC0  }
0x3c5: {  	[tilespmem:s5], [sflag:$0x1] =	stream.indirect.gather [hbm4b:s25+s1], $0x80, s18, s1, $0xb8;
	[tilespmem:$0x15600] =	vst v63  }
0x3c6: {  	s19 =	simm.s32 $0xFC0  }
0x3c7: {  	[tilespmem:s6], [sflag:$0x1] =	stream.indirect.gather [hbm4b:s24+s1], $0x80, s19, s1, $0xb8;
	[tilespmem:$0x15600] =	vst v63  }
0x3c8: {  	s20 =	simm.s32 $0x11C0  }
0x3c9: {  	[tilespmem:s7], [sflag:$0x1] =	stream.indirect.gather [hbm4b:s24+s1], $0x80, s20, s1, $0xb8;
	[tilespmem:$0x15600] =	vst v63  }
0x3ca: {  	s21 =	simm.s32 $0x13C0;
	s12 =	simm.s32 $0x0;
	s11 =	simm.s32 $0x0  }
0x3cb: {  	[tilespmem:s8], [sflag:$0x1] =	stream.indirect.gather [hbm4b:s24+s1], $0x80, s21, s1, $0xb8;
	[tilespmem:$0x15600] =	vst v63  }
.LBB2_28:
0x3cc: {  	s14 =	sshll.u32 s12, $0x4  }
0x3cd: {  	v1 =	vld [tilespmem:s14+$0x380];
	_ =	sdelay $0x1  }
0x3ce: {  	v3 =	vld [tilespmem:s14+$0x780];
	_ =	sdelay $0x1  }
0x3cf: {  	v4 =	vmov s14  }
0x3d0: {  	s13 =	sor.u32 $0x180, s14;
	v4 =	vshll.u32 v4, $0x7;
	v1 =	vshll.u32 v1, $0x6  }
0x3d1: {  	v2 =	vld [tilespmem:s13+$0x0];
	v5 =	vor.u32 v0, v4;
	v1 =	vand.u32 $0x40, v1  }
0x3d2: {  	v3 =	vshll.u32 v3, $0x6;
	v1 =	vor.u32 v5, v1  }
0x3d3: {  	s16 =	simm.s32 $0x1;
	v3 =	vand.u32 $0x40, v3;
	v6 =	vor.u32 s11, v1  }
0x3d4: {  	s17 =	simm.s32 $0x4;
	v3 =	vor.u32 v5, v3;
	v7 =	vor.u32 s16, v1  }
0x3d5: {  	s19 =	simm.s32 $0x5;
	v4 =	vld [tilespmem:s14+$0x980];
	v10 =	vor.u32 s17, v3  }
0x3d6: {  	v2 =	vshll.u32 v2, $0x6;
	v11 =	vor.u32 s19, v3  }
0x3d7: {  	s18 =	simm.s32 $0x2;
	v8 =	vld [tilespmem:s14+$0x580];
	v2 =	vand.u32 $0x40, v2;
	v14 =	vor.u32 s19, v1  }
0x3d8: {  	v2 =	vor.u32 v5, v2;
	v24 =	vor.u32 s18, v1;
	v13 =	vld.idx.msk [tilespmem:v6+s31+$0x0], $0xffff  }
0x3d9: {  	v9 =	vor.u32 s16, v2;
	v15 =	vld.idx.msk [tilespmem:v7+s31+$0x0], $0xffff  }
0x3da: {  	v4 =	vshll.u32 v4, $0x6;
	v20 =	vor.u32 s11, v2;
	v10 =	vld.idx.msk [tilespmem:v10+s28+$0x0], $0xffff  }
0x3db: {  	s15 =	simm.s32 $0x3;
	v4 =	vand.u32 $0x40, v4;
	v26 =	vor.u32 s18, v2;
	v11 =	vld.idx.msk [tilespmem:v11+s28+$0x0], $0xffff  }
0x3dc: {  	v12 =	vor.u32 s15, v1;
	v4 =	vor.u32 v5, v4;
	v19 =	vld.idx.msk [tilespmem:v14+s31+$0x0], $0xffff  }
0x3dd: {  	v23 =	vor.u32 s16, v4;
	v24 =	vld.idx.msk [tilespmem:v24+s31+$0x0], $0xffff  }
0x3de: {  	v30 =	vor.u32 s17, v4;
	v16 =	vld.idx.msk [tilespmem:v9+s29+$0x0], $0xffff  }
0x3df: {  	v6 =	vshll.u32 v8, $0x6;
	v9 =	vor.u32 s17, v1;
	v20 =	vld.idx.msk [tilespmem:v20+s29+$0x0], $0xffff  }
0x3e0: {  	v7 =	vor.u32 s11, v4;
	v6 =	vand.u32 $0x40, v6;
	v26 =	vld.idx.msk [tilespmem:v26+s29+$0x0], $0xffff  }
0x3e1: {  	v8 =	vor.u32 s15, v2;
	v5 =	vor.u32 v5, v6;
	v6 =	vld.idx.msk [tilespmem:v12+s31+$0x0], $0xffff  }
0x3e2: {  	v14 =	vor.u32 s18, v4;
	v23 =	vld.idx.msk [tilespmem:v23+s3+$0x0], $0xffff  }
0x3e3: {  	v30 =	vld.idx.msk [tilespmem:v30+s3+$0x0], $0xffff;
	v12 =	vor.u32 s17, v5  }
0x3e4: {  	v21 =	vld.idx.msk [tilespmem:v9+s31+$0x0], $0xffff;
	v9 =	vor.u32 s11, v3  }
0x3e5: {  	v18 =	vld.idx.msk [tilespmem:v7+s3+$0x0], $0xffff;
	v7 =	vor.u32 s16, v3  }
0x3e6: {  	v17 =	vor.u32 s11, v5;
	v8 =	vld.idx.msk [tilespmem:v8+s29+$0x0], $0xffff  }
0x3e7: {  	v27 =	vor.u32 s18, v3;
	v14 =	vld.idx.msk [tilespmem:v14+s3+$0x0], $0xffff  }
0x3e8: {  	v22 =	vor.u32 s16, v5;
	v12 =	vld.idx.msk [tilespmem:v12+s30+$0x0], $0xffff  }
0x3e9: {  	s20 =	simm.s32 $0x6;
	v29 =	vor.u32 s17, v2;
	v28 =	vld.idx.msk [tilespmem:v9+s28+$0x0], $0xffff  }
0x3ea: {  	s21 =	simm.s32 $0x7;
	v33 =	vor.u32 s20, v1;
	v31 =	vor.u32 s18, v5;
	v25 =	vld.idx.msk [tilespmem:v7+s28+$0x0], $0xffff  }
0x3eb: {  	v35 =	vor.u32 s15, v3;
	v60 =	vor.u32 s21, v1;
	v36 =	vor.u32 s19, v2;
	v17 =	vld.idx.msk [tilespmem:v17+s30+$0x0], $0xffff  }
0x3ec: {  	v34 =	vadd.f32 v10, v21;
	v10 =	vadd.f32 v20, v13;
	v20 =	vld.idx.msk [tilespmem:v27+s28+$0x0], $0xffff;
	v27 =	vor.u32 s20, v2  }
0x3ed: {  	v39 =	vor.u32 s21, v2;
	v32 =	vor.u32 s15, v5;
	v22 =	vld.idx.msk [tilespmem:v22+s30+$0x0], $0xffff;
	v9 =	vadd.f32 v8, v6  }
0x3ee: {  	v38 =	vor.u32 s20, v4;
	v8 =	vadd.f32 v11, v19;
	v11 =	vadd.f32 v28, v13;
	v28 =	vld.idx.msk [tilespmem:v29+s29+$0x0], $0xffff  }
0x3ef: {  	v13 =	vadd.f32 v16, v15;
	v15 =	vadd.f32 v25, v15;
	v16 =	vld.idx.msk [tilespmem:v31+s30+$0x0], $0xffff;
	v25 =	vor.u32 s20, v5  }
0x3f0: {  	v26 =	vadd.f32 v26, v24;
	v29 =	vsub.f32 v10, v17;
	v31 =	vor.u32 s15, v4;
	v17 =	vld.idx.msk [tilespmem:v33+s31+$0x0], $0xffff  }
0x3f1: {  	v7 =	vimm.f32 $0.0e+00;
	v37 =	vld.idx.msk [tilespmem:v27+s29+$0x0], $0xffff;
	v20 =	vadd.f32 v20, v24;
	v24 =	vor.u32 s20, v3  }
0x3f2: {  	v10 =	vor.u32 s21, v4;
	v11 =	vsub.f32 v11, v18;
	v58 =	vsub.f32 v13, v22;
	v13 =	vld.idx.msk [tilespmem:v32+s30+$0x0], $0xffff  }
0x3f3: {  	v18 =	vor.u32 s21, v5;
	v23 =	vsub.f32 v15, v23;
	v21 =	vadd.f32 v28, v21;
	v28 =	vld.idx.msk [tilespmem:v36+s29+$0x0], $0xffff  }
0x3f4: {  	v22 =	vor.u32 s19, v4;
	v14 =	vsub.f32 v20, v14;
	v11 =	vand.u32 $0x7FFFFFFF, v11;
	v25 =	vld.idx.msk [tilespmem:v25+s30+$0x0], $0xffff  }
0x3f5: {  	v59 =	vand.u32 $0x7FFFFFFF, v58;
	v23 =	vand.u32 $0x7FFFFFFF, v23;
	v61 =	vadd.f32 v11, v7;
	v11 =	vld.idx.msk [tilespmem:v31+s3+$0x0], $0xffff  }
0x3f6: {  	v16 =	vsub.f32 v26, v16;
	v26 =	vand.u32 $0x7FFFFFFF, v14;
	v14 =	vsub.f32 v34, v30;
	v27 =	vld.idx.msk [tilespmem:v24+s28+$0x0], $0xffff  }
0x3f7: {  	v31 =	vor.u32 s19, v5;
	v20 =	vsub.f32 v21, v12;
	v21 =	vand.u32 $0x7FFFFFFF, v29;
	v12 =	vld.idx.msk [tilespmem:v35+s28+$0x0], $0xffff  }
0x3f8: {  	v63 =	vand.u32 $0x7FFFFFFF, v16;
	v29 =	vadd.f32 v37, v17;
	v16 =	vld.idx.msk [tilespmem:v60+s31+$0x0], $0xffff;
	v62 =	vadd.f32 v21, v7  }
0x3f9: {  	v30 =	vor.u32 s21, v3;
	v15 =	vadd.f32 v26, v61;
	v26 =	vld.idx.msk [tilespmem:v38+s3+$0x0], $0xffff;
	v21 =	vadd.f32 v59, v7  }
0x3fa: {  	s14 =	simm.s32 $0x8;
	v20 =	vand.u32 $0x7FFFFFFF, v20;
	v19 =	vadd.f32 v28, v19;
	v24 =	vadd.f32 v63, v62;
	v28 =	vld.idx.msk [tilespmem:v39+s29+$0x0], $0xffff  }
.LBB2_29:
0x3fb: {  	v32 =	vor.u32 s14, v1;
	v33 =	vor.u32 s14, v4;
	s20 =	sadd.s32 $0x1, s14;
	s19 =	sadd.s32 $0x4, s14;
	s15 =	sadd.s32 $0x5, s14;
	v9 =	vsub.f32 v9, v13;
	v22 =	vld.idx.msk [tilespmem:v22+s3+$0x0], $0xffff  }
0x3fc: {  	s18 =	sadd.s32 $0x3, s14;
	s17 =	sadd.s32 $0x6, s14;
	s16 =	sadd.s32 $0x7, s14;
	v25 =	vsub.f32 v29, v25;
	v34 =	vor.u32 s20, v1;
	v35 =	vor.u32 s19, v3;
	v18 =	vld.idx.msk [tilespmem:v18+s30+$0x0], $0xffff  }
0x3fd: {  	p0 =	slt.u32 s14, $0x38;
	s21 =	smov.u32 s14;
	s14 =	sadd.s32 $0x8, s14;
	v29 =	vor.u32 s20, v2;
	v13 =	vor.u32 s18, v5;
	v17 =	vadd.f32 v27, v17;
	v31 =	vld.idx.msk [tilespmem:v31+s30+$0x0], $0xffff  }
0x3fe: {  	v27 =	vor.u32 s20, v3;
	v36 =	vor.u32 s18, v1;
	v37 =	vor.u32 s15, v3;
	v30 =	vld.idx.msk [tilespmem:v30+s28+$0x0], $0xffff  }
0x3ff: {  	v40 =	vadd.f32 v12, v6;
	v38 =	vor.u32 s21, v2;
	v39 =	vor.u32 s15, v1;
	v10 =	vld.idx.msk [tilespmem:v10+s3+$0x0], $0xffff  }
0x400: {  	v41 =	vor.u32 s21, v3;
	v12 =	vor.u32 s18, v3;
	v17 =	vsub.f32 v17, v26;
	v32 =	vld.idx.msk [tilespmem:v32+s31+$0x0], $0xffff  }
0x401: {  	v42 =	vor.u32 s18, v2;
	v6 =	vadd.f32 v28, v16;
	v26 =	vld.idx.msk [tilespmem:v34+s31+$0x0], $0xffff;
	v34 =	vor.u32 s20, v5  }
0x402: {  	v43 =	vor.u32 s20, v4;
	v9 =	vand.u32 $0x7FFFFFFF, v9;
	v28 =	vor.u32 s21, v5;
	s20 =	sadd.s32 $0x2, s21;
	v29 =	vld.idx.msk [tilespmem:v29+s29+$0x0], $0xffff  }
0x403: {  	v8 =	vsub.f32 v8, v22;
	v44 =	vor.u32 s20, v1;
	v45 =	vor.u32 s20, v4;
	v35 =	vld.idx.msk [tilespmem:v35+s28+$0x0], $0xffff  }
0x404: {  	v46 =	vor.u32 s19, v1;
	v18 =	vsub.f32 v6, v18;
	v22 =	vor.u32 s20, v2;
	v37 =	vld.idx.msk [tilespmem:v37+s28+$0x0], $0xffff  }
0x405: {  	v20 =	vadd.f32 v20, v24;
	v47 =	vor.u32 s20, v3;
	v6 =	vld.idx.msk [tilespmem:v36+s31+$0x0], $0xffff;
	v36 =	vor.u32 s19, v5  }
0x406: {  	v7 =	vadd.f32 v23, v7;
	v9 =	vadd.f32 v9, v21;
	v21 =	vand.u32 $0x7FFFFFFF, v25;
	v24 =	vld.idx.msk [tilespmem:v39+s31+$0x0], $0xffff  }
0x407: {  	v14 =	vand.u32 $0x7FFFFFFF, v14;
	v11 =	vsub.f32 v40, v11;
	v19 =	vsub.f32 v19, v31;
	v23 =	vld.idx.msk [tilespmem:v33+s3+$0x0], $0xffff  }
0x408: {  	v14 =	vadd.f32 v14, v15;
	v8 =	vand.u32 $0x7FFFFFFF, v8;
	v15 =	vadd.f32 v30, v16;
	v25 =	vld.idx.msk [tilespmem:v42+s29+$0x0], $0xffff  }
0x409: {  	v11 =	vand.u32 $0x7FFFFFFF, v11;
	v17 =	vand.u32 $0x7FFFFFFF, v17;
	v19 =	vand.u32 $0x7FFFFFFF, v19;
	v16 =	vld.idx.msk [tilespmem:v46+s31+$0x0], $0xffff  }
0x40a: {  	v14 =	vadd.f32 v17, v14;
	v17 =	vand.u32 $0x7FFFFFFF, v18;
	v10 =	vsub.f32 v15, v10;
	v30 =	vld.idx.msk [tilespmem:v36+s30+$0x0], $0xffff  }
0x40b: {  	v20 =	vadd.f32 v21, v20;
	v7 =	vadd.f32 v11, v7;
	v18 =	vor.u32 s20, v5;
	v15 =	vld.idx.msk [tilespmem:v28+s30+$0x0], $0xffff  }
0x40c: {  	v9 =	vadd.f32 v19, v9;
	v11 =	vld.idx.msk [tilespmem:v45+s3+$0x0], $0xffff  }
0x40d: {  	v7 =	vadd.f32 v8, v7;
	v8 =	vand.u32 $0x7FFFFFFF, v10;
	v19 =	vld.idx.msk [tilespmem:v27+s28+$0x0], $0xffff  }
0x40e: {  	v21 =	vadd.f32 v17, v9;
	v10 =	vld.idx.msk [tilespmem:v38+s29+$0x0], $0xffff  }
0x40f: {  	v7 =	vadd.f32 v8, v7;
	v9 =	vadd.f32 v25, v6;
	v17 =	vld.idx.msk [tilespmem:v41+s28+$0x0], $0xffff  }
0x410: {  	v27 =	vor.u32 s19, v2;
	v28 =	vadd.f32 v35, v16;
	v25 =	vld.idx.msk [tilespmem:v34+s30+$0x0], $0xffff  }
0x411: {  	v33 =	vor.u32 s19, v4;
	v8 =	vadd.f32 v37, v24;
	v31 =	vld.idx.msk [tilespmem:v43+s3+$0x0], $0xffff  }
0x412: {  	v34 =	vld.idx.msk [tilespmem:v44+s31+$0x0], $0xffff  }
0x413: {  	v35 =	vor.u32 s17, v1;
	v22 =	vld.idx.msk [tilespmem:v22+s29+$0x0], $0xffff  }
0x414: {  	v37 =	vor.u32 s17, v2;
	v10 =	vadd.f32 v10, v32;
	v36 =	vld.idx.msk [tilespmem:v47+s28+$0x0], $0xffff  }
0x415: {  	v17 =	vadd.f32 v17, v32;
	v27 =	vld.idx.msk [tilespmem:v27+s29+$0x0], $0xffff  }
0x416: {  	v15 =	vsub.f32 v10, v15;
	v10 =	vor.u32 s16, v4;
	v32 =	vld.idx.msk [tilespmem:v33+s3+$0x0], $0xffff;
	v33 =	vor.u32 s15, v2  }
0x417: {  	v29 =	vadd.f32 v29, v26;
	v38 =	vor.u32 s17, v5;
	v19 =	vadd.f32 v19, v26;
	v26 =	vld.idx.msk [tilespmem:v18+s30+$0x0], $0xffff  }
0x418: {  	v39 =	vor.u32 s18, v4;
	v23 =	vsub.f32 v17, v23;
	v18 =	vor.u32 s16, v5;
	v17 =	vld.idx.msk [tilespmem:v35+s31+$0x0], $0xffff  }
0x419: {  	v25 =	vsub.f32 v29, v25;
	v29 =	vadd.f32 v22, v34;
	v22 =	vor.u32 s15, v4;
	v35 =	vld.idx.msk [tilespmem:v37+s29+$0x0], $0xffff  }
0x41a: {  	v23 =	vand.u32 $0x7FFFFFFF, v23;
	v34 =	vadd.f32 v36, v34;
	v36 =	vor.u32 s17, v3;
	v13 =	vld.idx.msk [tilespmem:v13+s30+$0x0], $0xffff  }
0x41b: {  	v40 =	vor.u32 s16, v1;
	v37 =	vand.u32 $0x7FFFFFFF, v25;
	v16 =	vadd.f32 v27, v16;
	v33 =	vld.idx.msk [tilespmem:v33+s29+$0x0], $0xffff  }
0x41c: {  	v23 =	vadd.f32 v23, v14;
	v14 =	vsub.f32 v34, v11;
	v34 =	vor.u32 s17, v4;
	v25 =	vld.idx.msk [tilespmem:v38+s30+$0x0], $0xffff  }
0x41d: {  	v26 =	vsub.f32 v29, v26;
	v30 =	vsub.f32 v16, v30;
	v38 =	vor.u32 s16, v2;
	v11 =	vld.idx.msk [tilespmem:v39+s3+$0x0], $0xffff  }
.Ltmp13:
0x41e: {  	v15 =	vand.u32 $0x7FFFFFFF, v15;
	v16 =	vand.u32 $0x7FFFFFFF, v14;
	v14 =	vsub.f32 v28, v32;
	v12 =	vld.idx.msk [tilespmem:v12+s28+$0x0], $0xffff;
	(pc) =	sbr.rel @p0 .LBB2_29-.Ltmp13, $4  }
0x41f: {  	v28 =	vadd.f32 v15, v20;
	v32 =	vand.u32 $0x7FFFFFFF, v26;
	v29 =	vadd.f32 v35, v17;
	v27 =	vld.idx.msk [tilespmem:v36+s28+$0x0], $0xffff  }
0x420: {  	v35 =	vsub.f32 v19, v31;
	v15 =	vadd.f32 v16, v23;
	v31 =	vor.u32 s15, v5;
	v16 =	vld.idx.msk [tilespmem:v40+s31+$0x0], $0xffff  }
0x421: {  	v20 =	vand.u32 $0x7FFFFFFF, v30;
	v30 =	vor.u32 s16, v3;
	v19 =	vadd.f32 v33, v24;
	v26 =	vld.idx.msk [tilespmem:v34+s3+$0x0], $0xffff  }
0x422: {  	v21 =	vadd.f32 v37, v21;
	v23 =	vand.u32 $0x7FFFFFFF, v35;
	v24 =	vadd.f32 v32, v28;
	v28 =	vld.idx.msk [tilespmem:v38+s29+$0x0], $0xffff  }
0x423: {  	_ =	sdelay $0x3  }
0x424: {  	v1 =	vld.idx.msk [tilespmem:v22+s3+$0x0], $0xffff  }
0x425: {  	v3 =	vsub.f32 v9, v13;
	v4 =	vld.idx.msk [tilespmem:v31+s30+$0x0], $0xffff;
	v55 =	vsub.f32 v29, v25  }
0x426: {  	v2 =	vld.idx.msk [tilespmem:v18+s30+$0x0], $0xffff;
	v6 =	vadd.f32 v12, v6;
	v7 =	vadd.f32 v23, v7  }
0x427: {  	v57 =	vld.idx.msk [tilespmem:v30+s28+$0x0], $0xffff;
	v60 =	vand.u32 $0x7FFFFFFF, v14;
	v5 =	vadd.f32 v27, v17;
	v59 =	vadd.f32 v20, v24  }
0x428: {  	v3 =	vand.u32 $0x7FFFFFFF, v3;
	v6 =	vsub.f32 v6, v11;
	v11 =	vadd.f32 v60, v15  }
0x429: {  	v58 =	vld.idx.msk [tilespmem:v10+s3+$0x0], $0xffff;
	v5 =	vsub.f32 v5, v26;
	v3 =	vadd.f32 v3, v21  }
0x42a: {  	v9 =	vand.u32 $0x7FFFFFFF, v55;
	v56 =	vadd.f32 v28, v16;
	v4 =	vsub.f32 v19, v4  }
0x42b: {  	v63 =	vadd.f32 v9, v59;
	v6 =	vand.u32 $0x7FFFFFFF, v6;
	v1 =	vsub.f32 v8, v1  }
0x42c: {  	v61 =	vadd.f32 v57, v16;
	v2 =	vsub.f32 v56, v2;
	v4 =	vand.u32 $0x7FFFFFFF, v4  }
0x42d: {  	v6 =	vadd.f32 v6, v7;
	v3 =	vadd.f32 v4, v3  }
0x42e: {  	v1 =	vand.u32 $0x7FFFFFFF, v1;
	v62 =	vsub.f32 v61, v58;
	v2 =	vand.u32 $0x7FFFFFFF, v2  }
0x42f: {  	v5 =	vand.u32 $0x7FFFFFFF, v5;
	v1 =	vadd.f32 v1, v6;
	v2 =	vadd.f32 v2, v3  }
0x430: {  	v4 =	vand.u32 $0x7FFFFFFF, v62;
	v3 =	vadd.f32 v5, v11  }
0x431: {  	v1 =	vadd.f32 v4, v1;
	v2 =	vadd.f32 v2, v63  }
0x432: {  	s12 =	sadd.s32 $0x1, s12  }
0x433: {  	p0 =	sne.s32 s12, $0x4;
	v1 =	vadd.f32 v1, v3;
	v2 =	vadd.f32 $2.000000000e+00, v2  }
.Ltmp14:
0x434: {  	_ = 	snop;
	(pc) =	sbr.rel @p0 .LBB2_28-.Ltmp14, $3  }
0x435: {  	v1 =	vsub.f32 v2, v1;
	_ =	sdelay $0x1  }
0x436: {  	v1 =	vmax.f32 v1, $0.0e+00  }
0x437: {  	[tilespmem:s13+$0x15400] =	vst v1  }
0x438: {  	_ =	swait.ge [sflag:s0], $0x2000  }
0x439: {  	[sflag:s0] =	ssyncset.done $0x0  }
0x43a: {  	[sflag:s0] =	ssyncadd.s32 $0xFFFFE000  }
0x43b: {  	_ =	swait.ge [sflag:s0], $0x2000  }
0x43c: {  	[sflag:s0] =	ssyncset.done $0x0  }
0x43d: {  	[sflag:s0] =	ssyncadd.s32 $0xFFFFE000  }
0x43e: {  	_ =	swait.ge [sflag:s0], $0x2000  }
0x43f: {  	[sflag:s0] =	ssyncset.done $0x0  }
0x440: {  	[sflag:s0] =	ssyncadd.s32 $0xFFFFE000  }
0x441: {  	_ =	swait.ge [sflag:s0], $0x2000  }
0x442: {  	[sflag:s0] =	ssyncset.done $0x0  }
0x443: {  	[sflag:s0] =	ssyncadd.s32 $0xFFFFE000  }
0x444: {  	_ =	swait.ge [sflag:s0], $0x2000  }
0x445: {  	[sflag:s0] =	ssyncset.done $0x0  }
0x446: {  	s11 =	simm.s32 $0x0;
	s12 =	simm.s32 $0x0;
	[sflag:s0] =	ssyncadd.s32 $0xFFFFE000  }
.LBB2_32:
0x447: {  	s14 =	sshll.u32 s12, $0x4  }
0x448: {  	v1 =	vld [tilespmem:s14+$0x3C0];
	_ =	sdelay $0x1  }
0x449: {  	v3 =	vld [tilespmem:s14+$0x7C0];
	_ =	sdelay $0x1  }
0x44a: {  	v4 =	vmov s14  }
0x44b: {  	s13 =	sor.u32 $0x1C0, s14;
	v4 =	vshll.u32 v4, $0x7;
	v1 =	vshll.u32 v1, $0x6  }
0x44c: {  	v2 =	vld [tilespmem:s13+$0x0];
	v5 =	vor.u32 v0, v4;
	v1 =	vand.u32 $0x40, v1  }
0x44d: {  	v3 =	vshll.u32 v3, $0x6;
	v1 =	vor.u32 v5, v1  }
0x44e: {  	s16 =	simm.s32 $0x1;
	v3 =	vand.u32 $0x40, v3;
	v6 =	vor.u32 s11, v1  }
0x44f: {  	s17 =	simm.s32 $0x4;
	v3 =	vor.u32 v5, v3;
	v7 =	vor.u32 s16, v1  }
0x450: {  	s19 =	simm.s32 $0x5;
	v4 =	vld [tilespmem:s14+$0x9C0];
	v10 =	vor.u32 s17, v3  }
0x451: {  	v2 =	vshll.u32 v2, $0x6;
	v11 =	vor.u32 s19, v3  }
0x452: {  	s18 =	simm.s32 $0x2;
	v8 =	vld [tilespmem:s14+$0x5C0];
	v2 =	vand.u32 $0x40, v2;
	v14 =	vor.u32 s19, v1  }
0x453: {  	v2 =	vor.u32 v5, v2;
	v24 =	vor.u32 s18, v1;
	v13 =	vld.idx.msk [tilespmem:v6+s5+$0x0], $0xffff  }
0x454: {  	v9 =	vor.u32 s16, v2;
	v15 =	vld.idx.msk [tilespmem:v7+s5+$0x0], $0xffff  }
0x455: {  	v4 =	vshll.u32 v4, $0x6;
	v20 =	vor.u32 s11, v2;
	v10 =	vld.idx.msk [tilespmem:v10+s7+$0x0], $0xffff  }
0x456: {  	s15 =	simm.s32 $0x3;
	v4 =	vand.u32 $0x40, v4;
	v26 =	vor.u32 s18, v2;
	v11 =	vld.idx.msk [tilespmem:v11+s7+$0x0], $0xffff  }
0x457: {  	v12 =	vor.u32 s15, v1;
	v4 =	vor.u32 v5, v4;
	v19 =	vld.idx.msk [tilespmem:v14+s5+$0x0], $0xffff  }
0x458: {  	v23 =	vor.u32 s16, v4;
	v24 =	vld.idx.msk [tilespmem:v24+s5+$0x0], $0xffff  }
0x459: {  	v30 =	vor.u32 s17, v4;
	v16 =	vld.idx.msk [tilespmem:v9+s4+$0x0], $0xffff  }
0x45a: {  	v6 =	vshll.u32 v8, $0x6;
	v9 =	vor.u32 s17, v1;
	v20 =	vld.idx.msk [tilespmem:v20+s4+$0x0], $0xffff  }
0x45b: {  	v7 =	vor.u32 s11, v4;
	v6 =	vand.u32 $0x40, v6;
	v26 =	vld.idx.msk [tilespmem:v26+s4+$0x0], $0xffff  }
0x45c: {  	v8 =	vor.u32 s15, v2;
	v5 =	vor.u32 v5, v6;
	v6 =	vld.idx.msk [tilespmem:v12+s5+$0x0], $0xffff  }
0x45d: {  	v14 =	vor.u32 s18, v4;
	v23 =	vld.idx.msk [tilespmem:v23+s8+$0x0], $0xffff  }
0x45e: {  	v30 =	vld.idx.msk [tilespmem:v30+s8+$0x0], $0xffff;
	v12 =	vor.u32 s17, v5  }
0x45f: {  	v21 =	vld.idx.msk [tilespmem:v9+s5+$0x0], $0xffff;
	v9 =	vor.u32 s11, v3  }
0x460: {  	v18 =	vld.idx.msk [tilespmem:v7+s8+$0x0], $0xffff;
	v7 =	vor.u32 s16, v3  }
0x461: {  	v17 =	vor.u32 s11, v5;
	v8 =	vld.idx.msk [tilespmem:v8+s4+$0x0], $0xffff  }
0x462: {  	v27 =	vor.u32 s18, v3;
	v14 =	vld.idx.msk [tilespmem:v14+s8+$0x0], $0xffff  }
0x463: {  	v22 =	vor.u32 s16, v5;
	v12 =	vld.idx.msk [tilespmem:v12+s6+$0x0], $0xffff  }
0x464: {  	s20 =	simm.s32 $0x6;
	v29 =	vor.u32 s17, v2;
	v28 =	vld.idx.msk [tilespmem:v9+s7+$0x0], $0xffff  }
0x465: {  	s21 =	simm.s32 $0x7;
	v33 =	vor.u32 s20, v1;
	v31 =	vor.u32 s18, v5;
	v25 =	vld.idx.msk [tilespmem:v7+s7+$0x0], $0xffff  }
0x466: {  	v35 =	vor.u32 s15, v3;
	v60 =	vor.u32 s21, v1;
	v36 =	vor.u32 s19, v2;
	v17 =	vld.idx.msk [tilespmem:v17+s6+$0x0], $0xffff  }
0x467: {  	v34 =	vadd.f32 v10, v21;
	v10 =	vadd.f32 v20, v13;
	v20 =	vld.idx.msk [tilespmem:v27+s7+$0x0], $0xffff;
	v27 =	vor.u32 s20, v2  }
0x468: {  	v39 =	vor.u32 s21, v2;
	v32 =	vor.u32 s15, v5;
	v22 =	vld.idx.msk [tilespmem:v22+s6+$0x0], $0xffff;
	v9 =	vadd.f32 v8, v6  }
0x469: {  	v38 =	vor.u32 s20, v4;
	v8 =	vadd.f32 v11, v19;
	v11 =	vadd.f32 v28, v13;
	v28 =	vld.idx.msk [tilespmem:v29+s4+$0x0], $0xffff  }
0x46a: {  	v13 =	vadd.f32 v16, v15;
	v15 =	vadd.f32 v25, v15;
	v16 =	vld.idx.msk [tilespmem:v31+s6+$0x0], $0xffff;
	v25 =	vor.u32 s20, v5  }
0x46b: {  	v26 =	vadd.f32 v26, v24;
	v29 =	vsub.f32 v10, v17;
	v31 =	vor.u32 s15, v4;
	v17 =	vld.idx.msk [tilespmem:v33+s5+$0x0], $0xffff  }
0x46c: {  	v7 =	vimm.f32 $0.0e+00;
	v37 =	vld.idx.msk [tilespmem:v27+s4+$0x0], $0xffff;
	v20 =	vadd.f32 v20, v24;
	v24 =	vor.u32 s20, v3  }
0x46d: {  	v10 =	vor.u32 s21, v4;
	v11 =	vsub.f32 v11, v18;
	v58 =	vsub.f32 v13, v22;
	v13 =	vld.idx.msk [tilespmem:v32+s6+$0x0], $0xffff  }
0x46e: {  	v18 =	vor.u32 s21, v5;
	v23 =	vsub.f32 v15, v23;
	v21 =	vadd.f32 v28, v21;
	v28 =	vld.idx.msk [tilespmem:v36+s4+$0x0], $0xffff  }
0x46f: {  	v22 =	vor.u32 s19, v4;
	v14 =	vsub.f32 v20, v14;
	v11 =	vand.u32 $0x7FFFFFFF, v11;
	v25 =	vld.idx.msk [tilespmem:v25+s6+$0x0], $0xffff  }
0x470: {  	v59 =	vand.u32 $0x7FFFFFFF, v58;
	v23 =	vand.u32 $0x7FFFFFFF, v23;
	v61 =	vadd.f32 v11, v7;
	v11 =	vld.idx.msk [tilespmem:v31+s8+$0x0], $0xffff  }
0x471: {  	v16 =	vsub.f32 v26, v16;
	v26 =	vand.u32 $0x7FFFFFFF, v14;
	v14 =	vsub.f32 v34, v30;
	v27 =	vld.idx.msk [tilespmem:v24+s7+$0x0], $0xffff  }
0x472: {  	v31 =	vor.u32 s19, v5;
	v20 =	vsub.f32 v21, v12;
	v21 =	vand.u32 $0x7FFFFFFF, v29;
	v12 =	vld.idx.msk [tilespmem:v35+s7+$0x0], $0xffff  }
0x473: {  	v63 =	vand.u32 $0x7FFFFFFF, v16;
	v29 =	vadd.f32 v37, v17;
	v16 =	vld.idx.msk [tilespmem:v60+s5+$0x0], $0xffff;
	v62 =	vadd.f32 v21, v7  }
0x474: {  	v30 =	vor.u32 s21, v3;
	v15 =	vadd.f32 v26, v61;
	v26 =	vld.idx.msk [tilespmem:v38+s8+$0x0], $0xffff;
	v21 =	vadd.f32 v59, v7  }
0x475: {  	s14 =	simm.s32 $0x8;
	v20 =	vand.u32 $0x7FFFFFFF, v20;
	v19 =	vadd.f32 v28, v19;
	v24 =	vadd.f32 v63, v62;
	v28 =	vld.idx.msk [tilespmem:v39+s4+$0x0], $0xffff  }
.LBB2_33:
0x476: {  	v32 =	vor.u32 s14, v1;
	v33 =	vor.u32 s14, v4;
	s20 =	sadd.s32 $0x1, s14;
	s19 =	sadd.s32 $0x4, s14;
	s15 =	sadd.s32 $0x5, s14;
	v9 =	vsub.f32 v9, v13;
	v22 =	vld.idx.msk [tilespmem:v22+s8+$0x0], $0xffff  }
0x477: {  	s18 =	sadd.s32 $0x3, s14;
	s17 =	sadd.s32 $0x6, s14;
	s16 =	sadd.s32 $0x7, s14;
	v25 =	vsub.f32 v29, v25;
	v34 =	vor.u32 s20, v1;
	v35 =	vor.u32 s19, v3;
	v18 =	vld.idx.msk [tilespmem:v18+s6+$0x0], $0xffff  }
0x478: {  	p0 =	slt.u32 s14, $0x38;
	s21 =	smov.u32 s14;
	s14 =	sadd.s32 $0x8, s14;
	v29 =	vor.u32 s20, v2;
	v13 =	vor.u32 s18, v5;
	v17 =	vadd.f32 v27, v17;
	v31 =	vld.idx.msk [tilespmem:v31+s6+$0x0], $0xffff  }
0x479: {  	v27 =	vor.u32 s20, v3;
	v36 =	vor.u32 s18, v1;
	v37 =	vor.u32 s15, v3;
	v30 =	vld.idx.msk [tilespmem:v30+s7+$0x0], $0xffff  }
0x47a: {  	v40 =	vadd.f32 v12, v6;
	v38 =	vor.u32 s21, v2;
	v39 =	vor.u32 s15, v1;
	v10 =	vld.idx.msk [tilespmem:v10+s8+$0x0], $0xffff  }
0x47b: {  	v41 =	vor.u32 s21, v3;
	v12 =	vor.u32 s18, v3;
	v17 =	vsub.f32 v17, v26;
	v32 =	vld.idx.msk [tilespmem:v32+s5+$0x0], $0xffff  }
0x47c: {  	v42 =	vor.u32 s18, v2;
	v6 =	vadd.f32 v28, v16;
	v26 =	vld.idx.msk [tilespmem:v34+s5+$0x0], $0xffff;
	v34 =	vor.u32 s20, v5  }
0x47d: {  	v43 =	vor.u32 s20, v4;
	v9 =	vand.u32 $0x7FFFFFFF, v9;
	v28 =	vor.u32 s21, v5;
	s20 =	sadd.s32 $0x2, s21;
	v29 =	vld.idx.msk [tilespmem:v29+s4+$0x0], $0xffff  }
0x47e: {  	v8 =	vsub.f32 v8, v22;
	v44 =	vor.u32 s20, v1;
	v45 =	vor.u32 s20, v4;
	v35 =	vld.idx.msk [tilespmem:v35+s7+$0x0], $0xffff  }
0x47f: {  	v46 =	vor.u32 s19, v1;
	v18 =	vsub.f32 v6, v18;
	v22 =	vor.u32 s20, v2;
	v37 =	vld.idx.msk [tilespmem:v37+s7+$0x0], $0xffff  }
0x480: {  	v20 =	vadd.f32 v20, v24;
	v47 =	vor.u32 s20, v3;
	v6 =	vld.idx.msk [tilespmem:v36+s5+$0x0], $0xffff;
	v36 =	vor.u32 s19, v5  }
0x481: {  	v7 =	vadd.f32 v23, v7;
	v9 =	vadd.f32 v9, v21;
	v21 =	vand.u32 $0x7FFFFFFF, v25;
	v24 =	vld.idx.msk [tilespmem:v39+s5+$0x0], $0xffff  }
0x482: {  	v14 =	vand.u32 $0x7FFFFFFF, v14;
	v11 =	vsub.f32 v40, v11;
	v19 =	vsub.f32 v19, v31;
	v23 =	vld.idx.msk [tilespmem:v33+s8+$0x0], $0xffff  }
0x483: {  	v14 =	vadd.f32 v14, v15;
	v8 =	vand.u32 $0x7FFFFFFF, v8;
	v15 =	vadd.f32 v30, v16;
	v25 =	vld.idx.msk [tilespmem:v42+s4+$0x0], $0xffff  }
0x484: {  	v11 =	vand.u32 $0x7FFFFFFF, v11;
	v17 =	vand.u32 $0x7FFFFFFF, v17;
	v19 =	vand.u32 $0x7FFFFFFF, v19;
	v16 =	vld.idx.msk [tilespmem:v46+s5+$0x0], $0xffff  }
0x485: {  	v14 =	vadd.f32 v17, v14;
	v17 =	vand.u32 $0x7FFFFFFF, v18;
	v10 =	vsub.f32 v15, v10;
	v30 =	vld.idx.msk [tilespmem:v36+s6+$0x0], $0xffff  }
0x486: {  	v20 =	vadd.f32 v21, v20;
	v7 =	vadd.f32 v11, v7;
	v18 =	vor.u32 s20, v5;
	v15 =	vld.idx.msk [tilespmem:v28+s6+$0x0], $0xffff  }
0x487: {  	v9 =	vadd.f32 v19, v9;
	v11 =	vld.idx.msk [tilespmem:v45+s8+$0x0], $0xffff  }
0x488: {  	v7 =	vadd.f32 v8, v7;
	v8 =	vand.u32 $0x7FFFFFFF, v10;
	v19 =	vld.idx.msk [tilespmem:v27+s7+$0x0], $0xffff  }
0x489: {  	v21 =	vadd.f32 v17, v9;
	v10 =	vld.idx.msk [tilespmem:v38+s4+$0x0], $0xffff  }
0x48a: {  	v7 =	vadd.f32 v8, v7;
	v9 =	vadd.f32 v25, v6;
	v17 =	vld.idx.msk [tilespmem:v41+s7+$0x0], $0xffff  }
0x48b: {  	v27 =	vor.u32 s19, v2;
	v28 =	vadd.f32 v35, v16;
	v25 =	vld.idx.msk [tilespmem:v34+s6+$0x0], $0xffff  }
0x48c: {  	v33 =	vor.u32 s19, v4;
	v8 =	vadd.f32 v37, v24;
	v31 =	vld.idx.msk [tilespmem:v43+s8+$0x0], $0xffff  }
0x48d: {  	v34 =	vld.idx.msk [tilespmem:v44+s5+$0x0], $0xffff  }
0x48e: {  	v35 =	vor.u32 s17, v1;
	v22 =	vld.idx.msk [tilespmem:v22+s4+$0x0], $0xffff  }
0x48f: {  	v37 =	vor.u32 s17, v2;
	v10 =	vadd.f32 v10, v32;
	v36 =	vld.idx.msk [tilespmem:v47+s7+$0x0], $0xffff  }
0x490: {  	v17 =	vadd.f32 v17, v32;
	v27 =	vld.idx.msk [tilespmem:v27+s4+$0x0], $0xffff  }
0x491: {  	v15 =	vsub.f32 v10, v15;
	v10 =	vor.u32 s16, v4;
	v32 =	vld.idx.msk [tilespmem:v33+s8+$0x0], $0xffff;
	v33 =	vor.u32 s15, v2  }
0x492: {  	v29 =	vadd.f32 v29, v26;
	v38 =	vor.u32 s17, v5;
	v19 =	vadd.f32 v19, v26;
	v26 =	vld.idx.msk [tilespmem:v18+s6+$0x0], $0xffff  }
0x493: {  	v39 =	vor.u32 s18, v4;
	v23 =	vsub.f32 v17, v23;
	v18 =	vor.u32 s16, v5;
	v17 =	vld.idx.msk [tilespmem:v35+s5+$0x0], $0xffff  }
0x494: {  	v25 =	vsub.f32 v29, v25;
	v29 =	vadd.f32 v22, v34;
	v22 =	vor.u32 s15, v4;
	v35 =	vld.idx.msk [tilespmem:v37+s4+$0x0], $0xffff  }
0x495: {  	v23 =	vand.u32 $0x7FFFFFFF, v23;
	v34 =	vadd.f32 v36, v34;
	v36 =	vor.u32 s17, v3;
	v13 =	vld.idx.msk [tilespmem:v13+s6+$0x0], $0xffff  }
0x496: {  	v40 =	vor.u32 s16, v1;
	v37 =	vand.u32 $0x7FFFFFFF, v25;
	v16 =	vadd.f32 v27, v16;
	v33 =	vld.idx.msk [tilespmem:v33+s4+$0x0], $0xffff  }
0x497: {  	v23 =	vadd.f32 v23, v14;
	v14 =	vsub.f32 v34, v11;
	v34 =	vor.u32 s17, v4;
	v25 =	vld.idx.msk [tilespmem:v38+s6+$0x0], $0xffff  }
0x498: {  	v26 =	vsub.f32 v29, v26;
	v30 =	vsub.f32 v16, v30;
	v38 =	vor.u32 s16, v2;
	v11 =	vld.idx.msk [tilespmem:v39+s8+$0x0], $0xffff  }
.Ltmp15:
0x499: {  	v15 =	vand.u32 $0x7FFFFFFF, v15;
	v16 =	vand.u32 $0x7FFFFFFF, v14;
	v14 =	vsub.f32 v28, v32;
	v12 =	vld.idx.msk [tilespmem:v12+s7+$0x0], $0xffff;
	(pc) =	sbr.rel @p0 .LBB2_33-.Ltmp15, $4  }
0x49a: {  	v28 =	vadd.f32 v15, v20;
	v32 =	vand.u32 $0x7FFFFFFF, v26;
	v29 =	vadd.f32 v35, v17;
	v27 =	vld.idx.msk [tilespmem:v36+s7+$0x0], $0xffff  }
0x49b: {  	v35 =	vsub.f32 v19, v31;
	v15 =	vadd.f32 v16, v23;
	v31 =	vor.u32 s15, v5;
	v16 =	vld.idx.msk [tilespmem:v40+s5+$0x0], $0xffff  }
0x49c: {  	v20 =	vand.u32 $0x7FFFFFFF, v30;
	v30 =	vor.u32 s16, v3;
	v19 =	vadd.f32 v33, v24;
	v26 =	vld.idx.msk [tilespmem:v34+s8+$0x0], $0xffff  }
0x49d: {  	v21 =	vadd.f32 v37, v21;
	v23 =	vand.u32 $0x7FFFFFFF, v35;
	v24 =	vadd.f32 v32, v28;
	v28 =	vld.idx.msk [tilespmem:v38+s4+$0x0], $0xffff  }
0x49e: {  	_ =	sdelay $0x3  }
0x49f: {  	v1 =	vld.idx.msk [tilespmem:v22+s8+$0x0], $0xffff  }
0x4a0: {  	v3 =	vsub.f32 v9, v13;
	v4 =	vld.idx.msk [tilespmem:v31+s6+$0x0], $0xffff;
	v55 =	vsub.f32 v29, v25  }
0x4a1: {  	v2 =	vld.idx.msk [tilespmem:v18+s6+$0x0], $0xffff;
	v6 =	vadd.f32 v12, v6;
	v7 =	vadd.f32 v23, v7  }
0x4a2: {  	v57 =	vld.idx.msk [tilespmem:v30+s7+$0x0], $0xffff;
	v60 =	vand.u32 $0x7FFFFFFF, v14;
	v5 =	vadd.f32 v27, v17;
	v59 =	vadd.f32 v20, v24  }
0x4a3: {  	v3 =	vand.u32 $0x7FFFFFFF, v3;
	v6 =	vsub.f32 v6, v11;
	v11 =	vadd.f32 v60, v15  }
0x4a4: {  	v58 =	vld.idx.msk [tilespmem:v10+s8+$0x0], $0xffff;
	v5 =	vsub.f32 v5, v26;
	v3 =	vadd.f32 v3, v21  }
0x4a5: {  	v9 =	vand.u32 $0x7FFFFFFF, v55;
	v56 =	vadd.f32 v28, v16;
	v4 =	vsub.f32 v19, v4  }
0x4a6: {  	v63 =	vadd.f32 v9, v59;
	v6 =	vand.u32 $0x7FFFFFFF, v6;
	v1 =	vsub.f32 v8, v1  }
0x4a7: {  	v61 =	vadd.f32 v57, v16;
	v2 =	vsub.f32 v56, v2;
	v4 =	vand.u32 $0x7FFFFFFF, v4  }
0x4a8: {  	v6 =	vadd.f32 v6, v7;
	v3 =	vadd.f32 v4, v3  }
0x4a9: {  	v1 =	vand.u32 $0x7FFFFFFF, v1;
	v62 =	vsub.f32 v61, v58;
	v2 =	vand.u32 $0x7FFFFFFF, v2  }
0x4aa: {  	v5 =	vand.u32 $0x7FFFFFFF, v5;
	v1 =	vadd.f32 v1, v6;
	v2 =	vadd.f32 v2, v3  }
0x4ab: {  	v4 =	vand.u32 $0x7FFFFFFF, v62;
	v3 =	vadd.f32 v5, v11  }
0x4ac: {  	v1 =	vadd.f32 v4, v1;
	v2 =	vadd.f32 v2, v63  }
0x4ad: {  	s12 =	sadd.s32 $0x1, s12  }
0x4ae: {  	p0 =	sne.s32 s12, $0x4;
	v1 =	vadd.f32 v1, v3;
	v2 =	vadd.f32 $2.000000000e+00, v2  }
.Ltmp16:
0x4af: {  	_ = 	snop;
	(pc) =	sbr.rel @p0 .LBB2_32-.Ltmp16, $3  }
0x4b0: {  	v1 =	vsub.f32 v2, v1;
	_ =	sdelay $0x1  }
0x4b1: {  	v1 =	vmax.f32 v1, $0.0e+00  }
0x4b2: {  	[tilespmem:s13+$0x15400] =	vst v1  }
0x4b3: {  	s10 =	sadd.s32 $0x1, s10  }
0x4b4: {  	p0 =	sne.s32 s10, s26  }
.Ltmp17:
0x4b5: {  	s11 =	rddreg [dreg:$0x8];
	s12 =	simm.s32 $0x15400;
	(pc) =	sbr.rel @p0 .LBB2_1-.Ltmp17, $4  }
0x4b6: {  	[hbm4b:s11+s2] =	stream.linear.scatter [tilespmem:s12], [sflag:$0x2], $0x200, $0x38;
	[tilespmem:$0x15600] =	vst v63  }
0x4b7: {  	_ =	swait.ge [sflag:s9], $0x200  }
0x4b8: {  	[sflag:s9] =	ssyncset.done $0x0  }
0x4b9: {  	[sflag:s9] =	ssyncadd.s32 $0xFFFFFE00  }
0x4ba: {  	_ =	sfence.sel $0x180000  }
0x4bb: {  	[bflag:$0x0] =	sbarrier.arrive $0xFFFF  }
0x4bc: {  	_ =	strace $0x90000047  }
0x4bd: {  	s0 =	stileid.u32;
	[bflag:$0x2] =	sbarrier.arrive $0xFFFF  }
0x4be: {  	p0 =	sne.s32 s0, $0x0;
	s0 =	rddreg [dreg:$0x7]  }
0x4bf: {  	s0 =	sadd.s32 @!p0 $0x100000, s0  }
0x4c0: {  	[sflag:s0] =	ssyncadd.tile.s32 @!p0 $0x1;
	_ =	shalt  }
.Lfunc_end2:
_tile_overlayer_lowered:
.L_overlay_start_2:
0x4c1: {  	(tag) =	ssettag $0x2  }
0x4c2: {  	s0 =	rddreg [dreg:$0x0];
	s2 =	stileid.u32  }
0x4c3: {  	s1 =	rddreg [dreg:$0x1];
	p0 =	sne.s32 s2, $0x0  }
0x4c4: {  	s3 =	rddreg [dreg:$0x2];
	[bflag:$0x3] =	sbarrier.arrive $0xFFFF;
	s2 =	simm.s32 @!p0 $0x1C02  }
0x4c5: {  	[timem:s3], [sflag:s2] =	dma.local @!p0 [hbm:s0], s1  }
0x4c6: {  	s0 =	simm.s32 @!p0 $0x2  }
0x4c7: {  	_ =	swait.ge @!p0 [sflag:s0], s1  }
0x4c8: {  	s1 =	ssub.s32 @!p0 $0x0, s1;
	[sflag:s0] =	ssyncset.done @!p0 $0x0  }
0x4c9: {  	[sflag:s0] =	ssyncadd.s32 @!p0 s1  }
0x4ca: {  	[bflag:$0x3] =	sbarrier.arrive $0xFFFF  }
0x4cb: {  	_ =	shalt  }

</sc_bundles>
